<compile_context>
chip_gen: v7x
topology: tpu7x:2x2x1
jax: 0.10.2.dev20260603
libtpu: 0.0.44.dev20260713+nightly
codegen_flags: <defaults>
</compile_context>

<pallas_src>
import jax
import jax.numpy as jnp
from jax import lax
from jax.experimental import pallas as pl
from jax.experimental.pallas import tpu as pltpu
from jax.experimental.pallas import tpu_sc as plsc

N = 10000
E = 320000
D = 128
B = 64
NP = 10240
NT = 16
CH = 128
NB = 4
AGG_CHUNKS = 160

_mesh = plsc.VectorSubcoreMesh(core_axis_name="c", subcore_axis_name="s")


_RAW_CHUNKS = E // CH


def _deg_body(e1_hbm, e2_hbm, out_hbm, srco_hbm, dsto_hbm,
              idx_v, idx2_v, ones_v, zeros_v, sdo_sh, sdi_sh, sem):
    c = lax.axis_index("c")
    t = lax.axis_index("s")

    def _fill(i, _):
        zeros_v[pl.ds(i * 16, 16)] = jnp.zeros((16,), jnp.float32)
        return 0

    lax.fori_loop(0, 80, _fill, 0)
    for j in range(8):
        ones_v[pl.ds(j * 16, 16)] = jnp.full((16,), 1.0, jnp.float32)
    pltpu.sync_copy(zeros_v, sdo_sh.at[pl.ds(t * 1280, 1280)])
    pltpu.sync_copy(zeros_v.at[pl.ds(0, 640)], sdi_sh.at[pl.ds(t * 640, 640)])

    base = t * 156 + jnp.minimum(t, 4)
    iota = lax.iota(jnp.int32, 16)
    for r in range(156, AGG_CHUNKS):
        for j in range(CH // 16):
            v = N + ((r * CH + j * 16 + iota) % (NP - N))
            idx_v[r, pl.ds(j * 16, 16)] = v
            idx2_v[r, pl.ds(j * 16, 16)] = v

    @pl.when(c == 0)
    def _():
        pltpu.sync_copy(e1_hbm.at[0, pl.ds(base, 156)], idx_v.at[pl.ds(0, 156)])
        pltpu.sync_copy(e1_hbm.at[1, pl.ds(base, 156)], idx2_v.at[pl.ds(0, 156)])

    @pl.when(c == 1)
    def _():
        pltpu.sync_copy(e2_hbm.at[0, pl.ds(base, 156)], idx_v.at[pl.ds(0, 156)])
        pltpu.sync_copy(e2_hbm.at[1, pl.ds(base, 156)], idx2_v.at[pl.ds(0, 156)])

    @pl.when((c == 0) & (t < 4))
    def _():
        pltpu.sync_copy(e1_hbm.at[0, pl.ds(base + 156, 1)],
                        idx_v.at[pl.ds(156, 1)])
        pltpu.sync_copy(e1_hbm.at[1, pl.ds(base + 156, 1)],
                        idx2_v.at[pl.ds(156, 1)])

    @pl.when((c == 1) & (t < 4))
    def _():
        pltpu.sync_copy(e2_hbm.at[0, pl.ds(base + 156, 1)],
                        idx_v.at[pl.ds(156, 1)])
        pltpu.sync_copy(e2_hbm.at[1, pl.ds(base + 156, 1)],
                        idx2_v.at[pl.ds(156, 1)])

    off = c * NP

    def _add_off(i, _):
        for j in range(CH // 16):
            sl = pl.ds(j * 16, 16)
            idx_v[i, sl] = idx_v[i, sl] + off
        return 0

    lax.fori_loop(0, AGG_CHUNKS, _add_off, 0)
    pltpu.sync_copy(idx_v, srco_hbm.at[c, t])
    pltpu.sync_copy(idx2_v, dsto_hbm.at[c, t])
    plsc.subcore_barrier()

    def _scat(j, _):
        for u in range(8):
            pltpu.async_copy(ones_v, sdo_sh.at[idx_v.at[8 * j + u]], sem,
                             add=True)
        for u in range(8):
            pltpu.make_async_copy(ones_v, sdo_sh.at[idx_v.at[0]], sem).wait()
        for u in range(8):
            pltpu.async_copy(ones_v, sdi_sh.at[idx2_v.at[8 * j + u]], sem,
                             add=True)
        for u in range(8):
            pltpu.make_async_copy(ones_v, sdi_sh.at[idx2_v.at[0]], sem).wait()
        return 0

    lax.fori_loop(0, AGG_CHUNKS // 8, _scat, 0)
    plsc.subcore_barrier()

    @pl.when(t == 0)
    def _():
        pltpu.sync_copy(sdo_sh.at[pl.ds(c * NP, NP)],
                        out_hbm.at[c, pl.ds(0, NP)])

    @pl.when(t == 1)
    def _():
        pltpu.sync_copy(sdi_sh, out_hbm.at[c, pl.ds(NP, NP)])


_deg_kernel = pl.kernel(
    _deg_body,
    out_type=[
        jax.ShapeDtypeStruct((2, 2 * NP), jnp.float32),
        jax.ShapeDtypeStruct((2, NT, AGG_CHUNKS, CH), jnp.int32),
        jax.ShapeDtypeStruct((2, NT, AGG_CHUNKS, CH), jnp.int32),
    ],
    mesh=_mesh,
    scratch_types=[
        pltpu.VMEM((AGG_CHUNKS, CH), jnp.int32),
        pltpu.VMEM((AGG_CHUNKS, CH), jnp.int32),
        pltpu.VMEM((CH,), jnp.float32),
        pltpu.VMEM((1280,), jnp.float32),
        pltpu.VMEM_SHARED((2 * NP,), jnp.float32),
        pltpu.VMEM_SHARED((NP,), jnp.float32),
        pltpu.SemaphoreType.DMA,
    ],
    compiler_params=pltpu.CompilerParams(use_tc_tiling_on_sc=False),
)


def _agg_body(xn_hbm, src_hbm, dst_hbm, out_hbm, src_v, dst_v, rows_v,
              zbuf_v, acc_sh, gsem):
    c = lax.axis_index("c")
    t = lax.axis_index("s")

    def _zrow(i, _):
        for j in range(D // 32):
            zbuf_v[i, pl.ds(j * 32, 32)] = jnp.zeros((32,), jnp.bfloat16)
        return 0

    lax.fori_loop(0, CH, _zrow, 0)
    pltpu.sync_copy(src_hbm.at[c, t], src_v)
    pltpu.sync_copy(dst_hbm.at[c, t], dst_v)
    for k in range(5):
        pltpu.sync_copy(zbuf_v, acc_sh.at[pl.ds(t * 640 + k * CH, CH)])
    plsc.subcore_barrier()

    for b in range(NB):
        pltpu.async_copy(xn_hbm.at[src_v.at[b]], rows_v.at[b], gsem.at[b])

    def _step(k, _):
        for b in range(NB):
            j = NB * k + b
            pltpu.make_async_copy(
                xn_hbm.at[src_v.at[j]], rows_v.at[b], gsem.at[b]).wait()
            pltpu.sync_copy(rows_v.at[b], acc_sh.at[dst_v.at[j]], add=True)

            @pl.when(k < AGG_CHUNKS // NB - 1)
            def _():
                pltpu.async_copy(
                    xn_hbm.at[src_v.at[NB * (k + 1) + b]], rows_v.at[b],
                    gsem.at[b])
        return 0

    lax.fori_loop(0, AGG_CHUNKS // NB, _step, 0)
    plsc.subcore_barrier()
    for k in range(5):
        pltpu.sync_copy(acc_sh.at[pl.ds(t * 640 + k * CH, CH)],
                        out_hbm.at[c, pl.ds(t * 640 + k * CH, CH)])


_agg_kernel = pl.kernel(
    _agg_body,
    out_type=jax.ShapeDtypeStruct((2, NP, D), jnp.bfloat16),
    mesh=_mesh,
    scratch_types=[
        pltpu.VMEM((AGG_CHUNKS, CH), jnp.int32),
        pltpu.VMEM((AGG_CHUNKS, CH), jnp.int32),
        pltpu.VMEM((NB, CH, D), jnp.bfloat16),
        pltpu.VMEM((CH, D), jnp.bfloat16),
        pltpu.VMEM_SHARED((NP, D), jnp.bfloat16),
        pltpu.SemaphoreType.DMA((NB,)),
    ],
    compiler_params=pltpu.CompilerParams(use_tc_tiling_on_sc=False),
)


_RB = 1024


def _prep_body(x_ref, dego_ref, degi_ref, xn_ref, ri_ref, ro_ref):
    ro = lax.rsqrt(jnp.maximum(dego_ref[0, 0, 0], 1.0))
    ri_ref[...] = lax.rsqrt(jnp.maximum(degi_ref[0, 0, 0], 1.0))[:, None]
    ro_ref[...] = ro[:, None]
    xn = (x_ref[0] * ro[:, None]).astype(jnp.bfloat16)
    xn_ref[...] = xn.reshape(_RB * D)


_prep_call = pl.pallas_call(
    _prep_body,
    grid=(2, NP // _RB),
    in_specs=[
        pl.BlockSpec((1, _RB, D), lambda g, i: (g, i, 0)),
        pl.BlockSpec((1, 1, 1, _RB), lambda g, i: (g, i, 0, 0)),
        pl.BlockSpec((1, 1, 1, _RB), lambda g, i: (g, i, 0, 0)),
    ],
    out_specs=[
        pl.BlockSpec((_RB * D,), lambda g, i: (g * (NP // _RB) + i,)),
        pl.BlockSpec((_RB, 1), lambda g, i: (g * (NP // _RB) + i, 0)),
        pl.BlockSpec((_RB, 1), lambda g, i: (g * (NP // _RB) + i, 0)),
    ],
    out_shape=[
        jax.ShapeDtypeStruct((2 * NP * D,), jnp.bfloat16),
        jax.ShapeDtypeStruct((2 * NP, 1), jnp.float32),
        jax.ShapeDtypeStruct((2 * NP, 1), jnp.float32),
    ],
)


def _mid_body(agg_ref, ri_ref, sc_ref, w_ref, b_ref, out_ref):
    a = agg_ref[...].reshape(_RB, D).astype(jnp.float32) * ri_ref[...]
    h = jnp.dot(a, w_ref[...], preferred_element_type=jnp.float32)
    h = jnp.maximum(h + b_ref[...], 0.0) * sc_ref[...]
    out_ref[...] = h.astype(jnp.bfloat16).reshape(_RB * D)


_mid_call = pl.pallas_call(
    _mid_body,
    grid=(2 * NP // _RB,),
    in_specs=[
        pl.BlockSpec((_RB * D,), lambda i: (i,)),
        pl.BlockSpec((_RB, 1), lambda i: (i, 0)),
        pl.BlockSpec((_RB, 1), lambda i: (i, 0)),
        pl.BlockSpec((D, D), lambda i: (0, 0)),
        pl.BlockSpec((1, D), lambda i: (0, 0)),
    ],
    out_specs=pl.BlockSpec((_RB * D,), lambda i: (i,)),
    out_shape=jax.ShapeDtypeStruct((2 * NP * D,), jnp.bfloat16),
)


def _fin_body(h_ref, g1_ref, g2_ref, desc_ref,
              c1w_ref, c1b_ref, c2w_ref, c2b_ref, c3w_ref, c3b_ref,
              c4w_ref, c4b_ref, out_ref):
    h2d = h_ref[...].reshape(2 * NP, D)
    iota = lax.broadcasted_iota(jnp.int32, (1, B), 1)

    def pool(g_ref, rows):
        m = (g_ref[...] == iota).astype(jnp.float32)
        s = lax.dot_general(m, rows, (((0,), (0,)), ((), ())),
                            preferred_element_type=jnp.float32)
        cnt = jnp.sum(m, axis=0)[:, None]
        return s / jnp.maximum(cnt, 1.0)

    hg1 = pool(g1_ref, h2d[0:N].astype(jnp.float32))
    hg2 = pool(g2_ref, h2d[NP:NP + N].astype(jnp.float32))

    c1w = c1w_ref[...]
    z = (jnp.dot(hg1, c1w[0:D], preferred_element_type=jnp.float32)
         + jnp.dot(hg2, c1w[D:2 * D], preferred_element_type=jnp.float32)
         + jnp.dot(desc_ref[...], c1w[2 * D:], preferred_element_type=jnp.float32)
         + c1b_ref[...])
    z = jnp.maximum(z, 0.0)
    z = jnp.maximum(jnp.dot(z, c2w_ref[...],
                            preferred_element_type=jnp.float32) + c2b_ref[...], 0.0)
    z = jnp.maximum(jnp.dot(z, c3w_ref[...],
                            preferred_element_type=jnp.float32) + c3b_ref[...], 0.0)
    out_ref[...] = jnp.dot(z, c4w_ref[...],
                           preferred_element_type=jnp.float32) + c4b_ref[...]


_fin_call = pl.pallas_call(
    _fin_body,
    out_shape=jax.ShapeDtypeStruct((B, 1), jnp.float32),
)


def kernel(x1, x2, edge_index1, edge_index2, graph_ids1, graph_ids2,
           descriptors, W1, b1, W2, b2, C1W, C1b, C2W, C2b, C3W, C3b,
           C4W, C4b):
    e1r = edge_index1.reshape(2, _RAW_CHUNKS, CH)
    e2r = edge_index2.reshape(2, _RAW_CHUNKS, CH)
    deg, srcs, dsts = _deg_kernel(e1r, e2r)

    xpad = jnp.pad(jnp.stack([x1, x2]), ((0, 0), (0, NP - N), (0, 0)))
    dego4 = deg[:, :NP].reshape(2, NP // _RB, 1, _RB)
    degi4 = deg[:, NP:].reshape(2, NP // _RB, 1, _RB)
    xn, ri, ro = _prep_call(xpad, dego4, degi4)

    wl = jnp.stack([W1, W2])
    bl = jnp.stack([b1.reshape(1, D), b2.reshape(1, D)])
    sc = jnp.stack([ro, jnp.ones_like(ro)])

    def layer(h, per):
        w, b_, s_ = per
        agg = _agg_kernel(h.reshape(2 * NP, D), srcs, dsts)
        return _mid_call(agg.reshape(2 * NP * D), ri, s_, w, b_), None

    h, _ = lax.scan(layer, xn, (wl, bl, sc))

    return _fin_call(h, graph_ids1.reshape(N, 1), graph_ids2.reshape(N, 1),
                     descriptors, C1W, C1b.reshape(1, 2 * D + 16),
                     C2W, C2b.reshape(1, D), C3W, C3b.reshape(1, D),
                     C4W, C4b.reshape(1, 1))

# --- scband reference (transcript-rebuilt; emitter-appended) ---
"""Pipeline reference for scband-gcnreg-binary-add-33243046871481 (READ-ONLY COPY).

The authoritative reference and input builder live on the scoring server;
editing this copy changes nothing except your own understanding.
"""

import jax, jax.numpy as jnp
import numpy as np

N = 10000
E = 320000
D = 128
H = 128
EXTRA = 16
B = 64
NC = 1


def setup_inputs(seed: int = 0) -> dict:
    key = jax.random.key(seed)
    ks = jax.random.split(key, 24)
    inp = {}
    inp['x1'] = jax.random.normal(ks[0], (N, D), dtype=jnp.float32)
    inp['x2'] = jax.random.normal(ks[1], (N, D), dtype=jnp.float32)
    inp['edge_index1'] = jax.random.randint(ks[2], (2, E), 0, N, dtype=jnp.int32)
    inp['edge_index2'] = jax.random.randint(ks[3], (2, E), 0, N, dtype=jnp.int32)
    inp['graph_ids1'] = jnp.sort(jax.random.randint(ks[4], (N,), 0, B, dtype=jnp.int32))
    inp['graph_ids2'] = jnp.sort(jax.random.randint(ks[5], (N,), 0, B, dtype=jnp.int32))
    inp['descriptors'] = jax.random.normal(ks[6], (B, EXTRA), dtype=jnp.float32)
    # learned parameters (conv1/conv2 are shared across both graphs, as in the torch module)
    s = 1.0 / np.sqrt(D)
    inp['W1'] = jax.random.uniform(ks[7], (D, H), jnp.float32, -s, s)
    inp['b1'] = jnp.zeros((H,), jnp.float32)
    s = 1.0 / np.sqrt(H)
    inp['W2'] = jax.random.uniform(ks[8], (H, H), jnp.float32, -s, s)
    inp['b2'] = jnp.zeros((H,), jnp.float32)
    cin = 2 * H + EXTRA
    s = 1.0 / np.sqrt(cin)
    inp['C1W'] = jax.random.uniform(ks[9], (cin, cin), jnp.float32, -s, s)
    inp['C1b'] = jax.random.uniform(ks[10], (cin,), jnp.float32, -s, s)
    inp['C2W'] = jax.random.uniform(ks[11], (cin, H), jnp.float32, -s, s)
    inp['C2b'] = jax.random.uniform(ks[12], (H,), jnp.float32, -s, s)
    s = 1.0 / np.sqrt(H)
    inp['C3W'] = jax.random.uniform(ks[13], (H, H), jnp.float32, -s, s)
    inp['C3b'] = jax.random.uniform(ks[14], (H,), jnp.float32, -s, s)
    inp['C4W'] = jax.random.uniform(ks[15], (H, NC), jnp.float32, -s, s)
    inp['C4b'] = jax.random.uniform(ks[16], (NC,), jnp.float32, -s, s)
    return inp


def _gcn_layer(x, src, dst, W, b):
    # DGL GraphConv with norm='both': out = D_in^{-1/2} A D_out^{-1/2} X W + b
    n = x.shape[0]
    ones = jnp.ones((src.shape[0],), x.dtype)
    deg_out = jnp.zeros((n,), x.dtype).at[src].add(ones)
    deg_in = jnp.zeros((n,), x.dtype).at[dst].add(ones)
    xn = x * jax.lax.rsqrt(jnp.maximum(deg_out, 1.0))[:, None]
    msg = jnp.take(xn, src, axis=0)
    agg = jax.ops.segment_sum(msg, dst, num_segments=n)
    agg = agg * jax.lax.rsqrt(jnp.maximum(deg_in, 1.0))[:, None]
    return agg @ W + b


def _mean_nodes(h, gids, num_graphs):
    sums = jax.ops.segment_sum(h, gids, num_segments=num_graphs)
    cnt = jax.ops.segment_sum(jnp.ones((h.shape[0], 1), h.dtype), gids, num_segments=num_graphs)
    return sums / jnp.maximum(cnt, 1.0)


def reference(x1, x2, edge_index1, edge_index2, graph_ids1, graph_ids2, descriptors,
              W1, b1, W2, b2, C1W, C1b, C2W, C2b, C3W, C3b, C4W, C4b):
    s1, d1 = edge_index1[0], edge_index1[1]
    s2, d2 = edge_index2[0], edge_index2[1]
    h1 = jax.nn.relu(_gcn_layer(x1, s1, d1, W1, b1))
    h1 = jax.nn.relu(_gcn_layer(h1, s1, d1, W2, b2))
    h2 = jax.nn.relu(_gcn_layer(x2, s2, d2, W1, b1))
    h2 = jax.nn.relu(_gcn_layer(h2, s2, d2, W2, b2))
    hg1 = _mean_nodes(h1, graph_ids1, B)
    hg2 = _mean_nodes(h2, graph_ids2, B)
    hg = jnp.concatenate([hg1, hg2, descriptors.astype(jnp.float32)], axis=1)
    out = jax.nn.relu(hg @ C1W + C1b)
    out = jax.nn.relu(out @ C2W + C2b)
    out = jax.nn.relu(out @ C3W + C3b)
    out = out @ C4W + C4b
    return out

if __name__ == "__main__":
    import jax
    _d = setup_inputs()
    print(jax.jit(kernel)(*tuple(_d.values())))

</pallas_src>

<mosaic_0001>
#map = affine_map<(d0, d1) -> (0, 0)>
#map1 = affine_map<(d0, d1) -> (0, 0, 0, 0)>
#map2 = affine_map<(d0, d1) -> (0, 0, 0)>
module attributes {stable_mosaic.version = 14 : i64} {
  func.func @_agg_body(%arg0: i32, %arg1: i32, %arg2: memref<20480x128xbf16, #tpu.memory_space<hbm>>, %arg3: memref<2x16x160x128xi32, #tpu.memory_space<hbm>>, %arg4: memref<2x16x160x128xi32, #tpu.memory_space<hbm>>, %arg5: memref<2x10240x128xbf16, #tpu.memory_space<hbm>>, %arg6: memref<160x128xi32, #tpu.memory_space<vmem>>, %arg7: memref<160x128xi32, #tpu.memory_space<vmem>>, %arg8: memref<4x128x128xbf16, #tpu.memory_space<vmem>>, %arg9: memref<128x128xbf16, #tpu.memory_space<vmem>>, %arg10: memref<10240x128xbf16, #tpu.memory_space<vmem_shared>>, %arg11: memref<4x!tpu.dma_semaphore, #tpu.memory_space<semaphore_mem>>) attributes {dimension_semantics = [#tpu.dimension_semantics<core_parallel>, #tpu.dimension_semantics<subcore_parallel>], iteration_bounds = array<i64: 2, 16>, scalar_prefetch = 0 : i64, scratch_operands = 6 : i64, tpu.core_type = #tpu.core_type<sc_vector_subcore>, window_params = [{transform_indices = #map}, {transform_indices = #map1}, {transform_indices = #map1}, {transform_indices = #map2}]} {
    %scan3A = arith.constant 0 : i32
    %scan3A_0 = arith.constant 0 : i32
    %scan3A_1 = arith.constant 128 : i32
    %scan3A_2 = arith.addi %scan3A_0, %scan3A_1 : i32
    %scan3A_3 = arith.constant 1 : i32
    %scan3A_4 = scf.for %scan3A_131 = %scan3A_0 to %scan3A_2 step %scan3A_3 iter_args(%scan3A_132 = %scan3A) -> (i32)  : i32 {
      %broadcast_in_dim3A = arith.constant 0.000000e+00 : bf16
      %broadcast_in_dim3A_133 = vector.broadcast %broadcast_in_dim3A : bf16 to vector<32xbf16>
      %swap3A = arith.index_cast %scan3A_131 : i32 to index
      %swap3A_134 = arith.constant 0 : index
      %swap3A_135 = tpu.vector_load %arg9[%swap3A, %swap3A_134] {strides = array<i32>} : memref<128x128xbf16, #tpu.memory_space<vmem>>, vector<1x32xbf16>,
      %swap3A_136 = vector.shape_cast %swap3A_135 : vector<1x32xbf16> to vector<32xbf16>
      %swap3A_137 = vector.shape_cast %broadcast_in_dim3A_133 : vector<32xbf16> to vector<1x32xbf16>
      tpu.vector_store %arg9[%swap3A, %swap3A_134], %swap3A_137 {strides = array<i32>} : memref<128x128xbf16, #tpu.memory_space<vmem>>, vector<1x32xbf16>,
      %broadcast_in_dim3A_138 = arith.constant 0.000000e+00 : bf16
      %broadcast_in_dim3A_139 = vector.broadcast %broadcast_in_dim3A_138 : bf16 to vector<32xbf16>
      %swap3A_140 = arith.index_cast %scan3A_131 : i32 to index
      %swap3A_141 = arith.constant 32 : index
      %swap3A_142 = tpu.vector_load %arg9[%swap3A_140, %swap3A_141] {strides = array<i32>} : memref<128x128xbf16, #tpu.memory_space<vmem>>, vector<1x32xbf16>,
      %swap3A_143 = vector.shape_cast %swap3A_142 : vector<1x32xbf16> to vector<32xbf16>
      %swap3A_144 = vector.shape_cast %broadcast_in_dim3A_139 : vector<32xbf16> to vector<1x32xbf16>
      tpu.vector_store %arg9[%swap3A_140, %swap3A_141], %swap3A_144 {strides = array<i32>} : memref<128x128xbf16, #tpu.memory_space<vmem>>, vector<1x32xbf16>,
      %broadcast_in_dim3A_145 = arith.constant 0.000000e+00 : bf16
      %broadcast_in_dim3A_146 = vector.broadcast %broadcast_in_dim3A_145 : bf16 to vector<32xbf16>
      %swap3A_147 = arith.index_cast %scan3A_131 : i32 to index
      %swap3A_148 = arith.constant 64 : index
      %swap3A_149 = tpu.vector_load %arg9[%swap3A_147, %swap3A_148] {strides = array<i32>} : memref<128x128xbf16, #tpu.memory_space<vmem>>, vector<1x32xbf16>,
      %swap3A_150 = vector.shape_cast %swap3A_149 : vector<1x32xbf16> to vector<32xbf16>
      %swap3A_151 = vector.shape_cast %broadcast_in_dim3A_146 : vector<32xbf16> to vector<1x32xbf16>
      tpu.vector_store %arg9[%swap3A_147, %swap3A_148], %swap3A_151 {strides = array<i32>} : memref<128x128xbf16, #tpu.memory_space<vmem>>, vector<1x32xbf16>,
      %broadcast_in_dim3A_152 = arith.constant 0.000000e+00 : bf16
      %broadcast_in_dim3A_153 = vector.broadcast %broadcast_in_dim3A_152 : bf16 to vector<32xbf16>
      %swap3A_154 = arith.index_cast %scan3A_131 : i32 to index
      %swap3A_155 = arith.constant 96 : index
      %swap3A_156 = tpu.vector_load %arg9[%swap3A_154, %swap3A_155] {strides = array<i32>} : memref<128x128xbf16, #tpu.memory_space<vmem>>, vector<1x32xbf16>,
      %swap3A_157 = vector.shape_cast %swap3A_156 : vector<1x32xbf16> to vector<32xbf16>
      %swap3A_158 = vector.shape_cast %broadcast_in_dim3A_153 : vector<32xbf16> to vector<1x32xbf16>
      tpu.vector_store %arg9[%swap3A_154, %swap3A_155], %swap3A_158 {strides = array<i32>} : memref<128x128xbf16, #tpu.memory_space<vmem>>, vector<1x32xbf16>,
      %scan3A_159 = arith.constant 0 : i32
      scf.yield %scan3A_159 : i32
    }
    %scan3A_5 = arith.constant 128 : i32
    "tpu.region"() ({
      %run_scoped3A = tpu.sem_alloc : memref<!tpu.dma_semaphore, #tpu.memory_space<semaphore_mem>>
      %dma_start3A_131 = arith.constant 0 : i32
      %dma_start3A_132 = arith.constant 0 : i32
      %dma_start3A_133 = tpu.memref_slice %arg3[%arg0, %arg1, %dma_start3A_131, %dma_start3A_132] : memref<2x16x160x128xi32, #tpu.memory_space<hbm>> -> memref<1x1x160x128xi32, #tpu.memory_space<hbm>>
      %dma_start3A_134 = tpu.memref_squeeze %dma_start3A_133 : memref<1x1x160x128xi32, #tpu.memory_space<hbm>> -> memref<160x128xi32, #tpu.memory_space<hbm>>
      %dma_start3A_135 = arith.constant 0 : i32
      %dma_start3A_136 = arith.constant 0 : i32
      %dma_start3A_137 = tpu.memref_slice %arg3[%arg0, %arg1, %dma_start3A_135, %dma_start3A_136] : memref<2x16x160x128xi32, #tpu.memory_space<hbm>> -> memref<1x1x160x128xi32, #tpu.memory_space<hbm>>
      %dma_start3A_138 = tpu.memref_squeeze %dma_start3A_137 : memref<1x1x160x128xi32, #tpu.memory_space<hbm>> -> memref<160x128xi32, #tpu.memory_space<hbm>>
      tpu.enqueue_dma source(%dma_start3A_138 : memref<160x128xi32, #tpu.memory_space<hbm>>) target(%arg6 : memref<160x128xi32, #tpu.memory_space<vmem>>) target_semaphore(%run_scoped3A : memref<!tpu.dma_semaphore, #tpu.memory_space<semaphore_mem>>)
      %dma_wait3A = arith.constant 0 : i32
      %dma_wait3A_139 = arith.constant 0 : i32
      %dma_wait3A_140 = tpu.memref_slice %arg3[%arg0, %arg1, %dma_wait3A, %dma_wait3A_139] : memref<2x16x160x128xi32, #tpu.memory_space<hbm>> -> memref<1x1x160x128xi32, #tpu.memory_space<hbm>>
      %dma_wait3A_141 = tpu.memref_squeeze %dma_wait3A_140 : memref<1x1x160x128xi32, #tpu.memory_space<hbm>> -> memref<160x128xi32, #tpu.memory_space<hbm>>
      %dma_wait3A_142 = arith.constant 0 : i32
      %dma_wait3A_143 = arith.constant 0 : i32
      %dma_wait3A_144 = tpu.memref_slice %arg3[%arg0, %arg1, %dma_wait3A_142, %dma_wait3A_143] : memref<2x16x160x128xi32, #tpu.memory_space<hbm>> -> memref<1x1x160x128xi32, #tpu.memory_space<hbm>>
      %dma_wait3A_145 = tpu.memref_squeeze %dma_wait3A_144 : memref<1x1x160x128xi32, #tpu.memory_space<hbm>> -> memref<160x128xi32, #tpu.memory_space<hbm>>
      tpu.wait_dma2 semaphore(%run_scoped3A : memref<!tpu.dma_semaphore, #tpu.memory_space<semaphore_mem>>) src(%dma_wait3A_145 : memref<160x128xi32, #tpu.memory_space<hbm>>) dst(%arg6 : memref<160x128xi32, #tpu.memory_space<vmem>>)
      tpu.yield
    }) : () -> ()
    "tpu.region"() ({
      %run_scoped3A = tpu.sem_alloc : memref<!tpu.dma_semaphore, #tpu.memory_space<semaphore_mem>>
      %dma_start3A_131 = arith.constant 0 : i32
      %dma_start3A_132 = arith.constant 0 : i32
      %dma_start3A_133 = tpu.memref_slice %arg4[%arg0, %arg1, %dma_start3A_131, %dma_start3A_132] : memref<2x16x160x128xi32, #tpu.memory_space<hbm>> -> memref<1x1x160x128xi32, #tpu.memory_space<hbm>>
      %dma_start3A_134 = tpu.memref_squeeze %dma_start3A_133 : memref<1x1x160x128xi32, #tpu.memory_space<hbm>> -> memref<160x128xi32, #tpu.memory_space<hbm>>
      %dma_start3A_135 = arith.constant 0 : i32
      %dma_start3A_136 = arith.constant 0 : i32
      %dma_start3A_137 = tpu.memref_slice %arg4[%arg0, %arg1, %dma_start3A_135, %dma_start3A_136] : memref<2x16x160x128xi32, #tpu.memory_space<hbm>> -> memref<1x1x160x128xi32, #tpu.memory_space<hbm>>
      %dma_start3A_138 = tpu.memref_squeeze %dma_start3A_137 : memref<1x1x160x128xi32, #tpu.memory_space<hbm>> -> memref<160x128xi32, #tpu.memory_space<hbm>>
      tpu.enqueue_dma source(%dma_start3A_138 : memref<160x128xi32, #tpu.memory_space<hbm>>) target(%arg7 : memref<160x128xi32, #tpu.memory_space<vmem>>) target_semaphore(%run_scoped3A : memref<!tpu.dma_semaphore, #tpu.memory_space<semaphore_mem>>)
      %dma_wait3A = arith.constant 0 : i32
      %dma_wait3A_139 = arith.constant 0 : i32
      %dma_wait3A_140 = tpu.memref_slice %arg4[%arg0, %arg1, %dma_wait3A, %dma_wait3A_139] : memref<2x16x160x128xi32, #tpu.memory_space<hbm>> -> memref<1x1x160x128xi32, #tpu.memory_space<hbm>>
      %dma_wait3A_141 = tpu.memref_squeeze %dma_wait3A_140 : memref<1x1x160x128xi32, #tpu.memory_space<hbm>> -> memref<160x128xi32, #tpu.memory_space<hbm>>
      %dma_wait3A_142 = arith.constant 0 : i32
      %dma_wait3A_143 = arith.constant 0 : i32
      %dma_wait3A_144 = tpu.memref_slice %arg4[%arg0, %arg1, %dma_wait3A_142, %dma_wait3A_143] : memref<2x16x160x128xi32, #tpu.memory_space<hbm>> -> memref<1x1x160x128xi32, #tpu.memory_space<hbm>>
      %dma_wait3A_145 = tpu.memref_squeeze %dma_wait3A_144 : memref<1x1x160x128xi32, #tpu.memory_space<hbm>> -> memref<160x128xi32, #tpu.memory_space<hbm>>
      tpu.wait_dma2 semaphore(%run_scoped3A : memref<!tpu.dma_semaphore, #tpu.memory_space<semaphore_mem>>) src(%dma_wait3A_145 : memref<160x128xi32, #tpu.memory_space<hbm>>) dst(%arg7 : memref<160x128xi32, #tpu.memory_space<vmem>>)
      tpu.yield
    }) : () -> ()
    %mul3A = arith.constant 640 : i32
    %mul3A_6 = arith.muli %arg1, %mul3A : i32
    %add3A = arith.constant 0 : i32
    %add3A_7 = arith.addi %mul3A_6, %add3A : i32
    "tpu.region"() ({
      %run_scoped3A = tpu.sem_alloc : memref<!tpu.dma_semaphore, #tpu.memory_space<semaphore_mem>>
      %dma_start3A_131 = arith.constant 0 : i32
      %dma_start3A_132 = tpu.memref_slice %arg10[%add3A_7, %dma_start3A_131] : memref<10240x128xbf16, #tpu.memory_space<vmem_shared>> -> memref<128x128xbf16, #tpu.memory_space<vmem_shared>>
      %dma_start3A_133 = arith.constant 0 : i32
      %dma_start3A_134 = tpu.memref_slice %arg10[%add3A_7, %dma_start3A_133] : memref<10240x128xbf16, #tpu.memory_space<vmem_shared>> -> memref<128x128xbf16, #tpu.memory_space<vmem_shared>>
      tpu.enqueue_dma source(%arg9 : memref<128x128xbf16, #tpu.memory_space<vmem>>) target(%dma_start3A_134 : memref<128x128xbf16, #tpu.memory_space<vmem_shared>>) target_semaphore(%run_scoped3A : memref<!tpu.dma_semaphore, #tpu.memory_space<semaphore_mem>>)
      %dma_wait3A = arith.constant 0 : i32
      %dma_wait3A_135 = tpu.memref_slice %arg10[%add3A_7, %dma_wait3A] : memref<10240x128xbf16, #tpu.memory_space<vmem_shared>> -> memref<128x128xbf16, #tpu.memory_space<vmem_shared>>
      %dma_wait3A_136 = arith.constant 0 : i32
      %dma_wait3A_137 = tpu.memref_slice %arg10[%add3A_7, %dma_wait3A_136] : memref<10240x128xbf16, #tpu.memory_space<vmem_shared>> -> memref<128x128xbf16, #tpu.memory_space<vmem_shared>>
      tpu.wait_dma2 semaphore(%run_scoped3A : memref<!tpu.dma_semaphore, #tpu.memory_space<semaphore_mem>>) src(%arg9 : memref<128x128xbf16, #tpu.memory_space<vmem>>) dst(%dma_wait3A_137 : memref<128x128xbf16, #tpu.memory_space<vmem_shared>>)
      tpu.yield
    }) : () -> ()
    %mul3A_8 = arith.constant 640 : i32
    %mul3A_9 = arith.muli %arg1, %mul3A_8 : i32
    %add3A_10 = arith.constant 128 : i32
    %add3A_11 = arith.addi %mul3A_9, %add3A_10 : i32
    "tpu.region"() ({
      %run_scoped3A = tpu.sem_alloc : memref<!tpu.dma_semaphore, #tpu.memory_space<semaphore_mem>>
      %dma_start3A_131 = arith.constant 0 : i32
      %dma_start3A_132 = tpu.memref_slice %arg10[%add3A_11, %dma_start3A_131] : memref<10240x128xbf16, #tpu.memory_space<vmem_shared>> -> memref<128x128xbf16, #tpu.memory_space<vmem_shared>>
      %dma_start3A_133 = arith.constant 0 : i32
      %dma_start3A_134 = tpu.memref_slice %arg10[%add3A_11, %dma_start3A_133] : memref<10240x128xbf16, #tpu.memory_space<vmem_shared>> -> memref<128x128xbf16, #tpu.memory_space<vmem_shared>>
      tpu.enqueue_dma source(%arg9 : memref<128x128xbf16, #tpu.memory_space<vmem>>) target(%dma_start3A_134 : memref<128x128xbf16, #tpu.memory_space<vmem_shared>>) target_semaphore(%run_scoped3A : memref<!tpu.dma_semaphore, #tpu.memory_space<semaphore_mem>>)
      %dma_wait3A = arith.constant 0 : i32
      %dma_wait3A_135 = tpu.memref_slice %arg10[%add3A_11, %dma_wait3A] : memref<10240x128xbf16, #tpu.memory_space<vmem_shared>> -> memref<128x128xbf16, #tpu.memory_space<vmem_shared>>
      %dma_wait3A_136 = arith.constant 0 : i32
      %dma_wait3A_137 = tpu.memref_slice %arg10[%add3A_11, %dma_wait3A_136] : memref<10240x128xbf16, #tpu.memory_space<vmem_shared>> -> memref<128x128xbf16, #tpu.memory_space<vmem_shared>>
      tpu.wait_dma2 semaphore(%run_scoped3A : memref<!tpu.dma_semaphore, #tpu.memory_space<semaphore_mem>>) src(%arg9 : memref<128x128xbf16, #tpu.memory_space<vmem>>) dst(%dma_wait3A_137 : memref<128x128xbf16, #tpu.memory_space<vmem_shared>>)
      tpu.yield
    }) : () -> ()
    %mul3A_12 = arith.constant 640 : i32
    %mul3A_13 = arith.muli %arg1, %mul3A_12 : i32
    %add3A_14 = arith.constant 256 : i32
    %add3A_15 = arith.addi %mul3A_13, %add3A_14 : i32
    "tpu.region"() ({
      %run_scoped3A = tpu.sem_alloc : memref<!tpu.dma_semaphore, #tpu.memory_space<semaphore_mem>>
      %dma_start3A_131 = arith.constant 0 : i32
      %dma_start3A_132 = tpu.memref_slice %arg10[%add3A_15, %dma_start3A_131] : memref<10240x128xbf16, #tpu.memory_space<vmem_shared>> -> memref<128x128xbf16, #tpu.memory_space<vmem_shared>>
      %dma_start3A_133 = arith.constant 0 : i32
      %dma_start3A_134 = tpu.memref_slice %arg10[%add3A_15, %dma_start3A_133] : memref<10240x128xbf16, #tpu.memory_space<vmem_shared>> -> memref<128x128xbf16, #tpu.memory_space<vmem_shared>>
      tpu.enqueue_dma source(%arg9 : memref<128x128xbf16, #tpu.memory_space<vmem>>) target(%dma_start3A_134 : memref<128x128xbf16, #tpu.memory_space<vmem_shared>>) target_semaphore(%run_scoped3A : memref<!tpu.dma_semaphore, #tpu.memory_space<semaphore_mem>>)
      %dma_wait3A = arith.constant 0 : i32
      %dma_wait3A_135 = tpu.memref_slice %arg10[%add3A_15, %dma_wait3A] : memref<10240x128xbf16, #tpu.memory_space<vmem_shared>> -> memref<128x128xbf16, #tpu.memory_space<vmem_shared>>
      %dma_wait3A_136 = arith.constant 0 : i32
      %dma_wait3A_137 = tpu.memref_slice %arg10[%add3A_15, %dma_wait3A_136] : memref<10240x128xbf16, #tpu.memory_space<vmem_shared>> -> memref<128x128xbf16, #tpu.memory_space<vmem_shared>>
      tpu.wait_dma2 semaphore(%run_scoped3A : memref<!tpu.dma_semaphore, #tpu.memory_space<semaphore_mem>>) src(%arg9 : memref<128x128xbf16, #tpu.memory_space<vmem>>) dst(%dma_wait3A_137 : memref<128x128xbf16, #tpu.memory_space<vmem_shared>>)
      tpu.yield
    }) : () -> ()
    %mul3A_16 = arith.constant 640 : i32
    %mul3A_17 = arith.muli %arg1, %mul3A_16 : i32
    %add3A_18 = arith.constant 384 : i32
    %add3A_19 = arith.addi %mul3A_17, %add3A_18 : i32
    "tpu.region"() ({
      %run_scoped3A = tpu.sem_alloc : memref<!tpu.dma_semaphore, #tpu.memory_space<semaphore_mem>>
      %dma_start3A_131 = arith.constant 0 : i32
      %dma_start3A_132 = tpu.memref_slice %arg10[%add3A_19, %dma_start3A_131] : memref<10240x128xbf16, #tpu.memory_space<vmem_shared>> -> memref<128x128xbf16, #tpu.memory_space<vmem_shared>>
      %dma_start3A_133 = arith.constant 0 : i32
      %dma_start3A_134 = tpu.memref_slice %arg10[%add3A_19, %dma_start3A_133] : memref<10240x128xbf16, #tpu.memory_space<vmem_shared>> -> memref<128x128xbf16, #tpu.memory_space<vmem_shared>>
      tpu.enqueue_dma source(%arg9 : memref<128x128xbf16, #tpu.memory_space<vmem>>) target(%dma_start3A_134 : memref<128x128xbf16, #tpu.memory_space<vmem_shared>>) target_semaphore(%run_scoped3A : memref<!tpu.dma_semaphore, #tpu.memory_space<semaphore_mem>>)
      %dma_wait3A = arith.constant 0 : i32
      %dma_wait3A_135 = tpu.memref_slice %arg10[%add3A_19, %dma_wait3A] : memref<10240x128xbf16, #tpu.memory_space<vmem_shared>> -> memref<128x128xbf16, #tpu.memory_space<vmem_shared>>
      %dma_wait3A_136 = arith.constant 0 : i32
      %dma_wait3A_137 = tpu.memref_slice %arg10[%add3A_19, %dma_wait3A_136] : memref<10240x128xbf16, #tpu.memory_space<vmem_shared>> -> memref<128x128xbf16, #tpu.memory_space<vmem_shared>>
      tpu.wait_dma2 semaphore(%run_scoped3A : memref<!tpu.dma_semaphore, #tpu.memory_space<semaphore_mem>>) src(%arg9 : memref<128x128xbf16, #tpu.memory_space<vmem>>) dst(%dma_wait3A_137 : memref<128x128xbf16, #tpu.memory_space<vmem_shared>>)
      tpu.yield
    }) : () -> ()
    %mul3A_20 = arith.constant 640 : i32
    %mul3A_21 = arith.muli %arg1, %mul3A_20 : i32
    %add3A_22 = arith.constant 512 : i32
    %add3A_23 = arith.addi %mul3A_21, %add3A_22 : i32
    "tpu.region"() ({
      %run_scoped3A = tpu.sem_alloc : memref<!tpu.dma_semaphore, #tpu.memory_space<semaphore_mem>>
      %dma_start3A_131 = arith.constant 0 : i32
      %dma_start3A_132 = tpu.memref_slice %arg10[%add3A_23, %dma_start3A_131] : memref<10240x128xbf16, #tpu.memory_space<vmem_shared>> -> memref<128x128xbf16, #tpu.memory_space<vmem_shared>>
      %dma_start3A_133 = arith.constant 0 : i32
      %dma_start3A_134 = tpu.memref_slice %arg10[%add3A_23, %dma_start3A_133] : memref<10240x128xbf16, #tpu.memory_space<vmem_shared>> -> memref<128x128xbf16, #tpu.memory_space<vmem_shared>>
      tpu.enqueue_dma source(%arg9 : memref<128x128xbf16, #tpu.memory_space<vmem>>) target(%dma_start3A_134 : memref<128x128xbf16, #tpu.memory_space<vmem_shared>>) target_semaphore(%run_scoped3A : memref<!tpu.dma_semaphore, #tpu.memory_space<semaphore_mem>>)
      %dma_wait3A = arith.constant 0 : i32
      %dma_wait3A_135 = tpu.memref_slice %arg10[%add3A_23, %dma_wait3A] : memref<10240x128xbf16, #tpu.memory_space<vmem_shared>> -> memref<128x128xbf16, #tpu.memory_space<vmem_shared>>
      %dma_wait3A_136 = arith.constant 0 : i32
      %dma_wait3A_137 = tpu.memref_slice %arg10[%add3A_23, %dma_wait3A_136] : memref<10240x128xbf16, #tpu.memory_space<vmem_shared>> -> memref<128x128xbf16, #tpu.memory_space<vmem_shared>>
      tpu.wait_dma2 semaphore(%run_scoped3A : memref<!tpu.dma_semaphore, #tpu.memory_space<semaphore_mem>>) src(%arg9 : memref<128x128xbf16, #tpu.memory_space<vmem>>) dst(%dma_wait3A_137 : memref<128x128xbf16, #tpu.memory_space<vmem_shared>>)
      tpu.yield
    }) : () -> ()
    %barrier3A = arith.constant 0 : index
    tpu.barrier barrier_id(%barrier3A)
    %dma_start3A = arith.constant 0 : i32
    %dma_start3A_24 = arith.constant 0 : i32
    %dma_start3A_25 = arith.constant 0 : i32
    %dma_start3A_26 = arith.constant 0 : i32
    %dma_start3A_27 = arith.constant 0 : i32
    %dma_start3A_28 = tpu.memref_slice %arg8[%dma_start3A_24, %dma_start3A_26, %dma_start3A_27] : memref<4x128x128xbf16, #tpu.memory_space<vmem>> -> memref<1x128x128xbf16, #tpu.memory_space<vmem>>
    %dma_start3A_29 = tpu.memref_squeeze %dma_start3A_28 : memref<1x128x128xbf16, #tpu.memory_space<vmem>> -> memref<128x128xbf16, #tpu.memory_space<vmem>>
    %dma_start3A_30 = arith.constant 0 : i32
    %dma_start3A_31 = tpu.memref_slice %arg6[%dma_start3A, %dma_start3A_30] : memref<160x128xi32, #tpu.memory_space<vmem>> -> memref<1x128xi32, #tpu.memory_space<vmem>>
    %dma_start3A_32 = tpu.memref_squeeze %dma_start3A_31 : memref<1x128xi32, #tpu.memory_space<vmem>> -> memref<128xi32, #tpu.memory_space<vmem>>
    %dma_start3A_33 = arith.constant 0 : i32
    %dma_start3A_34 = arith.constant 0 : i32
    %dma_start3A_35 = tpu.memref_slice %arg2[%dma_start3A_33, %dma_start3A_34] : memref<20480x128xbf16, #tpu.memory_space<hbm>> -> memref<20480x128xbf16, #tpu.memory_space<hbm>>
    %dma_start3A_36 = tpu.memref_slice %arg11[%dma_start3A_25] : memref<4x!tpu.dma_semaphore, #tpu.memory_space<semaphore_mem>> -> memref<1x!tpu.dma_semaphore, #tpu.memory_space<semaphore_mem>>
    %dma_start3A_37 = tpu.memref_squeeze %dma_start3A_36 : memref<1x!tpu.dma_semaphore, #tpu.memory_space<semaphore_mem>> -> memref<!tpu.dma_semaphore, #tpu.memory_space<semaphore_mem>>
    tpu.enqueue_indirect_dma source(%dma_start3A_35 : memref<20480x128xbf16, #tpu.memory_space<hbm>>) target(%dma_start3A_29 : memref<128x128xbf16, #tpu.memory_space<vmem>>) offsets(%dma_start3A_32 : memref<128xi32, #tpu.memory_space<vmem>>) semaphore(%dma_start3A_37 : memref<!tpu.dma_semaphore, #tpu.memory_space<semaphore_mem>>)
    %dma_start3A_38 = arith.constant 1 : i32
    %dma_start3A_39 = arith.constant 1 : i32
    %dma_start3A_40 = arith.constant 1 : i32
    %dma_start3A_41 = arith.constant 0 : i32
    %dma_start3A_42 = arith.constant 0 : i32
    %dma_start3A_43 = tpu.memref_slice %arg8[%dma_start3A_39, %dma_start3A_41, %dma_start3A_42] : memref<4x128x128xbf16, #tpu.memory_space<vmem>> -> memref<1x128x128xbf16, #tpu.memory_space<vmem>>
    %dma_start3A_44 = tpu.memref_squeeze %dma_start3A_43 : memref<1x128x128xbf16, #tpu.memory_space<vmem>> -> memref<128x128xbf16, #tpu.memory_space<vmem>>
    %dma_start3A_45 = arith.constant 0 : i32
    %dma_start3A_46 = tpu.memref_slice %arg6[%dma_start3A_38, %dma_start3A_45] : memref<160x128xi32, #tpu.memory_space<vmem>> -> memref<1x128xi32, #tpu.memory_space<vmem>>
    %dma_start3A_47 = tpu.memref_squeeze %dma_start3A_46 : memref<1x128xi32, #tpu.memory_space<vmem>> -> memref<128xi32, #tpu.memory_space<vmem>>
    %dma_start3A_48 = arith.constant 0 : i32
    %dma_start3A_49 = arith.constant 0 : i32
    %dma_start3A_50 = tpu.memref_slice %arg2[%dma_start3A_48, %dma_start3A_49] : memref<20480x128xbf16, #tpu.memory_space<hbm>> -> memref<20480x128xbf16, #tpu.memory_space<hbm>>
    %dma_start3A_51 = tpu.memref_slice %arg11[%dma_start3A_40] : memref<4x!tpu.dma_semaphore, #tpu.memory_space<semaphore_mem>> -> memref<1x!tpu.dma_semaphore, #tpu.memory_space<semaphore_mem>>
    %dma_start3A_52 = tpu.memref_squeeze %dma_start3A_51 : memref<1x!tpu.dma_semaphore, #tpu.memory_space<semaphore_mem>> -> memref<!tpu.dma_semaphore, #tpu.memory_space<semaphore_mem>>
    tpu.enqueue_indirect_dma source(%dma_start3A_50 : memref<20480x128xbf16, #tpu.memory_space<hbm>>) target(%dma_start3A_44 : memref<128x128xbf16, #tpu.memory_space<vmem>>) offsets(%dma_start3A_47 : memref<128xi32, #tpu.memory_space<vmem>>) semaphore(%dma_start3A_52 : memref<!tpu.dma_semaphore, #tpu.memory_space<semaphore_mem>>)
    %dma_start3A_53 = arith.constant 2 : i32
    %dma_start3A_54 = arith.constant 2 : i32
    %dma_start3A_55 = arith.constant 2 : i32
    %dma_start3A_56 = arith.constant 0 : i32
    %dma_start3A_57 = arith.constant 0 : i32
    %dma_start3A_58 = tpu.memref_slice %arg8[%dma_start3A_54, %dma_start3A_56, %dma_start3A_57] : memref<4x128x128xbf16, #tpu.memory_space<vmem>> -> memref<1x128x128xbf16, #tpu.memory_space<vmem>>
    %dma_start3A_59 = tpu.memref_squeeze %dma_start3A_58 : memref<1x128x128xbf16, #tpu.memory_space<vmem>> -> memref<128x128xbf16, #tpu.memory_space<vmem>>
    %dma_start3A_60 = arith.constant 0 : i32
    %dma_start3A_61 = tpu.memref_slice %arg6[%dma_start3A_53, %dma_start3A_60] : memref<160x128xi32, #tpu.memory_space<vmem>> -> memref<1x128xi32, #tpu.memory_space<vmem>>
    %dma_start3A_62 = tpu.memref_squeeze %dma_start3A_61 : memref<1x128xi32, #tpu.memory_space<vmem>> -> memref<128xi32, #tpu.memory_space<vmem>>
    %dma_start3A_63 = arith.constant 0 : i32
    %dma_start3A_64 = arith.constant 0 : i32
    %dma_start3A_65 = tpu.memref_slice %arg2[%dma_start3A_63, %dma_start3A_64] : memref<20480x128xbf16, #tpu.memory_space<hbm>> -> memref<20480x128xbf16, #tpu.memory_space<hbm>>
    %dma_start3A_66 = tpu.memref_slice %arg11[%dma_start3A_55] : memref<4x!tpu.dma_semaphore, #tpu.memory_space<semaphore_mem>> -> memref<1x!tpu.dma_semaphore, #tpu.memory_space<semaphore_mem>>
    %dma_start3A_67 = tpu.memref_squeeze %dma_start3A_66 : memref<1x!tpu.dma_semaphore, #tpu.memory_space<semaphore_mem>> -> memref<!tpu.dma_semaphore, #tpu.memory_space<semaphore_mem>>
    tpu.enqueue_indirect_dma source(%dma_start3A_65 : memref<20480x128xbf16, #tpu.memory_space<hbm>>) target(%dma_start3A_59 : memref<128x128xbf16, #tpu.memory_space<vmem>>) offsets(%dma_start3A_62 : memref<128xi32, #tpu.memory_space<vmem>>) semaphore(%dma_start3A_67 : memref<!tpu.dma_semaphore, #tpu.memory_space<semaphore_mem>>)
    %dma_start3A_68 = arith.constant 3 : i32
    %dma_start3A_69 = arith.constant 3 : i32
    %dma_start3A_70 = arith.constant 3 : i32
    %dma_start3A_71 = arith.constant 0 : i32
    %dma_start3A_72 = arith.constant 0 : i32
    %dma_start3A_73 = tpu.memref_slice %arg8[%dma_start3A_69, %dma_start3A_71, %dma_start3A_72] : memref<4x128x128xbf16, #tpu.memory_space<vmem>> -> memref<1x128x128xbf16, #tpu.memory_space<vmem>>
    %dma_start3A_74 = tpu.memref_squeeze %dma_start3A_73 : memref<1x128x128xbf16, #tpu.memory_space<vmem>> -> memref<128x128xbf16, #tpu.memory_space<vmem>>
    %dma_start3A_75 = arith.constant 0 : i32
    %dma_start3A_76 = tpu.memref_slice %arg6[%dma_start3A_68, %dma_start3A_75] : memref<160x128xi32, #tpu.memory_space<vmem>> -> memref<1x128xi32, #tpu.memory_space<vmem>>
    %dma_start3A_77 = tpu.memref_squeeze %dma_start3A_76 : memref<1x128xi32, #tpu.memory_space<vmem>> -> memref<128xi32, #tpu.memory_space<vmem>>
    %dma_start3A_78 = arith.constant 0 : i32
    %dma_start3A_79 = arith.constant 0 : i32
    %dma_start3A_80 = tpu.memref_slice %arg2[%dma_start3A_78, %dma_start3A_79] : memref<20480x128xbf16, #tpu.memory_space<hbm>> -> memref<20480x128xbf16, #tpu.memory_space<hbm>>
    %dma_start3A_81 = tpu.memref_slice %arg11[%dma_start3A_70] : memref<4x!tpu.dma_semaphore, #tpu.memory_space<semaphore_mem>> -> memref<1x!tpu.dma_semaphore, #tpu.memory_space<semaphore_mem>>
    %dma_start3A_82 = tpu.memref_squeeze %dma_start3A_81 : memref<1x!tpu.dma_semaphore, #tpu.memory_space<semaphore_mem>> -> memref<!tpu.dma_semaphore, #tpu.memory_space<semaphore_mem>>
    tpu.enqueue_indirect_dma source(%dma_start3A_80 : memref<20480x128xbf16, #tpu.memory_space<hbm>>) target(%dma_start3A_74 : memref<128x128xbf16, #tpu.memory_space<vmem>>) offsets(%dma_start3A_77 : memref<128xi32, #tpu.memory_space<vmem>>) semaphore(%dma_start3A_82 : memref<!tpu.dma_semaphore, #tpu.memory_space<semaphore_mem>>)
    %scan3A_83 = arith.constant 0 : i32
    %scan3A_84 = arith.constant 0 : i32
    %scan3A_85 = arith.constant 40 : i32
    %scan3A_86 = arith.addi %scan3A_84, %scan3A_85 : i32
    %scan3A_87 = arith.constant 1 : i32
    %scan3A_88 = scf.for %scan3A_131 = %scan3A_84 to %scan3A_86 step %scan3A_87 iter_args(%scan3A_132 = %scan3A_83) -> (i32)  : i32 {
      %mul3A_133 = arith.constant 4 : i32
      %mul3A_134 = arith.muli %mul3A_133, %scan3A_131 : i32
      %add3A_135 = arith.constant 0 : i32
      %add3A_136 = arith.addi %mul3A_134, %add3A_135 : i32
      %dma_wait3A = arith.constant 0 : i32
      %dma_wait3A_137 = arith.constant 0 : i32
      %dma_wait3A_138 = arith.constant 0 : i32
      %dma_wait3A_139 = arith.constant 0 : i32
      %dma_wait3A_140 = tpu.memref_slice %arg8[%dma_wait3A, %dma_wait3A_138, %dma_wait3A_139] : memref<4x128x128xbf16, #tpu.memory_space<vmem>> -> memref<1x128x128xbf16, #tpu.memory_space<vmem>>
      %dma_wait3A_141 = tpu.memref_squeeze %dma_wait3A_140 : memref<1x128x128xbf16, #tpu.memory_space<vmem>> -> memref<128x128xbf16, #tpu.memory_space<vmem>>
      %dma_wait3A_142 = arith.constant 0 : i32
      %dma_wait3A_143 = tpu.memref_slice %arg6[%add3A_136, %dma_wait3A_142] : memref<160x128xi32, #tpu.memory_space<vmem>> -> memref<1x128xi32, #tpu.memory_space<vmem>>
      %dma_wait3A_144 = tpu.memref_squeeze %dma_wait3A_143 : memref<1x128xi32, #tpu.memory_space<vmem>> -> memref<128xi32, #tpu.memory_space<vmem>>
      %dma_wait3A_145 = arith.constant 0 : i32
      %dma_wait3A_146 = arith.constant 0 : i32
      %dma_wait3A_147 = tpu.memref_slice %arg2[%dma_wait3A_145, %dma_wait3A_146] : memref<20480x128xbf16, #tpu.memory_space<hbm>> -> memref<20480x128xbf16, #tpu.memory_space<hbm>>
      %dma_wait3A_148 = tpu.memref_slice %arg11[%dma_wait3A_137] : memref<4x!tpu.dma_semaphore, #tpu.memory_space<semaphore_mem>> -> memref<1x!tpu.dma_semaphore, #tpu.memory_space<semaphore_mem>>
      %dma_wait3A_149 = tpu.memref_squeeze %dma_wait3A_148 : memref<1x!tpu.dma_semaphore, #tpu.memory_space<semaphore_mem>> -> memref<!tpu.dma_semaphore, #tpu.memory_space<semaphore_mem>>
      tpu.wait_indirect_dma semaphore(%dma_wait3A_149 : memref<!tpu.dma_semaphore, #tpu.memory_space<semaphore_mem>>) src(%dma_wait3A_147 : memref<20480x128xbf16, #tpu.memory_space<hbm>>) dst(%dma_wait3A_141 : memref<128x128xbf16, #tpu.memory_space<vmem>>)
      %run_scoped3A = arith.constant 0 : i32
      "tpu.region"() ({
        %run_scoped3A_225 = tpu.sem_alloc : memref<!tpu.dma_semaphore, #tpu.memory_space<semaphore_mem>>
        %dma_start3A_226 = arith.constant 0 : i32
        %dma_start3A_227 = arith.constant 0 : i32
        %dma_start3A_228 = tpu.memref_slice %arg8[%run_scoped3A, %dma_start3A_226, %dma_start3A_227] : memref<4x128x128xbf16, #tpu.memory_space<vmem>> -> memref<1x128x128xbf16, #tpu.memory_space<vmem>>
        %dma_start3A_229 = tpu.memref_squeeze %dma_start3A_228 : memref<1x128x128xbf16, #tpu.memory_space<vmem>> -> memref<128x128xbf16, #tpu.memory_space<vmem>>
        %dma_start3A_230 = arith.constant 0 : i32
        %dma_start3A_231 = tpu.memref_slice %arg7[%add3A_136, %dma_start3A_230] : memref<160x128xi32, #tpu.memory_space<vmem>> -> memref<1x128xi32, #tpu.memory_space<vmem>>
        %dma_start3A_232 = tpu.memref_squeeze %dma_start3A_231 : memref<1x128xi32, #tpu.memory_space<vmem>> -> memref<128xi32, #tpu.memory_space<vmem>>
        %dma_start3A_233 = arith.constant 0 : i32
        %dma_start3A_234 = arith.constant 0 : i32
        %dma_start3A_235 = tpu.memref_slice %arg10[%dma_start3A_233, %dma_start3A_234] : memref<10240x128xbf16, #tpu.memory_space<vmem_shared>> -> memref<10240x128xbf16, #tpu.memory_space<vmem_shared>>
        tpu.enqueue_indirect_dma source(%dma_start3A_229 : memref<128x128xbf16, #tpu.memory_space<vmem>>) target(%dma_start3A_235 : memref<10240x128xbf16, #tpu.memory_space<vmem_shared>>) offsets(%dma_start3A_232 : memref<128xi32, #tpu.memory_space<vmem>>) semaphore(%run_scoped3A_225 : memref<!tpu.dma_semaphore, #tpu.memory_space<semaphore_mem>>) {add = true}
        %dma_wait3A_236 = arith.constant 0 : i32
        %dma_wait3A_237 = arith.constant 0 : i32
        %dma_wait3A_238 = tpu.memref_slice %arg8[%run_scoped3A, %dma_wait3A_236, %dma_wait3A_237] : memref<4x128x128xbf16, #tpu.memory_space<vmem>> -> memref<1x128x128xbf16, #tpu.memory_space<vmem>>
        %dma_wait3A_239 = tpu.memref_squeeze %dma_wait3A_238 : memref<1x128x128xbf16, #tpu.memory_space<vmem>> -> memref<128x128xbf16, #tpu.memory_space<vmem>>
        %dma_wait3A_240 = arith.constant 0 : i32
        %dma_wait3A_241 = tpu.memref_slice %arg7[%add3A_136, %dma_wait3A_240] : memref<160x128xi32, #tpu.memory_space<vmem>> -> memref<1x128xi32, #tpu.memory_space<vmem>>
        %dma_wait3A_242 = tpu.memref_squeeze %dma_wait3A_241 : memref<1x128xi32, #tpu.memory_space<vmem>> -> memref<128xi32, #tpu.memory_space<vmem>>
        %dma_wait3A_243 = arith.constant 0 : i32
        %dma_wait3A_244 = arith.constant 0 : i32
        %dma_wait3A_245 = tpu.memref_slice %arg10[%dma_wait3A_243, %dma_wait3A_244] : memref<10240x128xbf16, #tpu.memory_space<vmem_shared>> -> memref<10240x128xbf16, #tpu.memory_space<vmem_shared>>
        tpu.wait_indirect_dma semaphore(%run_scoped3A_225 : memref<!tpu.dma_semaphore, #tpu.memory_space<semaphore_mem>>) src(%dma_wait3A_239 : memref<128x128xbf16, #tpu.memory_space<vmem>>) dst(%dma_wait3A_245 : memref<10240x128xbf16, #tpu.memory_space<vmem_shared>>)
        tpu.yield
      }) : () -> ()
      %lt3A = arith.constant 39 : i32
      %lt3A_150 = arith.cmpi slt, %scan3A_131, %lt3A : i32
      %convert_element_type3A = arith.extui %lt3A_150 : i1 to i32
      %cond3A = arith.constant 0 : i32
      %cond3A_151 = arith.cmpi ne, %convert_element_type3A, %cond3A : i32
      scf.if %cond3A_151 {
        %add3A_225 = arith.constant 1 : i32
        %add3A_226 = arith.addi %scan3A_131, %add3A_225 : i32
        %mul3A_227 = arith.constant 4 : i32
        %mul3A_228 = arith.muli %mul3A_227, %add3A_226 : i32
        %add3A_229 = arith.constant 0 : i32
        %add3A_230 = arith.addi %mul3A_228, %add3A_229 : i32
        %dma_start3A_231 = arith.constant 0 : i32
        %dma_start3A_232 = arith.constant 0 : i32
        %dma_start3A_233 = arith.constant 0 : i32
        %dma_start3A_234 = arith.constant 0 : i32
        %dma_start3A_235 = tpu.memref_slice %arg8[%dma_start3A_231, %dma_start3A_233, %dma_start3A_234] : memref<4x128x128xbf16, #tpu.memory_space<vmem>> -> memref<1x128x128xbf16, #tpu.memory_space<vmem>>
        %dma_start3A_236 = tpu.memref_squeeze %dma_start3A_235 : memref<1x128x128xbf16, #tpu.memory_space<vmem>> -> memref<128x128xbf16, #tpu.memory_space<vmem>>
        %dma_start3A_237 = arith.constant 0 : i32
        %dma_start3A_238 = tpu.memref_slice %arg6[%add3A_230, %dma_start3A_237] : memref<160x128xi32, #tpu.memory_space<vmem>> -> memref<1x128xi32, #tpu.memory_space<vmem>>
        %dma_start3A_239 = tpu.memref_squeeze %dma_start3A_238 : memref<1x128xi32, #tpu.memory_space<vmem>> -> memref<128xi32, #tpu.memory_space<vmem>>
        %dma_start3A_240 = arith.constant 0 : i32
        %dma_start3A_241 = arith.constant 0 : i32
        %dma_start3A_242 = tpu.memref_slice %arg2[%dma_start3A_240, %dma_start3A_241] : memref<20480x128xbf16, #tpu.memory_space<hbm>> -> memref<20480x128xbf16, #tpu.memory_space<hbm>>
        %dma_start3A_243 = tpu.memref_slice %arg11[%dma_start3A_232] : memref<4x!tpu.dma_semaphore, #tpu.memory_space<semaphore_mem>> -> memref<1x!tpu.dma_semaphore, #tpu.memory_space<semaphore_mem>>
        %dma_start3A_244 = tpu.memref_squeeze %dma_start3A_243 : memref<1x!tpu.dma_semaphore, #tpu.memory_space<semaphore_mem>> -> memref<!tpu.dma_semaphore, #tpu.memory_space<semaphore_mem>>
        tpu.enqueue_indirect_dma source(%dma_start3A_242 : memref<20480x128xbf16, #tpu.memory_space<hbm>>) target(%dma_start3A_236 : memref<128x128xbf16, #tpu.memory_space<vmem>>) offsets(%dma_start3A_239 : memref<128xi32, #tpu.memory_space<vmem>>) semaphore(%dma_start3A_244 : memref<!tpu.dma_semaphore, #tpu.memory_space<semaphore_mem>>)
      } else {
      }
      %mul3A_152 = arith.constant 4 : i32
      %mul3A_153 = arith.muli %mul3A_152, %scan3A_131 : i32
      %add3A_154 = arith.constant 1 : i32
      %add3A_155 = arith.addi %mul3A_153, %add3A_154 : i32
      %dma_wait3A_156 = arith.constant 1 : i32
      %dma_wait3A_157 = arith.constant 1 : i32
      %dma_wait3A_158 = arith.constant 0 : i32
      %dma_wait3A_159 = arith.constant 0 : i32
      %dma_wait3A_160 = tpu.memref_slice %arg8[%dma_wait3A_156, %dma_wait3A_158, %dma_wait3A_159] : memref<4x128x128xbf16, #tpu.memory_space<vmem>> -> memref<1x128x128xbf16, #tpu.memory_space<vmem>>
      %dma_wait3A_161 = tpu.memref_squeeze %dma_wait3A_160 : memref<1x128x128xbf16, #tpu.memory_space<vmem>> -> memref<128x128xbf16, #tpu.memory_space<vmem>>
      %dma_wait3A_162 = arith.constant 0 : i32
      %dma_wait3A_163 = tpu.memref_slice %arg6[%add3A_155, %dma_wait3A_162] : memref<160x128xi32, #tpu.memory_space<vmem>> -> memref<1x128xi32, #tpu.memory_space<vmem>>
      %dma_wait3A_164 = tpu.memref_squeeze %dma_wait3A_163 : memref<1x128xi32, #tpu.memory_space<vmem>> -> memref<128xi32, #tpu.memory_space<vmem>>
      %dma_wait3A_165 = arith.constant 0 : i32
      %dma_wait3A_166 = arith.constant 0 : i32
      %dma_wait3A_167 = tpu.memref_slice %arg2[%dma_wait3A_165, %dma_wait3A_166] : memref<20480x128xbf16, #tpu.memory_space<hbm>> -> memref<20480x128xbf16, #tpu.memory_space<hbm>>
      %dma_wait3A_168 = tpu.memref_slice %arg11[%dma_wait3A_157] : memref<4x!tpu.dma_semaphore, #tpu.memory_space<semaphore_mem>> -> memref<1x!tpu.dma_semaphore, #tpu.memory_space<semaphore_mem>>
      %dma_wait3A_169 = tpu.memref_squeeze %dma_wait3A_168 : memref<1x!tpu.dma_semaphore, #tpu.memory_space<semaphore_mem>> -> memref<!tpu.dma_semaphore, #tpu.memory_space<semaphore_mem>>
      tpu.wait_indirect_dma semaphore(%dma_wait3A_169 : memref<!tpu.dma_semaphore, #tpu.memory_space<semaphore_mem>>) src(%dma_wait3A_167 : memref<20480x128xbf16, #tpu.memory_space<hbm>>) dst(%dma_wait3A_161 : memref<128x128xbf16, #tpu.memory_space<vmem>>)
      %run_scoped3A_170 = arith.constant 1 : i32
      "tpu.region"() ({
        %run_scoped3A_225 = tpu.sem_alloc : memref<!tpu.dma_semaphore, #tpu.memory_space<semaphore_mem>>
        %dma_start3A_226 = arith.constant 0 : i32
        %dma_start3A_227 = arith.constant 0 : i32
        %dma_start3A_228 = tpu.memref_slice %arg8[%run_scoped3A_170, %dma_start3A_226, %dma_start3A_227] : memref<4x128x128xbf16, #tpu.memory_space<vmem>> -> memref<1x128x128xbf16, #tpu.memory_space<vmem>>
        %dma_start3A_229 = tpu.memref_squeeze %dma_start3A_228 : memref<1x128x128xbf16, #tpu.memory_space<vmem>> -> memref<128x128xbf16, #tpu.memory_space<vmem>>
        %dma_start3A_230 = arith.constant 0 : i32
        %dma_start3A_231 = tpu.memref_slice %arg7[%add3A_155, %dma_start3A_230] : memref<160x128xi32, #tpu.memory_space<vmem>> -> memref<1x128xi32, #tpu.memory_space<vmem>>
        %dma_start3A_232 = tpu.memref_squeeze %dma_start3A_231 : memref<1x128xi32, #tpu.memory_space<vmem>> -> memref<128xi32, #tpu.memory_space<vmem>>
        %dma_start3A_233 = arith.constant 0 : i32
        %dma_start3A_234 = arith.constant 0 : i32
        %dma_start3A_235 = tpu.memref_slice %arg10[%dma_start3A_233, %dma_start3A_234] : memref<10240x128xbf16, #tpu.memory_space<vmem_shared>> -> memref<10240x128xbf16, #tpu.memory_space<vmem_shared>>
        tpu.enqueue_indirect_dma source(%dma_start3A_229 : memref<128x128xbf16, #tpu.memory_space<vmem>>) target(%dma_start3A_235 : memref<10240x128xbf16, #tpu.memory_space<vmem_shared>>) offsets(%dma_start3A_232 : memref<128xi32, #tpu.memory_space<vmem>>) semaphore(%run_scoped3A_225 : memref<!tpu.dma_semaphore, #tpu.memory_space<semaphore_mem>>) {add = true}
        %dma_wait3A_236 = arith.constant 0 : i32
        %dma_wait3A_237 = arith.constant 0 : i32
        %dma_wait3A_238 = tpu.memref_slice %arg8[%run_scoped3A_170, %dma_wait3A_236, %dma_wait3A_237] : memref<4x128x128xbf16, #tpu.memory_space<vmem>> -> memref<1x128x128xbf16, #tpu.memory_space<vmem>>
        %dma_wait3A_239 = tpu.memref_squeeze %dma_wait3A_238 : memref<1x128x128xbf16, #tpu.memory_space<vmem>> -> memref<128x128xbf16, #tpu.memory_space<vmem>>
        %dma_wait3A_240 = arith.constant 0 : i32
        %dma_wait3A_241 = tpu.memref_slice %arg7[%add3A_155, %dma_wait3A_240] : memref<160x128xi32, #tpu.memory_space<vmem>> -> memref<1x128xi32, #tpu.memory_space<vmem>>
        %dma_wait3A_242 = tpu.memref_squeeze %dma_wait3A_241 : memref<1x128xi32, #tpu.memory_space<vmem>> -> memref<128xi32, #tpu.memory_space<vmem>>
        %dma_wait3A_243 = arith.constant 0 : i32
        %dma_wait3A_244 = arith.constant 0 : i32
        %dma_wait3A_245 = tpu.memref_slice %arg10[%dma_wait3A_243, %dma_wait3A_244] : memref<10240x128xbf16, #tpu.memory_space<vmem_shared>> -> memref<10240x128xbf16, #tpu.memory_space<vmem_shared>>
        tpu.wait_indirect_dma semaphore(%run_scoped3A_225 : memref<!tpu.dma_semaphore, #tpu.memory_space<semaphore_mem>>) src(%dma_wait3A_239 : memref<128x128xbf16, #tpu.memory_space<vmem>>) dst(%dma_wait3A_245 : memref<10240x128xbf16, #tpu.memory_space<vmem_shared>>)
        tpu.yield
      }) : () -> ()
      %lt3A_171 = arith.constant 39 : i32
      %lt3A_172 = arith.cmpi slt, %scan3A_131, %lt3A_171 : i32
      %convert_element_type3A_173 = arith.extui %lt3A_172 : i1 to i32
      %cond3A_174 = arith.constant 0 : i32
      %cond3A_175 = arith.cmpi ne, %convert_element_type3A_173, %cond3A_174 : i32
      scf.if %cond3A_175 {
        %add3A_225 = arith.constant 1 : i32
        %add3A_226 = arith.addi %scan3A_131, %add3A_225 : i32
        %mul3A_227 = arith.constant 4 : i32
        %mul3A_228 = arith.muli %mul3A_227, %add3A_226 : i32
        %add3A_229 = arith.constant 1 : i32
        %add3A_230 = arith.addi %mul3A_228, %add3A_229 : i32
        %dma_start3A_231 = arith.constant 1 : i32
        %dma_start3A_232 = arith.constant 1 : i32
        %dma_start3A_233 = arith.constant 0 : i32
        %dma_start3A_234 = arith.constant 0 : i32
        %dma_start3A_235 = tpu.memref_slice %arg8[%dma_start3A_231, %dma_start3A_233, %dma_start3A_234] : memref<4x128x128xbf16, #tpu.memory_space<vmem>> -> memref<1x128x128xbf16, #tpu.memory_space<vmem>>
        %dma_start3A_236 = tpu.memref_squeeze %dma_start3A_235 : memref<1x128x128xbf16, #tpu.memory_space<vmem>> -> memref<128x128xbf16, #tpu.memory_space<vmem>>
        %dma_start3A_237 = arith.constant 0 : i32
        %dma_start3A_238 = tpu.memref_slice %arg6[%add3A_230, %dma_start3A_237] : memref<160x128xi32, #tpu.memory_space<vmem>> -> memref<1x128xi32, #tpu.memory_space<vmem>>
        %dma_start3A_239 = tpu.memref_squeeze %dma_start3A_238 : memref<1x128xi32, #tpu.memory_space<vmem>> -> memref<128xi32, #tpu.memory_space<vmem>>
        %dma_start3A_240 = arith.constant 0 : i32
        %dma_start3A_241 = arith.constant 0 : i32
        %dma_start3A_242 = tpu.memref_slice %arg2[%dma_start3A_240, %dma_start3A_241] : memref<20480x128xbf16, #tpu.memory_space<hbm>> -> memref<20480x128xbf16, #tpu.memory_space<hbm>>
        %dma_start3A_243 = tpu.memref_slice %arg11[%dma_start3A_232] : memref<4x!tpu.dma_semaphore, #tpu.memory_space<semaphore_mem>> -> memref<1x!tpu.dma_semaphore, #tpu.memory_space<semaphore_mem>>
        %dma_start3A_244 = tpu.memref_squeeze %dma_start3A_243 : memref<1x!tpu.dma_semaphore, #tpu.memory_space<semaphore_mem>> -> memref<!tpu.dma_semaphore, #tpu.memory_space<semaphore_mem>>
        tpu.enqueue_indirect_dma source(%dma_start3A_242 : memref<20480x128xbf16, #tpu.memory_space<hbm>>) target(%dma_start3A_236 : memref<128x128xbf16, #tpu.memory_space<vmem>>) offsets(%dma_start3A_239 : memref<128xi32, #tpu.memory_space<vmem>>) semaphore(%dma_start3A_244 : memref<!tpu.dma_semaphore, #tpu.memory_space<semaphore_mem>>)
      } else {
      }
      %mul3A_176 = arith.constant 4 : i32
      %mul3A_177 = arith.muli %mul3A_176, %scan3A_131 : i32
      %add3A_178 = arith.constant 2 : i32
      %add3A_179 = arith.addi %mul3A_177, %add3A_178 : i32
      %dma_wait3A_180 = arith.constant 2 : i32
      %dma_wait3A_181 = arith.constant 2 : i32
      %dma_wait3A_182 = arith.constant 0 : i32
      %dma_wait3A_183 = arith.constant 0 : i32
      %dma_wait3A_184 = tpu.memref_slice %arg8[%dma_wait3A_180, %dma_wait3A_182, %dma_wait3A_183] : memref<4x128x128xbf16, #tpu.memory_space<vmem>> -> memref<1x128x128xbf16, #tpu.memory_space<vmem>>
      %dma_wait3A_185 = tpu.memref_squeeze %dma_wait3A_184 : memref<1x128x128xbf16, #tpu.memory_space<vmem>> -> memref<128x128xbf16, #tpu.memory_space<vmem>>
      %dma_wait3A_186 = arith.constant 0 : i32
      %dma_wait3A_187 = tpu.memref_slice %arg6[%add3A_179, %dma_wait3A_186] : memref<160x128xi32, #tpu.memory_space<vmem>> -> memref<1x128xi32, #tpu.memory_space<vmem>>
      %dma_wait3A_188 = tpu.memref_squeeze %dma_wait3A_187 : memref<1x128xi32, #tpu.memory_space<vmem>> -> memref<128xi32, #tpu.memory_space<vmem>>
      %dma_wait3A_189 = arith.constant 0 : i32
      %dma_wait3A_190 = arith.constant 0 : i32
      %dma_wait3A_191 = tpu.memref_slice %arg2[%dma_wait3A_189, %dma_wait3A_190] : memref<20480x128xbf16, #tpu.memory_space<hbm>> -> memref<20480x128xbf16, #tpu.memory_space<hbm>>
      %dma_wait3A_192 = tpu.memref_slice %arg11[%dma_wait3A_181] : memref<4x!tpu.dma_semaphore, #tpu.memory_space<semaphore_mem>> -> memref<1x!tpu.dma_semaphore, #tpu.memory_space<semaphore_mem>>
      %dma_wait3A_193 = tpu.memref_squeeze %dma_wait3A_192 : memref<1x!tpu.dma_semaphore, #tpu.memory_space<semaphore_mem>> -> memref<!tpu.dma_semaphore, #tpu.memory_space<semaphore_mem>>
      tpu.wait_indirect_dma semaphore(%dma_wait3A_193 : memref<!tpu.dma_semaphore, #tpu.memory_space<semaphore_mem>>) src(%dma_wait3A_191 : memref<20480x128xbf16, #tpu.memory_space<hbm>>) dst(%dma_wait3A_185 : memref<128x128xbf16, #tpu.memory_space<vmem>>)
      %run_scoped3A_194 = arith.constant 2 : i32
      "tpu.region"() ({
        %run_scoped3A_225 = tpu.sem_alloc : memref<!tpu.dma_semaphore, #tpu.memory_space<semaphore_mem>>
        %dma_start3A_226 = arith.constant 0 : i32
        %dma_start3A_227 = arith.constant 0 : i32
        %dma_start3A_228 = tpu.memref_slice %arg8[%run_scoped3A_194, %dma_start3A_226, %dma_start3A_227] : memref<4x128x128xbf16, #tpu.memory_space<vmem>> -> memref<1x128x128xbf16, #tpu.memory_space<vmem>>
        %dma_start3A_229 = tpu.memref_squeeze %dma_start3A_228 : memref<1x128x128xbf16, #tpu.memory_space<vmem>> -> memref<128x128xbf16, #tpu.memory_space<vmem>>
        %dma_start3A_230 = arith.constant 0 : i32
        %dma_start3A_231 = tpu.memref_slice %arg7[%add3A_179, %dma_start3A_230] : memref<160x128xi32, #tpu.memory_space<vmem>> -> memref<1x128xi32, #tpu.memory_space<vmem>>
        %dma_start3A_232 = tpu.memref_squeeze %dma_start3A_231 : memref<1x128xi32, #tpu.memory_space<vmem>> -> memref<128xi32, #tpu.memory_space<vmem>>
        %dma_start3A_233 = arith.constant 0 : i32
        %dma_start3A_234 = arith.constant 0 : i32
        %dma_start3A_235 = tpu.memref_slice %arg10[%dma_start3A_233, %dma_start3A_234] : memref<10240x128xbf16, #tpu.memory_space<vmem_shared>> -> memref<10240x128xbf16, #tpu.memory_space<vmem_shared>>
        tpu.enqueue_indirect_dma source(%dma_start3A_229 : memref<128x128xbf16, #tpu.memory_space<vmem>>) target(%dma_start3A_235 : memref<10240x128xbf16, #tpu.memory_space<vmem_shared>>) offsets(%dma_start3A_232 : memref<128xi32, #tpu.memory_space<vmem>>) semaphore(%run_scoped3A_225 : memref<!tpu.dma_semaphore, #tpu.memory_space<semaphore_mem>>) {add = true}
        %dma_wait3A_236 = arith.constant 0 : i32
        %dma_wait3A_237 = arith.constant 0 : i32
        %dma_wait3A_238 = tpu.memref_slice %arg8[%run_scoped3A_194, %dma_wait3A_236, %dma_wait3A_237] : memref<4x128x128xbf16, #tpu.memory_space<vmem>> -> memref<1x128x128xbf16, #tpu.memory_space<vmem>>
        %dma_wait3A_239 = tpu.memref_squeeze %dma_wait3A_238 : memref<1x128x128xbf16, #tpu.memory_space<vmem>> -> memref<128x128xbf16, #tpu.memory_space<vmem>>
        %dma_wait3A_240 = arith.constant 0 : i32
        %dma_wait3A_241 = tpu.memref_slice %arg7[%add3A_179, %dma_wait3A_240] : memref<160x128xi32, #tpu.memory_space<vmem>> -> memref<1x128xi32, #tpu.memory_space<vmem>>
        %dma_wait3A_242 = tpu.memref_squeeze %dma_wait3A_241 : memref<1x128xi32, #tpu.memory_space<vmem>> -> memref<128xi32, #tpu.memory_space<vmem>>
        %dma_wait3A_243 = arith.constant 0 : i32
        %dma_wait3A_244 = arith.constant 0 : i32
        %dma_wait3A_245 = tpu.memref_slice %arg10[%dma_wait3A_243, %dma_wait3A_244] : memref<10240x128xbf16, #tpu.memory_space<vmem_shared>> -> memref<10240x128xbf16, #tpu.memory_space<vmem_shared>>
        tpu.wait_indirect_dma semaphore(%run_scoped3A_225 : memref<!tpu.dma_semaphore, #tpu.memory_space<semaphore_mem>>) src(%dma_wait3A_239 : memref<128x128xbf16, #tpu.memory_space<vmem>>) dst(%dma_wait3A_245 : memref<10240x128xbf16, #tpu.memory_space<vmem_shared>>)
        tpu.yield
      }) : () -> ()
      %lt3A_195 = arith.constant 39 : i32
      %lt3A_196 = arith.cmpi slt, %scan3A_131, %lt3A_195 : i32
      %convert_element_type3A_197 = arith.extui %lt3A_196 : i1 to i32
      %cond3A_198 = arith.constant 0 : i32
      %cond3A_199 = arith.cmpi ne, %convert_element_type3A_197, %cond3A_198 : i32
      scf.if %cond3A_199 {
        %add3A_225 = arith.constant 1 : i32
        %add3A_226 = arith.addi %scan3A_131, %add3A_225 : i32
        %mul3A_227 = arith.constant 4 : i32
        %mul3A_228 = arith.muli %mul3A_227, %add3A_226 : i32
        %add3A_229 = arith.constant 2 : i32
        %add3A_230 = arith.addi %mul3A_228, %add3A_229 : i32
        %dma_start3A_231 = arith.constant 2 : i32
        %dma_start3A_232 = arith.constant 2 : i32
        %dma_start3A_233 = arith.constant 0 : i32
        %dma_start3A_234 = arith.constant 0 : i32
        %dma_start3A_235 = tpu.memref_slice %arg8[%dma_start3A_231, %dma_start3A_233, %dma_start3A_234] : memref<4x128x128xbf16, #tpu.memory_space<vmem>> -> memref<1x128x128xbf16, #tpu.memory_space<vmem>>
        %dma_start3A_236 = tpu.memref_squeeze %dma_start3A_235 : memref<1x128x128xbf16, #tpu.memory_space<vmem>> -> memref<128x128xbf16, #tpu.memory_space<vmem>>
        %dma_start3A_237 = arith.constant 0 : i32
        %dma_start3A_238 = tpu.memref_slice %arg6[%add3A_230, %dma_start3A_237] : memref<160x128xi32, #tpu.memory_space<vmem>> -> memref<1x128xi32, #tpu.memory_space<vmem>>
        %dma_start3A_239 = tpu.memref_squeeze %dma_start3A_238 : memref<1x128xi32, #tpu.memory_space<vmem>> -> memref<128xi32, #tpu.memory_space<vmem>>
        %dma_start3A_240 = arith.constant 0 : i32
        %dma_start3A_241 = arith.constant 0 : i32
        %dma_start3A_242 = tpu.memref_slice %arg2[%dma_start3A_240, %dma_start3A_241] : memref<20480x128xbf16, #tpu.memory_space<hbm>> -> memref<20480x128xbf16, #tpu.memory_space<hbm>>
        %dma_start3A_243 = tpu.memref_slice %arg11[%dma_start3A_232] : memref<4x!tpu.dma_semaphore, #tpu.memory_space<semaphore_mem>> -> memref<1x!tpu.dma_semaphore, #tpu.memory_space<semaphore_mem>>
        %dma_start3A_244 = tpu.memref_squeeze %dma_start3A_243 : memref<1x!tpu.dma_semaphore, #tpu.memory_space<semaphore_mem>> -> memref<!tpu.dma_semaphore, #tpu.memory_space<semaphore_mem>>
        tpu.enqueue_indirect_dma source(%dma_start3A_242 : memref<20480x128xbf16, #tpu.memory_space<hbm>>) target(%dma_start3A_236 : memref<128x128xbf16, #tpu.memory_space<vmem>>) offsets(%dma_start3A_239 : memref<128xi32, #tpu.memory_space<vmem>>) semaphore(%dma_start3A_244 : memref<!tpu.dma_semaphore, #tpu.memory_space<semaphore_mem>>)
      } else {
      }
      %mul3A_200 = arith.constant 4 : i32
      %mul3A_201 = arith.muli %mul3A_200, %scan3A_131 : i32
      %add3A_202 = arith.constant 3 : i32
      %add3A_203 = arith.addi %mul3A_201, %add3A_202 : i32
      %dma_wait3A_204 = arith.constant 3 : i32
      %dma_wait3A_205 = arith.constant 3 : i32
      %dma_wait3A_206 = arith.constant 0 : i32
      %dma_wait3A_207 = arith.constant 0 : i32
      %dma_wait3A_208 = tpu.memref_slice %arg8[%dma_wait3A_204, %dma_wait3A_206, %dma_wait3A_207] : memref<4x128x128xbf16, #tpu.memory_space<vmem>> -> memref<1x128x128xbf16, #tpu.memory_space<vmem>>
      %dma_wait3A_209 = tpu.memref_squeeze %dma_wait3A_208 : memref<1x128x128xbf16, #tpu.memory_space<vmem>> -> memref<128x128xbf16, #tpu.memory_space<vmem>>
      %dma_wait3A_210 = arith.constant 0 : i32
      %dma_wait3A_211 = tpu.memref_slice %arg6[%add3A_203, %dma_wait3A_210] : memref<160x128xi32, #tpu.memory_space<vmem>> -> memref<1x128xi32, #tpu.memory_space<vmem>>
      %dma_wait3A_212 = tpu.memref_squeeze %dma_wait3A_211 : memref<1x128xi32, #tpu.memory_space<vmem>> -> memref<128xi32, #tpu.memory_space<vmem>>
      %dma_wait3A_213 = arith.constant 0 : i32
      %dma_wait3A_214 = arith.constant 0 : i32
      %dma_wait3A_215 = tpu.memref_slice %arg2[%dma_wait3A_213, %dma_wait3A_214] : memref<20480x128xbf16, #tpu.memory_space<hbm>> -> memref<20480x128xbf16, #tpu.memory_space<hbm>>
      %dma_wait3A_216 = tpu.memref_slice %arg11[%dma_wait3A_205] : memref<4x!tpu.dma_semaphore, #tpu.memory_space<semaphore_mem>> -> memref<1x!tpu.dma_semaphore, #tpu.memory_space<semaphore_mem>>
      %dma_wait3A_217 = tpu.memref_squeeze %dma_wait3A_216 : memref<1x!tpu.dma_semaphore, #tpu.memory_space<semaphore_mem>> -> memref<!tpu.dma_semaphore, #tpu.memory_space<semaphore_mem>>
      tpu.wait_indirect_dma semaphore(%dma_wait3A_217 : memref<!tpu.dma_semaphore, #tpu.memory_space<semaphore_mem>>) src(%dma_wait3A_215 : memref<20480x128xbf16, #tpu.memory_space<hbm>>) dst(%dma_wait3A_209 : memref<128x128xbf16, #tpu.memory_space<vmem>>)
      %run_scoped3A_218 = arith.constant 3 : i32
      "tpu.region"() ({
        %run_scoped3A_225 = tpu.sem_alloc : memref<!tpu.dma_semaphore, #tpu.memory_space<semaphore_mem>>
        %dma_start3A_226 = arith.constant 0 : i32
        %dma_start3A_227 = arith.constant 0 : i32
        %dma_start3A_228 = tpu.memref_slice %arg8[%run_scoped3A_218, %dma_start3A_226, %dma_start3A_227] : memref<4x128x128xbf16, #tpu.memory_space<vmem>> -> memref<1x128x128xbf16, #tpu.memory_space<vmem>>
        %dma_start3A_229 = tpu.memref_squeeze %dma_start3A_228 : memref<1x128x128xbf16, #tpu.memory_space<vmem>> -> memref<128x128xbf16, #tpu.memory_space<vmem>>
        %dma_start3A_230 = arith.constant 0 : i32
        %dma_start3A_231 = tpu.memref_slice %arg7[%add3A_203, %dma_start3A_230] : memref<160x128xi32, #tpu.memory_space<vmem>> -> memref<1x128xi32, #tpu.memory_space<vmem>>
        %dma_start3A_232 = tpu.memref_squeeze %dma_start3A_231 : memref<1x128xi32, #tpu.memory_space<vmem>> -> memref<128xi32, #tpu.memory_space<vmem>>
        %dma_start3A_233 = arith.constant 0 : i32
        %dma_start3A_234 = arith.constant 0 : i32
        %dma_start3A_235 = tpu.memref_slice %arg10[%dma_start3A_233, %dma_start3A_234] : memref<10240x128xbf16, #tpu.memory_space<vmem_shared>> -> memref<10240x128xbf16, #tpu.memory_space<vmem_shared>>
        tpu.enqueue_indirect_dma source(%dma_start3A_229 : memref<128x128xbf16, #tpu.memory_space<vmem>>) target(%dma_start3A_235 : memref<10240x128xbf16, #tpu.memory_space<vmem_shared>>) offsets(%dma_start3A_232 : memref<128xi32, #tpu.memory_space<vmem>>) semaphore(%run_scoped3A_225 : memref<!tpu.dma_semaphore, #tpu.memory_space<semaphore_mem>>) {add = true}
        %dma_wait3A_236 = arith.constant 0 : i32
        %dma_wait3A_237 = arith.constant 0 : i32
        %dma_wait3A_238 = tpu.memref_slice %arg8[%run_scoped3A_218, %dma_wait3A_236, %dma_wait3A_237] : memref<4x128x128xbf16, #tpu.memory_space<vmem>> -> memref<1x128x128xbf16, #tpu.memory_space<vmem>>
        %dma_wait3A_239 = tpu.memref_squeeze %dma_wait3A_238 : memref<1x128x128xbf16, #tpu.memory_space<vmem>> -> memref<128x128xbf16, #tpu.memory_space<vmem>>
        %dma_wait3A_240 = arith.constant 0 : i32
        %dma_wait3A_241 = tpu.memref_slice %arg7[%add3A_203, %dma_wait3A_240] : memref<160x128xi32, #tpu.memory_space<vmem>> -> memref<1x128xi32, #tpu.memory_space<vmem>>
        %dma_wait3A_242 = tpu.memref_squeeze %dma_wait3A_241 : memref<1x128xi32, #tpu.memory_space<vmem>> -> memref<128xi32, #tpu.memory_space<vmem>>
        %dma_wait3A_243 = arith.constant 0 : i32
        %dma_wait3A_244 = arith.constant 0 : i32
        %dma_wait3A_245 = tpu.memref_slice %arg10[%dma_wait3A_243, %dma_wait3A_244] : memref<10240x128xbf16, #tpu.memory_space<vmem_shared>> -> memref<10240x128xbf16, #tpu.memory_space<vmem_shared>>
        tpu.wait_indirect_dma semaphore(%run_scoped3A_225 : memref<!tpu.dma_semaphore, #tpu.memory_space<semaphore_mem>>) src(%dma_wait3A_239 : memref<128x128xbf16, #tpu.memory_space<vmem>>) dst(%dma_wait3A_245 : memref<10240x128xbf16, #tpu.memory_space<vmem_shared>>)
        tpu.yield
      }) : () -> ()
      %lt3A_219 = arith.constant 39 : i32
      %lt3A_220 = arith.cmpi slt, %scan3A_131, %lt3A_219 : i32
      %convert_element_type3A_221 = arith.extui %lt3A_220 : i1 to i32
      %cond3A_222 = arith.constant 0 : i32
      %cond3A_223 = arith.cmpi ne, %convert_element_type3A_221, %cond3A_222 : i32
      scf.if %cond3A_223 {
        %add3A_225 = arith.constant 1 : i32
        %add3A_226 = arith.addi %scan3A_131, %add3A_225 : i32
        %mul3A_227 = arith.constant 4 : i32
        %mul3A_228 = arith.muli %mul3A_227, %add3A_226 : i32
        %add3A_229 = arith.constant 3 : i32
        %add3A_230 = arith.addi %mul3A_228, %add3A_229 : i32
        %dma_start3A_231 = arith.constant 3 : i32
        %dma_start3A_232 = arith.constant 3 : i32
        %dma_start3A_233 = arith.constant 0 : i32
        %dma_start3A_234 = arith.constant 0 : i32
        %dma_start3A_235 = tpu.memref_slice %arg8[%dma_start3A_231, %dma_start3A_233, %dma_start3A_234] : memref<4x128x128xbf16, #tpu.memory_space<vmem>> -> memref<1x128x128xbf16, #tpu.memory_space<vmem>>
        %dma_start3A_236 = tpu.memref_squeeze %dma_start3A_235 : memref<1x128x128xbf16, #tpu.memory_space<vmem>> -> memref<128x128xbf16, #tpu.memory_space<vmem>>
        %dma_start3A_237 = arith.constant 0 : i32
        %dma_start3A_238 = tpu.memref_slice %arg6[%add3A_230, %dma_start3A_237] : memref<160x128xi32, #tpu.memory_space<vmem>> -> memref<1x128xi32, #tpu.memory_space<vmem>>
        %dma_start3A_239 = tpu.memref_squeeze %dma_start3A_238 : memref<1x128xi32, #tpu.memory_space<vmem>> -> memref<128xi32, #tpu.memory_space<vmem>>
        %dma_start3A_240 = arith.constant 0 : i32
        %dma_start3A_241 = arith.constant 0 : i32
        %dma_start3A_242 = tpu.memref_slice %arg2[%dma_start3A_240, %dma_start3A_241] : memref<20480x128xbf16, #tpu.memory_space<hbm>> -> memref<20480x128xbf16, #tpu.memory_space<hbm>>
        %dma_start3A_243 = tpu.memref_slice %arg11[%dma_start3A_232] : memref<4x!tpu.dma_semaphore, #tpu.memory_space<semaphore_mem>> -> memref<1x!tpu.dma_semaphore, #tpu.memory_space<semaphore_mem>>
        %dma_start3A_244 = tpu.memref_squeeze %dma_start3A_243 : memref<1x!tpu.dma_semaphore, #tpu.memory_space<semaphore_mem>> -> memref<!tpu.dma_semaphore, #tpu.memory_space<semaphore_mem>>
        tpu.enqueue_indirect_dma source(%dma_start3A_242 : memref<20480x128xbf16, #tpu.memory_space<hbm>>) target(%dma_start3A_236 : memref<128x128xbf16, #tpu.memory_space<vmem>>) offsets(%dma_start3A_239 : memref<128xi32, #tpu.memory_space<vmem>>) semaphore(%dma_start3A_244 : memref<!tpu.dma_semaphore, #tpu.memory_space<semaphore_mem>>)
      } else {
      }
      %scan3A_224 = arith.constant 0 : i32
      scf.yield %scan3A_224 : i32
    }
    %scan3A_89 = arith.constant 40 : i32
    %barrier3A_90 = arith.constant 0 : index
    tpu.barrier barrier_id(%barrier3A_90)
    %mul3A_91 = arith.constant 640 : i32
    %mul3A_92 = arith.muli %arg1, %mul3A_91 : i32
    %add3A_93 = arith.constant 0 : i32
    %add3A_94 = arith.addi %mul3A_92, %add3A_93 : i32
    %mul3A_95 = arith.constant 640 : i32
    %mul3A_96 = arith.muli %arg1, %mul3A_95 : i32
    %add3A_97 = arith.constant 0 : i32
    %add3A_98 = arith.addi %mul3A_96, %add3A_97 : i32
    "tpu.region"() ({
      %run_scoped3A = tpu.sem_alloc : memref<!tpu.dma_semaphore, #tpu.memory_space<semaphore_mem>>
      %dma_start3A_131 = arith.constant 0 : i32
      %dma_start3A_132 = tpu.memref_slice %arg5[%arg0, %add3A_98, %dma_start3A_131] : memref<2x10240x128xbf16, #tpu.memory_space<hbm>> -> memref<1x128x128xbf16, #tpu.memory_space<hbm>>
      %dma_start3A_133 = tpu.memref_squeeze %dma_start3A_132 : memref<1x128x128xbf16, #tpu.memory_space<hbm>> -> memref<128x128xbf16, #tpu.memory_space<hbm>>
      %dma_start3A_134 = arith.constant 0 : i32
      %dma_start3A_135 = tpu.memref_slice %arg10[%add3A_94, %dma_start3A_134] : memref<10240x128xbf16, #tpu.memory_space<vmem_shared>> -> memref<128x128xbf16, #tpu.memory_space<vmem_shared>>
      tpu.enqueue_dma source(%dma_start3A_135 : memref<128x128xbf16, #tpu.memory_space<vmem_shared>>) target(%dma_start3A_133 : memref<128x128xbf16, #tpu.memory_space<hbm>>) target_semaphore(%run_scoped3A : memref<!tpu.dma_semaphore, #tpu.memory_space<semaphore_mem>>)
      %dma_wait3A = arith.constant 0 : i32
      %dma_wait3A_136 = tpu.memref_slice %arg5[%arg0, %add3A_98, %dma_wait3A] : memref<2x10240x128xbf16, #tpu.memory_space<hbm>> -> memref<1x128x128xbf16, #tpu.memory_space<hbm>>
      %dma_wait3A_137 = tpu.memref_squeeze %dma_wait3A_136 : memref<1x128x128xbf16, #tpu.memory_space<hbm>> -> memref<128x128xbf16, #tpu.memory_space<hbm>>
      %dma_wait3A_138 = arith.constant 0 : i32
      %dma_wait3A_139 = tpu.memref_slice %arg10[%add3A_94, %dma_wait3A_138] : memref<10240x128xbf16, #tpu.memory_space<vmem_shared>> -> memref<128x128xbf16, #tpu.memory_space<vmem_shared>>
      tpu.wait_dma2 semaphore(%run_scoped3A : memref<!tpu.dma_semaphore, #tpu.memory_space<semaphore_mem>>) src(%dma_wait3A_139 : memref<128x128xbf16, #tpu.memory_space<vmem_shared>>) dst(%dma_wait3A_137 : memref<128x128xbf16, #tpu.memory_space<hbm>>)
      tpu.yield
    }) : () -> ()
    %mul3A_99 = arith.constant 640 : i32
    %mul3A_100 = arith.muli %arg1, %mul3A_99 : i32
    %add3A_101 = arith.constant 128 : i32
    %add3A_102 = arith.addi %mul3A_100, %add3A_101 : i32
    %mul3A_103 = arith.constant 640 : i32
    %mul3A_104 = arith.muli %arg1, %mul3A_103 : i32
    %add3A_105 = arith.constant 128 : i32
    %add3A_106 = arith.addi %mul3A_104, %add3A_105 : i32
    "tpu.region"() ({
      %run_scoped3A = tpu.sem_alloc : memref<!tpu.dma_semaphore, #tpu.memory_space<semaphore_mem>>
      %dma_start3A_131 = arith.constant 0 : i32
      %dma_start3A_132 = tpu.memref_slice %arg5[%arg0, %add3A_106, %dma_start3A_131] : memref<2x10240x128xbf16, #tpu.memory_space<hbm>> -> memref<1x128x128xbf16, #tpu.memory_space<hbm>>
      %dma_start3A_133 = tpu.memref_squeeze %dma_start3A_132 : memref<1x128x128xbf16, #tpu.memory_space<hbm>> -> memref<128x128xbf16, #tpu.memory_space<hbm>>
      %dma_start3A_134 = arith.constant 0 : i32
      %dma_start3A_135 = tpu.memref_slice %arg10[%add3A_102, %dma_start3A_134] : memref<10240x128xbf16, #tpu.memory_space<vmem_shared>> -> memref<128x128xbf16, #tpu.memory_space<vmem_shared>>
      tpu.enqueue_dma source(%dma_start3A_135 : memref<128x128xbf16, #tpu.memory_space<vmem_shared>>) target(%dma_start3A_133 : memref<128x128xbf16, #tpu.memory_space<hbm>>) target_semaphore(%run_scoped3A : memref<!tpu.dma_semaphore, #tpu.memory_space<semaphore_mem>>)
      %dma_wait3A = arith.constant 0 : i32
      %dma_wait3A_136 = tpu.memref_slice %arg5[%arg0, %add3A_106, %dma_wait3A] : memref<2x10240x128xbf16, #tpu.memory_space<hbm>> -> memref<1x128x128xbf16, #tpu.memory_space<hbm>>
      %dma_wait3A_137 = tpu.memref_squeeze %dma_wait3A_136 : memref<1x128x128xbf16, #tpu.memory_space<hbm>> -> memref<128x128xbf16, #tpu.memory_space<hbm>>
      %dma_wait3A_138 = arith.constant 0 : i32
      %dma_wait3A_139 = tpu.memref_slice %arg10[%add3A_102, %dma_wait3A_138] : memref<10240x128xbf16, #tpu.memory_space<vmem_shared>> -> memref<128x128xbf16, #tpu.memory_space<vmem_shared>>
      tpu.wait_dma2 semaphore(%run_scoped3A : memref<!tpu.dma_semaphore, #tpu.memory_space<semaphore_mem>>) src(%dma_wait3A_139 : memref<128x128xbf16, #tpu.memory_space<vmem_shared>>) dst(%dma_wait3A_137 : memref<128x128xbf16, #tpu.memory_space<hbm>>)
      tpu.yield
    }) : () -> ()
    %mul3A_107 = arith.constant 640 : i32
    %mul3A_108 = arith.muli %arg1, %mul3A_107 : i32
    %add3A_109 = arith.constant 256 : i32
    %add3A_110 = arith.addi %mul3A_108, %add3A_109 : i32
    %mul3A_111 = arith.constant 640 : i32
    %mul3A_112 = arith.muli %arg1, %mul3A_111 : i32
    %add3A_113 = arith.constant 256 : i32
    %add3A_114 = arith.addi %mul3A_112, %add3A_113 : i32
    "tpu.region"() ({
      %run_scoped3A = tpu.sem_alloc : memref<!tpu.dma_semaphore, #tpu.memory_space<semaphore_mem>>
      %dma_start3A_131 = arith.constant 0 : i32
      %dma_start3A_132 = tpu.memref_slice %arg5[%arg0, %add3A_114, %dma_start3A_131] : memref<2x10240x128xbf16, #tpu.memory_space<hbm>> -> memref<1x128x128xbf16, #tpu.memory_space<hbm>>
      %dma_start3A_133 = tpu.memref_squeeze %dma_start3A_132 : memref<1x128x128xbf16, #tpu.memory_space<hbm>> -> memref<128x128xbf16, #tpu.memory_space<hbm>>
      %dma_start3A_134 = arith.constant 0 : i32
      %dma_start3A_135 = tpu.memref_slice %arg10[%add3A_110, %dma_start3A_134] : memref<10240x128xbf16, #tpu.memory_space<vmem_shared>> -> memref<128x128xbf16, #tpu.memory_space<vmem_shared>>
      tpu.enqueue_dma source(%dma_start3A_135 : memref<128x128xbf16, #tpu.memory_space<vmem_shared>>) target(%dma_start3A_133 : memref<128x128xbf16, #tpu.memory_space<hbm>>) target_semaphore(%run_scoped3A : memref<!tpu.dma_semaphore, #tpu.memory_space<semaphore_mem>>)
      %dma_wait3A = arith.constant 0 : i32
      %dma_wait3A_136 = tpu.memref_slice %arg5[%arg0, %add3A_114, %dma_wait3A] : memref<2x10240x128xbf16, #tpu.memory_space<hbm>> -> memref<1x128x128xbf16, #tpu.memory_space<hbm>>
      %dma_wait3A_137 = tpu.memref_squeeze %dma_wait3A_136 : memref<1x128x128xbf16, #tpu.memory_space<hbm>> -> memref<128x128xbf16, #tpu.memory_space<hbm>>
      %dma_wait3A_138 = arith.constant 0 : i32
      %dma_wait3A_139 = tpu.memref_slice %arg10[%add3A_110, %dma_wait3A_138] : memref<10240x128xbf16, #tpu.memory_space<vmem_shared>> -> memref<128x128xbf16, #tpu.memory_space<vmem_shared>>
      tpu.wait_dma2 semaphore(%run_scoped3A : memref<!tpu.dma_semaphore, #tpu.memory_space<semaphore_mem>>) src(%dma_wait3A_139 : memref<128x128xbf16, #tpu.memory_space<vmem_shared>>) dst(%dma_wait3A_137 : memref<128x128xbf16, #tpu.memory_space<hbm>>)
      tpu.yield
    }) : () -> ()
    %mul3A_115 = arith.constant 640 : i32
    %mul3A_116 = arith.muli %arg1, %mul3A_115 : i32
    %add3A_117 = arith.constant 384 : i32
    %add3A_118 = arith.addi %mul3A_116, %add3A_117 : i32
    %mul3A_119 = arith.constant 640 : i32
    %mul3A_120 = arith.muli %arg1, %mul3A_119 : i32
    %add3A_121 = arith.constant 384 : i32
    %add3A_122 = arith.addi %mul3A_120, %add3A_121 : i32
    "tpu.region"() ({
      %run_scoped3A = tpu.sem_alloc : memref<!tpu.dma_semaphore, #tpu.memory_space<semaphore_mem>>
      %dma_start3A_131 = arith.constant 0 : i32
      %dma_start3A_132 = tpu.memref_slice %arg5[%arg0, %add3A_122, %dma_start3A_131] : memref<2x10240x128xbf16, #tpu.memory_space<hbm>> -> memref<1x128x128xbf16, #tpu.memory_space<hbm>>
      %dma_start3A_133 = tpu.memref_squeeze %dma_start3A_132 : memref<1x128x128xbf16, #tpu.memory_space<hbm>> -> memref<128x128xbf16, #tpu.memory_space<hbm>>
      %dma_start3A_134 = arith.constant 0 : i32
      %dma_start3A_135 = tpu.memref_slice %arg10[%add3A_118, %dma_start3A_134] : memref<10240x128xbf16, #tpu.memory_space<vmem_shared>> -> memref<128x128xbf16, #tpu.memory_space<vmem_shared>>
      tpu.enqueue_dma source(%dma_start3A_135 : memref<128x128xbf16, #tpu.memory_space<vmem_shared>>) target(%dma_start3A_133 : memref<128x128xbf16, #tpu.memory_space<hbm>>) target_semaphore(%run_scoped3A : memref<!tpu.dma_semaphore, #tpu.memory_space<semaphore_mem>>)
      %dma_wait3A = arith.constant 0 : i32
      %dma_wait3A_136 = tpu.memref_slice %arg5[%arg0, %add3A_122, %dma_wait3A] : memref<2x10240x128xbf16, #tpu.memory_space<hbm>> -> memref<1x128x128xbf16, #tpu.memory_space<hbm>>
      %dma_wait3A_137 = tpu.memref_squeeze %dma_wait3A_136 : memref<1x128x128xbf16, #tpu.memory_space<hbm>> -> memref<128x128xbf16, #tpu.memory_space<hbm>>
      %dma_wait3A_138 = arith.constant 0 : i32
      %dma_wait3A_139 = tpu.memref_slice %arg10[%add3A_118, %dma_wait3A_138] : memref<10240x128xbf16, #tpu.memory_space<vmem_shared>> -> memref<128x128xbf16, #tpu.memory_space<vmem_shared>>
      tpu.wait_dma2 semaphore(%run_scoped3A : memref<!tpu.dma_semaphore, #tpu.memory_space<semaphore_mem>>) src(%dma_wait3A_139 : memref<128x128xbf16, #tpu.memory_space<vmem_shared>>) dst(%dma_wait3A_137 : memref<128x128xbf16, #tpu.memory_space<hbm>>)
      tpu.yield
    }) : () -> ()
    %mul3A_123 = arith.constant 640 : i32
    %mul3A_124 = arith.muli %arg1, %mul3A_123 : i32
    %add3A_125 = arith.constant 512 : i32
    %add3A_126 = arith.addi %mul3A_124, %add3A_125 : i32
    %mul3A_127 = arith.constant 640 : i32
    %mul3A_128 = arith.muli %arg1, %mul3A_127 : i32
    %add3A_129 = arith.constant 512 : i32
    %add3A_130 = arith.addi %mul3A_128, %add3A_129 : i32
    "tpu.region"() ({
      %run_scoped3A = tpu.sem_alloc : memref<!tpu.dma_semaphore, #tpu.memory_space<semaphore_mem>>
      %dma_start3A_131 = arith.constant 0 : i32
      %dma_start3A_132 = tpu.memref_slice %arg5[%arg0, %add3A_130, %dma_start3A_131] : memref<2x10240x128xbf16, #tpu.memory_space<hbm>> -> memref<1x128x128xbf16, #tpu.memory_space<hbm>>
      %dma_start3A_133 = tpu.memref_squeeze %dma_start3A_132 : memref<1x128x128xbf16, #tpu.memory_space<hbm>> -> memref<128x128xbf16, #tpu.memory_space<hbm>>
      %dma_start3A_134 = arith.constant 0 : i32
      %dma_start3A_135 = tpu.memref_slice %arg10[%add3A_126, %dma_start3A_134] : memref<10240x128xbf16, #tpu.memory_space<vmem_shared>> -> memref<128x128xbf16, #tpu.memory_space<vmem_shared>>
      tpu.enqueue_dma source(%dma_start3A_135 : memref<128x128xbf16, #tpu.memory_space<vmem_shared>>) target(%dma_start3A_133 : memref<128x128xbf16, #tpu.memory_space<hbm>>) target_semaphore(%run_scoped3A : memref<!tpu.dma_semaphore, #tpu.memory_space<semaphore_mem>>)
      %dma_wait3A = arith.constant 0 : i32
      %dma_wait3A_136 = tpu.memref_slice %arg5[%arg0, %add3A_130, %dma_wait3A] : memref<2x10240x128xbf16, #tpu.memory_space<hbm>> -> memref<1x128x128xbf16, #tpu.memory_space<hbm>>
      %dma_wait3A_137 = tpu.memref_squeeze %dma_wait3A_136 : memref<1x128x128xbf16, #tpu.memory_space<hbm>> -> memref<128x128xbf16, #tpu.memory_space<hbm>>
      %dma_wait3A_138 = arith.constant 0 : i32
      %dma_wait3A_139 = tpu.memref_slice %arg10[%add3A_126, %dma_wait3A_138] : memref<10240x128xbf16, #tpu.memory_space<vmem_shared>> -> memref<128x128xbf16, #tpu.memory_space<vmem_shared>>
      tpu.wait_dma2 semaphore(%run_scoped3A : memref<!tpu.dma_semaphore, #tpu.memory_space<semaphore_mem>>) src(%dma_wait3A_139 : memref<128x128xbf16, #tpu.memory_space<vmem_shared>>) dst(%dma_wait3A_137 : memref<128x128xbf16, #tpu.memory_space<hbm>>)
      tpu.yield
    }) : () -> ()
    return
  }
}

#map = affine_map<(d0, d1) -> (0, 0, 0)>
#map1 = affine_map<(d0, d1) -> (0, 0)>
#map2 = affine_map<(d0, d1) -> (0, 0, 0, 0)>
module attributes {stable_mosaic.version = 14 : i64} {
  func.func @_deg_body(%arg0: i32, %arg1: i32, %arg2: memref<2x2500x128xi32, #tpu.memory_space<hbm>>, %arg3: memref<2x2500x128xi32, #tpu.memory_space<hbm>>, %arg4: memref<2x20480xf32, #tpu.memory_space<hbm>>, %arg5: memref<2x16x160x128xi32, #tpu.memory_space<hbm>>, %arg6: memref<2x16x160x128xi32, #tpu.memory_space<hbm>>, %arg7: memref<160x128xi32, #tpu.memory_space<vmem>>, %arg8: memref<160x128xi32, #tpu.memory_space<vmem>>, %arg9: memref<128xf32, #tpu.memory_space<vmem>>, %arg10: memref<1280xf32, #tpu.memory_space<vmem>>, %arg11: memref<20480xf32, #tpu.memory_space<vmem_shared>>, %arg12: memref<10240xf32, #tpu.memory_space<vmem_shared>>, %arg13: memref<!tpu.dma_semaphore, #tpu.memory_space<semaphore_mem>>) attributes {dimension_semantics = [#tpu.dimension_semantics<core_parallel>, #tpu.dimension_semantics<subcore_parallel>], iteration_bounds = array<i64: 2, 16>, scalar_prefetch = 0 : i64, scratch_operands = 7 : i64, tpu.core_type = #tpu.core_type<sc_vector_subcore>, window_params = [{transform_indices = #map}, {transform_indices = #map}, {transform_indices = #map1}, {transform_indices = #map2}, {transform_indices = #map2}]} {
    %scan3A = arith.constant 0 : i32
    %scan3A_0 = arith.constant 0 : i32
    %scan3A_1 = arith.constant 80 : i32
    %scan3A_2 = arith.addi %scan3A_0, %scan3A_1 : i32
    %scan3A_3 = arith.constant 1 : i32
    %scan3A_4 = scf.for %scan3A_1382 = %scan3A_0 to %scan3A_2 step %scan3A_3 iter_args(%scan3A_1383 = %scan3A) -> (i32)  : i32 {
      %broadcast_in_dim3A_1384 = arith.constant 0.000000e+00 : f32
      %broadcast_in_dim3A_1385 = vector.broadcast %broadcast_in_dim3A_1384 : f32 to vector<16xf32>
      %mul3A_1386 = arith.constant 16 : i32
      %mul3A_1387 = arith.muli %scan3A_1382, %mul3A_1386 : i32
      %swap3A_1388 = arith.index_cast %mul3A_1387 : i32 to index
      %swap3A_1389 = tpu.vector_load %arg10[%swap3A_1388] {strides = array<i32>} : memref<1280xf32, #tpu.memory_space<vmem>>, vector<16xf32>,
      %swap3A_1390 = vector.shape_cast %swap3A_1389 : vector<16xf32> to vector<16xf32>
      %swap3A_1391 = vector.shape_cast %broadcast_in_dim3A_1385 : vector<16xf32> to vector<16xf32>
      tpu.vector_store %arg10[%swap3A_1388], %swap3A_1391 {strides = array<i32>} : memref<1280xf32, #tpu.memory_space<vmem>>, vector<16xf32>,
      %scan3A_1392 = arith.constant 0 : i32
      scf.yield %scan3A_1392 : i32
    }
    %scan3A_5 = arith.constant 80 : i32
    %broadcast_in_dim3A = arith.constant 1.000000e+00 : f32
    %broadcast_in_dim3A_6 = vector.broadcast %broadcast_in_dim3A : f32 to vector<16xf32>
    %swap3A = arith.constant 0 : index
    %swap3A_7 = tpu.vector_load %arg9[%swap3A] {strides = array<i32>} : memref<128xf32, #tpu.memory_space<vmem>>, vector<16xf32>,
    %swap3A_8 = vector.shape_cast %swap3A_7 : vector<16xf32> to vector<16xf32>
    %swap3A_9 = vector.shape_cast %broadcast_in_dim3A_6 : vector<16xf32> to vector<16xf32>
    tpu.vector_store %arg9[%swap3A], %swap3A_9 {strides = array<i32>} : memref<128xf32, #tpu.memory_space<vmem>>, vector<16xf32>,
    %broadcast_in_dim3A_10 = arith.constant 1.000000e+00 : f32
    %broadcast_in_dim3A_11 = vector.broadcast %broadcast_in_dim3A_10 : f32 to vector<16xf32>
    %swap3A_12 = arith.constant 16 : index
    %swap3A_13 = tpu.vector_load %arg9[%swap3A_12] {strides = array<i32>} : memref<128xf32, #tpu.memory_space<vmem>>, vector<16xf32>,
    %swap3A_14 = vector.shape_cast %swap3A_13 : vector<16xf32> to vector<16xf32>
    %swap3A_15 = vector.shape_cast %broadcast_in_dim3A_11 : vector<16xf32> to vector<16xf32>
    tpu.vector_store %arg9[%swap3A_12], %swap3A_15 {strides = array<i32>} : memref<128xf32, #tpu.memory_space<vmem>>, vector<16xf32>,
    %broadcast_in_dim3A_16 = arith.constant 1.000000e+00 : f32
    %broadcast_in_dim3A_17 = vector.broadcast %broadcast_in_dim3A_16 : f32 to vector<16xf32>
    %swap3A_18 = arith.constant 32 : index
    %swap3A_19 = tpu.vector_load %arg9[%swap3A_18] {strides = array<i32>} : memref<128xf32, #tpu.memory_space<vmem>>, vector<16xf32>,
    %swap3A_20 = vector.shape_cast %swap3A_19 : vector<16xf32> to vector<16xf32>
    %swap3A_21 = vector.shape_cast %broadcast_in_dim3A_17 : vector<16xf32> to vector<16xf32>
    tpu.vector_store %arg9[%swap3A_18], %swap3A_21 {strides = array<i32>} : memref<128xf32, #tpu.memory_space<vmem>>, vector<16xf32>,
    %broadcast_in_dim3A_22 = arith.constant 1.000000e+00 : f32
    %broadcast_in_dim3A_23 = vector.broadcast %broadcast_in_dim3A_22 : f32 to vector<16xf32>
    %swap3A_24 = arith.constant 48 : index
    %swap3A_25 = tpu.vector_load %arg9[%swap3A_24] {strides = array<i32>} : memref<128xf32, #tpu.memory_space<vmem>>, vector<16xf32>,
    %swap3A_26 = vector.shape_cast %swap3A_25 : vector<16xf32> to vector<16xf32>
    %swap3A_27 = vector.shape_cast %broadcast_in_dim3A_23 : vector<16xf32> to vector<16xf32>
    tpu.vector_store %arg9[%swap3A_24], %swap3A_27 {strides = array<i32>} : memref<128xf32, #tpu.memory_space<vmem>>, vector<16xf32>,
    %broadcast_in_dim3A_28 = arith.constant 1.000000e+00 : f32
    %broadcast_in_dim3A_29 = vector.broadcast %broadcast_in_dim3A_28 : f32 to vector<16xf32>
    %swap3A_30 = arith.constant 64 : index
    %swap3A_31 = tpu.vector_load %arg9[%swap3A_30] {strides = array<i32>} : memref<128xf32, #tpu.memory_space<vmem>>, vector<16xf32>,
    %swap3A_32 = vector.shape_cast %swap3A_31 : vector<16xf32> to vector<16xf32>
    %swap3A_33 = vector.shape_cast %broadcast_in_dim3A_29 : vector<16xf32> to vector<16xf32>
    tpu.vector_store %arg9[%swap3A_30], %swap3A_33 {strides = array<i32>} : memref<128xf32, #tpu.memory_space<vmem>>, vector<16xf32>,
    %broadcast_in_dim3A_34 = arith.constant 1.000000e+00 : f32
    %broadcast_in_dim3A_35 = vector.broadcast %broadcast_in_dim3A_34 : f32 to vector<16xf32>
    %swap3A_36 = arith.constant 80 : index
    %swap3A_37 = tpu.vector_load %arg9[%swap3A_36] {strides = array<i32>} : memref<128xf32, #tpu.memory_space<vmem>>, vector<16xf32>,
    %swap3A_38 = vector.shape_cast %swap3A_37 : vector<16xf32> to vector<16xf32>
    %swap3A_39 = vector.shape_cast %broadcast_in_dim3A_35 : vector<16xf32> to vector<16xf32>
    tpu.vector_store %arg9[%swap3A_36], %swap3A_39 {strides = array<i32>} : memref<128xf32, #tpu.memory_space<vmem>>, vector<16xf32>,
    %broadcast_in_dim3A_40 = arith.constant 1.000000e+00 : f32
    %broadcast_in_dim3A_41 = vector.broadcast %broadcast_in_dim3A_40 : f32 to vector<16xf32>
    %swap3A_42 = arith.constant 96 : index
    %swap3A_43 = tpu.vector_load %arg9[%swap3A_42] {strides = array<i32>} : memref<128xf32, #tpu.memory_space<vmem>>, vector<16xf32>,
    %swap3A_44 = vector.shape_cast %swap3A_43 : vector<16xf32> to vector<16xf32>
    %swap3A_45 = vector.shape_cast %broadcast_in_dim3A_41 : vector<16xf32> to vector<16xf32>
    tpu.vector_store %arg9[%swap3A_42], %swap3A_45 {strides = array<i32>} : memref<128xf32, #tpu.memory_space<vmem>>, vector<16xf32>,
    %broadcast_in_dim3A_46 = arith.constant 1.000000e+00 : f32
    %broadcast_in_dim3A_47 = vector.broadcast %broadcast_in_dim3A_46 : f32 to vector<16xf32>
    %swap3A_48 = arith.constant 112 : index
    %swap3A_49 = tpu.vector_load %arg9[%swap3A_48] {strides = array<i32>} : memref<128xf32, #tpu.memory_space<vmem>>, vector<16xf32>,
    %swap3A_50 = vector.shape_cast %swap3A_49 : vector<16xf32> to vector<16xf32>
    %swap3A_51 = vector.shape_cast %broadcast_in_dim3A_47 : vector<16xf32> to vector<16xf32>
    tpu.vector_store %arg9[%swap3A_48], %swap3A_51 {strides = array<i32>} : memref<128xf32, #tpu.memory_space<vmem>>, vector<16xf32>,
    %mul3A = arith.constant 1280 : i32
    %mul3A_52 = arith.muli %arg1, %mul3A : i32
    "tpu.region"() ({
      %run_scoped3A = tpu.sem_alloc : memref<!tpu.dma_semaphore, #tpu.memory_space<semaphore_mem>>
      %dma_start3A = tpu.memref_slice %arg11[%mul3A_52] : memref<20480xf32, #tpu.memory_space<vmem_shared>> -> memref<1280xf32, #tpu.memory_space<vmem_shared>>
      %dma_start3A_1382 = tpu.memref_slice %arg11[%mul3A_52] : memref<20480xf32, #tpu.memory_space<vmem_shared>> -> memref<1280xf32, #tpu.memory_space<vmem_shared>>
      tpu.enqueue_dma source(%arg10 : memref<1280xf32, #tpu.memory_space<vmem>>) target(%dma_start3A_1382 : memref<1280xf32, #tpu.memory_space<vmem_shared>>) target_semaphore(%run_scoped3A : memref<!tpu.dma_semaphore, #tpu.memory_space<semaphore_mem>>)
      %dma_wait3A = tpu.memref_slice %arg11[%mul3A_52] : memref<20480xf32, #tpu.memory_space<vmem_shared>> -> memref<1280xf32, #tpu.memory_space<vmem_shared>>
      %dma_wait3A_1383 = tpu.memref_slice %arg11[%mul3A_52] : memref<20480xf32, #tpu.memory_space<vmem_shared>> -> memref<1280xf32, #tpu.memory_space<vmem_shared>>
      tpu.wait_dma2 semaphore(%run_scoped3A : memref<!tpu.dma_semaphore, #tpu.memory_space<semaphore_mem>>) src(%arg10 : memref<1280xf32, #tpu.memory_space<vmem>>) dst(%dma_wait3A_1383 : memref<1280xf32, #tpu.memory_space<vmem_shared>>)
      tpu.yield
    }) : () -> ()
    %mul3A_53 = arith.constant 640 : i32
    %mul3A_54 = arith.muli %arg1, %mul3A_53 : i32
    "tpu.region"() ({
      %run_scoped3A = tpu.sem_alloc : memref<!tpu.dma_semaphore, #tpu.memory_space<semaphore_mem>>
      %dma_start3A = arith.constant 0 : i32
      %dma_start3A_1382 = tpu.memref_slice %arg10[%dma_start3A] : memref<1280xf32, #tpu.memory_space<vmem>> -> memref<640xf32, #tpu.memory_space<vmem>>
      %dma_start3A_1383 = tpu.memref_slice %arg12[%mul3A_54] : memref<10240xf32, #tpu.memory_space<vmem_shared>> -> memref<640xf32, #tpu.memory_space<vmem_shared>>
      %dma_start3A_1384 = tpu.memref_slice %arg12[%mul3A_54] : memref<10240xf32, #tpu.memory_space<vmem_shared>> -> memref<640xf32, #tpu.memory_space<vmem_shared>>
      %dma_start3A_1385 = arith.constant 0 : i32
      %dma_start3A_1386 = tpu.memref_slice %arg10[%dma_start3A_1385] : memref<1280xf32, #tpu.memory_space<vmem>> -> memref<640xf32, #tpu.memory_space<vmem>>
      tpu.enqueue_dma source(%dma_start3A_1386 : memref<640xf32, #tpu.memory_space<vmem>>) target(%dma_start3A_1384 : memref<640xf32, #tpu.memory_space<vmem_shared>>) target_semaphore(%run_scoped3A : memref<!tpu.dma_semaphore, #tpu.memory_space<semaphore_mem>>)
      %dma_wait3A = arith.constant 0 : i32
      %dma_wait3A_1387 = tpu.memref_slice %arg10[%dma_wait3A] : memref<1280xf32, #tpu.memory_space<vmem>> -> memref<640xf32, #tpu.memory_space<vmem>>
      %dma_wait3A_1388 = tpu.memref_slice %arg12[%mul3A_54] : memref<10240xf32, #tpu.memory_space<vmem_shared>> -> memref<640xf32, #tpu.memory_space<vmem_shared>>
      %dma_wait3A_1389 = tpu.memref_slice %arg12[%mul3A_54] : memref<10240xf32, #tpu.memory_space<vmem_shared>> -> memref<640xf32, #tpu.memory_space<vmem_shared>>
      %dma_wait3A_1390 = arith.constant 0 : i32
      %dma_wait3A_1391 = tpu.memref_slice %arg10[%dma_wait3A_1390] : memref<1280xf32, #tpu.memory_space<vmem>> -> memref<640xf32, #tpu.memory_space<vmem>>
      tpu.wait_dma2 semaphore(%run_scoped3A : memref<!tpu.dma_semaphore, #tpu.memory_space<semaphore_mem>>) src(%dma_wait3A_1391 : memref<640xf32, #tpu.memory_space<vmem>>) dst(%dma_wait3A_1389 : memref<640xf32, #tpu.memory_space<vmem_shared>>)
      tpu.yield
    }) : () -> ()
    %mul3A_55 = arith.constant 156 : i32
    %mul3A_56 = arith.muli %arg1, %mul3A_55 : i32
    %min3A = arith.constant 4 : i32
    %min3A_57 = arith.minsi %arg1, %min3A : i32
    %add3A = arith.addi %mul3A_56, %min3A_57 : i32
    %iota3A = tpu.iota {dimensions = array<i32: 0>} : vector<16xi32>
    %add3A_58 = arith.constant 19968 : i32
    %add3A_59 = vector.broadcast %add3A_58 : i32 to vector<16xi32>
    %add3A_60 = arith.addi %add3A_59, %iota3A : vector<16xi32>
    %jit3A = arith.constant 240 : i32
    %eq3A = arith.constant 0 : i32
    %eq3A_61 = arith.cmpi eq, %jit3A, %eq3A : i32
    %jit3A_62 = arith.constant 1 : i32
    %select_n3A = arith.select %eq3A_61, %jit3A_62, %jit3A : i32
    %rem3A = vector.broadcast %select_n3A : i32 to vector<16xi32>
    %rem3A_63 = arith.remsi %add3A_60, %rem3A : vector<16xi32>
    %ne3A = arith.constant 0 : i32
    %ne3A_64 = vector.broadcast %ne3A : i32 to vector<16xi32>
    %ne3A_65 = arith.cmpi ne, %rem3A_63, %ne3A_64 : vector<16xi32>
    %lt3A = arith.constant 0 : i32
    %lt3A_66 = vector.broadcast %lt3A : i32 to vector<16xi32>
    %lt3A_67 = arith.cmpi slt, %rem3A_63, %lt3A_66 : vector<16xi32>
    %lt3A_68 = arith.constant 0 : i32
    %lt3A_69 = arith.cmpi slt, %select_n3A, %lt3A_68 : i32
    %ne3A_70 = vector.broadcast %lt3A_69 : i1 to vector<16xi1>
    %ne3A_71 = vector.broadcast %ne3A_70 : vector<16xi1> to vector<16xi1>
    %ne3A_72 = arith.xori %lt3A_67, %ne3A_71 : vector<16xi1>
    %and3A = arith.andi %ne3A_72, %ne3A_65 : vector<16xi1>
    %add3A_73 = vector.broadcast %select_n3A : i32 to vector<16xi32>
    %add3A_74 = arith.addi %rem3A_63, %add3A_73 : vector<16xi32>
    %select_n3A_75 = arith.select %and3A, %add3A_74, %rem3A_63 : vector<16xi1>, vector<16xi32>
    %add3A_76 = arith.constant 10000 : i32
    %add3A_77 = vector.broadcast %add3A_76 : i32 to vector<16xi32>
    %add3A_78 = arith.addi %add3A_77, %select_n3A_75 : vector<16xi32>
    %swap3A_79 = arith.constant 156 : i32
    %swap3A_80 = arith.index_cast %swap3A_79 : i32 to index
    %swap3A_81 = arith.constant 0 : index
    %swap3A_82 = tpu.vector_load %arg7[%swap3A_80, %swap3A_81] {strides = array<i32>} : memref<160x128xi32, #tpu.memory_space<vmem>>, vector<1x16xi32>,
    %swap3A_83 = vector.shape_cast %swap3A_82 : vector<1x16xi32> to vector<16xi32>
    %swap3A_84 = vector.shape_cast %add3A_78 : vector<16xi32> to vector<1x16xi32>
    tpu.vector_store %arg7[%swap3A_80, %swap3A_81], %swap3A_84 {strides = array<i32>} : memref<160x128xi32, #tpu.memory_space<vmem>>, vector<1x16xi32>,
    %swap3A_85 = arith.constant 156 : i32
    %swap3A_86 = arith.index_cast %swap3A_85 : i32 to index
    %swap3A_87 = arith.constant 0 : index
    %swap3A_88 = tpu.vector_load %arg8[%swap3A_86, %swap3A_87] {strides = array<i32>} : memref<160x128xi32, #tpu.memory_space<vmem>>, vector<1x16xi32>,
    %swap3A_89 = vector.shape_cast %swap3A_88 : vector<1x16xi32> to vector<16xi32>
    %swap3A_90 = vector.shape_cast %add3A_78 : vector<16xi32> to vector<1x16xi32>
    tpu.vector_store %arg8[%swap3A_86, %swap3A_87], %swap3A_90 {strides = array<i32>} : memref<160x128xi32, #tpu.memory_space<vmem>>, vector<1x16xi32>,
    %add3A_91 = arith.constant 19984 : i32
    %add3A_92 = vector.broadcast %add3A_91 : i32 to vector<16xi32>
    %add3A_93 = arith.addi %add3A_92, %iota3A : vector<16xi32>
    %jit3A_94 = arith.constant 240 : i32
    %eq3A_95 = arith.constant 0 : i32
    %eq3A_96 = arith.cmpi eq, %jit3A_94, %eq3A_95 : i32
    %jit3A_97 = arith.constant 1 : i32
    %select_n3A_98 = arith.select %eq3A_96, %jit3A_97, %jit3A_94 : i32
    %rem3A_99 = vector.broadcast %select_n3A_98 : i32 to vector<16xi32>
    %rem3A_100 = arith.remsi %add3A_93, %rem3A_99 : vector<16xi32>
    %ne3A_101 = arith.constant 0 : i32
    %ne3A_102 = vector.broadcast %ne3A_101 : i32 to vector<16xi32>
    %ne3A_103 = arith.cmpi ne, %rem3A_100, %ne3A_102 : vector<16xi32>
    %lt3A_104 = arith.constant 0 : i32
    %lt3A_105 = vector.broadcast %lt3A_104 : i32 to vector<16xi32>
    %lt3A_106 = arith.cmpi slt, %rem3A_100, %lt3A_105 : vector<16xi32>
    %lt3A_107 = arith.constant 0 : i32
    %lt3A_108 = arith.cmpi slt, %select_n3A_98, %lt3A_107 : i32
    %ne3A_109 = vector.broadcast %lt3A_108 : i1 to vector<16xi1>
    %ne3A_110 = vector.broadcast %ne3A_109 : vector<16xi1> to vector<16xi1>
    %ne3A_111 = arith.xori %lt3A_106, %ne3A_110 : vector<16xi1>
    %and3A_112 = arith.andi %ne3A_111, %ne3A_103 : vector<16xi1>
    %add3A_113 = vector.broadcast %select_n3A_98 : i32 to vector<16xi32>
    %add3A_114 = arith.addi %rem3A_100, %add3A_113 : vector<16xi32>
    %select_n3A_115 = arith.select %and3A_112, %add3A_114, %rem3A_100 : vector<16xi1>, vector<16xi32>
    %add3A_116 = arith.constant 10000 : i32
    %add3A_117 = vector.broadcast %add3A_116 : i32 to vector<16xi32>
    %add3A_118 = arith.addi %add3A_117, %select_n3A_115 : vector<16xi32>
    %swap3A_119 = arith.constant 156 : i32
    %swap3A_120 = arith.index_cast %swap3A_119 : i32 to index
    %swap3A_121 = arith.constant 16 : index
    %swap3A_122 = tpu.vector_load %arg7[%swap3A_120, %swap3A_121] {strides = array<i32>} : memref<160x128xi32, #tpu.memory_space<vmem>>, vector<1x16xi32>,
    %swap3A_123 = vector.shape_cast %swap3A_122 : vector<1x16xi32> to vector<16xi32>
    %swap3A_124 = vector.shape_cast %add3A_118 : vector<16xi32> to vector<1x16xi32>
    tpu.vector_store %arg7[%swap3A_120, %swap3A_121], %swap3A_124 {strides = array<i32>} : memref<160x128xi32, #tpu.memory_space<vmem>>, vector<1x16xi32>,
    %swap3A_125 = arith.constant 156 : i32
    %swap3A_126 = arith.index_cast %swap3A_125 : i32 to index
    %swap3A_127 = arith.constant 16 : index
    %swap3A_128 = tpu.vector_load %arg8[%swap3A_126, %swap3A_127] {strides = array<i32>} : memref<160x128xi32, #tpu.memory_space<vmem>>, vector<1x16xi32>,
    %swap3A_129 = vector.shape_cast %swap3A_128 : vector<1x16xi32> to vector<16xi32>
    %swap3A_130 = vector.shape_cast %add3A_118 : vector<16xi32> to vector<1x16xi32>
    tpu.vector_store %arg8[%swap3A_126, %swap3A_127], %swap3A_130 {strides = array<i32>} : memref<160x128xi32, #tpu.memory_space<vmem>>, vector<1x16xi32>,
    %add3A_131 = arith.constant 20000 : i32
    %add3A_132 = vector.broadcast %add3A_131 : i32 to vector<16xi32>
    %add3A_133 = arith.addi %add3A_132, %iota3A : vector<16xi32>
    %jit3A_134 = arith.constant 240 : i32
    %eq3A_135 = arith.constant 0 : i32
    %eq3A_136 = arith.cmpi eq, %jit3A_134, %eq3A_135 : i32
    %jit3A_137 = arith.constant 1 : i32
    %select_n3A_138 = arith.select %eq3A_136, %jit3A_137, %jit3A_134 : i32
    %rem3A_139 = vector.broadcast %select_n3A_138 : i32 to vector<16xi32>
    %rem3A_140 = arith.remsi %add3A_133, %rem3A_139 : vector<16xi32>
    %ne3A_141 = arith.constant 0 : i32
    %ne3A_142 = vector.broadcast %ne3A_141 : i32 to vector<16xi32>
    %ne3A_143 = arith.cmpi ne, %rem3A_140, %ne3A_142 : vector<16xi32>
    %lt3A_144 = arith.constant 0 : i32
    %lt3A_145 = vector.broadcast %lt3A_144 : i32 to vector<16xi32>
    %lt3A_146 = arith.cmpi slt, %rem3A_140, %lt3A_145 : vector<16xi32>
    %lt3A_147 = arith.constant 0 : i32
    %lt3A_148 = arith.cmpi slt, %select_n3A_138, %lt3A_147 : i32
    %ne3A_149 = vector.broadcast %lt3A_148 : i1 to vector<16xi1>
    %ne3A_150 = vector.broadcast %ne3A_149 : vector<16xi1> to vector<16xi1>
    %ne3A_151 = arith.xori %lt3A_146, %ne3A_150 : vector<16xi1>
    %and3A_152 = arith.andi %ne3A_151, %ne3A_143 : vector<16xi1>
    %add3A_153 = vector.broadcast %select_n3A_138 : i32 to vector<16xi32>
    %add3A_154 = arith.addi %rem3A_140, %add3A_153 : vector<16xi32>
    %select_n3A_155 = arith.select %and3A_152, %add3A_154, %rem3A_140 : vector<16xi1>, vector<16xi32>
    %add3A_156 = arith.constant 10000 : i32
    %add3A_157 = vector.broadcast %add3A_156 : i32 to vector<16xi32>
    %add3A_158 = arith.addi %add3A_157, %select_n3A_155 : vector<16xi32>
    %swap3A_159 = arith.constant 156 : i32
    %swap3A_160 = arith.index_cast %swap3A_159 : i32 to index
    %swap3A_161 = arith.constant 32 : index
    %swap3A_162 = tpu.vector_load %arg7[%swap3A_160, %swap3A_161] {strides = array<i32>} : memref<160x128xi32, #tpu.memory_space<vmem>>, vector<1x16xi32>,
    %swap3A_163 = vector.shape_cast %swap3A_162 : vector<1x16xi32> to vector<16xi32>
    %swap3A_164 = vector.shape_cast %add3A_158 : vector<16xi32> to vector<1x16xi32>
    tpu.vector_store %arg7[%swap3A_160, %swap3A_161], %swap3A_164 {strides = array<i32>} : memref<160x128xi32, #tpu.memory_space<vmem>>, vector<1x16xi32>,
    %swap3A_165 = arith.constant 156 : i32
    %swap3A_166 = arith.index_cast %swap3A_165 : i32 to index
    %swap3A_167 = arith.constant 32 : index
    %swap3A_168 = tpu.vector_load %arg8[%swap3A_166, %swap3A_167] {strides = array<i32>} : memref<160x128xi32, #tpu.memory_space<vmem>>, vector<1x16xi32>,
    %swap3A_169 = vector.shape_cast %swap3A_168 : vector<1x16xi32> to vector<16xi32>
    %swap3A_170 = vector.shape_cast %add3A_158 : vector<16xi32> to vector<1x16xi32>
    tpu.vector_store %arg8[%swap3A_166, %swap3A_167], %swap3A_170 {strides = array<i32>} : memref<160x128xi32, #tpu.memory_space<vmem>>, vector<1x16xi32>,
    %add3A_171 = arith.constant 20016 : i32
    %add3A_172 = vector.broadcast %add3A_171 : i32 to vector<16xi32>
    %add3A_173 = arith.addi %add3A_172, %iota3A : vector<16xi32>
    %jit3A_174 = arith.constant 240 : i32
    %eq3A_175 = arith.constant 0 : i32
    %eq3A_176 = arith.cmpi eq, %jit3A_174, %eq3A_175 : i32
    %jit3A_177 = arith.constant 1 : i32
    %select_n3A_178 = arith.select %eq3A_176, %jit3A_177, %jit3A_174 : i32
    %rem3A_179 = vector.broadcast %select_n3A_178 : i32 to vector<16xi32>
    %rem3A_180 = arith.remsi %add3A_173, %rem3A_179 : vector<16xi32>
    %ne3A_181 = arith.constant 0 : i32
    %ne3A_182 = vector.broadcast %ne3A_181 : i32 to vector<16xi32>
    %ne3A_183 = arith.cmpi ne, %rem3A_180, %ne3A_182 : vector<16xi32>
    %lt3A_184 = arith.constant 0 : i32
    %lt3A_185 = vector.broadcast %lt3A_184 : i32 to vector<16xi32>
    %lt3A_186 = arith.cmpi slt, %rem3A_180, %lt3A_185 : vector<16xi32>
    %lt3A_187 = arith.constant 0 : i32
    %lt3A_188 = arith.cmpi slt, %select_n3A_178, %lt3A_187 : i32
    %ne3A_189 = vector.broadcast %lt3A_188 : i1 to vector<16xi1>
    %ne3A_190 = vector.broadcast %ne3A_189 : vector<16xi1> to vector<16xi1>
    %ne3A_191 = arith.xori %lt3A_186, %ne3A_190 : vector<16xi1>
    %and3A_192 = arith.andi %ne3A_191, %ne3A_183 : vector<16xi1>
    %add3A_193 = vector.broadcast %select_n3A_178 : i32 to vector<16xi32>
    %add3A_194 = arith.addi %rem3A_180, %add3A_193 : vector<16xi32>
    %select_n3A_195 = arith.select %and3A_192, %add3A_194, %rem3A_180 : vector<16xi1>, vector<16xi32>
    %add3A_196 = arith.constant 10000 : i32
    %add3A_197 = vector.broadcast %add3A_196 : i32 to vector<16xi32>
    %add3A_198 = arith.addi %add3A_197, %select_n3A_195 : vector<16xi32>
    %swap3A_199 = arith.constant 156 : i32
    %swap3A_200 = arith.index_cast %swap3A_199 : i32 to index
    %swap3A_201 = arith.constant 48 : index
    %swap3A_202 = tpu.vector_load %arg7[%swap3A_200, %swap3A_201] {strides = array<i32>} : memref<160x128xi32, #tpu.memory_space<vmem>>, vector<1x16xi32>,
    %swap3A_203 = vector.shape_cast %swap3A_202 : vector<1x16xi32> to vector<16xi32>
    %swap3A_204 = vector.shape_cast %add3A_198 : vector<16xi32> to vector<1x16xi32>
    tpu.vector_store %arg7[%swap3A_200, %swap3A_201], %swap3A_204 {strides = array<i32>} : memref<160x128xi32, #tpu.memory_space<vmem>>, vector<1x16xi32>,
    %swap3A_205 = arith.constant 156 : i32
    %swap3A_206 = arith.index_cast %swap3A_205 : i32 to index
    %swap3A_207 = arith.constant 48 : index
    %swap3A_208 = tpu.vector_load %arg8[%swap3A_206, %swap3A_207] {strides = array<i32>} : memref<160x128xi32, #tpu.memory_space<vmem>>, vector<1x16xi32>,
    %swap3A_209 = vector.shape_cast %swap3A_208 : vector<1x16xi32> to vector<16xi32>
    %swap3A_210 = vector.shape_cast %add3A_198 : vector<16xi32> to vector<1x16xi32>
    tpu.vector_store %arg8[%swap3A_206, %swap3A_207], %swap3A_210 {strides = array<i32>} : memref<160x128xi32, #tpu.memory_space<vmem>>, vector<1x16xi32>,
    %add3A_211 = arith.constant 20032 : i32
    %add3A_212 = vector.broadcast %add3A_211 : i32 to vector<16xi32>
    %add3A_213 = arith.addi %add3A_212, %iota3A : vector<16xi32>
    %jit3A_214 = arith.constant 240 : i32
    %eq3A_215 = arith.constant 0 : i32
    %eq3A_216 = arith.cmpi eq, %jit3A_214, %eq3A_215 : i32
    %jit3A_217 = arith.constant 1 : i32
    %select_n3A_218 = arith.select %eq3A_216, %jit3A_217, %jit3A_214 : i32
    %rem3A_219 = vector.broadcast %select_n3A_218 : i32 to vector<16xi32>
    %rem3A_220 = arith.remsi %add3A_213, %rem3A_219 : vector<16xi32>
    %ne3A_221 = arith.constant 0 : i32
    %ne3A_222 = vector.broadcast %ne3A_221 : i32 to vector<16xi32>
    %ne3A_223 = arith.cmpi ne, %rem3A_220, %ne3A_222 : vector<16xi32>
    %lt3A_224 = arith.constant 0 : i32
    %lt3A_225 = vector.broadcast %lt3A_224 : i32 to vector<16xi32>
    %lt3A_226 = arith.cmpi slt, %rem3A_220, %lt3A_225 : vector<16xi32>
    %lt3A_227 = arith.constant 0 : i32
    %lt3A_228 = arith.cmpi slt, %select_n3A_218, %lt3A_227 : i32
    %ne3A_229 = vector.broadcast %lt3A_228 : i1 to vector<16xi1>
    %ne3A_230 = vector.broadcast %ne3A_229 : vector<16xi1> to vector<16xi1>
    %ne3A_231 = arith.xori %lt3A_226, %ne3A_230 : vector<16xi1>
    %and3A_232 = arith.andi %ne3A_231, %ne3A_223 : vector<16xi1>
    %add3A_233 = vector.broadcast %select_n3A_218 : i32 to vector<16xi32>
    %add3A_234 = arith.addi %rem3A_220, %add3A_233 : vector<16xi32>
    %select_n3A_235 = arith.select %and3A_232, %add3A_234, %rem3A_220 : vector<16xi1>, vector<16xi32>
    %add3A_236 = arith.constant 10000 : i32
    %add3A_237 = vector.broadcast %add3A_236 : i32 to vector<16xi32>
    %add3A_238 = arith.addi %add3A_237, %select_n3A_235 : vector<16xi32>
    %swap3A_239 = arith.constant 156 : i32
    %swap3A_240 = arith.index_cast %swap3A_239 : i32 to index
    %swap3A_241 = arith.constant 64 : index
    %swap3A_242 = tpu.vector_load %arg7[%swap3A_240, %swap3A_241] {strides = array<i32>} : memref<160x128xi32, #tpu.memory_space<vmem>>, vector<1x16xi32>,
    %swap3A_243 = vector.shape_cast %swap3A_242 : vector<1x16xi32> to vector<16xi32>
    %swap3A_244 = vector.shape_cast %add3A_238 : vector<16xi32> to vector<1x16xi32>
    tpu.vector_store %arg7[%swap3A_240, %swap3A_241], %swap3A_244 {strides = array<i32>} : memref<160x128xi32, #tpu.memory_space<vmem>>, vector<1x16xi32>,
    %swap3A_245 = arith.constant 156 : i32
    %swap3A_246 = arith.index_cast %swap3A_245 : i32 to index
    %swap3A_247 = arith.constant 64 : index
    %swap3A_248 = tpu.vector_load %arg8[%swap3A_246, %swap3A_247] {strides = array<i32>} : memref<160x128xi32, #tpu.memory_space<vmem>>, vector<1x16xi32>,
    %swap3A_249 = vector.shape_cast %swap3A_248 : vector<1x16xi32> to vector<16xi32>
    %swap3A_250 = vector.shape_cast %add3A_238 : vector<16xi32> to vector<1x16xi32>
    tpu.vector_store %arg8[%swap3A_246, %swap3A_247], %swap3A_250 {strides = array<i32>} : memref<160x128xi32, #tpu.memory_space<vmem>>, vector<1x16xi32>,
    %add3A_251 = arith.constant 20048 : i32
    %add3A_252 = vector.broadcast %add3A_251 : i32 to vector<16xi32>
    %add3A_253 = arith.addi %add3A_252, %iota3A : vector<16xi32>
    %jit3A_254 = arith.constant 240 : i32
    %eq3A_255 = arith.constant 0 : i32
    %eq3A_256 = arith.cmpi eq, %jit3A_254, %eq3A_255 : i32
    %jit3A_257 = arith.constant 1 : i32
    %select_n3A_258 = arith.select %eq3A_256, %jit3A_257, %jit3A_254 : i32
    %rem3A_259 = vector.broadcast %select_n3A_258 : i32 to vector<16xi32>
    %rem3A_260 = arith.remsi %add3A_253, %rem3A_259 : vector<16xi32>
    %ne3A_261 = arith.constant 0 : i32
    %ne3A_262 = vector.broadcast %ne3A_261 : i32 to vector<16xi32>
    %ne3A_263 = arith.cmpi ne, %rem3A_260, %ne3A_262 : vector<16xi32>
    %lt3A_264 = arith.constant 0 : i32
    %lt3A_265 = vector.broadcast %lt3A_264 : i32 to vector<16xi32>
    %lt3A_266 = arith.cmpi slt, %rem3A_260, %lt3A_265 : vector<16xi32>
    %lt3A_267 = arith.constant 0 : i32
    %lt3A_268 = arith.cmpi slt, %select_n3A_258, %lt3A_267 : i32
    %ne3A_269 = vector.broadcast %lt3A_268 : i1 to vector<16xi1>
    %ne3A_270 = vector.broadcast %ne3A_269 : vector<16xi1> to vector<16xi1>
    %ne3A_271 = arith.xori %lt3A_266, %ne3A_270 : vector<16xi1>
    %and3A_272 = arith.andi %ne3A_271, %ne3A_263 : vector<16xi1>
    %add3A_273 = vector.broadcast %select_n3A_258 : i32 to vector<16xi32>
    %add3A_274 = arith.addi %rem3A_260, %add3A_273 : vector<16xi32>
    %select_n3A_275 = arith.select %and3A_272, %add3A_274, %rem3A_260 : vector<16xi1>, vector<16xi32>
    %add3A_276 = arith.constant 10000 : i32
    %add3A_277 = vector.broadcast %add3A_276 : i32 to vector<16xi32>
    %add3A_278 = arith.addi %add3A_277, %select_n3A_275 : vector<16xi32>
    %swap3A_279 = arith.constant 156 : i32
    %swap3A_280 = arith.index_cast %swap3A_279 : i32 to index
    %swap3A_281 = arith.constant 80 : index
    %swap3A_282 = tpu.vector_load %arg7[%swap3A_280, %swap3A_281] {strides = array<i32>} : memref<160x128xi32, #tpu.memory_space<vmem>>, vector<1x16xi32>,
    %swap3A_283 = vector.shape_cast %swap3A_282 : vector<1x16xi32> to vector<16xi32>
    %swap3A_284 = vector.shape_cast %add3A_278 : vector<16xi32> to vector<1x16xi32>
    tpu.vector_store %arg7[%swap3A_280, %swap3A_281], %swap3A_284 {strides = array<i32>} : memref<160x128xi32, #tpu.memory_space<vmem>>, vector<1x16xi32>,
    %swap3A_285 = arith.constant 156 : i32
    %swap3A_286 = arith.index_cast %swap3A_285 : i32 to index
    %swap3A_287 = arith.constant 80 : index
    %swap3A_288 = tpu.vector_load %arg8[%swap3A_286, %swap3A_287] {strides = array<i32>} : memref<160x128xi32, #tpu.memory_space<vmem>>, vector<1x16xi32>,
    %swap3A_289 = vector.shape_cast %swap3A_288 : vector<1x16xi32> to vector<16xi32>
    %swap3A_290 = vector.shape_cast %add3A_278 : vector<16xi32> to vector<1x16xi32>
    tpu.vector_store %arg8[%swap3A_286, %swap3A_287], %swap3A_290 {strides = array<i32>} : memref<160x128xi32, #tpu.memory_space<vmem>>, vector<1x16xi32>,
    %add3A_291 = arith.constant 20064 : i32
    %add3A_292 = vector.broadcast %add3A_291 : i32 to vector<16xi32>
    %add3A_293 = arith.addi %add3A_292, %iota3A : vector<16xi32>
    %jit3A_294 = arith.constant 240 : i32
    %eq3A_295 = arith.constant 0 : i32
    %eq3A_296 = arith.cmpi eq, %jit3A_294, %eq3A_295 : i32
    %jit3A_297 = arith.constant 1 : i32
    %select_n3A_298 = arith.select %eq3A_296, %jit3A_297, %jit3A_294 : i32
    %rem3A_299 = vector.broadcast %select_n3A_298 : i32 to vector<16xi32>
    %rem3A_300 = arith.remsi %add3A_293, %rem3A_299 : vector<16xi32>
    %ne3A_301 = arith.constant 0 : i32
    %ne3A_302 = vector.broadcast %ne3A_301 : i32 to vector<16xi32>
    %ne3A_303 = arith.cmpi ne, %rem3A_300, %ne3A_302 : vector<16xi32>
    %lt3A_304 = arith.constant 0 : i32
    %lt3A_305 = vector.broadcast %lt3A_304 : i32 to vector<16xi32>
    %lt3A_306 = arith.cmpi slt, %rem3A_300, %lt3A_305 : vector<16xi32>
    %lt3A_307 = arith.constant 0 : i32
    %lt3A_308 = arith.cmpi slt, %select_n3A_298, %lt3A_307 : i32
    %ne3A_309 = vector.broadcast %lt3A_308 : i1 to vector<16xi1>
    %ne3A_310 = vector.broadcast %ne3A_309 : vector<16xi1> to vector<16xi1>
    %ne3A_311 = arith.xori %lt3A_306, %ne3A_310 : vector<16xi1>
    %and3A_312 = arith.andi %ne3A_311, %ne3A_303 : vector<16xi1>
    %add3A_313 = vector.broadcast %select_n3A_298 : i32 to vector<16xi32>
    %add3A_314 = arith.addi %rem3A_300, %add3A_313 : vector<16xi32>
    %select_n3A_315 = arith.select %and3A_312, %add3A_314, %rem3A_300 : vector<16xi1>, vector<16xi32>
    %add3A_316 = arith.constant 10000 : i32
    %add3A_317 = vector.broadcast %add3A_316 : i32 to vector<16xi32>
    %add3A_318 = arith.addi %add3A_317, %select_n3A_315 : vector<16xi32>
    %swap3A_319 = arith.constant 156 : i32
    %swap3A_320 = arith.index_cast %swap3A_319 : i32 to index
    %swap3A_321 = arith.constant 96 : index
    %swap3A_322 = tpu.vector_load %arg7[%swap3A_320, %swap3A_321] {strides = array<i32>} : memref<160x128xi32, #tpu.memory_space<vmem>>, vector<1x16xi32>,
    %swap3A_323 = vector.shape_cast %swap3A_322 : vector<1x16xi32> to vector<16xi32>
    %swap3A_324 = vector.shape_cast %add3A_318 : vector<16xi32> to vector<1x16xi32>
    tpu.vector_store %arg7[%swap3A_320, %swap3A_321], %swap3A_324 {strides = array<i32>} : memref<160x128xi32, #tpu.memory_space<vmem>>, vector<1x16xi32>,
    %swap3A_325 = arith.constant 156 : i32
    %swap3A_326 = arith.index_cast %swap3A_325 : i32 to index
    %swap3A_327 = arith.constant 96 : index
    %swap3A_328 = tpu.vector_load %arg8[%swap3A_326, %swap3A_327] {strides = array<i32>} : memref<160x128xi32, #tpu.memory_space<vmem>>, vector<1x16xi32>,
    %swap3A_329 = vector.shape_cast %swap3A_328 : vector<1x16xi32> to vector<16xi32>
    %swap3A_330 = vector.shape_cast %add3A_318 : vector<16xi32> to vector<1x16xi32>
    tpu.vector_store %arg8[%swap3A_326, %swap3A_327], %swap3A_330 {strides = array<i32>} : memref<160x128xi32, #tpu.memory_space<vmem>>, vector<1x16xi32>,
    %add3A_331 = arith.constant 20080 : i32
    %add3A_332 = vector.broadcast %add3A_331 : i32 to vector<16xi32>
    %add3A_333 = arith.addi %add3A_332, %iota3A : vector<16xi32>
    %jit3A_334 = arith.constant 240 : i32
    %eq3A_335 = arith.constant 0 : i32
    %eq3A_336 = arith.cmpi eq, %jit3A_334, %eq3A_335 : i32
    %jit3A_337 = arith.constant 1 : i32
    %select_n3A_338 = arith.select %eq3A_336, %jit3A_337, %jit3A_334 : i32
    %rem3A_339 = vector.broadcast %select_n3A_338 : i32 to vector<16xi32>
    %rem3A_340 = arith.remsi %add3A_333, %rem3A_339 : vector<16xi32>
    %ne3A_341 = arith.constant 0 : i32
    %ne3A_342 = vector.broadcast %ne3A_341 : i32 to vector<16xi32>
    %ne3A_343 = arith.cmpi ne, %rem3A_340, %ne3A_342 : vector<16xi32>
    %lt3A_344 = arith.constant 0 : i32
    %lt3A_345 = vector.broadcast %lt3A_344 : i32 to vector<16xi32>
    %lt3A_346 = arith.cmpi slt, %rem3A_340, %lt3A_345 : vector<16xi32>
    %lt3A_347 = arith.constant 0 : i32
    %lt3A_348 = arith.cmpi slt, %select_n3A_338, %lt3A_347 : i32
    %ne3A_349 = vector.broadcast %lt3A_348 : i1 to vector<16xi1>
    %ne3A_350 = vector.broadcast %ne3A_349 : vector<16xi1> to vector<16xi1>
    %ne3A_351 = arith.xori %lt3A_346, %ne3A_350 : vector<16xi1>
    %and3A_352 = arith.andi %ne3A_351, %ne3A_343 : vector<16xi1>
    %add3A_353 = vector.broadcast %select_n3A_338 : i32 to vector<16xi32>
    %add3A_354 = arith.addi %rem3A_340, %add3A_353 : vector<16xi32>
    %select_n3A_355 = arith.select %and3A_352, %add3A_354, %rem3A_340 : vector<16xi1>, vector<16xi32>
    %add3A_356 = arith.constant 10000 : i32
    %add3A_357 = vector.broadcast %add3A_356 : i32 to vector<16xi32>
    %add3A_358 = arith.addi %add3A_357, %select_n3A_355 : vector<16xi32>
    %swap3A_359 = arith.constant 156 : i32
    %swap3A_360 = arith.index_cast %swap3A_359 : i32 to index
    %swap3A_361 = arith.constant 112 : index
    %swap3A_362 = tpu.vector_load %arg7[%swap3A_360, %swap3A_361] {strides = array<i32>} : memref<160x128xi32, #tpu.memory_space<vmem>>, vector<1x16xi32>,
    %swap3A_363 = vector.shape_cast %swap3A_362 : vector<1x16xi32> to vector<16xi32>
    %swap3A_364 = vector.shape_cast %add3A_358 : vector<16xi32> to vector<1x16xi32>
    tpu.vector_store %arg7[%swap3A_360, %swap3A_361], %swap3A_364 {strides = array<i32>} : memref<160x128xi32, #tpu.memory_space<vmem>>, vector<1x16xi32>,
    %swap3A_365 = arith.constant 156 : i32
    %swap3A_366 = arith.index_cast %swap3A_365 : i32 to index
    %swap3A_367 = arith.constant 112 : index
    %swap3A_368 = tpu.vector_load %arg8[%swap3A_366, %swap3A_367] {strides = array<i32>} : memref<160x128xi32, #tpu.memory_space<vmem>>, vector<1x16xi32>,
    %swap3A_369 = vector.shape_cast %swap3A_368 : vector<1x16xi32> to vector<16xi32>
    %swap3A_370 = vector.shape_cast %add3A_358 : vector<16xi32> to vector<1x16xi32>
    tpu.vector_store %arg8[%swap3A_366, %swap3A_367], %swap3A_370 {strides = array<i32>} : memref<160x128xi32, #tpu.memory_space<vmem>>, vector<1x16xi32>,
    %add3A_371 = arith.constant 20096 : i32
    %add3A_372 = vector.broadcast %add3A_371 : i32 to vector<16xi32>
    %add3A_373 = arith.addi %add3A_372, %iota3A : vector<16xi32>
    %jit3A_374 = arith.constant 240 : i32
    %eq3A_375 = arith.constant 0 : i32
    %eq3A_376 = arith.cmpi eq, %jit3A_374, %eq3A_375 : i32
    %jit3A_377 = arith.constant 1 : i32
    %select_n3A_378 = arith.select %eq3A_376, %jit3A_377, %jit3A_374 : i32
    %rem3A_379 = vector.broadcast %select_n3A_378 : i32 to vector<16xi32>
    %rem3A_380 = arith.remsi %add3A_373, %rem3A_379 : vector<16xi32>
    %ne3A_381 = arith.constant 0 : i32
    %ne3A_382 = vector.broadcast %ne3A_381 : i32 to vector<16xi32>
    %ne3A_383 = arith.cmpi ne, %rem3A_380, %ne3A_382 : vector<16xi32>
    %lt3A_384 = arith.constant 0 : i32
    %lt3A_385 = vector.broadcast %lt3A_384 : i32 to vector<16xi32>
    %lt3A_386 = arith.cmpi slt, %rem3A_380, %lt3A_385 : vector<16xi32>
    %lt3A_387 = arith.constant 0 : i32
    %lt3A_388 = arith.cmpi slt, %select_n3A_378, %lt3A_387 : i32
    %ne3A_389 = vector.broadcast %lt3A_388 : i1 to vector<16xi1>
    %ne3A_390 = vector.broadcast %ne3A_389 : vector<16xi1> to vector<16xi1>
    %ne3A_391 = arith.xori %lt3A_386, %ne3A_390 : vector<16xi1>
    %and3A_392 = arith.andi %ne3A_391, %ne3A_383 : vector<16xi1>
    %add3A_393 = vector.broadcast %select_n3A_378 : i32 to vector<16xi32>
    %add3A_394 = arith.addi %rem3A_380, %add3A_393 : vector<16xi32>
    %select_n3A_395 = arith.select %and3A_392, %add3A_394, %rem3A_380 : vector<16xi1>, vector<16xi32>
    %add3A_396 = arith.constant 10000 : i32
    %add3A_397 = vector.broadcast %add3A_396 : i32 to vector<16xi32>
    %add3A_398 = arith.addi %add3A_397, %select_n3A_395 : vector<16xi32>
    %swap3A_399 = arith.constant 157 : i32
    %swap3A_400 = arith.index_cast %swap3A_399 : i32 to index
    %swap3A_401 = arith.constant 0 : index
    %swap3A_402 = tpu.vector_load %arg7[%swap3A_400, %swap3A_401] {strides = array<i32>} : memref<160x128xi32, #tpu.memory_space<vmem>>, vector<1x16xi32>,
    %swap3A_403 = vector.shape_cast %swap3A_402 : vector<1x16xi32> to vector<16xi32>
    %swap3A_404 = vector.shape_cast %add3A_398 : vector<16xi32> to vector<1x16xi32>
    tpu.vector_store %arg7[%swap3A_400, %swap3A_401], %swap3A_404 {strides = array<i32>} : memref<160x128xi32, #tpu.memory_space<vmem>>, vector<1x16xi32>,
    %swap3A_405 = arith.constant 157 : i32
    %swap3A_406 = arith.index_cast %swap3A_405 : i32 to index
    %swap3A_407 = arith.constant 0 : index
    %swap3A_408 = tpu.vector_load %arg8[%swap3A_406, %swap3A_407] {strides = array<i32>} : memref<160x128xi32, #tpu.memory_space<vmem>>, vector<1x16xi32>,
    %swap3A_409 = vector.shape_cast %swap3A_408 : vector<1x16xi32> to vector<16xi32>
    %swap3A_410 = vector.shape_cast %add3A_398 : vector<16xi32> to vector<1x16xi32>
    tpu.vector_store %arg8[%swap3A_406, %swap3A_407], %swap3A_410 {strides = array<i32>} : memref<160x128xi32, #tpu.memory_space<vmem>>, vector<1x16xi32>,
    %add3A_411 = arith.constant 20112 : i32
    %add3A_412 = vector.broadcast %add3A_411 : i32 to vector<16xi32>
    %add3A_413 = arith.addi %add3A_412, %iota3A : vector<16xi32>
    %jit3A_414 = arith.constant 240 : i32
    %eq3A_415 = arith.constant 0 : i32
    %eq3A_416 = arith.cmpi eq, %jit3A_414, %eq3A_415 : i32
    %jit3A_417 = arith.constant 1 : i32
    %select_n3A_418 = arith.select %eq3A_416, %jit3A_417, %jit3A_414 : i32
    %rem3A_419 = vector.broadcast %select_n3A_418 : i32 to vector<16xi32>
    %rem3A_420 = arith.remsi %add3A_413, %rem3A_419 : vector<16xi32>
    %ne3A_421 = arith.constant 0 : i32
    %ne3A_422 = vector.broadcast %ne3A_421 : i32 to vector<16xi32>
    %ne3A_423 = arith.cmpi ne, %rem3A_420, %ne3A_422 : vector<16xi32>
    %lt3A_424 = arith.constant 0 : i32
    %lt3A_425 = vector.broadcast %lt3A_424 : i32 to vector<16xi32>
    %lt3A_426 = arith.cmpi slt, %rem3A_420, %lt3A_425 : vector<16xi32>
    %lt3A_427 = arith.constant 0 : i32
    %lt3A_428 = arith.cmpi slt, %select_n3A_418, %lt3A_427 : i32
    %ne3A_429 = vector.broadcast %lt3A_428 : i1 to vector<16xi1>
    %ne3A_430 = vector.broadcast %ne3A_429 : vector<16xi1> to vector<16xi1>
    %ne3A_431 = arith.xori %lt3A_426, %ne3A_430 : vector<16xi1>
    %and3A_432 = arith.andi %ne3A_431, %ne3A_423 : vector<16xi1>
    %add3A_433 = vector.broadcast %select_n3A_418 : i32 to vector<16xi32>
    %add3A_434 = arith.addi %rem3A_420, %add3A_433 : vector<16xi32>
    %select_n3A_435 = arith.select %and3A_432, %add3A_434, %rem3A_420 : vector<16xi1>, vector<16xi32>
    %add3A_436 = arith.constant 10000 : i32
    %add3A_437 = vector.broadcast %add3A_436 : i32 to vector<16xi32>
    %add3A_438 = arith.addi %add3A_437, %select_n3A_435 : vector<16xi32>
    %swap3A_439 = arith.constant 157 : i32
    %swap3A_440 = arith.index_cast %swap3A_439 : i32 to index
    %swap3A_441 = arith.constant 16 : index
    %swap3A_442 = tpu.vector_load %arg7[%swap3A_440, %swap3A_441] {strides = array<i32>} : memref<160x128xi32, #tpu.memory_space<vmem>>, vector<1x16xi32>,
    %swap3A_443 = vector.shape_cast %swap3A_442 : vector<1x16xi32> to vector<16xi32>
    %swap3A_444 = vector.shape_cast %add3A_438 : vector<16xi32> to vector<1x16xi32>
    tpu.vector_store %arg7[%swap3A_440, %swap3A_441], %swap3A_444 {strides = array<i32>} : memref<160x128xi32, #tpu.memory_space<vmem>>, vector<1x16xi32>,
    %swap3A_445 = arith.constant 157 : i32
    %swap3A_446 = arith.index_cast %swap3A_445 : i32 to index
    %swap3A_447 = arith.constant 16 : index
    %swap3A_448 = tpu.vector_load %arg8[%swap3A_446, %swap3A_447] {strides = array<i32>} : memref<160x128xi32, #tpu.memory_space<vmem>>, vector<1x16xi32>,
    %swap3A_449 = vector.shape_cast %swap3A_448 : vector<1x16xi32> to vector<16xi32>
    %swap3A_450 = vector.shape_cast %add3A_438 : vector<16xi32> to vector<1x16xi32>
    tpu.vector_store %arg8[%swap3A_446, %swap3A_447], %swap3A_450 {strides = array<i32>} : memref<160x128xi32, #tpu.memory_space<vmem>>, vector<1x16xi32>,
    %add3A_451 = arith.constant 20128 : i32
    %add3A_452 = vector.broadcast %add3A_451 : i32 to vector<16xi32>
    %add3A_453 = arith.addi %add3A_452, %iota3A : vector<16xi32>
    %jit3A_454 = arith.constant 240 : i32
    %eq3A_455 = arith.constant 0 : i32
    %eq3A_456 = arith.cmpi eq, %jit3A_454, %eq3A_455 : i32
    %jit3A_457 = arith.constant 1 : i32
    %select_n3A_458 = arith.select %eq3A_456, %jit3A_457, %jit3A_454 : i32
    %rem3A_459 = vector.broadcast %select_n3A_458 : i32 to vector<16xi32>
    %rem3A_460 = arith.remsi %add3A_453, %rem3A_459 : vector<16xi32>
    %ne3A_461 = arith.constant 0 : i32
    %ne3A_462 = vector.broadcast %ne3A_461 : i32 to vector<16xi32>
    %ne3A_463 = arith.cmpi ne, %rem3A_460, %ne3A_462 : vector<16xi32>
    %lt3A_464 = arith.constant 0 : i32
    %lt3A_465 = vector.broadcast %lt3A_464 : i32 to vector<16xi32>
    %lt3A_466 = arith.cmpi slt, %rem3A_460, %lt3A_465 : vector<16xi32>
    %lt3A_467 = arith.constant 0 : i32
    %lt3A_468 = arith.cmpi slt, %select_n3A_458, %lt3A_467 : i32
    %ne3A_469 = vector.broadcast %lt3A_468 : i1 to vector<16xi1>
    %ne3A_470 = vector.broadcast %ne3A_469 : vector<16xi1> to vector<16xi1>
    %ne3A_471 = arith.xori %lt3A_466, %ne3A_470 : vector<16xi1>
    %and3A_472 = arith.andi %ne3A_471, %ne3A_463 : vector<16xi1>
    %add3A_473 = vector.broadcast %select_n3A_458 : i32 to vector<16xi32>
    %add3A_474 = arith.addi %rem3A_460, %add3A_473 : vector<16xi32>
    %select_n3A_475 = arith.select %and3A_472, %add3A_474, %rem3A_460 : vector<16xi1>, vector<16xi32>
    %add3A_476 = arith.constant 10000 : i32
    %add3A_477 = vector.broadcast %add3A_476 : i32 to vector<16xi32>
    %add3A_478 = arith.addi %add3A_477, %select_n3A_475 : vector<16xi32>
    %swap3A_479 = arith.constant 157 : i32
    %swap3A_480 = arith.index_cast %swap3A_479 : i32 to index
    %swap3A_481 = arith.constant 32 : index
    %swap3A_482 = tpu.vector_load %arg7[%swap3A_480, %swap3A_481] {strides = array<i32>} : memref<160x128xi32, #tpu.memory_space<vmem>>, vector<1x16xi32>,
    %swap3A_483 = vector.shape_cast %swap3A_482 : vector<1x16xi32> to vector<16xi32>
    %swap3A_484 = vector.shape_cast %add3A_478 : vector<16xi32> to vector<1x16xi32>
    tpu.vector_store %arg7[%swap3A_480, %swap3A_481], %swap3A_484 {strides = array<i32>} : memref<160x128xi32, #tpu.memory_space<vmem>>, vector<1x16xi32>,
    %swap3A_485 = arith.constant 157 : i32
    %swap3A_486 = arith.index_cast %swap3A_485 : i32 to index
    %swap3A_487 = arith.constant 32 : index
    %swap3A_488 = tpu.vector_load %arg8[%swap3A_486, %swap3A_487] {strides = array<i32>} : memref<160x128xi32, #tpu.memory_space<vmem>>, vector<1x16xi32>,
    %swap3A_489 = vector.shape_cast %swap3A_488 : vector<1x16xi32> to vector<16xi32>
    %swap3A_490 = vector.shape_cast %add3A_478 : vector<16xi32> to vector<1x16xi32>
    tpu.vector_store %arg8[%swap3A_486, %swap3A_487], %swap3A_490 {strides = array<i32>} : memref<160x128xi32, #tpu.memory_space<vmem>>, vector<1x16xi32>,
    %add3A_491 = arith.constant 20144 : i32
    %add3A_492 = vector.broadcast %add3A_491 : i32 to vector<16xi32>
    %add3A_493 = arith.addi %add3A_492, %iota3A : vector<16xi32>
    %jit3A_494 = arith.constant 240 : i32
    %eq3A_495 = arith.constant 0 : i32
    %eq3A_496 = arith.cmpi eq, %jit3A_494, %eq3A_495 : i32
    %jit3A_497 = arith.constant 1 : i32
    %select_n3A_498 = arith.select %eq3A_496, %jit3A_497, %jit3A_494 : i32
    %rem3A_499 = vector.broadcast %select_n3A_498 : i32 to vector<16xi32>
    %rem3A_500 = arith.remsi %add3A_493, %rem3A_499 : vector<16xi32>
    %ne3A_501 = arith.constant 0 : i32
    %ne3A_502 = vector.broadcast %ne3A_501 : i32 to vector<16xi32>
    %ne3A_503 = arith.cmpi ne, %rem3A_500, %ne3A_502 : vector<16xi32>
    %lt3A_504 = arith.constant 0 : i32
    %lt3A_505 = vector.broadcast %lt3A_504 : i32 to vector<16xi32>
    %lt3A_506 = arith.cmpi slt, %rem3A_500, %lt3A_505 : vector<16xi32>
    %lt3A_507 = arith.constant 0 : i32
    %lt3A_508 = arith.cmpi slt, %select_n3A_498, %lt3A_507 : i32
    %ne3A_509 = vector.broadcast %lt3A_508 : i1 to vector<16xi1>
    %ne3A_510 = vector.broadcast %ne3A_509 : vector<16xi1> to vector<16xi1>
    %ne3A_511 = arith.xori %lt3A_506, %ne3A_510 : vector<16xi1>
    %and3A_512 = arith.andi %ne3A_511, %ne3A_503 : vector<16xi1>
    %add3A_513 = vector.broadcast %select_n3A_498 : i32 to vector<16xi32>
    %add3A_514 = arith.addi %rem3A_500, %add3A_513 : vector<16xi32>
    %select_n3A_515 = arith.select %and3A_512, %add3A_514, %rem3A_500 : vector<16xi1>, vector<16xi32>
    %add3A_516 = arith.constant 10000 : i32
    %add3A_517 = vector.broadcast %add3A_516 : i32 to vector<16xi32>
    %add3A_518 = arith.addi %add3A_517, %select_n3A_515 : vector<16xi32>
    %swap3A_519 = arith.constant 157 : i32
    %swap3A_520 = arith.index_cast %swap3A_519 : i32 to index
    %swap3A_521 = arith.constant 48 : index
    %swap3A_522 = tpu.vector_load %arg7[%swap3A_520, %swap3A_521] {strides = array<i32>} : memref<160x128xi32, #tpu.memory_space<vmem>>, vector<1x16xi32>,
    %swap3A_523 = vector.shape_cast %swap3A_522 : vector<1x16xi32> to vector<16xi32>
    %swap3A_524 = vector.shape_cast %add3A_518 : vector<16xi32> to vector<1x16xi32>
    tpu.vector_store %arg7[%swap3A_520, %swap3A_521], %swap3A_524 {strides = array<i32>} : memref<160x128xi32, #tpu.memory_space<vmem>>, vector<1x16xi32>,
    %swap3A_525 = arith.constant 157 : i32
    %swap3A_526 = arith.index_cast %swap3A_525 : i32 to index
    %swap3A_527 = arith.constant 48 : index
    %swap3A_528 = tpu.vector_load %arg8[%swap3A_526, %swap3A_527] {strides = array<i32>} : memref<160x128xi32, #tpu.memory_space<vmem>>, vector<1x16xi32>,
    %swap3A_529 = vector.shape_cast %swap3A_528 : vector<1x16xi32> to vector<16xi32>
    %swap3A_530 = vector.shape_cast %add3A_518 : vector<16xi32> to vector<1x16xi32>
    tpu.vector_store %arg8[%swap3A_526, %swap3A_527], %swap3A_530 {strides = array<i32>} : memref<160x128xi32, #tpu.memory_space<vmem>>, vector<1x16xi32>,
    %add3A_531 = arith.constant 20160 : i32
    %add3A_532 = vector.broadcast %add3A_531 : i32 to vector<16xi32>
    %add3A_533 = arith.addi %add3A_532, %iota3A : vector<16xi32>
    %jit3A_534 = arith.constant 240 : i32
    %eq3A_535 = arith.constant 0 : i32
    %eq3A_536 = arith.cmpi eq, %jit3A_534, %eq3A_535 : i32
    %jit3A_537 = arith.constant 1 : i32
    %select_n3A_538 = arith.select %eq3A_536, %jit3A_537, %jit3A_534 : i32
    %rem3A_539 = vector.broadcast %select_n3A_538 : i32 to vector<16xi32>
    %rem3A_540 = arith.remsi %add3A_533, %rem3A_539 : vector<16xi32>
    %ne3A_541 = arith.constant 0 : i32
    %ne3A_542 = vector.broadcast %ne3A_541 : i32 to vector<16xi32>
    %ne3A_543 = arith.cmpi ne, %rem3A_540, %ne3A_542 : vector<16xi32>
    %lt3A_544 = arith.constant 0 : i32
    %lt3A_545 = vector.broadcast %lt3A_544 : i32 to vector<16xi32>
    %lt3A_546 = arith.cmpi slt, %rem3A_540, %lt3A_545 : vector<16xi32>
    %lt3A_547 = arith.constant 0 : i32
    %lt3A_548 = arith.cmpi slt, %select_n3A_538, %lt3A_547 : i32
    %ne3A_549 = vector.broadcast %lt3A_548 : i1 to vector<16xi1>
    %ne3A_550 = vector.broadcast %ne3A_549 : vector<16xi1> to vector<16xi1>
    %ne3A_551 = arith.xori %lt3A_546, %ne3A_550 : vector<16xi1>
    %and3A_552 = arith.andi %ne3A_551, %ne3A_543 : vector<16xi1>
    %add3A_553 = vector.broadcast %select_n3A_538 : i32 to vector<16xi32>
    %add3A_554 = arith.addi %rem3A_540, %add3A_553 : vector<16xi32>
    %select_n3A_555 = arith.select %and3A_552, %add3A_554, %rem3A_540 : vector<16xi1>, vector<16xi32>
    %add3A_556 = arith.constant 10000 : i32
    %add3A_557 = vector.broadcast %add3A_556 : i32 to vector<16xi32>
    %add3A_558 = arith.addi %add3A_557, %select_n3A_555 : vector<16xi32>
    %swap3A_559 = arith.constant 157 : i32
    %swap3A_560 = arith.index_cast %swap3A_559 : i32 to index
    %swap3A_561 = arith.constant 64 : index
    %swap3A_562 = tpu.vector_load %arg7[%swap3A_560, %swap3A_561] {strides = array<i32>} : memref<160x128xi32, #tpu.memory_space<vmem>>, vector<1x16xi32>,
    %swap3A_563 = vector.shape_cast %swap3A_562 : vector<1x16xi32> to vector<16xi32>
    %swap3A_564 = vector.shape_cast %add3A_558 : vector<16xi32> to vector<1x16xi32>
    tpu.vector_store %arg7[%swap3A_560, %swap3A_561], %swap3A_564 {strides = array<i32>} : memref<160x128xi32, #tpu.memory_space<vmem>>, vector<1x16xi32>,
    %swap3A_565 = arith.constant 157 : i32
    %swap3A_566 = arith.index_cast %swap3A_565 : i32 to index
    %swap3A_567 = arith.constant 64 : index
    %swap3A_568 = tpu.vector_load %arg8[%swap3A_566, %swap3A_567] {strides = array<i32>} : memref<160x128xi32, #tpu.memory_space<vmem>>, vector<1x16xi32>,
    %swap3A_569 = vector.shape_cast %swap3A_568 : vector<1x16xi32> to vector<16xi32>
    %swap3A_570 = vector.shape_cast %add3A_558 : vector<16xi32> to vector<1x16xi32>
    tpu.vector_store %arg8[%swap3A_566, %swap3A_567], %swap3A_570 {strides = array<i32>} : memref<160x128xi32, #tpu.memory_space<vmem>>, vector<1x16xi32>,
    %add3A_571 = arith.constant 20176 : i32
    %add3A_572 = vector.broadcast %add3A_571 : i32 to vector<16xi32>
    %add3A_573 = arith.addi %add3A_572, %iota3A : vector<16xi32>
    %jit3A_574 = arith.constant 240 : i32
    %eq3A_575 = arith.constant 0 : i32
    %eq3A_576 = arith.cmpi eq, %jit3A_574, %eq3A_575 : i32
    %jit3A_577 = arith.constant 1 : i32
    %select_n3A_578 = arith.select %eq3A_576, %jit3A_577, %jit3A_574 : i32
    %rem3A_579 = vector.broadcast %select_n3A_578 : i32 to vector<16xi32>
    %rem3A_580 = arith.remsi %add3A_573, %rem3A_579 : vector<16xi32>
    %ne3A_581 = arith.constant 0 : i32
    %ne3A_582 = vector.broadcast %ne3A_581 : i32 to vector<16xi32>
    %ne3A_583 = arith.cmpi ne, %rem3A_580, %ne3A_582 : vector<16xi32>
    %lt3A_584 = arith.constant 0 : i32
    %lt3A_585 = vector.broadcast %lt3A_584 : i32 to vector<16xi32>
    %lt3A_586 = arith.cmpi slt, %rem3A_580, %lt3A_585 : vector<16xi32>
    %lt3A_587 = arith.constant 0 : i32
    %lt3A_588 = arith.cmpi slt, %select_n3A_578, %lt3A_587 : i32
    %ne3A_589 = vector.broadcast %lt3A_588 : i1 to vector<16xi1>
    %ne3A_590 = vector.broadcast %ne3A_589 : vector<16xi1> to vector<16xi1>
    %ne3A_591 = arith.xori %lt3A_586, %ne3A_590 : vector<16xi1>
    %and3A_592 = arith.andi %ne3A_591, %ne3A_583 : vector<16xi1>
    %add3A_593 = vector.broadcast %select_n3A_578 : i32 to vector<16xi32>
    %add3A_594 = arith.addi %rem3A_580, %add3A_593 : vector<16xi32>
    %select_n3A_595 = arith.select %and3A_592, %add3A_594, %rem3A_580 : vector<16xi1>, vector<16xi32>
    %add3A_596 = arith.constant 10000 : i32
    %add3A_597 = vector.broadcast %add3A_596 : i32 to vector<16xi32>
    %add3A_598 = arith.addi %add3A_597, %select_n3A_595 : vector<16xi32>
    %swap3A_599 = arith.constant 157 : i32
    %swap3A_600 = arith.index_cast %swap3A_599 : i32 to index
    %swap3A_601 = arith.constant 80 : index
    %swap3A_602 = tpu.vector_load %arg7[%swap3A_600, %swap3A_601] {strides = array<i32>} : memref<160x128xi32, #tpu.memory_space<vmem>>, vector<1x16xi32>,
    %swap3A_603 = vector.shape_cast %swap3A_602 : vector<1x16xi32> to vector<16xi32>
    %swap3A_604 = vector.shape_cast %add3A_598 : vector<16xi32> to vector<1x16xi32>
    tpu.vector_store %arg7[%swap3A_600, %swap3A_601], %swap3A_604 {strides = array<i32>} : memref<160x128xi32, #tpu.memory_space<vmem>>, vector<1x16xi32>,
    %swap3A_605 = arith.constant 157 : i32
    %swap3A_606 = arith.index_cast %swap3A_605 : i32 to index
    %swap3A_607 = arith.constant 80 : index
    %swap3A_608 = tpu.vector_load %arg8[%swap3A_606, %swap3A_607] {strides = array<i32>} : memref<160x128xi32, #tpu.memory_space<vmem>>, vector<1x16xi32>,
    %swap3A_609 = vector.shape_cast %swap3A_608 : vector<1x16xi32> to vector<16xi32>
    %swap3A_610 = vector.shape_cast %add3A_598 : vector<16xi32> to vector<1x16xi32>
    tpu.vector_store %arg8[%swap3A_606, %swap3A_607], %swap3A_610 {strides = array<i32>} : memref<160x128xi32, #tpu.memory_space<vmem>>, vector<1x16xi32>,
    %add3A_611 = arith.constant 20192 : i32
    %add3A_612 = vector.broadcast %add3A_611 : i32 to vector<16xi32>
    %add3A_613 = arith.addi %add3A_612, %iota3A : vector<16xi32>
    %jit3A_614 = arith.constant 240 : i32
    %eq3A_615 = arith.constant 0 : i32
    %eq3A_616 = arith.cmpi eq, %jit3A_614, %eq3A_615 : i32
    %jit3A_617 = arith.constant 1 : i32
    %select_n3A_618 = arith.select %eq3A_616, %jit3A_617, %jit3A_614 : i32
    %rem3A_619 = vector.broadcast %select_n3A_618 : i32 to vector<16xi32>
    %rem3A_620 = arith.remsi %add3A_613, %rem3A_619 : vector<16xi32>
    %ne3A_621 = arith.constant 0 : i32
    %ne3A_622 = vector.broadcast %ne3A_621 : i32 to vector<16xi32>
    %ne3A_623 = arith.cmpi ne, %rem3A_620, %ne3A_622 : vector<16xi32>
    %lt3A_624 = arith.constant 0 : i32
    %lt3A_625 = vector.broadcast %lt3A_624 : i32 to vector<16xi32>
    %lt3A_626 = arith.cmpi slt, %rem3A_620, %lt3A_625 : vector<16xi32>
    %lt3A_627 = arith.constant 0 : i32
    %lt3A_628 = arith.cmpi slt, %select_n3A_618, %lt3A_627 : i32
    %ne3A_629 = vector.broadcast %lt3A_628 : i1 to vector<16xi1>
    %ne3A_630 = vector.broadcast %ne3A_629 : vector<16xi1> to vector<16xi1>
    %ne3A_631 = arith.xori %lt3A_626, %ne3A_630 : vector<16xi1>
    %and3A_632 = arith.andi %ne3A_631, %ne3A_623 : vector<16xi1>
    %add3A_633 = vector.broadcast %select_n3A_618 : i32 to vector<16xi32>
    %add3A_634 = arith.addi %rem3A_620, %add3A_633 : vector<16xi32>
    %select_n3A_635 = arith.select %and3A_632, %add3A_634, %rem3A_620 : vector<16xi1>, vector<16xi32>
    %add3A_636 = arith.constant 10000 : i32
    %add3A_637 = vector.broadcast %add3A_636 : i32 to vector<16xi32>
    %add3A_638 = arith.addi %add3A_637, %select_n3A_635 : vector<16xi32>
    %swap3A_639 = arith.constant 157 : i32
    %swap3A_640 = arith.index_cast %swap3A_639 : i32 to index
    %swap3A_641 = arith.constant 96 : index
    %swap3A_642 = tpu.vector_load %arg7[%swap3A_640, %swap3A_641] {strides = array<i32>} : memref<160x128xi32, #tpu.memory_space<vmem>>, vector<1x16xi32>,
    %swap3A_643 = vector.shape_cast %swap3A_642 : vector<1x16xi32> to vector<16xi32>
    %swap3A_644 = vector.shape_cast %add3A_638 : vector<16xi32> to vector<1x16xi32>
    tpu.vector_store %arg7[%swap3A_640, %swap3A_641], %swap3A_644 {strides = array<i32>} : memref<160x128xi32, #tpu.memory_space<vmem>>, vector<1x16xi32>,
    %swap3A_645 = arith.constant 157 : i32
    %swap3A_646 = arith.index_cast %swap3A_645 : i32 to index
    %swap3A_647 = arith.constant 96 : index
    %swap3A_648 = tpu.vector_load %arg8[%swap3A_646, %swap3A_647] {strides = array<i32>} : memref<160x128xi32, #tpu.memory_space<vmem>>, vector<1x16xi32>,
    %swap3A_649 = vector.shape_cast %swap3A_648 : vector<1x16xi32> to vector<16xi32>
    %swap3A_650 = vector.shape_cast %add3A_638 : vector<16xi32> to vector<1x16xi32>
    tpu.vector_store %arg8[%swap3A_646, %swap3A_647], %swap3A_650 {strides = array<i32>} : memref<160x128xi32, #tpu.memory_space<vmem>>, vector<1x16xi32>,
    %add3A_651 = arith.constant 20208 : i32
    %add3A_652 = vector.broadcast %add3A_651 : i32 to vector<16xi32>
    %add3A_653 = arith.addi %add3A_652, %iota3A : vector<16xi32>
    %jit3A_654 = arith.constant 240 : i32
    %eq3A_655 = arith.constant 0 : i32
    %eq3A_656 = arith.cmpi eq, %jit3A_654, %eq3A_655 : i32
    %jit3A_657 = arith.constant 1 : i32
    %select_n3A_658 = arith.select %eq3A_656, %jit3A_657, %jit3A_654 : i32
    %rem3A_659 = vector.broadcast %select_n3A_658 : i32 to vector<16xi32>
    %rem3A_660 = arith.remsi %add3A_653, %rem3A_659 : vector<16xi32>
    %ne3A_661 = arith.constant 0 : i32
    %ne3A_662 = vector.broadcast %ne3A_661 : i32 to vector<16xi32>
    %ne3A_663 = arith.cmpi ne, %rem3A_660, %ne3A_662 : vector<16xi32>
    %lt3A_664 = arith.constant 0 : i32
    %lt3A_665 = vector.broadcast %lt3A_664 : i32 to vector<16xi32>
    %lt3A_666 = arith.cmpi slt, %rem3A_660, %lt3A_665 : vector<16xi32>
    %lt3A_667 = arith.constant 0 : i32
    %lt3A_668 = arith.cmpi slt, %select_n3A_658, %lt3A_667 : i32
    %ne3A_669 = vector.broadcast %lt3A_668 : i1 to vector<16xi1>
    %ne3A_670 = vector.broadcast %ne3A_669 : vector<16xi1> to vector<16xi1>
    %ne3A_671 = arith.xori %lt3A_666, %ne3A_670 : vector<16xi1>
    %and3A_672 = arith.andi %ne3A_671, %ne3A_663 : vector<16xi1>
    %add3A_673 = vector.broadcast %select_n3A_658 : i32 to vector<16xi32>
    %add3A_674 = arith.addi %rem3A_660, %add3A_673 : vector<16xi32>
    %select_n3A_675 = arith.select %and3A_672, %add3A_674, %rem3A_660 : vector<16xi1>, vector<16xi32>
    %add3A_676 = arith.constant 10000 : i32
    %add3A_677 = vector.broadcast %add3A_676 : i32 to vector<16xi32>
    %add3A_678 = arith.addi %add3A_677, %select_n3A_675 : vector<16xi32>
    %swap3A_679 = arith.constant 157 : i32
    %swap3A_680 = arith.index_cast %swap3A_679 : i32 to index
    %swap3A_681 = arith.constant 112 : index
    %swap3A_682 = tpu.vector_load %arg7[%swap3A_680, %swap3A_681] {strides = array<i32>} : memref<160x128xi32, #tpu.memory_space<vmem>>, vector<1x16xi32>,
    %swap3A_683 = vector.shape_cast %swap3A_682 : vector<1x16xi32> to vector<16xi32>
    %swap3A_684 = vector.shape_cast %add3A_678 : vector<16xi32> to vector<1x16xi32>
    tpu.vector_store %arg7[%swap3A_680, %swap3A_681], %swap3A_684 {strides = array<i32>} : memref<160x128xi32, #tpu.memory_space<vmem>>, vector<1x16xi32>,
    %swap3A_685 = arith.constant 157 : i32
    %swap3A_686 = arith.index_cast %swap3A_685 : i32 to index
    %swap3A_687 = arith.constant 112 : index
    %swap3A_688 = tpu.vector_load %arg8[%swap3A_686, %swap3A_687] {strides = array<i32>} : memref<160x128xi32, #tpu.memory_space<vmem>>, vector<1x16xi32>,
    %swap3A_689 = vector.shape_cast %swap3A_688 : vector<1x16xi32> to vector<16xi32>
    %swap3A_690 = vector.shape_cast %add3A_678 : vector<16xi32> to vector<1x16xi32>
    tpu.vector_store %arg8[%swap3A_686, %swap3A_687], %swap3A_690 {strides = array<i32>} : memref<160x128xi32, #tpu.memory_space<vmem>>, vector<1x16xi32>,
    %add3A_691 = arith.constant 20224 : i32
    %add3A_692 = vector.broadcast %add3A_691 : i32 to vector<16xi32>
    %add3A_693 = arith.addi %add3A_692, %iota3A : vector<16xi32>
    %jit3A_694 = arith.constant 240 : i32
    %eq3A_695 = arith.constant 0 : i32
    %eq3A_696 = arith.cmpi eq, %jit3A_694, %eq3A_695 : i32
    %jit3A_697 = arith.constant 1 : i32
    %select_n3A_698 = arith.select %eq3A_696, %jit3A_697, %jit3A_694 : i32
    %rem3A_699 = vector.broadcast %select_n3A_698 : i32 to vector<16xi32>
    %rem3A_700 = arith.remsi %add3A_693, %rem3A_699 : vector<16xi32>
    %ne3A_701 = arith.constant 0 : i32
    %ne3A_702 = vector.broadcast %ne3A_701 : i32 to vector<16xi32>
    %ne3A_703 = arith.cmpi ne, %rem3A_700, %ne3A_702 : vector<16xi32>
    %lt3A_704 = arith.constant 0 : i32
    %lt3A_705 = vector.broadcast %lt3A_704 : i32 to vector<16xi32>
    %lt3A_706 = arith.cmpi slt, %rem3A_700, %lt3A_705 : vector<16xi32>
    %lt3A_707 = arith.constant 0 : i32
    %lt3A_708 = arith.cmpi slt, %select_n3A_698, %lt3A_707 : i32
    %ne3A_709 = vector.broadcast %lt3A_708 : i1 to vector<16xi1>
    %ne3A_710 = vector.broadcast %ne3A_709 : vector<16xi1> to vector<16xi1>
    %ne3A_711 = arith.xori %lt3A_706, %ne3A_710 : vector<16xi1>
    %and3A_712 = arith.andi %ne3A_711, %ne3A_703 : vector<16xi1>
    %add3A_713 = vector.broadcast %select_n3A_698 : i32 to vector<16xi32>
    %add3A_714 = arith.addi %rem3A_700, %add3A_713 : vector<16xi32>
    %select_n3A_715 = arith.select %and3A_712, %add3A_714, %rem3A_700 : vector<16xi1>, vector<16xi32>
    %add3A_716 = arith.constant 10000 : i32
    %add3A_717 = vector.broadcast %add3A_716 : i32 to vector<16xi32>
    %add3A_718 = arith.addi %add3A_717, %select_n3A_715 : vector<16xi32>
    %swap3A_719 = arith.constant 158 : i32
    %swap3A_720 = arith.index_cast %swap3A_719 : i32 to index
    %swap3A_721 = arith.constant 0 : index
    %swap3A_722 = tpu.vector_load %arg7[%swap3A_720, %swap3A_721] {strides = array<i32>} : memref<160x128xi32, #tpu.memory_space<vmem>>, vector<1x16xi32>,
    %swap3A_723 = vector.shape_cast %swap3A_722 : vector<1x16xi32> to vector<16xi32>
    %swap3A_724 = vector.shape_cast %add3A_718 : vector<16xi32> to vector<1x16xi32>
    tpu.vector_store %arg7[%swap3A_720, %swap3A_721], %swap3A_724 {strides = array<i32>} : memref<160x128xi32, #tpu.memory_space<vmem>>, vector<1x16xi32>,
    %swap3A_725 = arith.constant 158 : i32
    %swap3A_726 = arith.index_cast %swap3A_725 : i32 to index
    %swap3A_727 = arith.constant 0 : index
    %swap3A_728 = tpu.vector_load %arg8[%swap3A_726, %swap3A_727] {strides = array<i32>} : memref<160x128xi32, #tpu.memory_space<vmem>>, vector<1x16xi32>,
    %swap3A_729 = vector.shape_cast %swap3A_728 : vector<1x16xi32> to vector<16xi32>
    %swap3A_730 = vector.shape_cast %add3A_718 : vector<16xi32> to vector<1x16xi32>
    tpu.vector_store %arg8[%swap3A_726, %swap3A_727], %swap3A_730 {strides = array<i32>} : memref<160x128xi32, #tpu.memory_space<vmem>>, vector<1x16xi32>,
    %add3A_731 = arith.constant 20240 : i32
    %add3A_732 = vector.broadcast %add3A_731 : i32 to vector<16xi32>
    %add3A_733 = arith.addi %add3A_732, %iota3A : vector<16xi32>
    %jit3A_734 = arith.constant 240 : i32
    %eq3A_735 = arith.constant 0 : i32
    %eq3A_736 = arith.cmpi eq, %jit3A_734, %eq3A_735 : i32
    %jit3A_737 = arith.constant 1 : i32
    %select_n3A_738 = arith.select %eq3A_736, %jit3A_737, %jit3A_734 : i32
    %rem3A_739 = vector.broadcast %select_n3A_738 : i32 to vector<16xi32>
    %rem3A_740 = arith.remsi %add3A_733, %rem3A_739 : vector<16xi32>
    %ne3A_741 = arith.constant 0 : i32
    %ne3A_742 = vector.broadcast %ne3A_741 : i32 to vector<16xi32>
    %ne3A_743 = arith.cmpi ne, %rem3A_740, %ne3A_742 : vector<16xi32>
    %lt3A_744 = arith.constant 0 : i32
    %lt3A_745 = vector.broadcast %lt3A_744 : i32 to vector<16xi32>
    %lt3A_746 = arith.cmpi slt, %rem3A_740, %lt3A_745 : vector<16xi32>
    %lt3A_747 = arith.constant 0 : i32
    %lt3A_748 = arith.cmpi slt, %select_n3A_738, %lt3A_747 : i32
    %ne3A_749 = vector.broadcast %lt3A_748 : i1 to vector<16xi1>
    %ne3A_750 = vector.broadcast %ne3A_749 : vector<16xi1> to vector<16xi1>
    %ne3A_751 = arith.xori %lt3A_746, %ne3A_750 : vector<16xi1>
    %and3A_752 = arith.andi %ne3A_751, %ne3A_743 : vector<16xi1>
    %add3A_753 = vector.broadcast %select_n3A_738 : i32 to vector<16xi32>
    %add3A_754 = arith.addi %rem3A_740, %add3A_753 : vector<16xi32>
    %select_n3A_755 = arith.select %and3A_752, %add3A_754, %rem3A_740 : vector<16xi1>, vector<16xi32>
    %add3A_756 = arith.constant 10000 : i32
    %add3A_757 = vector.broadcast %add3A_756 : i32 to vector<16xi32>
    %add3A_758 = arith.addi %add3A_757, %select_n3A_755 : vector<16xi32>
    %swap3A_759 = arith.constant 158 : i32
    %swap3A_760 = arith.index_cast %swap3A_759 : i32 to index
    %swap3A_761 = arith.constant 16 : index
    %swap3A_762 = tpu.vector_load %arg7[%swap3A_760, %swap3A_761] {strides = array<i32>} : memref<160x128xi32, #tpu.memory_space<vmem>>, vector<1x16xi32>,
    %swap3A_763 = vector.shape_cast %swap3A_762 : vector<1x16xi32> to vector<16xi32>
    %swap3A_764 = vector.shape_cast %add3A_758 : vector<16xi32> to vector<1x16xi32>
    tpu.vector_store %arg7[%swap3A_760, %swap3A_761], %swap3A_764 {strides = array<i32>} : memref<160x128xi32, #tpu.memory_space<vmem>>, vector<1x16xi32>,
    %swap3A_765 = arith.constant 158 : i32
    %swap3A_766 = arith.index_cast %swap3A_765 : i32 to index
    %swap3A_767 = arith.constant 16 : index
    %swap3A_768 = tpu.vector_load %arg8[%swap3A_766, %swap3A_767] {strides = array<i32>} : memref<160x128xi32, #tpu.memory_space<vmem>>, vector<1x16xi32>,
    %swap3A_769 = vector.shape_cast %swap3A_768 : vector<1x16xi32> to vector<16xi32>
    %swap3A_770 = vector.shape_cast %add3A_758 : vector<16xi32> to vector<1x16xi32>
    tpu.vector_store %arg8[%swap3A_766, %swap3A_767], %swap3A_770 {strides = array<i32>} : memref<160x128xi32, #tpu.memory_space<vmem>>, vector<1x16xi32>,
    %add3A_771 = arith.constant 20256 : i32
    %add3A_772 = vector.broadcast %add3A_771 : i32 to vector<16xi32>
    %add3A_773 = arith.addi %add3A_772, %iota3A : vector<16xi32>
    %jit3A_774 = arith.constant 240 : i32
    %eq3A_775 = arith.constant 0 : i32
    %eq3A_776 = arith.cmpi eq, %jit3A_774, %eq3A_775 : i32
    %jit3A_777 = arith.constant 1 : i32
    %select_n3A_778 = arith.select %eq3A_776, %jit3A_777, %jit3A_774 : i32
    %rem3A_779 = vector.broadcast %select_n3A_778 : i32 to vector<16xi32>
    %rem3A_780 = arith.remsi %add3A_773, %rem3A_779 : vector<16xi32>
    %ne3A_781 = arith.constant 0 : i32
    %ne3A_782 = vector.broadcast %ne3A_781 : i32 to vector<16xi32>
    %ne3A_783 = arith.cmpi ne, %rem3A_780, %ne3A_782 : vector<16xi32>
    %lt3A_784 = arith.constant 0 : i32
    %lt3A_785 = vector.broadcast %lt3A_784 : i32 to vector<16xi32>
    %lt3A_786 = arith.cmpi slt, %rem3A_780, %lt3A_785 : vector<16xi32>
    %lt3A_787 = arith.constant 0 : i32
    %lt3A_788 = arith.cmpi slt, %select_n3A_778, %lt3A_787 : i32
    %ne3A_789 = vector.broadcast %lt3A_788 : i1 to vector<16xi1>
    %ne3A_790 = vector.broadcast %ne3A_789 : vector<16xi1> to vector<16xi1>
    %ne3A_791 = arith.xori %lt3A_786, %ne3A_790 : vector<16xi1>
    %and3A_792 = arith.andi %ne3A_791, %ne3A_783 : vector<16xi1>
    %add3A_793 = vector.broadcast %select_n3A_778 : i32 to vector<16xi32>
    %add3A_794 = arith.addi %rem3A_780, %add3A_793 : vector<16xi32>
    %select_n3A_795 = arith.select %and3A_792, %add3A_794, %rem3A_780 : vector<16xi1>, vector<16xi32>
    %add3A_796 = arith.constant 10000 : i32
    %add3A_797 = vector.broadcast %add3A_796 : i32 to vector<16xi32>
    %add3A_798 = arith.addi %add3A_797, %select_n3A_795 : vector<16xi32>
    %swap3A_799 = arith.constant 158 : i32
    %swap3A_800 = arith.index_cast %swap3A_799 : i32 to index
    %swap3A_801 = arith.constant 32 : index
    %swap3A_802 = tpu.vector_load %arg7[%swap3A_800, %swap3A_801] {strides = array<i32>} : memref<160x128xi32, #tpu.memory_space<vmem>>, vector<1x16xi32>,
    %swap3A_803 = vector.shape_cast %swap3A_802 : vector<1x16xi32> to vector<16xi32>
    %swap3A_804 = vector.shape_cast %add3A_798 : vector<16xi32> to vector<1x16xi32>
    tpu.vector_store %arg7[%swap3A_800, %swap3A_801], %swap3A_804 {strides = array<i32>} : memref<160x128xi32, #tpu.memory_space<vmem>>, vector<1x16xi32>,
    %swap3A_805 = arith.constant 158 : i32
    %swap3A_806 = arith.index_cast %swap3A_805 : i32 to index
    %swap3A_807 = arith.constant 32 : index
    %swap3A_808 = tpu.vector_load %arg8[%swap3A_806, %swap3A_807] {strides = array<i32>} : memref<160x128xi32, #tpu.memory_space<vmem>>, vector<1x16xi32>,
    %swap3A_809 = vector.shape_cast %swap3A_808 : vector<1x16xi32> to vector<16xi32>
    %swap3A_810 = vector.shape_cast %add3A_798 : vector<16xi32> to vector<1x16xi32>
    tpu.vector_store %arg8[%swap3A_806, %swap3A_807], %swap3A_810 {strides = array<i32>} : memref<160x128xi32, #tpu.memory_space<vmem>>, vector<1x16xi32>,
    %add3A_811 = arith.constant 20272 : i32
    %add3A_812 = vector.broadcast %add3A_811 : i32 to vector<16xi32>
    %add3A_813 = arith.addi %add3A_812, %iota3A : vector<16xi32>
    %jit3A_814 = arith.constant 240 : i32
    %eq3A_815 = arith.constant 0 : i32
    %eq3A_816 = arith.cmpi eq, %jit3A_814, %eq3A_815 : i32
    %jit3A_817 = arith.constant 1 : i32
    %select_n3A_818 = arith.select %eq3A_816, %jit3A_817, %jit3A_814 : i32
    %rem3A_819 = vector.broadcast %select_n3A_818 : i32 to vector<16xi32>
    %rem3A_820 = arith.remsi %add3A_813, %rem3A_819 : vector<16xi32>
    %ne3A_821 = arith.constant 0 : i32
    %ne3A_822 = vector.broadcast %ne3A_821 : i32 to vector<16xi32>
    %ne3A_823 = arith.cmpi ne, %rem3A_820, %ne3A_822 : vector<16xi32>
    %lt3A_824 = arith.constant 0 : i32
    %lt3A_825 = vector.broadcast %lt3A_824 : i32 to vector<16xi32>
    %lt3A_826 = arith.cmpi slt, %rem3A_820, %lt3A_825 : vector<16xi32>
    %lt3A_827 = arith.constant 0 : i32
    %lt3A_828 = arith.cmpi slt, %select_n3A_818, %lt3A_827 : i32
    %ne3A_829 = vector.broadcast %lt3A_828 : i1 to vector<16xi1>
    %ne3A_830 = vector.broadcast %ne3A_829 : vector<16xi1> to vector<16xi1>
    %ne3A_831 = arith.xori %lt3A_826, %ne3A_830 : vector<16xi1>
    %and3A_832 = arith.andi %ne3A_831, %ne3A_823 : vector<16xi1>
    %add3A_833 = vector.broadcast %select_n3A_818 : i32 to vector<16xi32>
    %add3A_834 = arith.addi %rem3A_820, %add3A_833 : vector<16xi32>
    %select_n3A_835 = arith.select %and3A_832, %add3A_834, %rem3A_820 : vector<16xi1>, vector<16xi32>
    %add3A_836 = arith.constant 10000 : i32
    %add3A_837 = vector.broadcast %add3A_836 : i32 to vector<16xi32>
    %add3A_838 = arith.addi %add3A_837, %select_n3A_835 : vector<16xi32>
    %swap3A_839 = arith.constant 158 : i32
    %swap3A_840 = arith.index_cast %swap3A_839 : i32 to index
    %swap3A_841 = arith.constant 48 : index
    %swap3A_842 = tpu.vector_load %arg7[%swap3A_840, %swap3A_841] {strides = array<i32>} : memref<160x128xi32, #tpu.memory_space<vmem>>, vector<1x16xi32>,
    %swap3A_843 = vector.shape_cast %swap3A_842 : vector<1x16xi32> to vector<16xi32>
    %swap3A_844 = vector.shape_cast %add3A_838 : vector<16xi32> to vector<1x16xi32>
    tpu.vector_store %arg7[%swap3A_840, %swap3A_841], %swap3A_844 {strides = array<i32>} : memref<160x128xi32, #tpu.memory_space<vmem>>, vector<1x16xi32>,
    %swap3A_845 = arith.constant 158 : i32
    %swap3A_846 = arith.index_cast %swap3A_845 : i32 to index
    %swap3A_847 = arith.constant 48 : index
    %swap3A_848 = tpu.vector_load %arg8[%swap3A_846, %swap3A_847] {strides = array<i32>} : memref<160x128xi32, #tpu.memory_space<vmem>>, vector<1x16xi32>,
    %swap3A_849 = vector.shape_cast %swap3A_848 : vector<1x16xi32> to vector<16xi32>
    %swap3A_850 = vector.shape_cast %add3A_838 : vector<16xi32> to vector<1x16xi32>
    tpu.vector_store %arg8[%swap3A_846, %swap3A_847], %swap3A_850 {strides = array<i32>} : memref<160x128xi32, #tpu.memory_space<vmem>>, vector<1x16xi32>,
    %add3A_851 = arith.constant 20288 : i32
    %add3A_852 = vector.broadcast %add3A_851 : i32 to vector<16xi32>
    %add3A_853 = arith.addi %add3A_852, %iota3A : vector<16xi32>
    %jit3A_854 = arith.constant 240 : i32
    %eq3A_855 = arith.constant 0 : i32
    %eq3A_856 = arith.cmpi eq, %jit3A_854, %eq3A_855 : i32
    %jit3A_857 = arith.constant 1 : i32
    %select_n3A_858 = arith.select %eq3A_856, %jit3A_857, %jit3A_854 : i32
    %rem3A_859 = vector.broadcast %select_n3A_858 : i32 to vector<16xi32>
    %rem3A_860 = arith.remsi %add3A_853, %rem3A_859 : vector<16xi32>
    %ne3A_861 = arith.constant 0 : i32
    %ne3A_862 = vector.broadcast %ne3A_861 : i32 to vector<16xi32>
    %ne3A_863 = arith.cmpi ne, %rem3A_860, %ne3A_862 : vector<16xi32>
    %lt3A_864 = arith.constant 0 : i32
    %lt3A_865 = vector.broadcast %lt3A_864 : i32 to vector<16xi32>
    %lt3A_866 = arith.cmpi slt, %rem3A_860, %lt3A_865 : vector<16xi32>
    %lt3A_867 = arith.constant 0 : i32
    %lt3A_868 = arith.cmpi slt, %select_n3A_858, %lt3A_867 : i32
    %ne3A_869 = vector.broadcast %lt3A_868 : i1 to vector<16xi1>
    %ne3A_870 = vector.broadcast %ne3A_869 : vector<16xi1> to vector<16xi1>
    %ne3A_871 = arith.xori %lt3A_866, %ne3A_870 : vector<16xi1>
    %and3A_872 = arith.andi %ne3A_871, %ne3A_863 : vector<16xi1>
    %add3A_873 = vector.broadcast %select_n3A_858 : i32 to vector<16xi32>
    %add3A_874 = arith.addi %rem3A_860, %add3A_873 : vector<16xi32>
    %select_n3A_875 = arith.select %and3A_872, %add3A_874, %rem3A_860 : vector<16xi1>, vector<16xi32>
    %add3A_876 = arith.constant 10000 : i32
    %add3A_877 = vector.broadcast %add3A_876 : i32 to vector<16xi32>
    %add3A_878 = arith.addi %add3A_877, %select_n3A_875 : vector<16xi32>
    %swap3A_879 = arith.constant 158 : i32
    %swap3A_880 = arith.index_cast %swap3A_879 : i32 to index
    %swap3A_881 = arith.constant 64 : index
    %swap3A_882 = tpu.vector_load %arg7[%swap3A_880, %swap3A_881] {strides = array<i32>} : memref<160x128xi32, #tpu.memory_space<vmem>>, vector<1x16xi32>,
    %swap3A_883 = vector.shape_cast %swap3A_882 : vector<1x16xi32> to vector<16xi32>
    %swap3A_884 = vector.shape_cast %add3A_878 : vector<16xi32> to vector<1x16xi32>
    tpu.vector_store %arg7[%swap3A_880, %swap3A_881], %swap3A_884 {strides = array<i32>} : memref<160x128xi32, #tpu.memory_space<vmem>>, vector<1x16xi32>,
    %swap3A_885 = arith.constant 158 : i32
    %swap3A_886 = arith.index_cast %swap3A_885 : i32 to index
    %swap3A_887 = arith.constant 64 : index
    %swap3A_888 = tpu.vector_load %arg8[%swap3A_886, %swap3A_887] {strides = array<i32>} : memref<160x128xi32, #tpu.memory_space<vmem>>, vector<1x16xi32>,
    %swap3A_889 = vector.shape_cast %swap3A_888 : vector<1x16xi32> to vector<16xi32>
    %swap3A_890 = vector.shape_cast %add3A_878 : vector<16xi32> to vector<1x16xi32>
    tpu.vector_store %arg8[%swap3A_886, %swap3A_887], %swap3A_890 {strides = array<i32>} : memref<160x128xi32, #tpu.memory_space<vmem>>, vector<1x16xi32>,
    %add3A_891 = arith.constant 20304 : i32
    %add3A_892 = vector.broadcast %add3A_891 : i32 to vector<16xi32>
    %add3A_893 = arith.addi %add3A_892, %iota3A : vector<16xi32>
    %jit3A_894 = arith.constant 240 : i32
    %eq3A_895 = arith.constant 0 : i32
    %eq3A_896 = arith.cmpi eq, %jit3A_894, %eq3A_895 : i32
    %jit3A_897 = arith.constant 1 : i32
    %select_n3A_898 = arith.select %eq3A_896, %jit3A_897, %jit3A_894 : i32
    %rem3A_899 = vector.broadcast %select_n3A_898 : i32 to vector<16xi32>
    %rem3A_900 = arith.remsi %add3A_893, %rem3A_899 : vector<16xi32>
    %ne3A_901 = arith.constant 0 : i32
    %ne3A_902 = vector.broadcast %ne3A_901 : i32 to vector<16xi32>
    %ne3A_903 = arith.cmpi ne, %rem3A_900, %ne3A_902 : vector<16xi32>
    %lt3A_904 = arith.constant 0 : i32
    %lt3A_905 = vector.broadcast %lt3A_904 : i32 to vector<16xi32>
    %lt3A_906 = arith.cmpi slt, %rem3A_900, %lt3A_905 : vector<16xi32>
    %lt3A_907 = arith.constant 0 : i32
    %lt3A_908 = arith.cmpi slt, %select_n3A_898, %lt3A_907 : i32
    %ne3A_909 = vector.broadcast %lt3A_908 : i1 to vector<16xi1>
    %ne3A_910 = vector.broadcast %ne3A_909 : vector<16xi1> to vector<16xi1>
    %ne3A_911 = arith.xori %lt3A_906, %ne3A_910 : vector<16xi1>
    %and3A_912 = arith.andi %ne3A_911, %ne3A_903 : vector<16xi1>
    %add3A_913 = vector.broadcast %select_n3A_898 : i32 to vector<16xi32>
    %add3A_914 = arith.addi %rem3A_900, %add3A_913 : vector<16xi32>
    %select_n3A_915 = arith.select %and3A_912, %add3A_914, %rem3A_900 : vector<16xi1>, vector<16xi32>
    %add3A_916 = arith.constant 10000 : i32
    %add3A_917 = vector.broadcast %add3A_916 : i32 to vector<16xi32>
    %add3A_918 = arith.addi %add3A_917, %select_n3A_915 : vector<16xi32>
    %swap3A_919 = arith.constant 158 : i32
    %swap3A_920 = arith.index_cast %swap3A_919 : i32 to index
    %swap3A_921 = arith.constant 80 : index
    %swap3A_922 = tpu.vector_load %arg7[%swap3A_920, %swap3A_921] {strides = array<i32>} : memref<160x128xi32, #tpu.memory_space<vmem>>, vector<1x16xi32>,
    %swap3A_923 = vector.shape_cast %swap3A_922 : vector<1x16xi32> to vector<16xi32>
    %swap3A_924 = vector.shape_cast %add3A_918 : vector<16xi32> to vector<1x16xi32>
    tpu.vector_store %arg7[%swap3A_920, %swap3A_921], %swap3A_924 {strides = array<i32>} : memref<160x128xi32, #tpu.memory_space<vmem>>, vector<1x16xi32>,
    %swap3A_925 = arith.constant 158 : i32
    %swap3A_926 = arith.index_cast %swap3A_925 : i32 to index
    %swap3A_927 = arith.constant 80 : index
    %swap3A_928 = tpu.vector_load %arg8[%swap3A_926, %swap3A_927] {strides = array<i32>} : memref<160x128xi32, #tpu.memory_space<vmem>>, vector<1x16xi32>,
    %swap3A_929 = vector.shape_cast %swap3A_928 : vector<1x16xi32> to vector<16xi32>
    %swap3A_930 = vector.shape_cast %add3A_918 : vector<16xi32> to vector<1x16xi32>
    tpu.vector_store %arg8[%swap3A_926, %swap3A_927], %swap3A_930 {strides = array<i32>} : memref<160x128xi32, #tpu.memory_space<vmem>>, vector<1x16xi32>,
    %add3A_931 = arith.constant 20320 : i32
    %add3A_932 = vector.broadcast %add3A_931 : i32 to vector<16xi32>
    %add3A_933 = arith.addi %add3A_932, %iota3A : vector<16xi32>
    %jit3A_934 = arith.constant 240 : i32
    %eq3A_935 = arith.constant 0 : i32
    %eq3A_936 = arith.cmpi eq, %jit3A_934, %eq3A_935 : i32
    %jit3A_937 = arith.constant 1 : i32
    %select_n3A_938 = arith.select %eq3A_936, %jit3A_937, %jit3A_934 : i32
    %rem3A_939 = vector.broadcast %select_n3A_938 : i32 to vector<16xi32>
    %rem3A_940 = arith.remsi %add3A_933, %rem3A_939 : vector<16xi32>
    %ne3A_941 = arith.constant 0 : i32
    %ne3A_942 = vector.broadcast %ne3A_941 : i32 to vector<16xi32>
    %ne3A_943 = arith.cmpi ne, %rem3A_940, %ne3A_942 : vector<16xi32>
    %lt3A_944 = arith.constant 0 : i32
    %lt3A_945 = vector.broadcast %lt3A_944 : i32 to vector<16xi32>
    %lt3A_946 = arith.cmpi slt, %rem3A_940, %lt3A_945 : vector<16xi32>
    %lt3A_947 = arith.constant 0 : i32
    %lt3A_948 = arith.cmpi slt, %select_n3A_938, %lt3A_947 : i32
    %ne3A_949 = vector.broadcast %lt3A_948 : i1 to vector<16xi1>
    %ne3A_950 = vector.broadcast %ne3A_949 : vector<16xi1> to vector<16xi1>
    %ne3A_951 = arith.xori %lt3A_946, %ne3A_950 : vector<16xi1>
    %and3A_952 = arith.andi %ne3A_951, %ne3A_943 : vector<16xi1>
    %add3A_953 = vector.broadcast %select_n3A_938 : i32 to vector<16xi32>
    %add3A_954 = arith.addi %rem3A_940, %add3A_953 : vector<16xi32>
    %select_n3A_955 = arith.select %and3A_952, %add3A_954, %rem3A_940 : vector<16xi1>, vector<16xi32>
    %add3A_956 = arith.constant 10000 : i32
    %add3A_957 = vector.broadcast %add3A_956 : i32 to vector<16xi32>
    %add3A_958 = arith.addi %add3A_957, %select_n3A_955 : vector<16xi32>
    %swap3A_959 = arith.constant 158 : i32
    %swap3A_960 = arith.index_cast %swap3A_959 : i32 to index
    %swap3A_961 = arith.constant 96 : index
    %swap3A_962 = tpu.vector_load %arg7[%swap3A_960, %swap3A_961] {strides = array<i32>} : memref<160x128xi32, #tpu.memory_space<vmem>>, vector<1x16xi32>,
    %swap3A_963 = vector.shape_cast %swap3A_962 : vector<1x16xi32> to vector<16xi32>
    %swap3A_964 = vector.shape_cast %add3A_958 : vector<16xi32> to vector<1x16xi32>
    tpu.vector_store %arg7[%swap3A_960, %swap3A_961], %swap3A_964 {strides = array<i32>} : memref<160x128xi32, #tpu.memory_space<vmem>>, vector<1x16xi32>,
    %swap3A_965 = arith.constant 158 : i32
    %swap3A_966 = arith.index_cast %swap3A_965 : i32 to index
    %swap3A_967 = arith.constant 96 : index
    %swap3A_968 = tpu.vector_load %arg8[%swap3A_966, %swap3A_967] {strides = array<i32>} : memref<160x128xi32, #tpu.memory_space<vmem>>, vector<1x16xi32>,
    %swap3A_969 = vector.shape_cast %swap3A_968 : vector<1x16xi32> to vector<16xi32>
    %swap3A_970 = vector.shape_cast %add3A_958 : vector<16xi32> to vector<1x16xi32>
    tpu.vector_store %arg8[%swap3A_966, %swap3A_967], %swap3A_970 {strides = array<i32>} : memref<160x128xi32, #tpu.memory_space<vmem>>, vector<1x16xi32>,
    %add3A_971 = arith.constant 20336 : i32
    %add3A_972 = vector.broadcast %add3A_971 : i32 to vector<16xi32>
    %add3A_973 = arith.addi %add3A_972, %iota3A : vector<16xi32>
    %jit3A_974 = arith.constant 240 : i32
    %eq3A_975 = arith.constant 0 : i32
    %eq3A_976 = arith.cmpi eq, %jit3A_974, %eq3A_975 : i32
    %jit3A_977 = arith.constant 1 : i32
    %select_n3A_978 = arith.select %eq3A_976, %jit3A_977, %jit3A_974 : i32
    %rem3A_979 = vector.broadcast %select_n3A_978 : i32 to vector<16xi32>
    %rem3A_980 = arith.remsi %add3A_973, %rem3A_979 : vector<16xi32>
    %ne3A_981 = arith.constant 0 : i32
    %ne3A_982 = vector.broadcast %ne3A_981 : i32 to vector<16xi32>
    %ne3A_983 = arith.cmpi ne, %rem3A_980, %ne3A_982 : vector<16xi32>
    %lt3A_984 = arith.constant 0 : i32
    %lt3A_985 = vector.broadcast %lt3A_984 : i32 to vector<16xi32>
    %lt3A_986 = arith.cmpi slt, %rem3A_980, %lt3A_985 : vector<16xi32>
    %lt3A_987 = arith.constant 0 : i32
    %lt3A_988 = arith.cmpi slt, %select_n3A_978, %lt3A_987 : i32
    %ne3A_989 = vector.broadcast %lt3A_988 : i1 to vector<16xi1>
    %ne3A_990 = vector.broadcast %ne3A_989 : vector<16xi1> to vector<16xi1>
    %ne3A_991 = arith.xori %lt3A_986, %ne3A_990 : vector<16xi1>
    %and3A_992 = arith.andi %ne3A_991, %ne3A_983 : vector<16xi1>
    %add3A_993 = vector.broadcast %select_n3A_978 : i32 to vector<16xi32>
    %add3A_994 = arith.addi %rem3A_980, %add3A_993 : vector<16xi32>
    %select_n3A_995 = arith.select %and3A_992, %add3A_994, %rem3A_980 : vector<16xi1>, vector<16xi32>
    %add3A_996 = arith.constant 10000 : i32
    %add3A_997 = vector.broadcast %add3A_996 : i32 to vector<16xi32>
    %add3A_998 = arith.addi %add3A_997, %select_n3A_995 : vector<16xi32>
    %swap3A_999 = arith.constant 158 : i32
    %swap3A_1000 = arith.index_cast %swap3A_999 : i32 to index
    %swap3A_1001 = arith.constant 112 : index
    %swap3A_1002 = tpu.vector_load %arg7[%swap3A_1000, %swap3A_1001] {strides = array<i32>} : memref<160x128xi32, #tpu.memory_space<vmem>>, vector<1x16xi32>,
    %swap3A_1003 = vector.shape_cast %swap3A_1002 : vector<1x16xi32> to vector<16xi32>
    %swap3A_1004 = vector.shape_cast %add3A_998 : vector<16xi32> to vector<1x16xi32>
    tpu.vector_store %arg7[%swap3A_1000, %swap3A_1001], %swap3A_1004 {strides = array<i32>} : memref<160x128xi32, #tpu.memory_space<vmem>>, vector<1x16xi32>,
    %swap3A_1005 = arith.constant 158 : i32
    %swap3A_1006 = arith.index_cast %swap3A_1005 : i32 to index
    %swap3A_1007 = arith.constant 112 : index
    %swap3A_1008 = tpu.vector_load %arg8[%swap3A_1006, %swap3A_1007] {strides = array<i32>} : memref<160x128xi32, #tpu.memory_space<vmem>>, vector<1x16xi32>,
    %swap3A_1009 = vector.shape_cast %swap3A_1008 : vector<1x16xi32> to vector<16xi32>
    %swap3A_1010 = vector.shape_cast %add3A_998 : vector<16xi32> to vector<1x16xi32>
    tpu.vector_store %arg8[%swap3A_1006, %swap3A_1007], %swap3A_1010 {strides = array<i32>} : memref<160x128xi32, #tpu.memory_space<vmem>>, vector<1x16xi32>,
    %add3A_1011 = arith.constant 20352 : i32
    %add3A_1012 = vector.broadcast %add3A_1011 : i32 to vector<16xi32>
    %add3A_1013 = arith.addi %add3A_1012, %iota3A : vector<16xi32>
    %jit3A_1014 = arith.constant 240 : i32
    %eq3A_1015 = arith.constant 0 : i32
    %eq3A_1016 = arith.cmpi eq, %jit3A_1014, %eq3A_1015 : i32
    %jit3A_1017 = arith.constant 1 : i32
    %select_n3A_1018 = arith.select %eq3A_1016, %jit3A_1017, %jit3A_1014 : i32
    %rem3A_1019 = vector.broadcast %select_n3A_1018 : i32 to vector<16xi32>
    %rem3A_1020 = arith.remsi %add3A_1013, %rem3A_1019 : vector<16xi32>
    %ne3A_1021 = arith.constant 0 : i32
    %ne3A_1022 = vector.broadcast %ne3A_1021 : i32 to vector<16xi32>
    %ne3A_1023 = arith.cmpi ne, %rem3A_1020, %ne3A_1022 : vector<16xi32>
    %lt3A_1024 = arith.constant 0 : i32
    %lt3A_1025 = vector.broadcast %lt3A_1024 : i32 to vector<16xi32>
    %lt3A_1026 = arith.cmpi slt, %rem3A_1020, %lt3A_1025 : vector<16xi32>
    %lt3A_1027 = arith.constant 0 : i32
    %lt3A_1028 = arith.cmpi slt, %select_n3A_1018, %lt3A_1027 : i32
    %ne3A_1029 = vector.broadcast %lt3A_1028 : i1 to vector<16xi1>
    %ne3A_1030 = vector.broadcast %ne3A_1029 : vector<16xi1> to vector<16xi1>
    %ne3A_1031 = arith.xori %lt3A_1026, %ne3A_1030 : vector<16xi1>
    %and3A_1032 = arith.andi %ne3A_1031, %ne3A_1023 : vector<16xi1>
    %add3A_1033 = vector.broadcast %select_n3A_1018 : i32 to vector<16xi32>
    %add3A_1034 = arith.addi %rem3A_1020, %add3A_1033 : vector<16xi32>
    %select_n3A_1035 = arith.select %and3A_1032, %add3A_1034, %rem3A_1020 : vector<16xi1>, vector<16xi32>
    %add3A_1036 = arith.constant 10000 : i32
    %add3A_1037 = vector.broadcast %add3A_1036 : i32 to vector<16xi32>
    %add3A_1038 = arith.addi %add3A_1037, %select_n3A_1035 : vector<16xi32>
    %swap3A_1039 = arith.constant 159 : i32
    %swap3A_1040 = arith.index_cast %swap3A_1039 : i32 to index
    %swap3A_1041 = arith.constant 0 : index
    %swap3A_1042 = tpu.vector_load %arg7[%swap3A_1040, %swap3A_1041] {strides = array<i32>} : memref<160x128xi32, #tpu.memory_space<vmem>>, vector<1x16xi32>,
    %swap3A_1043 = vector.shape_cast %swap3A_1042 : vector<1x16xi32> to vector<16xi32>
    %swap3A_1044 = vector.shape_cast %add3A_1038 : vector<16xi32> to vector<1x16xi32>
    tpu.vector_store %arg7[%swap3A_1040, %swap3A_1041], %swap3A_1044 {strides = array<i32>} : memref<160x128xi32, #tpu.memory_space<vmem>>, vector<1x16xi32>,
    %swap3A_1045 = arith.constant 159 : i32
    %swap3A_1046 = arith.index_cast %swap3A_1045 : i32 to index
    %swap3A_1047 = arith.constant 0 : index
    %swap3A_1048 = tpu.vector_load %arg8[%swap3A_1046, %swap3A_1047] {strides = array<i32>} : memref<160x128xi32, #tpu.memory_space<vmem>>, vector<1x16xi32>,
    %swap3A_1049 = vector.shape_cast %swap3A_1048 : vector<1x16xi32> to vector<16xi32>
    %swap3A_1050 = vector.shape_cast %add3A_1038 : vector<16xi32> to vector<1x16xi32>
    tpu.vector_store %arg8[%swap3A_1046, %swap3A_1047], %swap3A_1050 {strides = array<i32>} : memref<160x128xi32, #tpu.memory_space<vmem>>, vector<1x16xi32>,
    %add3A_1051 = arith.constant 20368 : i32
    %add3A_1052 = vector.broadcast %add3A_1051 : i32 to vector<16xi32>
    %add3A_1053 = arith.addi %add3A_1052, %iota3A : vector<16xi32>
    %jit3A_1054 = arith.constant 240 : i32
    %eq3A_1055 = arith.constant 0 : i32
    %eq3A_1056 = arith.cmpi eq, %jit3A_1054, %eq3A_1055 : i32
    %jit3A_1057 = arith.constant 1 : i32
    %select_n3A_1058 = arith.select %eq3A_1056, %jit3A_1057, %jit3A_1054 : i32
    %rem3A_1059 = vector.broadcast %select_n3A_1058 : i32 to vector<16xi32>
    %rem3A_1060 = arith.remsi %add3A_1053, %rem3A_1059 : vector<16xi32>
    %ne3A_1061 = arith.constant 0 : i32
    %ne3A_1062 = vector.broadcast %ne3A_1061 : i32 to vector<16xi32>
    %ne3A_1063 = arith.cmpi ne, %rem3A_1060, %ne3A_1062 : vector<16xi32>
    %lt3A_1064 = arith.constant 0 : i32
    %lt3A_1065 = vector.broadcast %lt3A_1064 : i32 to vector<16xi32>
    %lt3A_1066 = arith.cmpi slt, %rem3A_1060, %lt3A_1065 : vector<16xi32>
    %lt3A_1067 = arith.constant 0 : i32
    %lt3A_1068 = arith.cmpi slt, %select_n3A_1058, %lt3A_1067 : i32
    %ne3A_1069 = vector.broadcast %lt3A_1068 : i1 to vector<16xi1>
    %ne3A_1070 = vector.broadcast %ne3A_1069 : vector<16xi1> to vector<16xi1>
    %ne3A_1071 = arith.xori %lt3A_1066, %ne3A_1070 : vector<16xi1>
    %and3A_1072 = arith.andi %ne3A_1071, %ne3A_1063 : vector<16xi1>
    %add3A_1073 = vector.broadcast %select_n3A_1058 : i32 to vector<16xi32>
    %add3A_1074 = arith.addi %rem3A_1060, %add3A_1073 : vector<16xi32>
    %select_n3A_1075 = arith.select %and3A_1072, %add3A_1074, %rem3A_1060 : vector<16xi1>, vector<16xi32>
    %add3A_1076 = arith.constant 10000 : i32
    %add3A_1077 = vector.broadcast %add3A_1076 : i32 to vector<16xi32>
    %add3A_1078 = arith.addi %add3A_1077, %select_n3A_1075 : vector<16xi32>
    %swap3A_1079 = arith.constant 159 : i32
    %swap3A_1080 = arith.index_cast %swap3A_1079 : i32 to index
    %swap3A_1081 = arith.constant 16 : index
    %swap3A_1082 = tpu.vector_load %arg7[%swap3A_1080, %swap3A_1081] {strides = array<i32>} : memref<160x128xi32, #tpu.memory_space<vmem>>, vector<1x16xi32>,
    %swap3A_1083 = vector.shape_cast %swap3A_1082 : vector<1x16xi32> to vector<16xi32>
    %swap3A_1084 = vector.shape_cast %add3A_1078 : vector<16xi32> to vector<1x16xi32>
    tpu.vector_store %arg7[%swap3A_1080, %swap3A_1081], %swap3A_1084 {strides = array<i32>} : memref<160x128xi32, #tpu.memory_space<vmem>>, vector<1x16xi32>,
    %swap3A_1085 = arith.constant 159 : i32
    %swap3A_1086 = arith.index_cast %swap3A_1085 : i32 to index
    %swap3A_1087 = arith.constant 16 : index
    %swap3A_1088 = tpu.vector_load %arg8[%swap3A_1086, %swap3A_1087] {strides = array<i32>} : memref<160x128xi32, #tpu.memory_space<vmem>>, vector<1x16xi32>,
    %swap3A_1089 = vector.shape_cast %swap3A_1088 : vector<1x16xi32> to vector<16xi32>
    %swap3A_1090 = vector.shape_cast %add3A_1078 : vector<16xi32> to vector<1x16xi32>
    tpu.vector_store %arg8[%swap3A_1086, %swap3A_1087], %swap3A_1090 {strides = array<i32>} : memref<160x128xi32, #tpu.memory_space<vmem>>, vector<1x16xi32>,
    %add3A_1091 = arith.constant 20384 : i32
    %add3A_1092 = vector.broadcast %add3A_1091 : i32 to vector<16xi32>
    %add3A_1093 = arith.addi %add3A_1092, %iota3A : vector<16xi32>
    %jit3A_1094 = arith.constant 240 : i32
    %eq3A_1095 = arith.constant 0 : i32
    %eq3A_1096 = arith.cmpi eq, %jit3A_1094, %eq3A_1095 : i32
    %jit3A_1097 = arith.constant 1 : i32
    %select_n3A_1098 = arith.select %eq3A_1096, %jit3A_1097, %jit3A_1094 : i32
    %rem3A_1099 = vector.broadcast %select_n3A_1098 : i32 to vector<16xi32>
    %rem3A_1100 = arith.remsi %add3A_1093, %rem3A_1099 : vector<16xi32>
    %ne3A_1101 = arith.constant 0 : i32
    %ne3A_1102 = vector.broadcast %ne3A_1101 : i32 to vector<16xi32>
    %ne3A_1103 = arith.cmpi ne, %rem3A_1100, %ne3A_1102 : vector<16xi32>
    %lt3A_1104 = arith.constant 0 : i32
    %lt3A_1105 = vector.broadcast %lt3A_1104 : i32 to vector<16xi32>
    %lt3A_1106 = arith.cmpi slt, %rem3A_1100, %lt3A_1105 : vector<16xi32>
    %lt3A_1107 = arith.constant 0 : i32
    %lt3A_1108 = arith.cmpi slt, %select_n3A_1098, %lt3A_1107 : i32
    %ne3A_1109 = vector.broadcast %lt3A_1108 : i1 to vector<16xi1>
    %ne3A_1110 = vector.broadcast %ne3A_1109 : vector<16xi1> to vector<16xi1>
    %ne3A_1111 = arith.xori %lt3A_1106, %ne3A_1110 : vector<16xi1>
    %and3A_1112 = arith.andi %ne3A_1111, %ne3A_1103 : vector<16xi1>
    %add3A_1113 = vector.broadcast %select_n3A_1098 : i32 to vector<16xi32>
    %add3A_1114 = arith.addi %rem3A_1100, %add3A_1113 : vector<16xi32>
    %select_n3A_1115 = arith.select %and3A_1112, %add3A_1114, %rem3A_1100 : vector<16xi1>, vector<16xi32>
    %add3A_1116 = arith.constant 10000 : i32
    %add3A_1117 = vector.broadcast %add3A_1116 : i32 to vector<16xi32>
    %add3A_1118 = arith.addi %add3A_1117, %select_n3A_1115 : vector<16xi32>
    %swap3A_1119 = arith.constant 159 : i32
    %swap3A_1120 = arith.index_cast %swap3A_1119 : i32 to index
    %swap3A_1121 = arith.constant 32 : index
    %swap3A_1122 = tpu.vector_load %arg7[%swap3A_1120, %swap3A_1121] {strides = array<i32>} : memref<160x128xi32, #tpu.memory_space<vmem>>, vector<1x16xi32>,
    %swap3A_1123 = vector.shape_cast %swap3A_1122 : vector<1x16xi32> to vector<16xi32>
    %swap3A_1124 = vector.shape_cast %add3A_1118 : vector<16xi32> to vector<1x16xi32>
    tpu.vector_store %arg7[%swap3A_1120, %swap3A_1121], %swap3A_1124 {strides = array<i32>} : memref<160x128xi32, #tpu.memory_space<vmem>>, vector<1x16xi32>,
    %swap3A_1125 = arith.constant 159 : i32
    %swap3A_1126 = arith.index_cast %swap3A_1125 : i32 to index
    %swap3A_1127 = arith.constant 32 : index
    %swap3A_1128 = tpu.vector_load %arg8[%swap3A_1126, %swap3A_1127] {strides = array<i32>} : memref<160x128xi32, #tpu.memory_space<vmem>>, vector<1x16xi32>,
    %swap3A_1129 = vector.shape_cast %swap3A_1128 : vector<1x16xi32> to vector<16xi32>
    %swap3A_1130 = vector.shape_cast %add3A_1118 : vector<16xi32> to vector<1x16xi32>
    tpu.vector_store %arg8[%swap3A_1126, %swap3A_1127], %swap3A_1130 {strides = array<i32>} : memref<160x128xi32, #tpu.memory_space<vmem>>, vector<1x16xi32>,
    %add3A_1131 = arith.constant 20400 : i32
    %add3A_1132 = vector.broadcast %add3A_1131 : i32 to vector<16xi32>
    %add3A_1133 = arith.addi %add3A_1132, %iota3A : vector<16xi32>
    %jit3A_1134 = arith.constant 240 : i32
    %eq3A_1135 = arith.constant 0 : i32
    %eq3A_1136 = arith.cmpi eq, %jit3A_1134, %eq3A_1135 : i32
    %jit3A_1137 = arith.constant 1 : i32
    %select_n3A_1138 = arith.select %eq3A_1136, %jit3A_1137, %jit3A_1134 : i32
    %rem3A_1139 = vector.broadcast %select_n3A_1138 : i32 to vector<16xi32>
    %rem3A_1140 = arith.remsi %add3A_1133, %rem3A_1139 : vector<16xi32>
    %ne3A_1141 = arith.constant 0 : i32
    %ne3A_1142 = vector.broadcast %ne3A_1141 : i32 to vector<16xi32>
    %ne3A_1143 = arith.cmpi ne, %rem3A_1140, %ne3A_1142 : vector<16xi32>
    %lt3A_1144 = arith.constant 0 : i32
    %lt3A_1145 = vector.broadcast %lt3A_1144 : i32 to vector<16xi32>
    %lt3A_1146 = arith.cmpi slt, %rem3A_1140, %lt3A_1145 : vector<16xi32>
    %lt3A_1147 = arith.constant 0 : i32
    %lt3A_1148 = arith.cmpi slt, %select_n3A_1138, %lt3A_1147 : i32
    %ne3A_1149 = vector.broadcast %lt3A_1148 : i1 to vector<16xi1>
    %ne3A_1150 = vector.broadcast %ne3A_1149 : vector<16xi1> to vector<16xi1>
    %ne3A_1151 = arith.xori %lt3A_1146, %ne3A_1150 : vector<16xi1>
    %and3A_1152 = arith.andi %ne3A_1151, %ne3A_1143 : vector<16xi1>
    %add3A_1153 = vector.broadcast %select_n3A_1138 : i32 to vector<16xi32>
    %add3A_1154 = arith.addi %rem3A_1140, %add3A_1153 : vector<16xi32>
    %select_n3A_1155 = arith.select %and3A_1152, %add3A_1154, %rem3A_1140 : vector<16xi1>, vector<16xi32>
    %add3A_1156 = arith.constant 10000 : i32
    %add3A_1157 = vector.broadcast %add3A_1156 : i32 to vector<16xi32>
    %add3A_1158 = arith.addi %add3A_1157, %select_n3A_1155 : vector<16xi32>
    %swap3A_1159 = arith.constant 159 : i32
    %swap3A_1160 = arith.index_cast %swap3A_1159 : i32 to index
    %swap3A_1161 = arith.constant 48 : index
    %swap3A_1162 = tpu.vector_load %arg7[%swap3A_1160, %swap3A_1161] {strides = array<i32>} : memref<160x128xi32, #tpu.memory_space<vmem>>, vector<1x16xi32>,
    %swap3A_1163 = vector.shape_cast %swap3A_1162 : vector<1x16xi32> to vector<16xi32>
    %swap3A_1164 = vector.shape_cast %add3A_1158 : vector<16xi32> to vector<1x16xi32>
    tpu.vector_store %arg7[%swap3A_1160, %swap3A_1161], %swap3A_1164 {strides = array<i32>} : memref<160x128xi32, #tpu.memory_space<vmem>>, vector<1x16xi32>,
    %swap3A_1165 = arith.constant 159 : i32
    %swap3A_1166 = arith.index_cast %swap3A_1165 : i32 to index
    %swap3A_1167 = arith.constant 48 : index
    %swap3A_1168 = tpu.vector_load %arg8[%swap3A_1166, %swap3A_1167] {strides = array<i32>} : memref<160x128xi32, #tpu.memory_space<vmem>>, vector<1x16xi32>,
    %swap3A_1169 = vector.shape_cast %swap3A_1168 : vector<1x16xi32> to vector<16xi32>
    %swap3A_1170 = vector.shape_cast %add3A_1158 : vector<16xi32> to vector<1x16xi32>
    tpu.vector_store %arg8[%swap3A_1166, %swap3A_1167], %swap3A_1170 {strides = array<i32>} : memref<160x128xi32, #tpu.memory_space<vmem>>, vector<1x16xi32>,
    %add3A_1171 = arith.constant 20416 : i32
    %add3A_1172 = vector.broadcast %add3A_1171 : i32 to vector<16xi32>
    %add3A_1173 = arith.addi %add3A_1172, %iota3A : vector<16xi32>
    %jit3A_1174 = arith.constant 240 : i32
    %eq3A_1175 = arith.constant 0 : i32
    %eq3A_1176 = arith.cmpi eq, %jit3A_1174, %eq3A_1175 : i32
    %jit3A_1177 = arith.constant 1 : i32
    %select_n3A_1178 = arith.select %eq3A_1176, %jit3A_1177, %jit3A_1174 : i32
    %rem3A_1179 = vector.broadcast %select_n3A_1178 : i32 to vector<16xi32>
    %rem3A_1180 = arith.remsi %add3A_1173, %rem3A_1179 : vector<16xi32>
    %ne3A_1181 = arith.constant 0 : i32
    %ne3A_1182 = vector.broadcast %ne3A_1181 : i32 to vector<16xi32>
    %ne3A_1183 = arith.cmpi ne, %rem3A_1180, %ne3A_1182 : vector<16xi32>
    %lt3A_1184 = arith.constant 0 : i32
    %lt3A_1185 = vector.broadcast %lt3A_1184 : i32 to vector<16xi32>
    %lt3A_1186 = arith.cmpi slt, %rem3A_1180, %lt3A_1185 : vector<16xi32>
    %lt3A_1187 = arith.constant 0 : i32
    %lt3A_1188 = arith.cmpi slt, %select_n3A_1178, %lt3A_1187 : i32
    %ne3A_1189 = vector.broadcast %lt3A_1188 : i1 to vector<16xi1>
    %ne3A_1190 = vector.broadcast %ne3A_1189 : vector<16xi1> to vector<16xi1>
    %ne3A_1191 = arith.xori %lt3A_1186, %ne3A_1190 : vector<16xi1>
    %and3A_1192 = arith.andi %ne3A_1191, %ne3A_1183 : vector<16xi1>
    %add3A_1193 = vector.broadcast %select_n3A_1178 : i32 to vector<16xi32>
    %add3A_1194 = arith.addi %rem3A_1180, %add3A_1193 : vector<16xi32>
    %select_n3A_1195 = arith.select %and3A_1192, %add3A_1194, %rem3A_1180 : vector<16xi1>, vector<16xi32>
    %add3A_1196 = arith.constant 10000 : i32
    %add3A_1197 = vector.broadcast %add3A_1196 : i32 to vector<16xi32>
    %add3A_1198 = arith.addi %add3A_1197, %select_n3A_1195 : vector<16xi32>
    %swap3A_1199 = arith.constant 159 : i32
    %swap3A_1200 = arith.index_cast %swap3A_1199 : i32 to index
    %swap3A_1201 = arith.constant 64 : index
    %swap3A_1202 = tpu.vector_load %arg7[%swap3A_1200, %swap3A_1201] {strides = array<i32>} : memref<160x128xi32, #tpu.memory_space<vmem>>, vector<1x16xi32>,
    %swap3A_1203 = vector.shape_cast %swap3A_1202 : vector<1x16xi32> to vector<16xi32>
    %swap3A_1204 = vector.shape_cast %add3A_1198 : vector<16xi32> to vector<1x16xi32>
    tpu.vector_store %arg7[%swap3A_1200, %swap3A_1201], %swap3A_1204 {strides = array<i32>} : memref<160x128xi32, #tpu.memory_space<vmem>>, vector<1x16xi32>,
    %swap3A_1205 = arith.constant 159 : i32
    %swap3A_1206 = arith.index_cast %swap3A_1205 : i32 to index
    %swap3A_1207 = arith.constant 64 : index
    %swap3A_1208 = tpu.vector_load %arg8[%swap3A_1206, %swap3A_1207] {strides = array<i32>} : memref<160x128xi32, #tpu.memory_space<vmem>>, vector<1x16xi32>,
    %swap3A_1209 = vector.shape_cast %swap3A_1208 : vector<1x16xi32> to vector<16xi32>
    %swap3A_1210 = vector.shape_cast %add3A_1198 : vector<16xi32> to vector<1x16xi32>
    tpu.vector_store %arg8[%swap3A_1206, %swap3A_1207], %swap3A_1210 {strides = array<i32>} : memref<160x128xi32, #tpu.memory_space<vmem>>, vector<1x16xi32>,
    %add3A_1211 = arith.constant 20432 : i32
    %add3A_1212 = vector.broadcast %add3A_1211 : i32 to vector<16xi32>
    %add3A_1213 = arith.addi %add3A_1212, %iota3A : vector<16xi32>
    %jit3A_1214 = arith.constant 240 : i32
    %eq3A_1215 = arith.constant 0 : i32
    %eq3A_1216 = arith.cmpi eq, %jit3A_1214, %eq3A_1215 : i32
    %jit3A_1217 = arith.constant 1 : i32
    %select_n3A_1218 = arith.select %eq3A_1216, %jit3A_1217, %jit3A_1214 : i32
    %rem3A_1219 = vector.broadcast %select_n3A_1218 : i32 to vector<16xi32>
    %rem3A_1220 = arith.remsi %add3A_1213, %rem3A_1219 : vector<16xi32>
    %ne3A_1221 = arith.constant 0 : i32
    %ne3A_1222 = vector.broadcast %ne3A_1221 : i32 to vector<16xi32>
    %ne3A_1223 = arith.cmpi ne, %rem3A_1220, %ne3A_1222 : vector<16xi32>
    %lt3A_1224 = arith.constant 0 : i32
    %lt3A_1225 = vector.broadcast %lt3A_1224 : i32 to vector<16xi32>
    %lt3A_1226 = arith.cmpi slt, %rem3A_1220, %lt3A_1225 : vector<16xi32>
    %lt3A_1227 = arith.constant 0 : i32
    %lt3A_1228 = arith.cmpi slt, %select_n3A_1218, %lt3A_1227 : i32
    %ne3A_1229 = vector.broadcast %lt3A_1228 : i1 to vector<16xi1>
    %ne3A_1230 = vector.broadcast %ne3A_1229 : vector<16xi1> to vector<16xi1>
    %ne3A_1231 = arith.xori %lt3A_1226, %ne3A_1230 : vector<16xi1>
    %and3A_1232 = arith.andi %ne3A_1231, %ne3A_1223 : vector<16xi1>
    %add3A_1233 = vector.broadcast %select_n3A_1218 : i32 to vector<16xi32>
    %add3A_1234 = arith.addi %rem3A_1220, %add3A_1233 : vector<16xi32>
    %select_n3A_1235 = arith.select %and3A_1232, %add3A_1234, %rem3A_1220 : vector<16xi1>, vector<16xi32>
    %add3A_1236 = arith.constant 10000 : i32
    %add3A_1237 = vector.broadcast %add3A_1236 : i32 to vector<16xi32>
    %add3A_1238 = arith.addi %add3A_1237, %select_n3A_1235 : vector<16xi32>
    %swap3A_1239 = arith.constant 159 : i32
    %swap3A_1240 = arith.index_cast %swap3A_1239 : i32 to index
    %swap3A_1241 = arith.constant 80 : index
    %swap3A_1242 = tpu.vector_load %arg7[%swap3A_1240, %swap3A_1241] {strides = array<i32>} : memref<160x128xi32, #tpu.memory_space<vmem>>, vector<1x16xi32>,
    %swap3A_1243 = vector.shape_cast %swap3A_1242 : vector<1x16xi32> to vector<16xi32>
    %swap3A_1244 = vector.shape_cast %add3A_1238 : vector<16xi32> to vector<1x16xi32>
    tpu.vector_store %arg7[%swap3A_1240, %swap3A_1241], %swap3A_1244 {strides = array<i32>} : memref<160x128xi32, #tpu.memory_space<vmem>>, vector<1x16xi32>,
    %swap3A_1245 = arith.constant 159 : i32
    %swap3A_1246 = arith.index_cast %swap3A_1245 : i32 to index
    %swap3A_1247 = arith.constant 80 : index
    %swap3A_1248 = tpu.vector_load %arg8[%swap3A_1246, %swap3A_1247] {strides = array<i32>} : memref<160x128xi32, #tpu.memory_space<vmem>>, vector<1x16xi32>,
    %swap3A_1249 = vector.shape_cast %swap3A_1248 : vector<1x16xi32> to vector<16xi32>
    %swap3A_1250 = vector.shape_cast %add3A_1238 : vector<16xi32> to vector<1x16xi32>
    tpu.vector_store %arg8[%swap3A_1246, %swap3A_1247], %swap3A_1250 {strides = array<i32>} : memref<160x128xi32, #tpu.memory_space<vmem>>, vector<1x16xi32>,
    %add3A_1251 = arith.constant 20448 : i32
    %add3A_1252 = vector.broadcast %add3A_1251 : i32 to vector<16xi32>
    %add3A_1253 = arith.addi %add3A_1252, %iota3A : vector<16xi32>
    %jit3A_1254 = arith.constant 240 : i32
    %eq3A_1255 = arith.constant 0 : i32
    %eq3A_1256 = arith.cmpi eq, %jit3A_1254, %eq3A_1255 : i32
    %jit3A_1257 = arith.constant 1 : i32
    %select_n3A_1258 = arith.select %eq3A_1256, %jit3A_1257, %jit3A_1254 : i32
    %rem3A_1259 = vector.broadcast %select_n3A_1258 : i32 to vector<16xi32>
    %rem3A_1260 = arith.remsi %add3A_1253, %rem3A_1259 : vector<16xi32>
    %ne3A_1261 = arith.constant 0 : i32
    %ne3A_1262 = vector.broadcast %ne3A_1261 : i32 to vector<16xi32>
    %ne3A_1263 = arith.cmpi ne, %rem3A_1260, %ne3A_1262 : vector<16xi32>
    %lt3A_1264 = arith.constant 0 : i32
    %lt3A_1265 = vector.broadcast %lt3A_1264 : i32 to vector<16xi32>
    %lt3A_1266 = arith.cmpi slt, %rem3A_1260, %lt3A_1265 : vector<16xi32>
    %lt3A_1267 = arith.constant 0 : i32
    %lt3A_1268 = arith.cmpi slt, %select_n3A_1258, %lt3A_1267 : i32
    %ne3A_1269 = vector.broadcast %lt3A_1268 : i1 to vector<16xi1>
    %ne3A_1270 = vector.broadcast %ne3A_1269 : vector<16xi1> to vector<16xi1>
    %ne3A_1271 = arith.xori %lt3A_1266, %ne3A_1270 : vector<16xi1>
    %and3A_1272 = arith.andi %ne3A_1271, %ne3A_1263 : vector<16xi1>
    %add3A_1273 = vector.broadcast %select_n3A_1258 : i32 to vector<16xi32>
    %add3A_1274 = arith.addi %rem3A_1260, %add3A_1273 : vector<16xi32>
    %select_n3A_1275 = arith.select %and3A_1272, %add3A_1274, %rem3A_1260 : vector<16xi1>, vector<16xi32>
    %add3A_1276 = arith.constant 10000 : i32
    %add3A_1277 = vector.broadcast %add3A_1276 : i32 to vector<16xi32>
    %add3A_1278 = arith.addi %add3A_1277, %select_n3A_1275 : vector<16xi32>
    %swap3A_1279 = arith.constant 159 : i32
    %swap3A_1280 = arith.index_cast %swap3A_1279 : i32 to index
    %swap3A_1281 = arith.constant 96 : index
    %swap3A_1282 = tpu.vector_load %arg7[%swap3A_1280, %swap3A_1281] {strides = array<i32>} : memref<160x128xi32, #tpu.memory_space<vmem>>, vector<1x16xi32>,
    %swap3A_1283 = vector.shape_cast %swap3A_1282 : vector<1x16xi32> to vector<16xi32>
    %swap3A_1284 = vector.shape_cast %add3A_1278 : vector<16xi32> to vector<1x16xi32>
    tpu.vector_store %arg7[%swap3A_1280, %swap3A_1281], %swap3A_1284 {strides = array<i32>} : memref<160x128xi32, #tpu.memory_space<vmem>>, vector<1x16xi32>,
    %swap3A_1285 = arith.constant 159 : i32
    %swap3A_1286 = arith.index_cast %swap3A_1285 : i32 to index
    %swap3A_1287 = arith.constant 96 : index
    %swap3A_1288 = tpu.vector_load %arg8[%swap3A_1286, %swap3A_1287] {strides = array<i32>} : memref<160x128xi32, #tpu.memory_space<vmem>>, vector<1x16xi32>,
    %swap3A_1289 = vector.shape_cast %swap3A_1288 : vector<1x16xi32> to vector<16xi32>
    %swap3A_1290 = vector.shape_cast %add3A_1278 : vector<16xi32> to vector<1x16xi32>
    tpu.vector_store %arg8[%swap3A_1286, %swap3A_1287], %swap3A_1290 {strides = array<i32>} : memref<160x128xi32, #tpu.memory_space<vmem>>, vector<1x16xi32>,
    %add3A_1291 = arith.constant 20464 : i32
    %add3A_1292 = vector.broadcast %add3A_1291 : i32 to vector<16xi32>
    %add3A_1293 = arith.addi %add3A_1292, %iota3A : vector<16xi32>
    %jit3A_1294 = arith.constant 240 : i32
    %eq3A_1295 = arith.constant 0 : i32
    %eq3A_1296 = arith.cmpi eq, %jit3A_1294, %eq3A_1295 : i32
    %jit3A_1297 = arith.constant 1 : i32
    %select_n3A_1298 = arith.select %eq3A_1296, %jit3A_1297, %jit3A_1294 : i32
    %rem3A_1299 = vector.broadcast %select_n3A_1298 : i32 to vector<16xi32>
    %rem3A_1300 = arith.remsi %add3A_1293, %rem3A_1299 : vector<16xi32>
    %ne3A_1301 = arith.constant 0 : i32
    %ne3A_1302 = vector.broadcast %ne3A_1301 : i32 to vector<16xi32>
    %ne3A_1303 = arith.cmpi ne, %rem3A_1300, %ne3A_1302 : vector<16xi32>
    %lt3A_1304 = arith.constant 0 : i32
    %lt3A_1305 = vector.broadcast %lt3A_1304 : i32 to vector<16xi32>
    %lt3A_1306 = arith.cmpi slt, %rem3A_1300, %lt3A_1305 : vector<16xi32>
    %lt3A_1307 = arith.constant 0 : i32
    %lt3A_1308 = arith.cmpi slt, %select_n3A_1298, %lt3A_1307 : i32
    %ne3A_1309 = vector.broadcast %lt3A_1308 : i1 to vector<16xi1>
    %ne3A_1310 = vector.broadcast %ne3A_1309 : vector<16xi1> to vector<16xi1>
    %ne3A_1311 = arith.xori %lt3A_1306, %ne3A_1310 : vector<16xi1>
    %and3A_1312 = arith.andi %ne3A_1311, %ne3A_1303 : vector<16xi1>
    %add3A_1313 = vector.broadcast %select_n3A_1298 : i32 to vector<16xi32>
    %add3A_1314 = arith.addi %rem3A_1300, %add3A_1313 : vector<16xi32>
    %select_n3A_1315 = arith.select %and3A_1312, %add3A_1314, %rem3A_1300 : vector<16xi1>, vector<16xi32>
    %add3A_1316 = arith.constant 10000 : i32
    %add3A_1317 = vector.broadcast %add3A_1316 : i32 to vector<16xi32>
    %add3A_1318 = arith.addi %add3A_1317, %select_n3A_1315 : vector<16xi32>
    %swap3A_1319 = arith.constant 159 : i32
    %swap3A_1320 = arith.index_cast %swap3A_1319 : i32 to index
    %swap3A_1321 = arith.constant 112 : index
    %swap3A_1322 = tpu.vector_load %arg7[%swap3A_1320, %swap3A_1321] {strides = array<i32>} : memref<160x128xi32, #tpu.memory_space<vmem>>, vector<1x16xi32>,
    %swap3A_1323 = vector.shape_cast %swap3A_1322 : vector<1x16xi32> to vector<16xi32>
    %swap3A_1324 = vector.shape_cast %add3A_1318 : vector<16xi32> to vector<1x16xi32>
    tpu.vector_store %arg7[%swap3A_1320, %swap3A_1321], %swap3A_1324 {strides = array<i32>} : memref<160x128xi32, #tpu.memory_space<vmem>>, vector<1x16xi32>,
    %swap3A_1325 = arith.constant 159 : i32
    %swap3A_1326 = arith.index_cast %swap3A_1325 : i32 to index
    %swap3A_1327 = arith.constant 112 : index
    %swap3A_1328 = tpu.vector_load %arg8[%swap3A_1326, %swap3A_1327] {strides = array<i32>} : memref<160x128xi32, #tpu.memory_space<vmem>>, vector<1x16xi32>,
    %swap3A_1329 = vector.shape_cast %swap3A_1328 : vector<1x16xi32> to vector<16xi32>
    %swap3A_1330 = vector.shape_cast %add3A_1318 : vector<16xi32> to vector<1x16xi32>
    tpu.vector_store %arg8[%swap3A_1326, %swap3A_1327], %swap3A_1330 {strides = array<i32>} : memref<160x128xi32, #tpu.memory_space<vmem>>, vector<1x16xi32>,
    %eq3A_1331 = arith.constant 0 : i32
    %eq3A_1332 = arith.cmpi eq, %arg0, %eq3A_1331 : i32
    %convert_element_type3A = arith.extui %eq3A_1332 : i1 to i32
    %cond3A = arith.constant 0 : i32
    %cond3A_1333 = arith.cmpi ne, %convert_element_type3A, %cond3A : i32
    scf.if %cond3A_1333 {
      %run_scoped3A = arith.constant 0 : i32
      "tpu.region"() ({
        %run_scoped3A_1383 = tpu.sem_alloc : memref<!tpu.dma_semaphore, #tpu.memory_space<semaphore_mem>>
        %dma_start3A = arith.constant 0 : i32
        %dma_start3A_1384 = arith.constant 0 : i32
        %dma_start3A_1385 = tpu.memref_slice %arg7[%dma_start3A, %dma_start3A_1384] : memref<160x128xi32, #tpu.memory_space<vmem>> -> memref<156x128xi32, #tpu.memory_space<vmem>>
        %dma_start3A_1386 = arith.constant 0 : i32
        %dma_start3A_1387 = tpu.memref_slice %arg2[%run_scoped3A, %add3A, %dma_start3A_1386] : memref<2x2500x128xi32, #tpu.memory_space<hbm>> -> memref<1x156x128xi32, #tpu.memory_space<hbm>>
        %dma_start3A_1388 = tpu.memref_squeeze %dma_start3A_1387 : memref<1x156x128xi32, #tpu.memory_space<hbm>> -> memref<156x128xi32, #tpu.memory_space<hbm>>
        %dma_start3A_1389 = arith.constant 0 : i32
        %dma_start3A_1390 = arith.constant 0 : i32
        %dma_start3A_1391 = tpu.memref_slice %arg7[%dma_start3A_1389, %dma_start3A_1390] : memref<160x128xi32, #tpu.memory_space<vmem>> -> memref<156x128xi32, #tpu.memory_space<vmem>>
        %dma_start3A_1392 = arith.constant 0 : i32
        %dma_start3A_1393 = tpu.memref_slice %arg2[%run_scoped3A, %add3A, %dma_start3A_1392] : memref<2x2500x128xi32, #tpu.memory_space<hbm>> -> memref<1x156x128xi32, #tpu.memory_space<hbm>>
        %dma_start3A_1394 = tpu.memref_squeeze %dma_start3A_1393 : memref<1x156x128xi32, #tpu.memory_space<hbm>> -> memref<156x128xi32, #tpu.memory_space<hbm>>
        tpu.enqueue_dma source(%dma_start3A_1394 : memref<156x128xi32, #tpu.memory_space<hbm>>) target(%dma_start3A_1391 : memref<156x128xi32, #tpu.memory_space<vmem>>) target_semaphore(%run_scoped3A_1383 : memref<!tpu.dma_semaphore, #tpu.memory_space<semaphore_mem>>)
        %dma_wait3A = arith.constant 0 : i32
        %dma_wait3A_1395 = arith.constant 0 : i32
        %dma_wait3A_1396 = tpu.memref_slice %arg7[%dma_wait3A, %dma_wait3A_1395] : memref<160x128xi32, #tpu.memory_space<vmem>> -> memref<156x128xi32, #tpu.memory_space<vmem>>
        %dma_wait3A_1397 = arith.constant 0 : i32
        %dma_wait3A_1398 = tpu.memref_slice %arg2[%run_scoped3A, %add3A, %dma_wait3A_1397] : memref<2x2500x128xi32, #tpu.memory_space<hbm>> -> memref<1x156x128xi32, #tpu.memory_space<hbm>>
        %dma_wait3A_1399 = tpu.memref_squeeze %dma_wait3A_1398 : memref<1x156x128xi32, #tpu.memory_space<hbm>> -> memref<156x128xi32, #tpu.memory_space<hbm>>
        %dma_wait3A_1400 = arith.constant 0 : i32
        %dma_wait3A_1401 = arith.constant 0 : i32
        %dma_wait3A_1402 = tpu.memref_slice %arg7[%dma_wait3A_1400, %dma_wait3A_1401] : memref<160x128xi32, #tpu.memory_space<vmem>> -> memref<156x128xi32, #tpu.memory_space<vmem>>
        %dma_wait3A_1403 = arith.constant 0 : i32
        %dma_wait3A_1404 = tpu.memref_slice %arg2[%run_scoped3A, %add3A, %dma_wait3A_1403] : memref<2x2500x128xi32, #tpu.memory_space<hbm>> -> memref<1x156x128xi32, #tpu.memory_space<hbm>>
        %dma_wait3A_1405 = tpu.memref_squeeze %dma_wait3A_1404 : memref<1x156x128xi32, #tpu.memory_space<hbm>> -> memref<156x128xi32, #tpu.memory_space<hbm>>
        tpu.wait_dma2 semaphore(%run_scoped3A_1383 : memref<!tpu.dma_semaphore, #tpu.memory_space<semaphore_mem>>) src(%dma_wait3A_1405 : memref<156x128xi32, #tpu.memory_space<hbm>>) dst(%dma_wait3A_1402 : memref<156x128xi32, #tpu.memory_space<vmem>>)
        tpu.yield
      }) : () -> ()
      %run_scoped3A_1382 = arith.constant 1 : i32
      "tpu.region"() ({
        %run_scoped3A_1383 = tpu.sem_alloc : memref<!tpu.dma_semaphore, #tpu.memory_space<semaphore_mem>>
        %dma_start3A = arith.constant 0 : i32
        %dma_start3A_1384 = arith.constant 0 : i32
        %dma_start3A_1385 = tpu.memref_slice %arg8[%dma_start3A, %dma_start3A_1384] : memref<160x128xi32, #tpu.memory_space<vmem>> -> memref<156x128xi32, #tpu.memory_space<vmem>>
        %dma_start3A_1386 = arith.constant 0 : i32
        %dma_start3A_1387 = tpu.memref_slice %arg2[%run_scoped3A_1382, %add3A, %dma_start3A_1386] : memref<2x2500x128xi32, #tpu.memory_space<hbm>> -> memref<1x156x128xi32, #tpu.memory_space<hbm>>
        %dma_start3A_1388 = tpu.memref_squeeze %dma_start3A_1387 : memref<1x156x128xi32, #tpu.memory_space<hbm>> -> memref<156x128xi32, #tpu.memory_space<hbm>>
        %dma_start3A_1389 = arith.constant 0 : i32
        %dma_start3A_1390 = arith.constant 0 : i32
        %dma_start3A_1391 = tpu.memref_slice %arg8[%dma_start3A_1389, %dma_start3A_1390] : memref<160x128xi32, #tpu.memory_space<vmem>> -> memref<156x128xi32, #tpu.memory_space<vmem>>
        %dma_start3A_1392 = arith.constant 0 : i32
        %dma_start3A_1393 = tpu.memref_slice %arg2[%run_scoped3A_1382, %add3A, %dma_start3A_1392] : memref<2x2500x128xi32, #tpu.memory_space<hbm>> -> memref<1x156x128xi32, #tpu.memory_space<hbm>>
        %dma_start3A_1394 = tpu.memref_squeeze %dma_start3A_1393 : memref<1x156x128xi32, #tpu.memory_space<hbm>> -> memref<156x128xi32, #tpu.memory_space<hbm>>
        tpu.enqueue_dma source(%dma_start3A_1394 : memref<156x128xi32, #tpu.memory_space<hbm>>) target(%dma_start3A_1391 : memref<156x128xi32, #tpu.memory_space<vmem>>) target_semaphore(%run_scoped3A_1383 : memref<!tpu.dma_semaphore, #tpu.memory_space<semaphore_mem>>)
        %dma_wait3A = arith.constant 0 : i32
        %dma_wait3A_1395 = arith.constant 0 : i32
        %dma_wait3A_1396 = tpu.memref_slice %arg8[%dma_wait3A, %dma_wait3A_1395] : memref<160x128xi32, #tpu.memory_space<vmem>> -> memref<156x128xi32, #tpu.memory_space<vmem>>
        %dma_wait3A_1397 = arith.constant 0 : i32
        %dma_wait3A_1398 = tpu.memref_slice %arg2[%run_scoped3A_1382, %add3A, %dma_wait3A_1397] : memref<2x2500x128xi32, #tpu.memory_space<hbm>> -> memref<1x156x128xi32, #tpu.memory_space<hbm>>
        %dma_wait3A_1399 = tpu.memref_squeeze %dma_wait3A_1398 : memref<1x156x128xi32, #tpu.memory_space<hbm>> -> memref<156x128xi32, #tpu.memory_space<hbm>>
        %dma_wait3A_1400 = arith.constant 0 : i32
        %dma_wait3A_1401 = arith.constant 0 : i32
        %dma_wait3A_1402 = tpu.memref_slice %arg8[%dma_wait3A_1400, %dma_wait3A_1401] : memref<160x128xi32, #tpu.memory_space<vmem>> -> memref<156x128xi32, #tpu.memory_space<vmem>>
        %dma_wait3A_1403 = arith.constant 0 : i32
        %dma_wait3A_1404 = tpu.memref_slice %arg2[%run_scoped3A_1382, %add3A, %dma_wait3A_1403] : memref<2x2500x128xi32, #tpu.memory_space<hbm>> -> memref<1x156x128xi32, #tpu.memory_space<hbm>>
        %dma_wait3A_1405 = tpu.memref_squeeze %dma_wait3A_1404 : memref<1x156x128xi32, #tpu.memory_space<hbm>> -> memref<156x128xi32, #tpu.memory_space<hbm>>
        tpu.wait_dma2 semaphore(%run_scoped3A_1383 : memref<!tpu.dma_semaphore, #tpu.memory_space<semaphore_mem>>) src(%dma_wait3A_1405 : memref<156x128xi32, #tpu.memory_space<hbm>>) dst(%dma_wait3A_1402 : memref<156x128xi32, #tpu.memory_space<vmem>>)
        tpu.yield
      }) : () -> ()
    } else {
    }
    %eq3A_1334 = arith.constant 1 : i32
    %eq3A_1335 = arith.cmpi eq, %arg0, %eq3A_1334 : i32
    %convert_element_type3A_1336 = arith.extui %eq3A_1335 : i1 to i32
    %cond3A_1337 = arith.constant 0 : i32
    %cond3A_1338 = arith.cmpi ne, %convert_element_type3A_1336, %cond3A_1337 : i32
    scf.if %cond3A_1338 {
      %run_scoped3A = arith.constant 0 : i32
      "tpu.region"() ({
        %run_scoped3A_1383 = tpu.sem_alloc : memref<!tpu.dma_semaphore, #tpu.memory_space<semaphore_mem>>
        %dma_start3A = arith.constant 0 : i32
        %dma_start3A_1384 = arith.constant 0 : i32
        %dma_start3A_1385 = tpu.memref_slice %arg7[%dma_start3A, %dma_start3A_1384] : memref<160x128xi32, #tpu.memory_space<vmem>> -> memref<156x128xi32, #tpu.memory_space<vmem>>
        %dma_start3A_1386 = arith.constant 0 : i32
        %dma_start3A_1387 = tpu.memref_slice %arg3[%run_scoped3A, %add3A, %dma_start3A_1386] : memref<2x2500x128xi32, #tpu.memory_space<hbm>> -> memref<1x156x128xi32, #tpu.memory_space<hbm>>
        %dma_start3A_1388 = tpu.memref_squeeze %dma_start3A_1387 : memref<1x156x128xi32, #tpu.memory_space<hbm>> -> memref<156x128xi32, #tpu.memory_space<hbm>>
        %dma_start3A_1389 = arith.constant 0 : i32
        %dma_start3A_1390 = arith.constant 0 : i32
        %dma_start3A_1391 = tpu.memref_slice %arg7[%dma_start3A_1389, %dma_start3A_1390] : memref<160x128xi32, #tpu.memory_space<vmem>> -> memref<156x128xi32, #tpu.memory_space<vmem>>
        %dma_start3A_1392 = arith.constant 0 : i32
        %dma_start3A_1393 = tpu.memref_slice %arg3[%run_scoped3A, %add3A, %dma_start3A_1392] : memref<2x2500x128xi32, #tpu.memory_space<hbm>> -> memref<1x156x128xi32, #tpu.memory_space<hbm>>
        %dma_start3A_1394 = tpu.memref_squeeze %dma_start3A_1393 : memref<1x156x128xi32, #tpu.memory_space<hbm>> -> memref<156x128xi32, #tpu.memory_space<hbm>>
        tpu.enqueue_dma source(%dma_start3A_1394 : memref<156x128xi32, #tpu.memory_space<hbm>>) target(%dma_start3A_1391 : memref<156x128xi32, #tpu.memory_space<vmem>>) target_semaphore(%run_scoped3A_1383 : memref<!tpu.dma_semaphore, #tpu.memory_space<semaphore_mem>>)
        %dma_wait3A = arith.constant 0 : i32
        %dma_wait3A_1395 = arith.constant 0 : i32
        %dma_wait3A_1396 = tpu.memref_slice %arg7[%dma_wait3A, %dma_wait3A_1395] : memref<160x128xi32, #tpu.memory_space<vmem>> -> memref<156x128xi32, #tpu.memory_space<vmem>>
        %dma_wait3A_1397 = arith.constant 0 : i32
        %dma_wait3A_1398 = tpu.memref_slice %arg3[%run_scoped3A, %add3A, %dma_wait3A_1397] : memref<2x2500x128xi32, #tpu.memory_space<hbm>> -> memref<1x156x128xi32, #tpu.memory_space<hbm>>
        %dma_wait3A_1399 = tpu.memref_squeeze %dma_wait3A_1398 : memref<1x156x128xi32, #tpu.memory_space<hbm>> -> memref<156x128xi32, #tpu.memory_space<hbm>>
        %dma_wait3A_1400 = arith.constant 0 : i32
        %dma_wait3A_1401 = arith.constant 0 : i32
        %dma_wait3A_1402 = tpu.memref_slice %arg7[%dma_wait3A_1400, %dma_wait3A_1401] : memref<160x128xi32, #tpu.memory_space<vmem>> -> memref<156x128xi32, #tpu.memory_space<vmem>>
        %dma_wait3A_1403 = arith.constant 0 : i32
        %dma_wait3A_1404 = tpu.memref_slice %arg3[%run_scoped3A, %add3A, %dma_wait3A_1403] : memref<2x2500x128xi32, #tpu.memory_space<hbm>> -> memref<1x156x128xi32, #tpu.memory_space<hbm>>
        %dma_wait3A_1405 = tpu.memref_squeeze %dma_wait3A_1404 : memref<1x156x128xi32, #tpu.memory_space<hbm>> -> memref<156x128xi32, #tpu.memory_space<hbm>>
        tpu.wait_dma2 semaphore(%run_scoped3A_1383 : memref<!tpu.dma_semaphore, #tpu.memory_space<semaphore_mem>>) src(%dma_wait3A_1405 : memref<156x128xi32, #tpu.memory_space<hbm>>) dst(%dma_wait3A_1402 : memref<156x128xi32, #tpu.memory_space<vmem>>)
        tpu.yield
      }) : () -> ()
      %run_scoped3A_1382 = arith.constant 1 : i32
      "tpu.region"() ({
        %run_scoped3A_1383 = tpu.sem_alloc : memref<!tpu.dma_semaphore, #tpu.memory_space<semaphore_mem>>
        %dma_start3A = arith.constant 0 : i32
        %dma_start3A_1384 = arith.constant 0 : i32
        %dma_start3A_1385 = tpu.memref_slice %arg8[%dma_start3A, %dma_start3A_1384] : memref<160x128xi32, #tpu.memory_space<vmem>> -> memref<156x128xi32, #tpu.memory_space<vmem>>
        %dma_start3A_1386 = arith.constant 0 : i32
        %dma_start3A_1387 = tpu.memref_slice %arg3[%run_scoped3A_1382, %add3A, %dma_start3A_1386] : memref<2x2500x128xi32, #tpu.memory_space<hbm>> -> memref<1x156x128xi32, #tpu.memory_space<hbm>>
        %dma_start3A_1388 = tpu.memref_squeeze %dma_start3A_1387 : memref<1x156x128xi32, #tpu.memory_space<hbm>> -> memref<156x128xi32, #tpu.memory_space<hbm>>
        %dma_start3A_1389 = arith.constant 0 : i32
        %dma_start3A_1390 = arith.constant 0 : i32
        %dma_start3A_1391 = tpu.memref_slice %arg8[%dma_start3A_1389, %dma_start3A_1390] : memref<160x128xi32, #tpu.memory_space<vmem>> -> memref<156x128xi32, #tpu.memory_space<vmem>>
        %dma_start3A_1392 = arith.constant 0 : i32
        %dma_start3A_1393 = tpu.memref_slice %arg3[%run_scoped3A_1382, %add3A, %dma_start3A_1392] : memref<2x2500x128xi32, #tpu.memory_space<hbm>> -> memref<1x156x128xi32, #tpu.memory_space<hbm>>
        %dma_start3A_1394 = tpu.memref_squeeze %dma_start3A_1393 : memref<1x156x128xi32, #tpu.memory_space<hbm>> -> memref<156x128xi32, #tpu.memory_space<hbm>>
        tpu.enqueue_dma source(%dma_start3A_1394 : memref<156x128xi32, #tpu.memory_space<hbm>>) target(%dma_start3A_1391 : memref<156x128xi32, #tpu.memory_space<vmem>>) target_semaphore(%run_scoped3A_1383 : memref<!tpu.dma_semaphore, #tpu.memory_space<semaphore_mem>>)
        %dma_wait3A = arith.constant 0 : i32
        %dma_wait3A_1395 = arith.constant 0 : i32
        %dma_wait3A_1396 = tpu.memref_slice %arg8[%dma_wait3A, %dma_wait3A_1395] : memref<160x128xi32, #tpu.memory_space<vmem>> -> memref<156x128xi32, #tpu.memory_space<vmem>>
        %dma_wait3A_1397 = arith.constant 0 : i32
        %dma_wait3A_1398 = tpu.memref_slice %arg3[%run_scoped3A_1382, %add3A, %dma_wait3A_1397] : memref<2x2500x128xi32, #tpu.memory_space<hbm>> -> memref<1x156x128xi32, #tpu.memory_space<hbm>>
        %dma_wait3A_1399 = tpu.memref_squeeze %dma_wait3A_1398 : memref<1x156x128xi32, #tpu.memory_space<hbm>> -> memref<156x128xi32, #tpu.memory_space<hbm>>
        %dma_wait3A_1400 = arith.constant 0 : i32
        %dma_wait3A_1401 = arith.constant 0 : i32
        %dma_wait3A_1402 = tpu.memref_slice %arg8[%dma_wait3A_1400, %dma_wait3A_1401] : memref<160x128xi32, #tpu.memory_space<vmem>> -> memref<156x128xi32, #tpu.memory_space<vmem>>
        %dma_wait3A_1403 = arith.constant 0 : i32
        %dma_wait3A_1404 = tpu.memref_slice %arg3[%run_scoped3A_1382, %add3A, %dma_wait3A_1403] : memref<2x2500x128xi32, #tpu.memory_space<hbm>> -> memref<1x156x128xi32, #tpu.memory_space<hbm>>
        %dma_wait3A_1405 = tpu.memref_squeeze %dma_wait3A_1404 : memref<1x156x128xi32, #tpu.memory_space<hbm>> -> memref<156x128xi32, #tpu.memory_space<hbm>>
        tpu.wait_dma2 semaphore(%run_scoped3A_1383 : memref<!tpu.dma_semaphore, #tpu.memory_space<semaphore_mem>>) src(%dma_wait3A_1405 : memref<156x128xi32, #tpu.memory_space<hbm>>) dst(%dma_wait3A_1402 : memref<156x128xi32, #tpu.memory_space<vmem>>)
        tpu.yield
      }) : () -> ()
    } else {
    }
    %eq3A_1339 = arith.constant 0 : i32
    %eq3A_1340 = arith.cmpi eq, %arg0, %eq3A_1339 : i32
    %lt3A_1341 = arith.constant 4 : i32
    %lt3A_1342 = arith.cmpi slt, %arg1, %lt3A_1341 : i32
    %and3A_1343 = arith.andi %eq3A_1340, %lt3A_1342 : i1
    %convert_element_type3A_1344 = arith.extui %and3A_1343 : i1 to i32
    %cond3A_1345 = arith.constant 0 : i32
    %cond3A_1346 = arith.cmpi ne, %convert_element_type3A_1344, %cond3A_1345 : i32
    scf.if %cond3A_1346 {
      %add3A_1382 = arith.constant 156 : i32
      %add3A_1383 = arith.addi %add3A, %add3A_1382 : i32
      %run_scoped3A = arith.constant 0 : i32
      "tpu.region"() ({
        %run_scoped3A_1387 = tpu.sem_alloc : memref<!tpu.dma_semaphore, #tpu.memory_space<semaphore_mem>>
        %dma_start3A = arith.constant 156 : i32
        %dma_start3A_1388 = arith.constant 0 : i32
        %dma_start3A_1389 = tpu.memref_slice %arg7[%dma_start3A, %dma_start3A_1388] : memref<160x128xi32, #tpu.memory_space<vmem>> -> memref<1x128xi32, #tpu.memory_space<vmem>>
        %dma_start3A_1390 = arith.constant 0 : i32
        %dma_start3A_1391 = tpu.memref_slice %arg2[%run_scoped3A, %add3A_1383, %dma_start3A_1390] : memref<2x2500x128xi32, #tpu.memory_space<hbm>> -> memref<1x1x128xi32, #tpu.memory_space<hbm>>
        %dma_start3A_1392 = tpu.memref_squeeze %dma_start3A_1391 : memref<1x1x128xi32, #tpu.memory_space<hbm>> -> memref<1x128xi32, #tpu.memory_space<hbm>>
        %dma_start3A_1393 = arith.constant 156 : i32
        %dma_start3A_1394 = arith.constant 0 : i32
        %dma_start3A_1395 = tpu.memref_slice %arg7[%dma_start3A_1393, %dma_start3A_1394] : memref<160x128xi32, #tpu.memory_space<vmem>> -> memref<1x128xi32, #tpu.memory_space<vmem>>
        %dma_start3A_1396 = arith.constant 0 : i32
        %dma_start3A_1397 = tpu.memref_slice %arg2[%run_scoped3A, %add3A_1383, %dma_start3A_1396] : memref<2x2500x128xi32, #tpu.memory_space<hbm>> -> memref<1x1x128xi32, #tpu.memory_space<hbm>>
        %dma_start3A_1398 = tpu.memref_squeeze %dma_start3A_1397 : memref<1x1x128xi32, #tpu.memory_space<hbm>> -> memref<1x128xi32, #tpu.memory_space<hbm>>
        tpu.enqueue_dma source(%dma_start3A_1398 : memref<1x128xi32, #tpu.memory_space<hbm>>) target(%dma_start3A_1395 : memref<1x128xi32, #tpu.memory_space<vmem>>) target_semaphore(%run_scoped3A_1387 : memref<!tpu.dma_semaphore, #tpu.memory_space<semaphore_mem>>)
        %dma_wait3A = arith.constant 156 : i32
        %dma_wait3A_1399 = arith.constant 0 : i32
        %dma_wait3A_1400 = tpu.memref_slice %arg7[%dma_wait3A, %dma_wait3A_1399] : memref<160x128xi32, #tpu.memory_space<vmem>> -> memref<1x128xi32, #tpu.memory_space<vmem>>
        %dma_wait3A_1401 = arith.constant 0 : i32
        %dma_wait3A_1402 = tpu.memref_slice %arg2[%run_scoped3A, %add3A_1383, %dma_wait3A_1401] : memref<2x2500x128xi32, #tpu.memory_space<hbm>> -> memref<1x1x128xi32, #tpu.memory_space<hbm>>
        %dma_wait3A_1403 = tpu.memref_squeeze %dma_wait3A_1402 : memref<1x1x128xi32, #tpu.memory_space<hbm>> -> memref<1x128xi32, #tpu.memory_space<hbm>>
        %dma_wait3A_1404 = arith.constant 156 : i32
        %dma_wait3A_1405 = arith.constant 0 : i32
        %dma_wait3A_1406 = tpu.memref_slice %arg7[%dma_wait3A_1404, %dma_wait3A_1405] : memref<160x128xi32, #tpu.memory_space<vmem>> -> memref<1x128xi32, #tpu.memory_space<vmem>>
        %dma_wait3A_1407 = arith.constant 0 : i32
        %dma_wait3A_1408 = tpu.memref_slice %arg2[%run_scoped3A, %add3A_1383, %dma_wait3A_1407] : memref<2x2500x128xi32, #tpu.memory_space<hbm>> -> memref<1x1x128xi32, #tpu.memory_space<hbm>>
        %dma_wait3A_1409 = tpu.memref_squeeze %dma_wait3A_1408 : memref<1x1x128xi32, #tpu.memory_space<hbm>> -> memref<1x128xi32, #tpu.memory_space<hbm>>
        tpu.wait_dma2 semaphore(%run_scoped3A_1387 : memref<!tpu.dma_semaphore, #tpu.memory_space<semaphore_mem>>) src(%dma_wait3A_1409 : memref<1x128xi32, #tpu.memory_space<hbm>>) dst(%dma_wait3A_1406 : memref<1x128xi32, #tpu.memory_space<vmem>>)
        tpu.yield
      }) : () -> ()
      %add3A_1384 = arith.constant 156 : i32
      %add3A_1385 = arith.addi %add3A, %add3A_1384 : i32
      %run_scoped3A_1386 = arith.constant 1 : i32
      "tpu.region"() ({
        %run_scoped3A_1387 = tpu.sem_alloc : memref<!tpu.dma_semaphore, #tpu.memory_space<semaphore_mem>>
        %dma_start3A = arith.constant 156 : i32
        %dma_start3A_1388 = arith.constant 0 : i32
        %dma_start3A_1389 = tpu.memref_slice %arg8[%dma_start3A, %dma_start3A_1388] : memref<160x128xi32, #tpu.memory_space<vmem>> -> memref<1x128xi32, #tpu.memory_space<vmem>>
        %dma_start3A_1390 = arith.constant 0 : i32
        %dma_start3A_1391 = tpu.memref_slice %arg2[%run_scoped3A_1386, %add3A_1385, %dma_start3A_1390] : memref<2x2500x128xi32, #tpu.memory_space<hbm>> -> memref<1x1x128xi32, #tpu.memory_space<hbm>>
        %dma_start3A_1392 = tpu.memref_squeeze %dma_start3A_1391 : memref<1x1x128xi32, #tpu.memory_space<hbm>> -> memref<1x128xi32, #tpu.memory_space<hbm>>
        %dma_start3A_1393 = arith.constant 156 : i32
        %dma_start3A_1394 = arith.constant 0 : i32
        %dma_start3A_1395 = tpu.memref_slice %arg8[%dma_start3A_1393, %dma_start3A_1394] : memref<160x128xi32, #tpu.memory_space<vmem>> -> memref<1x128xi32, #tpu.memory_space<vmem>>
        %dma_start3A_1396 = arith.constant 0 : i32
        %dma_start3A_1397 = tpu.memref_slice %arg2[%run_scoped3A_1386, %add3A_1385, %dma_start3A_1396] : memref<2x2500x128xi32, #tpu.memory_space<hbm>> -> memref<1x1x128xi32, #tpu.memory_space<hbm>>
        %dma_start3A_1398 = tpu.memref_squeeze %dma_start3A_1397 : memref<1x1x128xi32, #tpu.memory_space<hbm>> -> memref<1x128xi32, #tpu.memory_space<hbm>>
        tpu.enqueue_dma source(%dma_start3A_1398 : memref<1x128xi32, #tpu.memory_space<hbm>>) target(%dma_start3A_1395 : memref<1x128xi32, #tpu.memory_space<vmem>>) target_semaphore(%run_scoped3A_1387 : memref<!tpu.dma_semaphore, #tpu.memory_space<semaphore_mem>>)
        %dma_wait3A = arith.constant 156 : i32
        %dma_wait3A_1399 = arith.constant 0 : i32
        %dma_wait3A_1400 = tpu.memref_slice %arg8[%dma_wait3A, %dma_wait3A_1399] : memref<160x128xi32, #tpu.memory_space<vmem>> -> memref<1x128xi32, #tpu.memory_space<vmem>>
        %dma_wait3A_1401 = arith.constant 0 : i32
        %dma_wait3A_1402 = tpu.memref_slice %arg2[%run_scoped3A_1386, %add3A_1385, %dma_wait3A_1401] : memref<2x2500x128xi32, #tpu.memory_space<hbm>> -> memref<1x1x128xi32, #tpu.memory_space<hbm>>
        %dma_wait3A_1403 = tpu.memref_squeeze %dma_wait3A_1402 : memref<1x1x128xi32, #tpu.memory_space<hbm>> -> memref<1x128xi32, #tpu.memory_space<hbm>>
        %dma_wait3A_1404 = arith.constant 156 : i32
        %dma_wait3A_1405 = arith.constant 0 : i32
        %dma_wait3A_1406 = tpu.memref_slice %arg8[%dma_wait3A_1404, %dma_wait3A_1405] : memref<160x128xi32, #tpu.memory_space<vmem>> -> memref<1x128xi32, #tpu.memory_space<vmem>>
        %dma_wait3A_1407 = arith.constant 0 : i32
        %dma_wait3A_1408 = tpu.memref_slice %arg2[%run_scoped3A_1386, %add3A_1385, %dma_wait3A_1407] : memref<2x2500x128xi32, #tpu.memory_space<hbm>> -> memref<1x1x128xi32, #tpu.memory_space<hbm>>
        %dma_wait3A_1409 = tpu.memref_squeeze %dma_wait3A_1408 : memref<1x1x128xi32, #tpu.memory_space<hbm>> -> memref<1x128xi32, #tpu.memory_space<hbm>>
        tpu.wait_dma2 semaphore(%run_scoped3A_1387 : memref<!tpu.dma_semaphore, #tpu.memory_space<semaphore_mem>>) src(%dma_wait3A_1409 : memref<1x128xi32, #tpu.memory_space<hbm>>) dst(%dma_wait3A_1406 : memref<1x128xi32, #tpu.memory_space<vmem>>)
        tpu.yield
      }) : () -> ()
    } else {
    }
    %eq3A_1347 = arith.constant 1 : i32
    %eq3A_1348 = arith.cmpi eq, %arg0, %eq3A_1347 : i32
    %lt3A_1349 = arith.constant 4 : i32
    %lt3A_1350 = arith.cmpi slt, %arg1, %lt3A_1349 : i32
    %and3A_1351 = arith.andi %eq3A_1348, %lt3A_1350 : i1
    %convert_element_type3A_1352 = arith.extui %and3A_1351 : i1 to i32
    %cond3A_1353 = arith.constant 0 : i32
    %cond3A_1354 = arith.cmpi ne, %convert_element_type3A_1352, %cond3A_1353 : i32
    scf.if %cond3A_1354 {
      %add3A_1382 = arith.constant 156 : i32
      %add3A_1383 = arith.addi %add3A, %add3A_1382 : i32
      %run_scoped3A = arith.constant 0 : i32
      "tpu.region"() ({
        %run_scoped3A_1387 = tpu.sem_alloc : memref<!tpu.dma_semaphore, #tpu.memory_space<semaphore_mem>>
        %dma_start3A = arith.constant 156 : i32
        %dma_start3A_1388 = arith.constant 0 : i32
        %dma_start3A_1389 = tpu.memref_slice %arg7[%dma_start3A, %dma_start3A_1388] : memref<160x128xi32, #tpu.memory_space<vmem>> -> memref<1x128xi32, #tpu.memory_space<vmem>>
        %dma_start3A_1390 = arith.constant 0 : i32
        %dma_start3A_1391 = tpu.memref_slice %arg3[%run_scoped3A, %add3A_1383, %dma_start3A_1390] : memref<2x2500x128xi32, #tpu.memory_space<hbm>> -> memref<1x1x128xi32, #tpu.memory_space<hbm>>
        %dma_start3A_1392 = tpu.memref_squeeze %dma_start3A_1391 : memref<1x1x128xi32, #tpu.memory_space<hbm>> -> memref<1x128xi32, #tpu.memory_space<hbm>>
        %dma_start3A_1393 = arith.constant 156 : i32
        %dma_start3A_1394 = arith.constant 0 : i32
        %dma_start3A_1395 = tpu.memref_slice %arg7[%dma_start3A_1393, %dma_start3A_1394] : memref<160x128xi32, #tpu.memory_space<vmem>> -> memref<1x128xi32, #tpu.memory_space<vmem>>
        %dma_start3A_1396 = arith.constant 0 : i32
        %dma_start3A_1397 = tpu.memref_slice %arg3[%run_scoped3A, %add3A_1383, %dma_start3A_1396] : memref<2x2500x128xi32, #tpu.memory_space<hbm>> -> memref<1x1x128xi32, #tpu.memory_space<hbm>>
        %dma_start3A_1398 = tpu.memref_squeeze %dma_start3A_1397 : memref<1x1x128xi32, #tpu.memory_space<hbm>> -> memref<1x128xi32, #tpu.memory_space<hbm>>
        tpu.enqueue_dma source(%dma_start3A_1398 : memref<1x128xi32, #tpu.memory_space<hbm>>) target(%dma_start3A_1395 : memref<1x128xi32, #tpu.memory_space<vmem>>) target_semaphore(%run_scoped3A_1387 : memref<!tpu.dma_semaphore, #tpu.memory_space<semaphore_mem>>)
        %dma_wait3A = arith.constant 156 : i32
        %dma_wait3A_1399 = arith.constant 0 : i32
        %dma_wait3A_1400 = tpu.memref_slice %arg7[%dma_wait3A, %dma_wait3A_1399] : memref<160x128xi32, #tpu.memory_space<vmem>> -> memref<1x128xi32, #tpu.memory_space<vmem>>
        %dma_wait3A_1401 = arith.constant 0 : i32
        %dma_wait3A_1402 = tpu.memref_slice %arg3[%run_scoped3A, %add3A_1383, %dma_wait3A_1401] : memref<2x2500x128xi32, #tpu.memory_space<hbm>> -> memref<1x1x128xi32, #tpu.memory_space<hbm>>
        %dma_wait3A_1403 = tpu.memref_squeeze %dma_wait3A_1402 : memref<1x1x128xi32, #tpu.memory_space<hbm>> -> memref<1x128xi32, #tpu.memory_space<hbm>>
        %dma_wait3A_1404 = arith.constant 156 : i32
        %dma_wait3A_1405 = arith.constant 0 : i32
        %dma_wait3A_1406 = tpu.memref_slice %arg7[%dma_wait3A_1404, %dma_wait3A_1405] : memref<160x128xi32, #tpu.memory_space<vmem>> -> memref<1x128xi32, #tpu.memory_space<vmem>>
        %dma_wait3A_1407 = arith.constant 0 : i32
        %dma_wait3A_1408 = tpu.memref_slice %arg3[%run_scoped3A, %add3A_1383, %dma_wait3A_1407] : memref<2x2500x128xi32, #tpu.memory_space<hbm>> -> memref<1x1x128xi32, #tpu.memory_space<hbm>>
        %dma_wait3A_1409 = tpu.memref_squeeze %dma_wait3A_1408 : memref<1x1x128xi32, #tpu.memory_space<hbm>> -> memref<1x128xi32, #tpu.memory_space<hbm>>
        tpu.wait_dma2 semaphore(%run_scoped3A_1387 : memref<!tpu.dma_semaphore, #tpu.memory_space<semaphore_mem>>) src(%dma_wait3A_1409 : memref<1x128xi32, #tpu.memory_space<hbm>>) dst(%dma_wait3A_1406 : memref<1x128xi32, #tpu.memory_space<vmem>>)
        tpu.yield
      }) : () -> ()
      %add3A_1384 = arith.constant 156 : i32
      %add3A_1385 = arith.addi %add3A, %add3A_1384 : i32
      %run_scoped3A_1386 = arith.constant 1 : i32
      "tpu.region"() ({
        %run_scoped3A_1387 = tpu.sem_alloc : memref<!tpu.dma_semaphore, #tpu.memory_space<semaphore_mem>>
        %dma_start3A = arith.constant 156 : i32
        %dma_start3A_1388 = arith.constant 0 : i32
        %dma_start3A_1389 = tpu.memref_slice %arg8[%dma_start3A, %dma_start3A_1388] : memref<160x128xi32, #tpu.memory_space<vmem>> -> memref<1x128xi32, #tpu.memory_space<vmem>>
        %dma_start3A_1390 = arith.constant 0 : i32
        %dma_start3A_1391 = tpu.memref_slice %arg3[%run_scoped3A_1386, %add3A_1385, %dma_start3A_1390] : memref<2x2500x128xi32, #tpu.memory_space<hbm>> -> memref<1x1x128xi32, #tpu.memory_space<hbm>>
        %dma_start3A_1392 = tpu.memref_squeeze %dma_start3A_1391 : memref<1x1x128xi32, #tpu.memory_space<hbm>> -> memref<1x128xi32, #tpu.memory_space<hbm>>
        %dma_start3A_1393 = arith.constant 156 : i32
        %dma_start3A_1394 = arith.constant 0 : i32
        %dma_start3A_1395 = tpu.memref_slice %arg8[%dma_start3A_1393, %dma_start3A_1394] : memref<160x128xi32, #tpu.memory_space<vmem>> -> memref<1x128xi32, #tpu.memory_space<vmem>>
        %dma_start3A_1396 = arith.constant 0 : i32
        %dma_start3A_1397 = tpu.memref_slice %arg3[%run_scoped3A_1386, %add3A_1385, %dma_start3A_1396] : memref<2x2500x128xi32, #tpu.memory_space<hbm>> -> memref<1x1x128xi32, #tpu.memory_space<hbm>>
        %dma_start3A_1398 = tpu.memref_squeeze %dma_start3A_1397 : memref<1x1x128xi32, #tpu.memory_space<hbm>> -> memref<1x128xi32, #tpu.memory_space<hbm>>
        tpu.enqueue_dma source(%dma_start3A_1398 : memref<1x128xi32, #tpu.memory_space<hbm>>) target(%dma_start3A_1395 : memref<1x128xi32, #tpu.memory_space<vmem>>) target_semaphore(%run_scoped3A_1387 : memref<!tpu.dma_semaphore, #tpu.memory_space<semaphore_mem>>)
        %dma_wait3A = arith.constant 156 : i32
        %dma_wait3A_1399 = arith.constant 0 : i32
        %dma_wait3A_1400 = tpu.memref_slice %arg8[%dma_wait3A, %dma_wait3A_1399] : memref<160x128xi32, #tpu.memory_space<vmem>> -> memref<1x128xi32, #tpu.memory_space<vmem>>
        %dma_wait3A_1401 = arith.constant 0 : i32
        %dma_wait3A_1402 = tpu.memref_slice %arg3[%run_scoped3A_1386, %add3A_1385, %dma_wait3A_1401] : memref<2x2500x128xi32, #tpu.memory_space<hbm>> -> memref<1x1x128xi32, #tpu.memory_space<hbm>>
        %dma_wait3A_1403 = tpu.memref_squeeze %dma_wait3A_1402 : memref<1x1x128xi32, #tpu.memory_space<hbm>> -> memref<1x128xi32, #tpu.memory_space<hbm>>
        %dma_wait3A_1404 = arith.constant 156 : i32
        %dma_wait3A_1405 = arith.constant 0 : i32
        %dma_wait3A_1406 = tpu.memref_slice %arg8[%dma_wait3A_1404, %dma_wait3A_1405] : memref<160x128xi32, #tpu.memory_space<vmem>> -> memref<1x128xi32, #tpu.memory_space<vmem>>
        %dma_wait3A_1407 = arith.constant 0 : i32
        %dma_wait3A_1408 = tpu.memref_slice %arg3[%run_scoped3A_1386, %add3A_1385, %dma_wait3A_1407] : memref<2x2500x128xi32, #tpu.memory_space<hbm>> -> memref<1x1x128xi32, #tpu.memory_space<hbm>>
        %dma_wait3A_1409 = tpu.memref_squeeze %dma_wait3A_1408 : memref<1x1x128xi32, #tpu.memory_space<hbm>> -> memref<1x128xi32, #tpu.memory_space<hbm>>
        tpu.wait_dma2 semaphore(%run_scoped3A_1387 : memref<!tpu.dma_semaphore, #tpu.memory_space<semaphore_mem>>) src(%dma_wait3A_1409 : memref<1x128xi32, #tpu.memory_space<hbm>>) dst(%dma_wait3A_1406 : memref<1x128xi32, #tpu.memory_space<vmem>>)
        tpu.yield
      }) : () -> ()
    } else {
    }
    %mul3A_1355 = arith.constant 10240 : i32
    %mul3A_1356 = arith.muli %arg0, %mul3A_1355 : i32
    %scan3A_1357 = arith.constant 0 : i32
    %scan3A_1358 = arith.constant 0 : i32
    %scan3A_1359 = arith.constant 160 : i32
    %scan3A_1360 = arith.addi %scan3A_1358, %scan3A_1359 : i32
    %scan3A_1361 = arith.constant 1 : i32
    %scan3A_1362 = scf.for %scan3A_1382 = %scan3A_1358 to %scan3A_1360 step %scan3A_1361 iter_args(%scan3A_1383 = %scan3A_1357) -> (i32)  : i32 {
      %get3A = arith.index_cast %scan3A_1382 : i32 to index
      %get3A_1384 = arith.constant 0 : index
      %get3A_1385 = tpu.vector_load %arg7[%get3A, %get3A_1384] {strides = array<i32>} : memref<160x128xi32, #tpu.memory_space<vmem>>, vector<1x16xi32>,
      %get3A_1386 = vector.shape_cast %get3A_1385 : vector<1x16xi32> to vector<16xi32>
      %add3A_1387 = vector.broadcast %mul3A_1356 : i32 to vector<16xi32>
      %add3A_1388 = arith.addi %get3A_1386, %add3A_1387 : vector<16xi32>
      %swap3A_1389 = arith.index_cast %scan3A_1382 : i32 to index
      %swap3A_1390 = arith.constant 0 : index
      %swap3A_1391 = tpu.vector_load %arg7[%swap3A_1389, %swap3A_1390] {strides = array<i32>} : memref<160x128xi32, #tpu.memory_space<vmem>>, vector<1x16xi32>,
      %swap3A_1392 = vector.shape_cast %swap3A_1391 : vector<1x16xi32> to vector<16xi32>
      %swap3A_1393 = vector.shape_cast %add3A_1388 : vector<16xi32> to vector<1x16xi32>
      tpu.vector_store %arg7[%swap3A_1389, %swap3A_1390], %swap3A_1393 {strides = array<i32>} : memref<160x128xi32, #tpu.memory_space<vmem>>, vector<1x16xi32>,
      %get3A_1394 = arith.index_cast %scan3A_1382 : i32 to index
      %get3A_1395 = arith.constant 16 : index
      %get3A_1396 = tpu.vector_load %arg7[%get3A_1394, %get3A_1395] {strides = array<i32>} : memref<160x128xi32, #tpu.memory_space<vmem>>, vector<1x16xi32>,
      %get3A_1397 = vector.shape_cast %get3A_1396 : vector<1x16xi32> to vector<16xi32>
      %add3A_1398 = vector.broadcast %mul3A_1356 : i32 to vector<16xi32>
      %add3A_1399 = arith.addi %get3A_1397, %add3A_1398 : vector<16xi32>
      %swap3A_1400 = arith.index_cast %scan3A_1382 : i32 to index
      %swap3A_1401 = arith.constant 16 : index
      %swap3A_1402 = tpu.vector_load %arg7[%swap3A_1400, %swap3A_1401] {strides = array<i32>} : memref<160x128xi32, #tpu.memory_space<vmem>>, vector<1x16xi32>,
      %swap3A_1403 = vector.shape_cast %swap3A_1402 : vector<1x16xi32> to vector<16xi32>
      %swap3A_1404 = vector.shape_cast %add3A_1399 : vector<16xi32> to vector<1x16xi32>
      tpu.vector_store %arg7[%swap3A_1400, %swap3A_1401], %swap3A_1404 {strides = array<i32>} : memref<160x128xi32, #tpu.memory_space<vmem>>, vector<1x16xi32>,
      %get3A_1405 = arith.index_cast %scan3A_1382 : i32 to index
      %get3A_1406 = arith.constant 32 : index
      %get3A_1407 = tpu.vector_load %arg7[%get3A_1405, %get3A_1406] {strides = array<i32>} : memref<160x128xi32, #tpu.memory_space<vmem>>, vector<1x16xi32>,
      %get3A_1408 = vector.shape_cast %get3A_1407 : vector<1x16xi32> to vector<16xi32>
      %add3A_1409 = vector.broadcast %mul3A_1356 : i32 to vector<16xi32>
      %add3A_1410 = arith.addi %get3A_1408, %add3A_1409 : vector<16xi32>
      %swap3A_1411 = arith.index_cast %scan3A_1382 : i32 to index
      %swap3A_1412 = arith.constant 32 : index
      %swap3A_1413 = tpu.vector_load %arg7[%swap3A_1411, %swap3A_1412] {strides = array<i32>} : memref<160x128xi32, #tpu.memory_space<vmem>>, vector<1x16xi32>,
      %swap3A_1414 = vector.shape_cast %swap3A_1413 : vector<1x16xi32> to vector<16xi32>
      %swap3A_1415 = vector.shape_cast %add3A_1410 : vector<16xi32> to vector<1x16xi32>
      tpu.vector_store %arg7[%swap3A_1411, %swap3A_1412], %swap3A_1415 {strides = array<i32>} : memref<160x128xi32, #tpu.memory_space<vmem>>, vector<1x16xi32>,
      %get3A_1416 = arith.index_cast %scan3A_1382 : i32 to index
      %get3A_1417 = arith.constant 48 : index
      %get3A_1418 = tpu.vector_load %arg7[%get3A_1416, %get3A_1417] {strides = array<i32>} : memref<160x128xi32, #tpu.memory_space<vmem>>, vector<1x16xi32>,
      %get3A_1419 = vector.shape_cast %get3A_1418 : vector<1x16xi32> to vector<16xi32>
      %add3A_1420 = vector.broadcast %mul3A_1356 : i32 to vector<16xi32>
      %add3A_1421 = arith.addi %get3A_1419, %add3A_1420 : vector<16xi32>
      %swap3A_1422 = arith.index_cast %scan3A_1382 : i32 to index
      %swap3A_1423 = arith.constant 48 : index
      %swap3A_1424 = tpu.vector_load %arg7[%swap3A_1422, %swap3A_1423] {strides = array<i32>} : memref<160x128xi32, #tpu.memory_space<vmem>>, vector<1x16xi32>,
      %swap3A_1425 = vector.shape_cast %swap3A_1424 : vector<1x16xi32> to vector<16xi32>
      %swap3A_1426 = vector.shape_cast %add3A_1421 : vector<16xi32> to vector<1x16xi32>
      tpu.vector_store %arg7[%swap3A_1422, %swap3A_1423], %swap3A_1426 {strides = array<i32>} : memref<160x128xi32, #tpu.memory_space<vmem>>, vector<1x16xi32>,
      %get3A_1427 = arith.index_cast %scan3A_1382 : i32 to index
      %get3A_1428 = arith.constant 64 : index
      %get3A_1429 = tpu.vector_load %arg7[%get3A_1427, %get3A_1428] {strides = array<i32>} : memref<160x128xi32, #tpu.memory_space<vmem>>, vector<1x16xi32>,
      %get3A_1430 = vector.shape_cast %get3A_1429 : vector<1x16xi32> to vector<16xi32>
      %add3A_1431 = vector.broadcast %mul3A_1356 : i32 to vector<16xi32>
      %add3A_1432 = arith.addi %get3A_1430, %add3A_1431 : vector<16xi32>
      %swap3A_1433 = arith.index_cast %scan3A_1382 : i32 to index
      %swap3A_1434 = arith.constant 64 : index
      %swap3A_1435 = tpu.vector_load %arg7[%swap3A_1433, %swap3A_1434] {strides = array<i32>} : memref<160x128xi32, #tpu.memory_space<vmem>>, vector<1x16xi32>,
      %swap3A_1436 = vector.shape_cast %swap3A_1435 : vector<1x16xi32> to vector<16xi32>
      %swap3A_1437 = vector.shape_cast %add3A_1432 : vector<16xi32> to vector<1x16xi32>
      tpu.vector_store %arg7[%swap3A_1433, %swap3A_1434], %swap3A_1437 {strides = array<i32>} : memref<160x128xi32, #tpu.memory_space<vmem>>, vector<1x16xi32>,
      %get3A_1438 = arith.index_cast %scan3A_1382 : i32 to index
      %get3A_1439 = arith.constant 80 : index
      %get3A_1440 = tpu.vector_load %arg7[%get3A_1438, %get3A_1439] {strides = array<i32>} : memref<160x128xi32, #tpu.memory_space<vmem>>, vector<1x16xi32>,
      %get3A_1441 = vector.shape_cast %get3A_1440 : vector<1x16xi32> to vector<16xi32>
      %add3A_1442 = vector.broadcast %mul3A_1356 : i32 to vector<16xi32>
      %add3A_1443 = arith.addi %get3A_1441, %add3A_1442 : vector<16xi32>
      %swap3A_1444 = arith.index_cast %scan3A_1382 : i32 to index
      %swap3A_1445 = arith.constant 80 : index
      %swap3A_1446 = tpu.vector_load %arg7[%swap3A_1444, %swap3A_1445] {strides = array<i32>} : memref<160x128xi32, #tpu.memory_space<vmem>>, vector<1x16xi32>,
      %swap3A_1447 = vector.shape_cast %swap3A_1446 : vector<1x16xi32> to vector<16xi32>
      %swap3A_1448 = vector.shape_cast %add3A_1443 : vector<16xi32> to vector<1x16xi32>
      tpu.vector_store %arg7[%swap3A_1444, %swap3A_1445], %swap3A_1448 {strides = array<i32>} : memref<160x128xi32, #tpu.memory_space<vmem>>, vector<1x16xi32>,
      %get3A_1449 = arith.index_cast %scan3A_1382 : i32 to index
      %get3A_1450 = arith.constant 96 : index
      %get3A_1451 = tpu.vector_load %arg7[%get3A_1449, %get3A_1450] {strides = array<i32>} : memref<160x128xi32, #tpu.memory_space<vmem>>, vector<1x16xi32>,
      %get3A_1452 = vector.shape_cast %get3A_1451 : vector<1x16xi32> to vector<16xi32>
      %add3A_1453 = vector.broadcast %mul3A_1356 : i32 to vector<16xi32>
      %add3A_1454 = arith.addi %get3A_1452, %add3A_1453 : vector<16xi32>
      %swap3A_1455 = arith.index_cast %scan3A_1382 : i32 to index
      %swap3A_1456 = arith.constant 96 : index
      %swap3A_1457 = tpu.vector_load %arg7[%swap3A_1455, %swap3A_1456] {strides = array<i32>} : memref<160x128xi32, #tpu.memory_space<vmem>>, vector<1x16xi32>,
      %swap3A_1458 = vector.shape_cast %swap3A_1457 : vector<1x16xi32> to vector<16xi32>
      %swap3A_1459 = vector.shape_cast %add3A_1454 : vector<16xi32> to vector<1x16xi32>
      tpu.vector_store %arg7[%swap3A_1455, %swap3A_1456], %swap3A_1459 {strides = array<i32>} : memref<160x128xi32, #tpu.memory_space<vmem>>, vector<1x16xi32>,
      %get3A_1460 = arith.index_cast %scan3A_1382 : i32 to index
      %get3A_1461 = arith.constant 112 : index
      %get3A_1462 = tpu.vector_load %arg7[%get3A_1460, %get3A_1461] {strides = array<i32>} : memref<160x128xi32, #tpu.memory_space<vmem>>, vector<1x16xi32>,
      %get3A_1463 = vector.shape_cast %get3A_1462 : vector<1x16xi32> to vector<16xi32>
      %add3A_1464 = vector.broadcast %mul3A_1356 : i32 to vector<16xi32>
      %add3A_1465 = arith.addi %get3A_1463, %add3A_1464 : vector<16xi32>
      %swap3A_1466 = arith.index_cast %scan3A_1382 : i32 to index
      %swap3A_1467 = arith.constant 112 : index
      %swap3A_1468 = tpu.vector_load %arg7[%swap3A_1466, %swap3A_1467] {strides = array<i32>} : memref<160x128xi32, #tpu.memory_space<vmem>>, vector<1x16xi32>,
      %swap3A_1469 = vector.shape_cast %swap3A_1468 : vector<1x16xi32> to vector<16xi32>
      %swap3A_1470 = vector.shape_cast %add3A_1465 : vector<16xi32> to vector<1x16xi32>
      tpu.vector_store %arg7[%swap3A_1466, %swap3A_1467], %swap3A_1470 {strides = array<i32>} : memref<160x128xi32, #tpu.memory_space<vmem>>, vector<1x16xi32>,
      %scan3A_1471 = arith.constant 0 : i32
      scf.yield %scan3A_1471 : i32
    }
    %scan3A_1363 = arith.constant 160 : i32
    "tpu.region"() ({
      %run_scoped3A = tpu.sem_alloc : memref<!tpu.dma_semaphore, #tpu.memory_space<semaphore_mem>>
      %dma_start3A = arith.constant 0 : i32
      %dma_start3A_1382 = arith.constant 0 : i32
      %dma_start3A_1383 = tpu.memref_slice %arg5[%arg0, %arg1, %dma_start3A, %dma_start3A_1382] : memref<2x16x160x128xi32, #tpu.memory_space<hbm>> -> memref<1x1x160x128xi32, #tpu.memory_space<hbm>>
      %dma_start3A_1384 = tpu.memref_squeeze %dma_start3A_1383 : memref<1x1x160x128xi32, #tpu.memory_space<hbm>> -> memref<160x128xi32, #tpu.memory_space<hbm>>
      %dma_start3A_1385 = arith.constant 0 : i32
      %dma_start3A_1386 = arith.constant 0 : i32
      %dma_start3A_1387 = tpu.memref_slice %arg5[%arg0, %arg1, %dma_start3A_1385, %dma_start3A_1386] : memref<2x16x160x128xi32, #tpu.memory_space<hbm>> -> memref<1x1x160x128xi32, #tpu.memory_space<hbm>>
      %dma_start3A_1388 = tpu.memref_squeeze %dma_start3A_1387 : memref<1x1x160x128xi32, #tpu.memory_space<hbm>> -> memref<160x128xi32, #tpu.memory_space<hbm>>
      tpu.enqueue_dma source(%arg7 : memref<160x128xi32, #tpu.memory_space<vmem>>) target(%dma_start3A_1388 : memref<160x128xi32, #tpu.memory_space<hbm>>) target_semaphore(%run_scoped3A : memref<!tpu.dma_semaphore, #tpu.memory_space<semaphore_mem>>)
      %dma_wait3A = arith.constant 0 : i32
      %dma_wait3A_1389 = arith.constant 0 : i32
      %dma_wait3A_1390 = tpu.memref_slice %arg5[%arg0, %arg1, %dma_wait3A, %dma_wait3A_1389] : memref<2x16x160x128xi32, #tpu.memory_space<hbm>> -> memref<1x1x160x128xi32, #tpu.memory_space<hbm>>
      %dma_wait3A_1391 = tpu.memref_squeeze %dma_wait3A_1390 : memref<1x1x160x128xi32, #tpu.memory_space<hbm>> -> memref<160x128xi32, #tpu.memory_space<hbm>>
      %dma_wait3A_1392 = arith.constant 0 : i32
      %dma_wait3A_1393 = arith.constant 0 : i32
      %dma_wait3A_1394 = tpu.memref_slice %arg5[%arg0, %arg1, %dma_wait3A_1392, %dma_wait3A_1393] : memref<2x16x160x128xi32, #tpu.memory_space<hbm>> -> memref<1x1x160x128xi32, #tpu.memory_space<hbm>>
      %dma_wait3A_1395 = tpu.memref_squeeze %dma_wait3A_1394 : memref<1x1x160x128xi32, #tpu.memory_space<hbm>> -> memref<160x128xi32, #tpu.memory_space<hbm>>
      tpu.wait_dma2 semaphore(%run_scoped3A : memref<!tpu.dma_semaphore, #tpu.memory_space<semaphore_mem>>) src(%arg7 : memref<160x128xi32, #tpu.memory_space<vmem>>) dst(%dma_wait3A_1395 : memref<160x128xi32, #tpu.memory_space<hbm>>)
      tpu.yield
    }) : () -> ()
    "tpu.region"() ({
      %run_scoped3A = tpu.sem_alloc : memref<!tpu.dma_semaphore, #tpu.memory_space<semaphore_mem>>
      %dma_start3A = arith.constant 0 : i32
      %dma_start3A_1382 = arith.constant 0 : i32
      %dma_start3A_1383 = tpu.memref_slice %arg6[%arg0, %arg1, %dma_start3A, %dma_start3A_1382] : memref<2x16x160x128xi32, #tpu.memory_space<hbm>> -> memref<1x1x160x128xi32, #tpu.memory_space<hbm>>
      %dma_start3A_1384 = tpu.memref_squeeze %dma_start3A_1383 : memref<1x1x160x128xi32, #tpu.memory_space<hbm>> -> memref<160x128xi32, #tpu.memory_space<hbm>>
      %dma_start3A_1385 = arith.constant 0 : i32
      %dma_start3A_1386 = arith.constant 0 : i32
      %dma_start3A_1387 = tpu.memref_slice %arg6[%arg0, %arg1, %dma_start3A_1385, %dma_start3A_1386] : memref<2x16x160x128xi32, #tpu.memory_space<hbm>> -> memref<1x1x160x128xi32, #tpu.memory_space<hbm>>
      %dma_start3A_1388 = tpu.memref_squeeze %dma_start3A_1387 : memref<1x1x160x128xi32, #tpu.memory_space<hbm>> -> memref<160x128xi32, #tpu.memory_space<hbm>>
      tpu.enqueue_dma source(%arg8 : memref<160x128xi32, #tpu.memory_space<vmem>>) target(%dma_start3A_1388 : memref<160x128xi32, #tpu.memory_space<hbm>>) target_semaphore(%run_scoped3A : memref<!tpu.dma_semaphore, #tpu.memory_space<semaphore_mem>>)
      %dma_wait3A = arith.constant 0 : i32
      %dma_wait3A_1389 = arith.constant 0 : i32
      %dma_wait3A_1390 = tpu.memref_slice %arg6[%arg0, %arg1, %dma_wait3A, %dma_wait3A_1389] : memref<2x16x160x128xi32, #tpu.memory_space<hbm>> -> memref<1x1x160x128xi32, #tpu.memory_space<hbm>>
      %dma_wait3A_1391 = tpu.memref_squeeze %dma_wait3A_1390 : memref<1x1x160x128xi32, #tpu.memory_space<hbm>> -> memref<160x128xi32, #tpu.memory_space<hbm>>
      %dma_wait3A_1392 = arith.constant 0 : i32
      %dma_wait3A_1393 = arith.constant 0 : i32
      %dma_wait3A_1394 = tpu.memref_slice %arg6[%arg0, %arg1, %dma_wait3A_1392, %dma_wait3A_1393] : memref<2x16x160x128xi32, #tpu.memory_space<hbm>> -> memref<1x1x160x128xi32, #tpu.memory_space<hbm>>
      %dma_wait3A_1395 = tpu.memref_squeeze %dma_wait3A_1394 : memref<1x1x160x128xi32, #tpu.memory_space<hbm>> -> memref<160x128xi32, #tpu.memory_space<hbm>>
      tpu.wait_dma2 semaphore(%run_scoped3A : memref<!tpu.dma_semaphore, #tpu.memory_space<semaphore_mem>>) src(%arg8 : memref<160x128xi32, #tpu.memory_space<vmem>>) dst(%dma_wait3A_1395 : memref<160x128xi32, #tpu.memory_space<hbm>>)
      tpu.yield
    }) : () -> ()
    %barrier3A = arith.constant 0 : index
    tpu.barrier barrier_id(%barrier3A)
    %scan3A_1364 = arith.constant 0 : i32
    %scan3A_1365 = arith.constant 0 : i32
    %scan3A_1366 = arith.constant 20 : i32
    %scan3A_1367 = arith.addi %scan3A_1365, %scan3A_1366 : i32
    %scan3A_1368 = arith.constant 1 : i32
    %scan3A_1369 = scf.for %scan3A_1382 = %scan3A_1365 to %scan3A_1367 step %scan3A_1368 iter_args(%scan3A_1383 = %scan3A_1364) -> (i32)  : i32 {
      %mul3A_1384 = arith.constant 8 : i32
      %mul3A_1385 = arith.muli %mul3A_1384, %scan3A_1382 : i32
      %add3A_1386 = arith.constant 0 : i32
      %add3A_1387 = arith.addi %mul3A_1385, %add3A_1386 : i32
      %dma_start3A = arith.constant 0 : i32
      %dma_start3A_1388 = tpu.memref_slice %arg7[%add3A_1387, %dma_start3A] : memref<160x128xi32, #tpu.memory_space<vmem>> -> memref<1x128xi32, #tpu.memory_space<vmem>>
      %dma_start3A_1389 = tpu.memref_squeeze %dma_start3A_1388 : memref<1x128xi32, #tpu.memory_space<vmem>> -> memref<128xi32, #tpu.memory_space<vmem>>
      %dma_start3A_1390 = arith.constant 0 : i32
      %dma_start3A_1391 = tpu.memref_slice %arg11[%dma_start3A_1390] : memref<20480xf32, #tpu.memory_space<vmem_shared>> -> memref<20480xf32, #tpu.memory_space<vmem_shared>>
      tpu.enqueue_indirect_dma source(%arg9 : memref<128xf32, #tpu.memory_space<vmem>>) target(%dma_start3A_1391 : memref<20480xf32, #tpu.memory_space<vmem_shared>>) offsets(%dma_start3A_1389 : memref<128xi32, #tpu.memory_space<vmem>>) semaphore(%arg13 : memref<!tpu.dma_semaphore, #tpu.memory_space<semaphore_mem>>) {add = true}
      %mul3A_1392 = arith.constant 8 : i32
      %mul3A_1393 = arith.muli %mul3A_1392, %scan3A_1382 : i32
      %add3A_1394 = arith.constant 1 : i32
      %add3A_1395 = arith.addi %mul3A_1393, %add3A_1394 : i32
      %dma_start3A_1396 = arith.constant 0 : i32
      %dma_start3A_1397 = tpu.memref_slice %arg7[%add3A_1395, %dma_start3A_1396] : memref<160x128xi32, #tpu.memory_space<vmem>> -> memref<1x128xi32, #tpu.memory_space<vmem>>
      %dma_start3A_1398 = tpu.memref_squeeze %dma_start3A_1397 : memref<1x128xi32, #tpu.memory_space<vmem>> -> memref<128xi32, #tpu.memory_space<vmem>>
      %dma_start3A_1399 = arith.constant 0 : i32
      %dma_start3A_1400 = tpu.memref_slice %arg11[%dma_start3A_1399] : memref<20480xf32, #tpu.memory_space<vmem_shared>> -> memref<20480xf32, #tpu.memory_space<vmem_shared>>
      tpu.enqueue_indirect_dma source(%arg9 : memref<128xf32, #tpu.memory_space<vmem>>) target(%dma_start3A_1400 : memref<20480xf32, #tpu.memory_space<vmem_shared>>) offsets(%dma_start3A_1398 : memref<128xi32, #tpu.memory_space<vmem>>) semaphore(%arg13 : memref<!tpu.dma_semaphore, #tpu.memory_space<semaphore_mem>>) {add = true}
      %mul3A_1401 = arith.constant 8 : i32
      %mul3A_1402 = arith.muli %mul3A_1401, %scan3A_1382 : i32
      %add3A_1403 = arith.constant 2 : i32
      %add3A_1404 = arith.addi %mul3A_1402, %add3A_1403 : i32
      %dma_start3A_1405 = arith.constant 0 : i32
      %dma_start3A_1406 = tpu.memref_slice %arg7[%add3A_1404, %dma_start3A_1405] : memref<160x128xi32, #tpu.memory_space<vmem>> -> memref<1x128xi32, #tpu.memory_space<vmem>>
      %dma_start3A_1407 = tpu.memref_squeeze %dma_start3A_1406 : memref<1x128xi32, #tpu.memory_space<vmem>> -> memref<128xi32, #tpu.memory_space<vmem>>
      %dma_start3A_1408 = arith.constant 0 : i32
      %dma_start3A_1409 = tpu.memref_slice %arg11[%dma_start3A_1408] : memref<20480xf32, #tpu.memory_space<vmem_shared>> -> memref<20480xf32, #tpu.memory_space<vmem_shared>>
      tpu.enqueue_indirect_dma source(%arg9 : memref<128xf32, #tpu.memory_space<vmem>>) target(%dma_start3A_1409 : memref<20480xf32, #tpu.memory_space<vmem_shared>>) offsets(%dma_start3A_1407 : memref<128xi32, #tpu.memory_space<vmem>>) semaphore(%arg13 : memref<!tpu.dma_semaphore, #tpu.memory_space<semaphore_mem>>) {add = true}
      %mul3A_1410 = arith.constant 8 : i32
      %mul3A_1411 = arith.muli %mul3A_1410, %scan3A_1382 : i32
      %add3A_1412 = arith.constant 3 : i32
      %add3A_1413 = arith.addi %mul3A_1411, %add3A_1412 : i32
      %dma_start3A_1414 = arith.constant 0 : i32
      %dma_start3A_1415 = tpu.memref_slice %arg7[%add3A_1413, %dma_start3A_1414] : memref<160x128xi32, #tpu.memory_space<vmem>> -> memref<1x128xi32, #tpu.memory_space<vmem>>
      %dma_start3A_1416 = tpu.memref_squeeze %dma_start3A_1415 : memref<1x128xi32, #tpu.memory_space<vmem>> -> memref<128xi32, #tpu.memory_space<vmem>>
      %dma_start3A_1417 = arith.constant 0 : i32
      %dma_start3A_1418 = tpu.memref_slice %arg11[%dma_start3A_1417] : memref<20480xf32, #tpu.memory_space<vmem_shared>> -> memref<20480xf32, #tpu.memory_space<vmem_shared>>
      tpu.enqueue_indirect_dma source(%arg9 : memref<128xf32, #tpu.memory_space<vmem>>) target(%dma_start3A_1418 : memref<20480xf32, #tpu.memory_space<vmem_shared>>) offsets(%dma_start3A_1416 : memref<128xi32, #tpu.memory_space<vmem>>) semaphore(%arg13 : memref<!tpu.dma_semaphore, #tpu.memory_space<semaphore_mem>>) {add = true}
      %mul3A_1419 = arith.constant 8 : i32
      %mul3A_1420 = arith.muli %mul3A_1419, %scan3A_1382 : i32
      %add3A_1421 = arith.constant 4 : i32
      %add3A_1422 = arith.addi %mul3A_1420, %add3A_1421 : i32
      %dma_start3A_1423 = arith.constant 0 : i32
      %dma_start3A_1424 = tpu.memref_slice %arg7[%add3A_1422, %dma_start3A_1423] : memref<160x128xi32, #tpu.memory_space<vmem>> -> memref<1x128xi32, #tpu.memory_space<vmem>>
      %dma_start3A_1425 = tpu.memref_squeeze %dma_start3A_1424 : memref<1x128xi32, #tpu.memory_space<vmem>> -> memref<128xi32, #tpu.memory_space<vmem>>
      %dma_start3A_1426 = arith.constant 0 : i32
      %dma_start3A_1427 = tpu.memref_slice %arg11[%dma_start3A_1426] : memref<20480xf32, #tpu.memory_space<vmem_shared>> -> memref<20480xf32, #tpu.memory_space<vmem_shared>>
      tpu.enqueue_indirect_dma source(%arg9 : memref<128xf32, #tpu.memory_space<vmem>>) target(%dma_start3A_1427 : memref<20480xf32, #tpu.memory_space<vmem_shared>>) offsets(%dma_start3A_1425 : memref<128xi32, #tpu.memory_space<vmem>>) semaphore(%arg13 : memref<!tpu.dma_semaphore, #tpu.memory_space<semaphore_mem>>) {add = true}
      %mul3A_1428 = arith.constant 8 : i32
      %mul3A_1429 = arith.muli %mul3A_1428, %scan3A_1382 : i32
      %add3A_1430 = arith.constant 5 : i32
      %add3A_1431 = arith.addi %mul3A_1429, %add3A_1430 : i32
      %dma_start3A_1432 = arith.constant 0 : i32
      %dma_start3A_1433 = tpu.memref_slice %arg7[%add3A_1431, %dma_start3A_1432] : memref<160x128xi32, #tpu.memory_space<vmem>> -> memref<1x128xi32, #tpu.memory_space<vmem>>
      %dma_start3A_1434 = tpu.memref_squeeze %dma_start3A_1433 : memref<1x128xi32, #tpu.memory_space<vmem>> -> memref<128xi32, #tpu.memory_space<vmem>>
      %dma_start3A_1435 = arith.constant 0 : i32
      %dma_start3A_1436 = tpu.memref_slice %arg11[%dma_start3A_1435] : memref<20480xf32, #tpu.memory_space<vmem_shared>> -> memref<20480xf32, #tpu.memory_space<vmem_shared>>
      tpu.enqueue_indirect_dma source(%arg9 : memref<128xf32, #tpu.memory_space<vmem>>) target(%dma_start3A_1436 : memref<20480xf32, #tpu.memory_space<vmem_shared>>) offsets(%dma_start3A_1434 : memref<128xi32, #tpu.memory_space<vmem>>) semaphore(%arg13 : memref<!tpu.dma_semaphore, #tpu.memory_space<semaphore_mem>>) {add = true}
      %mul3A_1437 = arith.constant 8 : i32
      %mul3A_1438 = arith.muli %mul3A_1437, %scan3A_1382 : i32
      %add3A_1439 = arith.constant 6 : i32
      %add3A_1440 = arith.addi %mul3A_1438, %add3A_1439 : i32
      %dma_start3A_1441 = arith.constant 0 : i32
      %dma_start3A_1442 = tpu.memref_slice %arg7[%add3A_1440, %dma_start3A_1441] : memref<160x128xi32, #tpu.memory_space<vmem>> -> memref<1x128xi32, #tpu.memory_space<vmem>>
      %dma_start3A_1443 = tpu.memref_squeeze %dma_start3A_1442 : memref<1x128xi32, #tpu.memory_space<vmem>> -> memref<128xi32, #tpu.memory_space<vmem>>
      %dma_start3A_1444 = arith.constant 0 : i32
      %dma_start3A_1445 = tpu.memref_slice %arg11[%dma_start3A_1444] : memref<20480xf32, #tpu.memory_space<vmem_shared>> -> memref<20480xf32, #tpu.memory_space<vmem_shared>>
      tpu.enqueue_indirect_dma source(%arg9 : memref<128xf32, #tpu.memory_space<vmem>>) target(%dma_start3A_1445 : memref<20480xf32, #tpu.memory_space<vmem_shared>>) offsets(%dma_start3A_1443 : memref<128xi32, #tpu.memory_space<vmem>>) semaphore(%arg13 : memref<!tpu.dma_semaphore, #tpu.memory_space<semaphore_mem>>) {add = true}
      %mul3A_1446 = arith.constant 8 : i32
      %mul3A_1447 = arith.muli %mul3A_1446, %scan3A_1382 : i32
      %add3A_1448 = arith.constant 7 : i32
      %add3A_1449 = arith.addi %mul3A_1447, %add3A_1448 : i32
      %dma_start3A_1450 = arith.constant 0 : i32
      %dma_start3A_1451 = tpu.memref_slice %arg7[%add3A_1449, %dma_start3A_1450] : memref<160x128xi32, #tpu.memory_space<vmem>> -> memref<1x128xi32, #tpu.memory_space<vmem>>
      %dma_start3A_1452 = tpu.memref_squeeze %dma_start3A_1451 : memref<1x128xi32, #tpu.memory_space<vmem>> -> memref<128xi32, #tpu.memory_space<vmem>>
      %dma_start3A_1453 = arith.constant 0 : i32
      %dma_start3A_1454 = tpu.memref_slice %arg11[%dma_start3A_1453] : memref<20480xf32, #tpu.memory_space<vmem_shared>> -> memref<20480xf32, #tpu.memory_space<vmem_shared>>
      tpu.enqueue_indirect_dma source(%arg9 : memref<128xf32, #tpu.memory_space<vmem>>) target(%dma_start3A_1454 : memref<20480xf32, #tpu.memory_space<vmem_shared>>) offsets(%dma_start3A_1452 : memref<128xi32, #tpu.memory_space<vmem>>) semaphore(%arg13 : memref<!tpu.dma_semaphore, #tpu.memory_space<semaphore_mem>>) {add = true}
      %dma_wait3A = arith.constant 0 : i32
      %dma_wait3A_1455 = arith.constant 0 : i32
      %dma_wait3A_1456 = tpu.memref_slice %arg7[%dma_wait3A, %dma_wait3A_1455] : memref<160x128xi32, #tpu.memory_space<vmem>> -> memref<1x128xi32, #tpu.memory_space<vmem>>
      %dma_wait3A_1457 = tpu.memref_squeeze %dma_wait3A_1456 : memref<1x128xi32, #tpu.memory_space<vmem>> -> memref<128xi32, #tpu.memory_space<vmem>>
      %dma_wait3A_1458 = arith.constant 0 : i32
      %dma_wait3A_1459 = tpu.memref_slice %arg11[%dma_wait3A_1458] : memref<20480xf32, #tpu.memory_space<vmem_shared>> -> memref<20480xf32, #tpu.memory_space<vmem_shared>>
      tpu.wait_indirect_dma semaphore(%arg13 : memref<!tpu.dma_semaphore, #tpu.memory_space<semaphore_mem>>) src(%arg9 : memref<128xf32, #tpu.memory_space<vmem>>) dst(%dma_wait3A_1459 : memref<20480xf32, #tpu.memory_space<vmem_shared>>)
      %dma_wait3A_1460 = arith.constant 0 : i32
      %dma_wait3A_1461 = arith.constant 0 : i32
      %dma_wait3A_1462 = tpu.memref_slice %arg7[%dma_wait3A_1460, %dma_wait3A_1461] : memref<160x128xi32, #tpu.memory_space<vmem>> -> memref<1x128xi32, #tpu.memory_space<vmem>>
      %dma_wait3A_1463 = tpu.memref_squeeze %dma_wait3A_1462 : memref<1x128xi32, #tpu.memory_space<vmem>> -> memref<128xi32, #tpu.memory_space<vmem>>
      %dma_wait3A_1464 = arith.constant 0 : i32
      %dma_wait3A_1465 = tpu.memref_slice %arg11[%dma_wait3A_1464] : memref<20480xf32, #tpu.memory_space<vmem_shared>> -> memref<20480xf32, #tpu.memory_space<vmem_shared>>
      tpu.wait_indirect_dma semaphore(%arg13 : memref<!tpu.dma_semaphore, #tpu.memory_space<semaphore_mem>>) src(%arg9 : memref<128xf32, #tpu.memory_space<vmem>>) dst(%dma_wait3A_1465 : memref<20480xf32, #tpu.memory_space<vmem_shared>>)
      %dma_wait3A_1466 = arith.constant 0 : i32
      %dma_wait3A_1467 = arith.constant 0 : i32
      %dma_wait3A_1468 = tpu.memref_slice %arg7[%dma_wait3A_1466, %dma_wait3A_1467] : memref<160x128xi32, #tpu.memory_space<vmem>> -> memref<1x128xi32, #tpu.memory_space<vmem>>
      %dma_wait3A_1469 = tpu.memref_squeeze %dma_wait3A_1468 : memref<1x128xi32, #tpu.memory_space<vmem>> -> memref<128xi32, #tpu.memory_space<vmem>>
      %dma_wait3A_1470 = arith.constant 0 : i32
      %dma_wait3A_1471 = tpu.memref_slice %arg11[%dma_wait3A_1470] : memref<20480xf32, #tpu.memory_space<vmem_shared>> -> memref<20480xf32, #tpu.memory_space<vmem_shared>>
      tpu.wait_indirect_dma semaphore(%arg13 : memref<!tpu.dma_semaphore, #tpu.memory_space<semaphore_mem>>) src(%arg9 : memref<128xf32, #tpu.memory_space<vmem>>) dst(%dma_wait3A_1471 : memref<20480xf32, #tpu.memory_space<vmem_shared>>)
      %dma_wait3A_1472 = arith.constant 0 : i32
      %dma_wait3A_1473 = arith.constant 0 : i32
      %dma_wait3A_1474 = tpu.memref_slice %arg7[%dma_wait3A_1472, %dma_wait3A_1473] : memref<160x128xi32, #tpu.memory_space<vmem>> -> memref<1x128xi32, #tpu.memory_space<vmem>>
      %dma_wait3A_1475 = tpu.memref_squeeze %dma_wait3A_1474 : memref<1x128xi32, #tpu.memory_space<vmem>> -> memref<128xi32, #tpu.memory_space<vmem>>
      %dma_wait3A_1476 = arith.constant 0 : i32
      %dma_wait3A_1477 = tpu.memref_slice %arg11[%dma_wait3A_1476] : memref<20480xf32, #tpu.memory_space<vmem_shared>> -> memref<20480xf32, #tpu.memory_space<vmem_shared>>
      tpu.wait_indirect_dma semaphore(%arg13 : memref<!tpu.dma_semaphore, #tpu.memory_space<semaphore_mem>>) src(%arg9 : memref<128xf32, #tpu.memory_space<vmem>>) dst(%dma_wait3A_1477 : memref<20480xf32, #tpu.memory_space<vmem_shared>>)
      %dma_wait3A_1478 = arith.constant 0 : i32
      %dma_wait3A_1479 = arith.constant 0 : i32
      %dma_wait3A_1480 = tpu.memref_slice %arg7[%dma_wait3A_1478, %dma_wait3A_1479] : memref<160x128xi32, #tpu.memory_space<vmem>> -> memref<1x128xi32, #tpu.memory_space<vmem>>
      %dma_wait3A_1481 = tpu.memref_squeeze %dma_wait3A_1480 : memref<1x128xi32, #tpu.memory_space<vmem>> -> memref<128xi32, #tpu.memory_space<vmem>>
      %dma_wait3A_1482 = arith.constant 0 : i32
      %dma_wait3A_1483 = tpu.memref_slice %arg11[%dma_wait3A_1482] : memref<20480xf32, #tpu.memory_space<vmem_shared>> -> memref<20480xf32, #tpu.memory_space<vmem_shared>>
      tpu.wait_indirect_dma semaphore(%arg13 : memref<!tpu.dma_semaphore, #tpu.memory_space<semaphore_mem>>) src(%arg9 : memref<128xf32, #tpu.memory_space<vmem>>) dst(%dma_wait3A_1483 : memref<20480xf32, #tpu.memory_space<vmem_shared>>)
      %dma_wait3A_1484 = arith.constant 0 : i32
      %dma_wait3A_1485 = arith.constant 0 : i32
      %dma_wait3A_1486 = tpu.memref_slice %arg7[%dma_wait3A_1484, %dma_wait3A_1485] : memref<160x128xi32, #tpu.memory_space<vmem>> -> memref<1x128xi32, #tpu.memory_space<vmem>>
      %dma_wait3A_1487 = tpu.memref_squeeze %dma_wait3A_1486 : memref<1x128xi32, #tpu.memory_space<vmem>> -> memref<128xi32, #tpu.memory_space<vmem>>
      %dma_wait3A_1488 = arith.constant 0 : i32
      %dma_wait3A_1489 = tpu.memref_slice %arg11[%dma_wait3A_1488] : memref<20480xf32, #tpu.memory_space<vmem_shared>> -> memref<20480xf32, #tpu.memory_space<vmem_shared>>
      tpu.wait_indirect_dma semaphore(%arg13 : memref<!tpu.dma_semaphore, #tpu.memory_space<semaphore_mem>>) src(%arg9 : memref<128xf32, #tpu.memory_space<vmem>>) dst(%dma_wait3A_1489 : memref<20480xf32, #tpu.memory_space<vmem_shared>>)
      %dma_wait3A_1490 = arith.constant 0 : i32
      %dma_wait3A_1491 = arith.constant 0 : i32
      %dma_wait3A_1492 = tpu.memref_slice %arg7[%dma_wait3A_1490, %dma_wait3A_1491] : memref<160x128xi32, #tpu.memory_space<vmem>> -> memref<1x128xi32, #tpu.memory_space<vmem>>
      %dma_wait3A_1493 = tpu.memref_squeeze %dma_wait3A_1492 : memref<1x128xi32, #tpu.memory_space<vmem>> -> memref<128xi32, #tpu.memory_space<vmem>>
      %dma_wait3A_1494 = arith.constant 0 : i32
      %dma_wait3A_1495 = tpu.memref_slice %arg11[%dma_wait3A_1494] : memref<20480xf32, #tpu.memory_space<vmem_shared>> -> memref<20480xf32, #tpu.memory_space<vmem_shared>>
      tpu.wait_indirect_dma semaphore(%arg13 : memref<!tpu.dma_semaphore, #tpu.memory_space<semaphore_mem>>) src(%arg9 : memref<128xf32, #tpu.memory_space<vmem>>) dst(%dma_wait3A_1495 : memref<20480xf32, #tpu.memory_space<vmem_shared>>)
      %dma_wait3A_1496 = arith.constant 0 : i32
      %dma_wait3A_1497 = arith.constant 0 : i32
      %dma_wait3A_1498 = tpu.memref_slice %arg7[%dma_wait3A_1496, %dma_wait3A_1497] : memref<160x128xi32, #tpu.memory_space<vmem>> -> memref<1x128xi32, #tpu.memory_space<vmem>>
      %dma_wait3A_1499 = tpu.memref_squeeze %dma_wait3A_1498 : memref<1x128xi32, #tpu.memory_space<vmem>> -> memref<128xi32, #tpu.memory_space<vmem>>
      %dma_wait3A_1500 = arith.constant 0 : i32
      %dma_wait3A_1501 = tpu.memref_slice %arg11[%dma_wait3A_1500] : memref<20480xf32, #tpu.memory_space<vmem_shared>> -> memref<20480xf32, #tpu.memory_space<vmem_shared>>
      tpu.wait_indirect_dma semaphore(%arg13 : memref<!tpu.dma_semaphore, #tpu.memory_space<semaphore_mem>>) src(%arg9 : memref<128xf32, #tpu.memory_space<vmem>>) dst(%dma_wait3A_1501 : memref<20480xf32, #tpu.memory_space<vmem_shared>>)
      %mul3A_1502 = arith.constant 8 : i32
      %mul3A_1503 = arith.muli %mul3A_1502, %scan3A_1382 : i32
      %add3A_1504 = arith.constant 0 : i32
      %add3A_1505 = arith.addi %mul3A_1503, %add3A_1504 : i32
      %dma_start3A_1506 = arith.constant 0 : i32
      %dma_start3A_1507 = tpu.memref_slice %arg8[%add3A_1505, %dma_start3A_1506] : memref<160x128xi32, #tpu.memory_space<vmem>> -> memref<1x128xi32, #tpu.memory_space<vmem>>
      %dma_start3A_1508 = tpu.memref_squeeze %dma_start3A_1507 : memref<1x128xi32, #tpu.memory_space<vmem>> -> memref<128xi32, #tpu.memory_space<vmem>>
      %dma_start3A_1509 = arith.constant 0 : i32
      %dma_start3A_1510 = tpu.memref_slice %arg12[%dma_start3A_1509] : memref<10240xf32, #tpu.memory_space<vmem_shared>> -> memref<10240xf32, #tpu.memory_space<vmem_shared>>
      tpu.enqueue_indirect_dma source(%arg9 : memref<128xf32, #tpu.memory_space<vmem>>) target(%dma_start3A_1510 : memref<10240xf32, #tpu.memory_space<vmem_shared>>) offsets(%dma_start3A_1508 : memref<128xi32, #tpu.memory_space<vmem>>) semaphore(%arg13 : memref<!tpu.dma_semaphore, #tpu.memory_space<semaphore_mem>>) {add = true}
      %mul3A_1511 = arith.constant 8 : i32
      %mul3A_1512 = arith.muli %mul3A_1511, %scan3A_1382 : i32
      %add3A_1513 = arith.constant 1 : i32
      %add3A_1514 = arith.addi %mul3A_1512, %add3A_1513 : i32
      %dma_start3A_1515 = arith.constant 0 : i32
      %dma_start3A_1516 = tpu.memref_slice %arg8[%add3A_1514, %dma_start3A_1515] : memref<160x128xi32, #tpu.memory_space<vmem>> -> memref<1x128xi32, #tpu.memory_space<vmem>>
      %dma_start3A_1517 = tpu.memref_squeeze %dma_start3A_1516 : memref<1x128xi32, #tpu.memory_space<vmem>> -> memref<128xi32, #tpu.memory_space<vmem>>
      %dma_start3A_1518 = arith.constant 0 : i32
      %dma_start3A_1519 = tpu.memref_slice %arg12[%dma_start3A_1518] : memref<10240xf32, #tpu.memory_space<vmem_shared>> -> memref<10240xf32, #tpu.memory_space<vmem_shared>>
      tpu.enqueue_indirect_dma source(%arg9 : memref<128xf32, #tpu.memory_space<vmem>>) target(%dma_start3A_1519 : memref<10240xf32, #tpu.memory_space<vmem_shared>>) offsets(%dma_start3A_1517 : memref<128xi32, #tpu.memory_space<vmem>>) semaphore(%arg13 : memref<!tpu.dma_semaphore, #tpu.memory_space<semaphore_mem>>) {add = true}
      %mul3A_1520 = arith.constant 8 : i32
      %mul3A_1521 = arith.muli %mul3A_1520, %scan3A_1382 : i32
      %add3A_1522 = arith.constant 2 : i32
      %add3A_1523 = arith.addi %mul3A_1521, %add3A_1522 : i32
      %dma_start3A_1524 = arith.constant 0 : i32
      %dma_start3A_1525 = tpu.memref_slice %arg8[%add3A_1523, %dma_start3A_1524] : memref<160x128xi32, #tpu.memory_space<vmem>> -> memref<1x128xi32, #tpu.memory_space<vmem>>
      %dma_start3A_1526 = tpu.memref_squeeze %dma_start3A_1525 : memref<1x128xi32, #tpu.memory_space<vmem>> -> memref<128xi32, #tpu.memory_space<vmem>>
      %dma_start3A_1527 = arith.constant 0 : i32
      %dma_start3A_1528 = tpu.memref_slice %arg12[%dma_start3A_1527] : memref<10240xf32, #tpu.memory_space<vmem_shared>> -> memref<10240xf32, #tpu.memory_space<vmem_shared>>
      tpu.enqueue_indirect_dma source(%arg9 : memref<128xf32, #tpu.memory_space<vmem>>) target(%dma_start3A_1528 : memref<10240xf32, #tpu.memory_space<vmem_shared>>) offsets(%dma_start3A_1526 : memref<128xi32, #tpu.memory_space<vmem>>) semaphore(%arg13 : memref<!tpu.dma_semaphore, #tpu.memory_space<semaphore_mem>>) {add = true}
      %mul3A_1529 = arith.constant 8 : i32
      %mul3A_1530 = arith.muli %mul3A_1529, %scan3A_1382 : i32
      %add3A_1531 = arith.constant 3 : i32
      %add3A_1532 = arith.addi %mul3A_1530, %add3A_1531 : i32
      %dma_start3A_1533 = arith.constant 0 : i32
      %dma_start3A_1534 = tpu.memref_slice %arg8[%add3A_1532, %dma_start3A_1533] : memref<160x128xi32, #tpu.memory_space<vmem>> -> memref<1x128xi32, #tpu.memory_space<vmem>>
      %dma_start3A_1535 = tpu.memref_squeeze %dma_start3A_1534 : memref<1x128xi32, #tpu.memory_space<vmem>> -> memref<128xi32, #tpu.memory_space<vmem>>
      %dma_start3A_1536 = arith.constant 0 : i32
      %dma_start3A_1537 = tpu.memref_slice %arg12[%dma_start3A_1536] : memref<10240xf32, #tpu.memory_space<vmem_shared>> -> memref<10240xf32, #tpu.memory_space<vmem_shared>>
      tpu.enqueue_indirect_dma source(%arg9 : memref<128xf32, #tpu.memory_space<vmem>>) target(%dma_start3A_1537 : memref<10240xf32, #tpu.memory_space<vmem_shared>>) offsets(%dma_start3A_1535 : memref<128xi32, #tpu.memory_space<vmem>>) semaphore(%arg13 : memref<!tpu.dma_semaphore, #tpu.memory_space<semaphore_mem>>) {add = true}
      %mul3A_1538 = arith.constant 8 : i32
      %mul3A_1539 = arith.muli %mul3A_1538, %scan3A_1382 : i32
      %add3A_1540 = arith.constant 4 : i32
      %add3A_1541 = arith.addi %mul3A_1539, %add3A_1540 : i32
      %dma_start3A_1542 = arith.constant 0 : i32
      %dma_start3A_1543 = tpu.memref_slice %arg8[%add3A_1541, %dma_start3A_1542] : memref<160x128xi32, #tpu.memory_space<vmem>> -> memref<1x128xi32, #tpu.memory_space<vmem>>
      %dma_start3A_1544 = tpu.memref_squeeze %dma_start3A_1543 : memref<1x128xi32, #tpu.memory_space<vmem>> -> memref<128xi32, #tpu.memory_space<vmem>>
      %dma_start3A_1545 = arith.constant 0 : i32
      %dma_start3A_1546 = tpu.memref_slice %arg12[%dma_start3A_1545] : memref<10240xf32, #tpu.memory_space<vmem_shared>> -> memref<10240xf32, #tpu.memory_space<vmem_shared>>
      tpu.enqueue_indirect_dma source(%arg9 : memref<128xf32, #tpu.memory_space<vmem>>) target(%dma_start3A_1546 : memref<10240xf32, #tpu.memory_space<vmem_shared>>) offsets(%dma_start3A_1544 : memref<128xi32, #tpu.memory_space<vmem>>) semaphore(%arg13 : memref<!tpu.dma_semaphore, #tpu.memory_space<semaphore_mem>>) {add = true}
      %mul3A_1547 = arith.constant 8 : i32
      %mul3A_1548 = arith.muli %mul3A_1547, %scan3A_1382 : i32
      %add3A_1549 = arith.constant 5 : i32
      %add3A_1550 = arith.addi %mul3A_1548, %add3A_1549 : i32
      %dma_start3A_1551 = arith.constant 0 : i32
      %dma_start3A_1552 = tpu.memref_slice %arg8[%add3A_1550, %dma_start3A_1551] : memref<160x128xi32, #tpu.memory_space<vmem>> -> memref<1x128xi32, #tpu.memory_space<vmem>>
      %dma_start3A_1553 = tpu.memref_squeeze %dma_start3A_1552 : memref<1x128xi32, #tpu.memory_space<vmem>> -> memref<128xi32, #tpu.memory_space<vmem>>
      %dma_start3A_1554 = arith.constant 0 : i32
      %dma_start3A_1555 = tpu.memref_slice %arg12[%dma_start3A_1554] : memref<10240xf32, #tpu.memory_space<vmem_shared>> -> memref<10240xf32, #tpu.memory_space<vmem_shared>>
      tpu.enqueue_indirect_dma source(%arg9 : memref<128xf32, #tpu.memory_space<vmem>>) target(%dma_start3A_1555 : memref<10240xf32, #tpu.memory_space<vmem_shared>>) offsets(%dma_start3A_1553 : memref<128xi32, #tpu.memory_space<vmem>>) semaphore(%arg13 : memref<!tpu.dma_semaphore, #tpu.memory_space<semaphore_mem>>) {add = true}
      %mul3A_1556 = arith.constant 8 : i32
      %mul3A_1557 = arith.muli %mul3A_1556, %scan3A_1382 : i32
      %add3A_1558 = arith.constant 6 : i32
      %add3A_1559 = arith.addi %mul3A_1557, %add3A_1558 : i32
      %dma_start3A_1560 = arith.constant 0 : i32
      %dma_start3A_1561 = tpu.memref_slice %arg8[%add3A_1559, %dma_start3A_1560] : memref<160x128xi32, #tpu.memory_space<vmem>> -> memref<1x128xi32, #tpu.memory_space<vmem>>
      %dma_start3A_1562 = tpu.memref_squeeze %dma_start3A_1561 : memref<1x128xi32, #tpu.memory_space<vmem>> -> memref<128xi32, #tpu.memory_space<vmem>>
      %dma_start3A_1563 = arith.constant 0 : i32
      %dma_start3A_1564 = tpu.memref_slice %arg12[%dma_start3A_1563] : memref<10240xf32, #tpu.memory_space<vmem_shared>> -> memref<10240xf32, #tpu.memory_space<vmem_shared>>
      tpu.enqueue_indirect_dma source(%arg9 : memref<128xf32, #tpu.memory_space<vmem>>) target(%dma_start3A_1564 : memref<10240xf32, #tpu.memory_space<vmem_shared>>) offsets(%dma_start3A_1562 : memref<128xi32, #tpu.memory_space<vmem>>) semaphore(%arg13 : memref<!tpu.dma_semaphore, #tpu.memory_space<semaphore_mem>>) {add = true}
      %mul3A_1565 = arith.constant 8 : i32
      %mul3A_1566 = arith.muli %mul3A_1565, %scan3A_1382 : i32
      %add3A_1567 = arith.constant 7 : i32
      %add3A_1568 = arith.addi %mul3A_1566, %add3A_1567 : i32
      %dma_start3A_1569 = arith.constant 0 : i32
      %dma_start3A_1570 = tpu.memref_slice %arg8[%add3A_1568, %dma_start3A_1569] : memref<160x128xi32, #tpu.memory_space<vmem>> -> memref<1x128xi32, #tpu.memory_space<vmem>>
      %dma_start3A_1571 = tpu.memref_squeeze %dma_start3A_1570 : memref<1x128xi32, #tpu.memory_space<vmem>> -> memref<128xi32, #tpu.memory_space<vmem>>
      %dma_start3A_1572 = arith.constant 0 : i32
      %dma_start3A_1573 = tpu.memref_slice %arg12[%dma_start3A_1572] : memref<10240xf32, #tpu.memory_space<vmem_shared>> -> memref<10240xf32, #tpu.memory_space<vmem_shared>>
      tpu.enqueue_indirect_dma source(%arg9 : memref<128xf32, #tpu.memory_space<vmem>>) target(%dma_start3A_1573 : memref<10240xf32, #tpu.memory_space<vmem_shared>>) offsets(%dma_start3A_1571 : memref<128xi32, #tpu.memory_space<vmem>>) semaphore(%arg13 : memref<!tpu.dma_semaphore, #tpu.memory_space<semaphore_mem>>) {add = true}
      %dma_wait3A_1574 = arith.constant 0 : i32
      %dma_wait3A_1575 = arith.constant 0 : i32
      %dma_wait3A_1576 = tpu.memref_slice %arg8[%dma_wait3A_1574, %dma_wait3A_1575] : memref<160x128xi32, #tpu.memory_space<vmem>> -> memref<1x128xi32, #tpu.memory_space<vmem>>
      %dma_wait3A_1577 = tpu.memref_squeeze %dma_wait3A_1576 : memref<1x128xi32, #tpu.memory_space<vmem>> -> memref<128xi32, #tpu.memory_space<vmem>>
      %dma_wait3A_1578 = arith.constant 0 : i32
      %dma_wait3A_1579 = tpu.memref_slice %arg12[%dma_wait3A_1578] : memref<10240xf32, #tpu.memory_space<vmem_shared>> -> memref<10240xf32, #tpu.memory_space<vmem_shared>>
      tpu.wait_indirect_dma semaphore(%arg13 : memref<!tpu.dma_semaphore, #tpu.memory_space<semaphore_mem>>) src(%arg9 : memref<128xf32, #tpu.memory_space<vmem>>) dst(%dma_wait3A_1579 : memref<10240xf32, #tpu.memory_space<vmem_shared>>)
      %dma_wait3A_1580 = arith.constant 0 : i32
      %dma_wait3A_1581 = arith.constant 0 : i32
      %dma_wait3A_1582 = tpu.memref_slice %arg8[%dma_wait3A_1580, %dma_wait3A_1581] : memref<160x128xi32, #tpu.memory_space<vmem>> -> memref<1x128xi32, #tpu.memory_space<vmem>>
      %dma_wait3A_1583 = tpu.memref_squeeze %dma_wait3A_1582 : memref<1x128xi32, #tpu.memory_space<vmem>> -> memref<128xi32, #tpu.memory_space<vmem>>
      %dma_wait3A_1584 = arith.constant 0 : i32
      %dma_wait3A_1585 = tpu.memref_slice %arg12[%dma_wait3A_1584] : memref<10240xf32, #tpu.memory_space<vmem_shared>> -> memref<10240xf32, #tpu.memory_space<vmem_shared>>
      tpu.wait_indirect_dma semaphore(%arg13 : memref<!tpu.dma_semaphore, #tpu.memory_space<semaphore_mem>>) src(%arg9 : memref<128xf32, #tpu.memory_space<vmem>>) dst(%dma_wait3A_1585 : memref<10240xf32, #tpu.memory_space<vmem_shared>>)
      %dma_wait3A_1586 = arith.constant 0 : i32
      %dma_wait3A_1587 = arith.constant 0 : i32
      %dma_wait3A_1588 = tpu.memref_slice %arg8[%dma_wait3A_1586, %dma_wait3A_1587] : memref<160x128xi32, #tpu.memory_space<vmem>> -> memref<1x128xi32, #tpu.memory_space<vmem>>
      %dma_wait3A_1589 = tpu.memref_squeeze %dma_wait3A_1588 : memref<1x128xi32, #tpu.memory_space<vmem>> -> memref<128xi32, #tpu.memory_space<vmem>>
      %dma_wait3A_1590 = arith.constant 0 : i32
      %dma_wait3A_1591 = tpu.memref_slice %arg12[%dma_wait3A_1590] : memref<10240xf32, #tpu.memory_space<vmem_shared>> -> memref<10240xf32, #tpu.memory_space<vmem_shared>>
      tpu.wait_indirect_dma semaphore(%arg13 : memref<!tpu.dma_semaphore, #tpu.memory_space<semaphore_mem>>) src(%arg9 : memref<128xf32, #tpu.memory_space<vmem>>) dst(%dma_wait3A_1591 : memref<10240xf32, #tpu.memory_space<vmem_shared>>)
      %dma_wait3A_1592 = arith.constant 0 : i32
      %dma_wait3A_1593 = arith.constant 0 : i32
      %dma_wait3A_1594 = tpu.memref_slice %arg8[%dma_wait3A_1592, %dma_wait3A_1593] : memref<160x128xi32, #tpu.memory_space<vmem>> -> memref<1x128xi32, #tpu.memory_space<vmem>>
      %dma_wait3A_1595 = tpu.memref_squeeze %dma_wait3A_1594 : memref<1x128xi32, #tpu.memory_space<vmem>> -> memref<128xi32, #tpu.memory_space<vmem>>
      %dma_wait3A_1596 = arith.constant 0 : i32
      %dma_wait3A_1597 = tpu.memref_slice %arg12[%dma_wait3A_1596] : memref<10240xf32, #tpu.memory_space<vmem_shared>> -> memref<10240xf32, #tpu.memory_space<vmem_shared>>
      tpu.wait_indirect_dma semaphore(%arg13 : memref<!tpu.dma_semaphore, #tpu.memory_space<semaphore_mem>>) src(%arg9 : memref<128xf32, #tpu.memory_space<vmem>>) dst(%dma_wait3A_1597 : memref<10240xf32, #tpu.memory_space<vmem_shared>>)
      %dma_wait3A_1598 = arith.constant 0 : i32
      %dma_wait3A_1599 = arith.constant 0 : i32
      %dma_wait3A_1600 = tpu.memref_slice %arg8[%dma_wait3A_1598, %dma_wait3A_1599] : memref<160x128xi32, #tpu.memory_space<vmem>> -> memref<1x128xi32, #tpu.memory_space<vmem>>
      %dma_wait3A_1601 = tpu.memref_squeeze %dma_wait3A_1600 : memref<1x128xi32, #tpu.memory_space<vmem>> -> memref<128xi32, #tpu.memory_space<vmem>>
      %dma_wait3A_1602 = arith.constant 0 : i32
      %dma_wait3A_1603 = tpu.memref_slice %arg12[%dma_wait3A_1602] : memref<10240xf32, #tpu.memory_space<vmem_shared>> -> memref<10240xf32, #tpu.memory_space<vmem_shared>>
      tpu.wait_indirect_dma semaphore(%arg13 : memref<!tpu.dma_semaphore, #tpu.memory_space<semaphore_mem>>) src(%arg9 : memref<128xf32, #tpu.memory_space<vmem>>) dst(%dma_wait3A_1603 : memref<10240xf32, #tpu.memory_space<vmem_shared>>)
      %dma_wait3A_1604 = arith.constant 0 : i32
      %dma_wait3A_1605 = arith.constant 0 : i32
      %dma_wait3A_1606 = tpu.memref_slice %arg8[%dma_wait3A_1604, %dma_wait3A_1605] : memref<160x128xi32, #tpu.memory_space<vmem>> -> memref<1x128xi32, #tpu.memory_space<vmem>>
      %dma_wait3A_1607 = tpu.memref_squeeze %dma_wait3A_1606 : memref<1x128xi32, #tpu.memory_space<vmem>> -> memref<128xi32, #tpu.memory_space<vmem>>
      %dma_wait3A_1608 = arith.constant 0 : i32
      %dma_wait3A_1609 = tpu.memref_slice %arg12[%dma_wait3A_1608] : memref<10240xf32, #tpu.memory_space<vmem_shared>> -> memref<10240xf32, #tpu.memory_space<vmem_shared>>
      tpu.wait_indirect_dma semaphore(%arg13 : memref<!tpu.dma_semaphore, #tpu.memory_space<semaphore_mem>>) src(%arg9 : memref<128xf32, #tpu.memory_space<vmem>>) dst(%dma_wait3A_1609 : memref<10240xf32, #tpu.memory_space<vmem_shared>>)
      %dma_wait3A_1610 = arith.constant 0 : i32
      %dma_wait3A_1611 = arith.constant 0 : i32
      %dma_wait3A_1612 = tpu.memref_slice %arg8[%dma_wait3A_1610, %dma_wait3A_1611] : memref<160x128xi32, #tpu.memory_space<vmem>> -> memref<1x128xi32, #tpu.memory_space<vmem>>
      %dma_wait3A_1613 = tpu.memref_squeeze %dma_wait3A_1612 : memref<1x128xi32, #tpu.memory_space<vmem>> -> memref<128xi32, #tpu.memory_space<vmem>>
      %dma_wait3A_1614 = arith.constant 0 : i32
      %dma_wait3A_1615 = tpu.memref_slice %arg12[%dma_wait3A_1614] : memref<10240xf32, #tpu.memory_space<vmem_shared>> -> memref<10240xf32, #tpu.memory_space<vmem_shared>>
      tpu.wait_indirect_dma semaphore(%arg13 : memref<!tpu.dma_semaphore, #tpu.memory_space<semaphore_mem>>) src(%arg9 : memref<128xf32, #tpu.memory_space<vmem>>) dst(%dma_wait3A_1615 : memref<10240xf32, #tpu.memory_space<vmem_shared>>)
      %dma_wait3A_1616 = arith.constant 0 : i32
      %dma_wait3A_1617 = arith.constant 0 : i32
      %dma_wait3A_1618 = tpu.memref_slice %arg8[%dma_wait3A_1616, %dma_wait3A_1617] : memref<160x128xi32, #tpu.memory_space<vmem>> -> memref<1x128xi32, #tpu.memory_space<vmem>>
      %dma_wait3A_1619 = tpu.memref_squeeze %dma_wait3A_1618 : memref<1x128xi32, #tpu.memory_space<vmem>> -> memref<128xi32, #tpu.memory_space<vmem>>
      %dma_wait3A_1620 = arith.constant 0 : i32
      %dma_wait3A_1621 = tpu.memref_slice %arg12[%dma_wait3A_1620] : memref<10240xf32, #tpu.memory_space<vmem_shared>> -> memref<10240xf32, #tpu.memory_space<vmem_shared>>
      tpu.wait_indirect_dma semaphore(%arg13 : memref<!tpu.dma_semaphore, #tpu.memory_space<semaphore_mem>>) src(%arg9 : memref<128xf32, #tpu.memory_space<vmem>>) dst(%dma_wait3A_1621 : memref<10240xf32, #tpu.memory_space<vmem_shared>>)
      %scan3A_1622 = arith.constant 0 : i32
      scf.yield %scan3A_1622 : i32
    }
    %scan3A_1370 = arith.constant 20 : i32
    %barrier3A_1371 = arith.constant 0 : index
    tpu.barrier barrier_id(%barrier3A_1371)
    %eq3A_1372 = arith.constant 0 : i32
    %eq3A_1373 = arith.cmpi eq, %arg1, %eq3A_1372 : i32
    %convert_element_type3A_1374 = arith.extui %eq3A_1373 : i1 to i32
    %cond3A_1375 = arith.constant 0 : i32
    %cond3A_1376 = arith.cmpi ne, %convert_element_type3A_1374, %cond3A_1375 : i32
    scf.if %cond3A_1376 {
      %mul3A_1382 = arith.constant 10240 : i32
      %mul3A_1383 = arith.muli %arg0, %mul3A_1382 : i32
      "tpu.region"() ({
        %run_scoped3A = tpu.sem_alloc : memref<!tpu.dma_semaphore, #tpu.memory_space<semaphore_mem>>
        %dma_start3A = arith.constant 0 : i32
        %dma_start3A_1384 = tpu.memref_slice %arg4[%arg0, %dma_start3A] : memref<2x20480xf32, #tpu.memory_space<hbm>> -> memref<1x10240xf32, #tpu.memory_space<hbm>>
        %dma_start3A_1385 = tpu.memref_squeeze %dma_start3A_1384 : memref<1x10240xf32, #tpu.memory_space<hbm>> -> memref<10240xf32, #tpu.memory_space<hbm>>
        %dma_start3A_1386 = tpu.memref_slice %arg11[%mul3A_1383] : memref<20480xf32, #tpu.memory_space<vmem_shared>> -> memref<10240xf32, #tpu.memory_space<vmem_shared>>
        tpu.enqueue_dma source(%dma_start3A_1386 : memref<10240xf32, #tpu.memory_space<vmem_shared>>) target(%dma_start3A_1385 : memref<10240xf32, #tpu.memory_space<hbm>>) target_semaphore(%run_scoped3A : memref<!tpu.dma_semaphore, #tpu.memory_space<semaphore_mem>>)
        %dma_wait3A = arith.constant 0 : i32
        %dma_wait3A_1387 = tpu.memref_slice %arg4[%arg0, %dma_wait3A] : memref<2x20480xf32, #tpu.memory_space<hbm>> -> memref<1x10240xf32, #tpu.memory_space<hbm>>
        %dma_wait3A_1388 = tpu.memref_squeeze %dma_wait3A_1387 : memref<1x10240xf32, #tpu.memory_space<hbm>> -> memref<10240xf32, #tpu.memory_space<hbm>>
        %dma_wait3A_1389 = tpu.memref_slice %arg11[%mul3A_1383] : memref<20480xf32, #tpu.memory_space<vmem_shared>> -> memref<10240xf32, #tpu.memory_space<vmem_shared>>
        tpu.wait_dma2 semaphore(%run_scoped3A : memref<!tpu.dma_semaphore, #tpu.memory_space<semaphore_mem>>) src(%dma_wait3A_1389 : memref<10240xf32, #tpu.memory_space<vmem_shared>>) dst(%dma_wait3A_1388 : memref<10240xf32, #tpu.memory_space<hbm>>)
        tpu.yield
      }) : () -> ()
    } else {
    }
    %eq3A_1377 = arith.constant 1 : i32
    %eq3A_1378 = arith.cmpi eq, %arg1, %eq3A_1377 : i32
    %convert_element_type3A_1379 = arith.extui %eq3A_1378 : i1 to i32
    %cond3A_1380 = arith.constant 0 : i32
    %cond3A_1381 = arith.cmpi ne, %convert_element_type3A_1379, %cond3A_1380 : i32
    scf.if %cond3A_1381 {
      "tpu.region"() ({
        %run_scoped3A = tpu.sem_alloc : memref<!tpu.dma_semaphore, #tpu.memory_space<semaphore_mem>>
        %dma_start3A = arith.constant 10240 : i32
        %dma_start3A_1382 = tpu.memref_slice %arg4[%arg0, %dma_start3A] : memref<2x20480xf32, #tpu.memory_space<hbm>> -> memref<1x10240xf32, #tpu.memory_space<hbm>>
        %dma_start3A_1383 = tpu.memref_squeeze %dma_start3A_1382 : memref<1x10240xf32, #tpu.memory_space<hbm>> -> memref<10240xf32, #tpu.memory_space<hbm>>
        tpu.enqueue_dma source(%arg12 : memref<10240xf32, #tpu.memory_space<vmem_shared>>) target(%dma_start3A_1383 : memref<10240xf32, #tpu.memory_space<hbm>>) target_semaphore(%run_scoped3A : memref<!tpu.dma_semaphore, #tpu.memory_space<semaphore_mem>>)
        %dma_wait3A = arith.constant 10240 : i32
        %dma_wait3A_1384 = tpu.memref_slice %arg4[%arg0, %dma_wait3A] : memref<2x20480xf32, #tpu.memory_space<hbm>> -> memref<1x10240xf32, #tpu.memory_space<hbm>>
        %dma_wait3A_1385 = tpu.memref_squeeze %dma_wait3A_1384 : memref<1x10240xf32, #tpu.memory_space<hbm>> -> memref<10240xf32, #tpu.memory_space<hbm>>
        tpu.wait_dma2 semaphore(%run_scoped3A : memref<!tpu.dma_semaphore, #tpu.memory_space<semaphore_mem>>) src(%arg12 : memref<10240xf32, #tpu.memory_space<vmem_shared>>) dst(%dma_wait3A_1385 : memref<10240xf32, #tpu.memory_space<hbm>>)
        tpu.yield
      }) : () -> ()
    } else {
    }
    return
  }
}

module attributes {stable_mosaic.version = 14 : i64} {
  func.func @_prep_body(%arg0: i32, %arg1: i32, %arg2: memref<1x1024x128xf32, #tpu.memory_space<vmem>>, %arg3: memref<1x1x1x1024xf32, #tpu.memory_space<vmem>>, %arg4: memref<1x1x1x1024xf32, #tpu.memory_space<vmem>>, %arg5: memref<131072xbf16, #tpu.memory_space<vmem>>, %arg6: memref<1024x1xf32, #tpu.memory_space<vmem>>, %arg7: memref<1024x1xf32, #tpu.memory_space<vmem>>) attributes {dimension_semantics = [#tpu.dimension_semantics<arbitrary>, #tpu.dimension_semantics<arbitrary>], iteration_bounds = array<i64: 2, 10>, scalar_prefetch = 0 : i64, scratch_operands = 0 : i64, tpu.core_type = #tpu.core_type<tc>, window_params = [{transform_indices = @transform_0, window_bounds = array<i64: 1, 1024, 128>}, {transform_indices = @transform_1, window_bounds = array<i64: 1, 1, 1, 1024>}, {transform_indices = @transform_2, window_bounds = array<i64: 1, 1, 1, 1024>}, {transform_indices = @transform_3, window_bounds = array<i64: 131072>}, {transform_indices = @transform_4, window_bounds = array<i64: 1024, 1>}, {transform_indices = @transform_5, window_bounds = array<i64: 1024, 1>}]} {
    %get3A = arith.constant 0 : index
    %get3A_0 = arith.constant 0 : index
    %get3A_1 = arith.constant 0 : index
    %get3A_2 = arith.constant 0 : index
    %get3A_3 = vector.load %arg3[%get3A, %get3A_0, %get3A_1, %get3A_2] : memref<1x1x1x1024xf32, #tpu.memory_space<vmem>>, vector<1x1x1x1024xf32>
    %get3A_4 = vector.shape_cast %get3A_3 : vector<1x1x1x1024xf32> to vector<1024xf32>
    %max3A = arith.constant 1.000000e+00 : f32
    %max3A_5 = vector.broadcast %max3A : f32 to vector<1024xf32>
    %max3A_6 = arith.maximumf %get3A_4, %max3A_5 : vector<1024xf32>
    %rsqrt3A = math.rsqrt %max3A_6 : vector<1024xf32>
    %get3A_7 = arith.constant 0 : index
    %get3A_8 = arith.constant 0 : index
    %get3A_9 = arith.constant 0 : index
    %get3A_10 = arith.constant 0 : index
    %get3A_11 = vector.load %arg4[%get3A_7, %get3A_8, %get3A_9, %get3A_10] : memref<1x1x1x1024xf32, #tpu.memory_space<vmem>>, vector<1x1x1x1024xf32>
    %get3A_12 = vector.shape_cast %get3A_11 : vector<1x1x1x1024xf32> to vector<1024xf32>
    %max3A_13 = arith.constant 1.000000e+00 : f32
    %max3A_14 = vector.broadcast %max3A_13 : f32 to vector<1024xf32>
    %max3A_15 = arith.maximumf %get3A_12, %max3A_14 : vector<1024xf32>
    %rsqrt3A_16 = math.rsqrt %max3A_15 : vector<1024xf32>
    %broadcast_in_dim3A = vector.shape_cast %rsqrt3A_16 : vector<1024xf32> to vector<1024x1xf32>
    %swap3A = arith.constant 0 : index
    %swap3A_17 = arith.constant 0 : index
    %swap3A_18 = vector.load %arg6[%swap3A, %swap3A_17] : memref<1024x1xf32, #tpu.memory_space<vmem>>, vector<1024x1xf32>
    tpu.vector_store %arg6[%swap3A, %swap3A_17], %broadcast_in_dim3A {strides = array<i32>} : memref<1024x1xf32, #tpu.memory_space<vmem>>, vector<1024x1xf32>,
    %broadcast_in_dim3A_19 = vector.shape_cast %rsqrt3A : vector<1024xf32> to vector<1024x1xf32>
    %swap3A_20 = arith.constant 0 : index
    %swap3A_21 = arith.constant 0 : index
    %swap3A_22 = vector.load %arg7[%swap3A_20, %swap3A_21] : memref<1024x1xf32, #tpu.memory_space<vmem>>, vector<1024x1xf32>
    tpu.vector_store %arg7[%swap3A_20, %swap3A_21], %broadcast_in_dim3A_19 {strides = array<i32>} : memref<1024x1xf32, #tpu.memory_space<vmem>>, vector<1024x1xf32>,
    %get3A_23 = arith.constant 0 : index
    %get3A_24 = arith.constant 0 : index
    %get3A_25 = arith.constant 0 : index
    %get3A_26 = vector.load %arg2[%get3A_23, %get3A_24, %get3A_25] : memref<1x1024x128xf32, #tpu.memory_space<vmem>>, vector<1x1024x128xf32>
    %get3A_27 = vector.shape_cast %get3A_26 : vector<1x1024x128xf32> to vector<1024x128xf32>
    %broadcast_in_dim3A_28 = vector.shape_cast %rsqrt3A : vector<1024xf32> to vector<1024x1xf32>
    %mul3A = vector.broadcast %broadcast_in_dim3A_28 : vector<1024x1xf32> to vector<1024x128xf32>
    %mul3A_29 = arith.mulf %get3A_27, %mul3A : vector<1024x128xf32>
    %convert_element_type3A = arith.truncf %mul3A_29 : vector<1024x128xf32> to vector<1024x128xbf16>
    %reshape3A = vector.shape_cast %convert_element_type3A : vector<1024x128xbf16> to vector<131072xbf16>
    %swap3A_30 = arith.constant 0 : index
    %swap3A_31 = vector.load %arg5[%swap3A_30] : memref<131072xbf16, #tpu.memory_space<vmem>>, vector<131072xbf16>
    tpu.vector_store %arg5[%swap3A_30], %reshape3A {strides = array<i32>} : memref<131072xbf16, #tpu.memory_space<vmem>>, vector<131072xbf16>,
    return
  }
  func.func @transform_0(%arg0: i32, %arg1: i32) -> (i32, i32, i32) {
    %c0_i32 = arith.constant 0 : i32
    %c0_i32_0 = arith.constant 0 : i32
    return %arg0, %arg1, %c0_i32 : i32, i32, i32
  }
  func.func @transform_1(%arg0: i32, %arg1: i32) -> (i32, i32, i32, i32) {
    %c0_i32 = arith.constant 0 : i32
    %c0_i32_0 = arith.constant 0 : i32
    %c0_i32_1 = arith.constant 0 : i32
    return %arg0, %arg1, %c0_i32, %c0_i32_0 : i32, i32, i32, i32
  }
  func.func @transform_2(%arg0: i32, %arg1: i32) -> (i32, i32, i32, i32) {
    %c0_i32 = arith.constant 0 : i32
    %c0_i32_0 = arith.constant 0 : i32
    %c0_i32_1 = arith.constant 0 : i32
    return %arg0, %arg1, %c0_i32, %c0_i32_0 : i32, i32, i32, i32
  }
  func.func @transform_3(%arg0: i32, %arg1: i32) -> i32 {
    %mul3A = arith.constant 10 : i32
    %mul3A_0 = arith.muli %arg0, %mul3A : i32
    %add3A = arith.addi %mul3A_0, %arg1 : i32
    %c0_i32 = arith.constant 0 : i32
    return %add3A : i32
  }
  func.func @transform_4(%arg0: i32, %arg1: i32) -> (i32, i32) {
    %mul3A = arith.constant 10 : i32
    %mul3A_0 = arith.muli %arg0, %mul3A : i32
    %add3A = arith.addi %mul3A_0, %arg1 : i32
    %c0_i32 = arith.constant 0 : i32
    %c0_i32_1 = arith.constant 0 : i32
    return %add3A, %c0_i32 : i32, i32
  }
  func.func @transform_5(%arg0: i32, %arg1: i32) -> (i32, i32) {
    %mul3A = arith.constant 10 : i32
    %mul3A_0 = arith.muli %arg0, %mul3A : i32
    %add3A = arith.addi %mul3A_0, %arg1 : i32
    %c0_i32 = arith.constant 0 : i32
    %c0_i32_1 = arith.constant 0 : i32
    return %add3A, %c0_i32 : i32, i32
  }
}

module attributes {stable_mosaic.version = 14 : i64} {
  func.func @_mid_body(%arg0: i32, %arg1: memref<131072xbf16, #tpu.memory_space<vmem>>, %arg2: memref<1024x1xf32, #tpu.memory_space<vmem>>, %arg3: memref<1024x1xf32, #tpu.memory_space<vmem>>, %arg4: memref<128x128xf32, #tpu.memory_space<vmem>>, %arg5: memref<1x128xf32, #tpu.memory_space<vmem>>, %arg6: memref<131072xbf16, #tpu.memory_space<vmem>>) attributes {dimension_semantics = [#tpu.dimension_semantics<arbitrary>], iteration_bounds = array<i64: 20>, scalar_prefetch = 0 : i64, scratch_operands = 0 : i64, tpu.core_type = #tpu.core_type<tc>, window_params = [{transform_indices = @transform_0, window_bounds = array<i64: 131072>}, {transform_indices = @transform_1, window_bounds = array<i64: 1024, 1>}, {transform_indices = @transform_2, window_bounds = array<i64: 1024, 1>}, {pipeline_mode = #tpu.pipeline_mode<synchronous>, transform_indices = @transform_3, window_bounds = array<i64: 128, 128>}, {pipeline_mode = #tpu.pipeline_mode<synchronous>, transform_indices = @transform_4, window_bounds = array<i64: 1, 128>}, {transform_indices = @transform_5, window_bounds = array<i64: 131072>}]} {
    %get3A = arith.constant 0 : index
    %get3A_0 = vector.load %arg1[%get3A] : memref<131072xbf16, #tpu.memory_space<vmem>>, vector<131072xbf16>
    %reshape3A = vector.shape_cast %get3A_0 : vector<131072xbf16> to vector<1024x128xbf16>
    %convert_element_type3A = arith.extf %reshape3A : vector<1024x128xbf16> to vector<1024x128xf32>
    %get3A_1 = arith.constant 0 : index
    %get3A_2 = arith.constant 0 : index
    %get3A_3 = vector.load %arg2[%get3A_1, %get3A_2] : memref<1024x1xf32, #tpu.memory_space<vmem>>, vector<1024x1xf32>
    %mul3A = vector.broadcast %get3A_3 : vector<1024x1xf32> to vector<1024x128xf32>
    %mul3A_4 = arith.mulf %convert_element_type3A, %mul3A : vector<1024x128xf32>
    %get3A_5 = arith.constant 0 : index
    %get3A_6 = arith.constant 0 : index
    %get3A_7 = vector.load %arg4[%get3A_5, %get3A_6] : memref<128x128xf32, #tpu.memory_space<vmem>>, vector<128x128xf32>
    %dot_general3A = arith.constant dense<0.000000e+00> : vector<1024x128xf32>
    %dot_general3A_8 = tpu.matmul %mul3A_4, %get3A_7, %dot_general3A {dimension_numbers = #tpu.dot_dimension_numbers<[1], [0], [0], [1], [0, 0, 1, 1], [], []>, transpose_lhs_hint = false} : vector<1024x128xf32>, vector<128x128xf32>, vector<1024x128xf32> -> vector<1024x128xf32>
    %get3A_9 = arith.constant 0 : index
    %get3A_10 = arith.constant 0 : index
    %get3A_11 = vector.load %arg5[%get3A_9, %get3A_10] : memref<1x128xf32, #tpu.memory_space<vmem>>, vector<1x128xf32>
    %add3A = vector.broadcast %get3A_11 : vector<1x128xf32> to vector<1024x128xf32>
    %add3A_12 = arith.addf %dot_general3A_8, %add3A : vector<1024x128xf32>
    %max3A = arith.constant 0.000000e+00 : f32
    %max3A_13 = vector.broadcast %max3A : f32 to vector<1024x128xf32>
    %max3A_14 = arith.maximumf %add3A_12, %max3A_13 : vector<1024x128xf32>
    %get3A_15 = arith.constant 0 : index
    %get3A_16 = arith.constant 0 : index
    %get3A_17 = vector.load %arg3[%get3A_15, %get3A_16] : memref<1024x1xf32, #tpu.memory_space<vmem>>, vector<1024x1xf32>
    %mul3A_18 = vector.broadcast %get3A_17 : vector<1024x1xf32> to vector<1024x128xf32>
    %mul3A_19 = arith.mulf %max3A_14, %mul3A_18 : vector<1024x128xf32>
    %convert_element_type3A_20 = arith.truncf %mul3A_19 : vector<1024x128xf32> to vector<1024x128xbf16>
    %reshape3A_21 = vector.shape_cast %convert_element_type3A_20 : vector<1024x128xbf16> to vector<131072xbf16>
    %swap3A = arith.constant 0 : index
    %swap3A_22 = vector.load %arg6[%swap3A] : memref<131072xbf16, #tpu.memory_space<vmem>>, vector<131072xbf16>
    tpu.vector_store %arg6[%swap3A], %reshape3A_21 {strides = array<i32>} : memref<131072xbf16, #tpu.memory_space<vmem>>, vector<131072xbf16>,
    return
  }
  func.func @transform_0(%arg0: i32) -> i32 {
    %c0_i32 = arith.constant 0 : i32
    return %arg0 : i32
  }
  func.func @transform_1(%arg0: i32) -> (i32, i32) {
    %c0_i32 = arith.constant 0 : i32
    %c0_i32_0 = arith.constant 0 : i32
    return %arg0, %c0_i32 : i32, i32
  }
  func.func @transform_2(%arg0: i32) -> (i32, i32) {
    %c0_i32 = arith.constant 0 : i32
    %c0_i32_0 = arith.constant 0 : i32
    return %arg0, %c0_i32 : i32, i32
  }
  func.func @transform_3(%arg0: i32) -> (i32, i32) {
    %c0_i32 = arith.constant 0 : i32
    %c0_i32_0 = arith.constant 0 : i32
    %c0_i32_1 = arith.constant 0 : i32
    return %c0_i32, %c0_i32_0 : i32, i32
  }
  func.func @transform_4(%arg0: i32) -> (i32, i32) {
    %c0_i32 = arith.constant 0 : i32
    %c0_i32_0 = arith.constant 0 : i32
    %c0_i32_1 = arith.constant 0 : i32
    return %c0_i32, %c0_i32_0 : i32, i32
  }
  func.func @transform_5(%arg0: i32) -> i32 {
    %c0_i32 = arith.constant 0 : i32
    return %arg0 : i32
  }
}

module attributes {stable_mosaic.version = 14 : i64} {
  func.func @_fin_body(%arg0: memref<2621440xbf16, #tpu.memory_space<vmem>>, %arg1: memref<10000x1xi32, #tpu.memory_space<vmem>>, %arg2: memref<10000x1xi32, #tpu.memory_space<vmem>>, %arg3: memref<64x16xf32, #tpu.memory_space<vmem>>, %arg4: memref<272x272xf32, #tpu.memory_space<vmem>>, %arg5: memref<1x272xf32, #tpu.memory_space<vmem>>, %arg6: memref<272x128xf32, #tpu.memory_space<vmem>>, %arg7: memref<1x128xf32, #tpu.memory_space<vmem>>, %arg8: memref<128x128xf32, #tpu.memory_space<vmem>>, %arg9: memref<1x128xf32, #tpu.memory_space<vmem>>, %arg10: memref<128x1xf32, #tpu.memory_space<vmem>>, %arg11: memref<1x1xf32, #tpu.memory_space<vmem>>, %arg12: memref<64x1xf32, #tpu.memory_space<vmem>>) attributes {dimension_semantics = [], scalar_prefetch = 0 : i64, scratch_operands = 0 : i64, tpu.core_type = #tpu.core_type<tc>} {
    %get3A = arith.constant 0 : index
    %get3A_0 = vector.load %arg0[%get3A] : memref<2621440xbf16, #tpu.memory_space<vmem>>, vector<2621440xbf16>
    %reshape3A = vector.shape_cast %get3A_0 : vector<2621440xbf16> to vector<20480x128xbf16>
    %iota3A = tpu.iota {dimensions = array<i32: 1>} : vector<1x64xi32>
    %slice3A = vector.extract_strided_slice %reshape3A {offsets = [0, 0], sizes = [10000, 128], strides = [1, 1]} : vector<20480x128xbf16> to vector<10000x128xbf16>
    %convert_element_type3A = arith.extf %slice3A : vector<10000x128xbf16> to vector<10000x128xf32>
    %get3A_1 = arith.constant 0 : index
    %get3A_2 = arith.constant 0 : index
    %get3A_3 = vector.load %arg1[%get3A_1, %get3A_2] : memref<10000x1xi32, #tpu.memory_space<vmem>>, vector<10000x1xi32>
    %eq3A = vector.broadcast %get3A_3 : vector<10000x1xi32> to vector<10000x64xi32>
    %eq3A_4 = vector.broadcast %iota3A : vector<1x64xi32> to vector<10000x64xi32>
    %eq3A_5 = arith.cmpi eq, %eq3A, %eq3A_4 : vector<10000x64xi32>
    %convert_element_type3A_6 = arith.extui %eq3A_5 : vector<10000x64xi1> to vector<10000x64xi32>
    %convert_element_type3A_7 = arith.sitofp %convert_element_type3A_6 : vector<10000x64xi32> to vector<10000x64xf32>
    %dot_general3A = arith.constant dense<0.000000e+00> : vector<64x128xf32>
    %dot_general3A_8 = tpu.matmul %convert_element_type3A_7, %convert_element_type3A, %dot_general3A {dimension_numbers = #tpu.dot_dimension_numbers<[0], [0], [1], [1], [0, 1, 1, 1], [], []>, transpose_lhs_hint = false} : vector<10000x64xf32>, vector<10000x128xf32>, vector<64x128xf32> -> vector<64x128xf32>
    %reduce_sum3A = arith.constant dense<0.000000e+00> : vector<64xf32>
    %reduce_sum3A_9 = vector.multi_reduction <add>, %convert_element_type3A_7, %reduce_sum3A [0] : vector<10000x64xf32> to vector<64xf32>
    %broadcast_in_dim3A = vector.shape_cast %reduce_sum3A_9 : vector<64xf32> to vector<64x1xf32>
    %max3A = arith.constant 1.000000e+00 : f32
    %max3A_10 = vector.broadcast %max3A : f32 to vector<64x1xf32>
    %max3A_11 = arith.maximumf %broadcast_in_dim3A, %max3A_10 : vector<64x1xf32>
    %div3A = vector.broadcast %max3A_11 : vector<64x1xf32> to vector<64x128xf32>
    %div3A_12 = arith.divf %dot_general3A_8, %div3A : vector<64x128xf32>
    %slice3A_13 = vector.extract_strided_slice %reshape3A {offsets = [10240, 0], sizes = [10000, 128], strides = [1, 1]} : vector<20480x128xbf16> to vector<10000x128xbf16>
    %convert_element_type3A_14 = arith.extf %slice3A_13 : vector<10000x128xbf16> to vector<10000x128xf32>
    %get3A_15 = arith.constant 0 : index
    %get3A_16 = arith.constant 0 : index
    %get3A_17 = vector.load %arg2[%get3A_15, %get3A_16] : memref<10000x1xi32, #tpu.memory_space<vmem>>, vector<10000x1xi32>
    %eq3A_18 = vector.broadcast %get3A_17 : vector<10000x1xi32> to vector<10000x64xi32>
    %eq3A_19 = vector.broadcast %iota3A : vector<1x64xi32> to vector<10000x64xi32>
    %eq3A_20 = arith.cmpi eq, %eq3A_18, %eq3A_19 : vector<10000x64xi32>
    %convert_element_type3A_21 = arith.extui %eq3A_20 : vector<10000x64xi1> to vector<10000x64xi32>
    %convert_element_type3A_22 = arith.sitofp %convert_element_type3A_21 : vector<10000x64xi32> to vector<10000x64xf32>
    %dot_general3A_23 = arith.constant dense<0.000000e+00> : vector<64x128xf32>
    %dot_general3A_24 = tpu.matmul %convert_element_type3A_22, %convert_element_type3A_14, %dot_general3A_23 {dimension_numbers = #tpu.dot_dimension_numbers<[0], [0], [1], [1], [0, 1, 1, 1], [], []>, transpose_lhs_hint = false} : vector<10000x64xf32>, vector<10000x128xf32>, vector<64x128xf32> -> vector<64x128xf32>
    %reduce_sum3A_25 = arith.constant dense<0.000000e+00> : vector<64xf32>
    %reduce_sum3A_26 = vector.multi_reduction <add>, %convert_element_type3A_22, %reduce_sum3A_25 [0] : vector<10000x64xf32> to vector<64xf32>
    %broadcast_in_dim3A_27 = vector.shape_cast %reduce_sum3A_26 : vector<64xf32> to vector<64x1xf32>
    %max3A_28 = arith.constant 1.000000e+00 : f32
    %max3A_29 = vector.broadcast %max3A_28 : f32 to vector<64x1xf32>
    %max3A_30 = arith.maximumf %broadcast_in_dim3A_27, %max3A_29 : vector<64x1xf32>
    %div3A_31 = vector.broadcast %max3A_30 : vector<64x1xf32> to vector<64x128xf32>
    %div3A_32 = arith.divf %dot_general3A_24, %div3A_31 : vector<64x128xf32>
    %get3A_33 = arith.constant 0 : index
    %get3A_34 = arith.constant 0 : index
    %get3A_35 = vector.load %arg4[%get3A_33, %get3A_34] : memref<272x272xf32, #tpu.memory_space<vmem>>, vector<272x272xf32>
    %slice3A_36 = vector.extract_strided_slice %get3A_35 {offsets = [0, 0], sizes = [128, 272], strides = [1, 1]} : vector<272x272xf32> to vector<128x272xf32>
    %dot_general3A_37 = arith.constant dense<0.000000e+00> : vector<64x272xf32>
    %dot_general3A_38 = tpu.matmul %div3A_12, %slice3A_36, %dot_general3A_37 {dimension_numbers = #tpu.dot_dimension_numbers<[1], [0], [0], [1], [0, 0, 1, 1], [], []>, transpose_lhs_hint = false} : vector<64x128xf32>, vector<128x272xf32>, vector<64x272xf32> -> vector<64x272xf32>
    %slice3A_39 = vector.extract_strided_slice %get3A_35 {offsets = [128, 0], sizes = [128, 272], strides = [1, 1]} : vector<272x272xf32> to vector<128x272xf32>
    %dot_general3A_40 = arith.constant dense<0.000000e+00> : vector<64x272xf32>
    %dot_general3A_41 = tpu.matmul %div3A_32, %slice3A_39, %dot_general3A_40 {dimension_numbers = #tpu.dot_dimension_numbers<[1], [0], [0], [1], [0, 0, 1, 1], [], []>, transpose_lhs_hint = false} : vector<64x128xf32>, vector<128x272xf32>, vector<64x272xf32> -> vector<64x272xf32>
    %add3A = arith.addf %dot_general3A_38, %dot_general3A_41 : vector<64x272xf32>
    %get3A_42 = arith.constant 0 : index
    %get3A_43 = arith.constant 0 : index
    %get3A_44 = vector.load %arg3[%get3A_42, %get3A_43] : memref<64x16xf32, #tpu.memory_space<vmem>>, vector<64x16xf32>
    %slice3A_45 = vector.extract_strided_slice %get3A_35 {offsets = [256, 0], sizes = [16, 272], strides = [1, 1]} : vector<272x272xf32> to vector<16x272xf32>
    %dot_general3A_46 = arith.constant dense<0.000000e+00> : vector<64x272xf32>
    %dot_general3A_47 = tpu.matmul %get3A_44, %slice3A_45, %dot_general3A_46 {dimension_numbers = #tpu.dot_dimension_numbers<[1], [0], [0], [1], [0, 0, 1, 1], [], []>, transpose_lhs_hint = false} : vector<64x16xf32>, vector<16x272xf32>, vector<64x272xf32> -> vector<64x272xf32>
    %add3A_48 = arith.addf %add3A, %dot_general3A_47 : vector<64x272xf32>
    %get3A_49 = arith.constant 0 : index
    %get3A_50 = arith.constant 0 : index
    %get3A_51 = vector.load %arg5[%get3A_49, %get3A_50] : memref<1x272xf32, #tpu.memory_space<vmem>>, vector<1x272xf32>
    %add3A_52 = vector.broadcast %get3A_51 : vector<1x272xf32> to vector<64x272xf32>
    %add3A_53 = arith.addf %add3A_48, %add3A_52 : vector<64x272xf32>
    %max3A_54 = arith.constant 0.000000e+00 : f32
    %max3A_55 = vector.broadcast %max3A_54 : f32 to vector<64x272xf32>
    %max3A_56 = arith.maximumf %add3A_53, %max3A_55 : vector<64x272xf32>
    %get3A_57 = arith.constant 0 : index
    %get3A_58 = arith.constant 0 : index
    %get3A_59 = vector.load %arg6[%get3A_57, %get3A_58] : memref<272x128xf32, #tpu.memory_space<vmem>>, vector<272x128xf32>
    %dot_general3A_60 = arith.constant dense<0.000000e+00> : vector<64x128xf32>
    %dot_general3A_61 = tpu.matmul %max3A_56, %get3A_59, %dot_general3A_60 {dimension_numbers = #tpu.dot_dimension_numbers<[1], [0], [0], [1], [0, 0, 1, 1], [], []>, transpose_lhs_hint = false} : vector<64x272xf32>, vector<272x128xf32>, vector<64x128xf32> -> vector<64x128xf32>
    %get3A_62 = arith.constant 0 : index
    %get3A_63 = arith.constant 0 : index
    %get3A_64 = vector.load %arg7[%get3A_62, %get3A_63] : memref<1x128xf32, #tpu.memory_space<vmem>>, vector<1x128xf32>
    %add3A_65 = vector.broadcast %get3A_64 : vector<1x128xf32> to vector<64x128xf32>
    %add3A_66 = arith.addf %dot_general3A_61, %add3A_65 : vector<64x128xf32>
    %max3A_67 = arith.constant 0.000000e+00 : f32
    %max3A_68 = vector.broadcast %max3A_67 : f32 to vector<64x128xf32>
    %max3A_69 = arith.maximumf %add3A_66, %max3A_68 : vector<64x128xf32>
    %get3A_70 = arith.constant 0 : index
    %get3A_71 = arith.constant 0 : index
    %get3A_72 = vector.load %arg8[%get3A_70, %get3A_71] : memref<128x128xf32, #tpu.memory_space<vmem>>, vector<128x128xf32>
    %dot_general3A_73 = arith.constant dense<0.000000e+00> : vector<64x128xf32>
    %dot_general3A_74 = tpu.matmul %max3A_69, %get3A_72, %dot_general3A_73 {dimension_numbers = #tpu.dot_dimension_numbers<[1], [0], [0], [1], [0, 0, 1, 1], [], []>, transpose_lhs_hint = false} : vector<64x128xf32>, vector<128x128xf32>, vector<64x128xf32> -> vector<64x128xf32>
    %get3A_75 = arith.constant 0 : index
    %get3A_76 = arith.constant 0 : index
    %get3A_77 = vector.load %arg9[%get3A_75, %get3A_76] : memref<1x128xf32, #tpu.memory_space<vmem>>, vector<1x128xf32>
    %add3A_78 = vector.broadcast %get3A_77 : vector<1x128xf32> to vector<64x128xf32>
    %add3A_79 = arith.addf %dot_general3A_74, %add3A_78 : vector<64x128xf32>
    %max3A_80 = arith.constant 0.000000e+00 : f32
    %max3A_81 = vector.broadcast %max3A_80 : f32 to vector<64x128xf32>
    %max3A_82 = arith.maximumf %add3A_79, %max3A_81 : vector<64x128xf32>
    %get3A_83 = arith.constant 0 : index
    %get3A_84 = arith.constant 0 : index
    %get3A_85 = vector.load %arg10[%get3A_83, %get3A_84] : memref<128x1xf32, #tpu.memory_space<vmem>>, vector<128x1xf32>
    %dot_general3A_86 = arith.constant dense<0.000000e+00> : vector<64x1xf32>
    %dot_general3A_87 = tpu.matmul %max3A_82, %get3A_85, %dot_general3A_86 {dimension_numbers = #tpu.dot_dimension_numbers<[1], [0], [0], [1], [0, 0, 1, 1], [], []>, transpose_lhs_hint = false} : vector<64x128xf32>, vector<128x1xf32>, vector<64x1xf32> -> vector<64x1xf32>
    %get3A_88 = arith.constant 0 : index
    %get3A_89 = arith.constant 0 : index
    %get3A_90 = vector.load %arg11[%get3A_88, %get3A_89] : memref<1x1xf32, #tpu.memory_space<vmem>>, vector<1x1xf32>
    %add3A_91 = vector.broadcast %get3A_90 : vector<1x1xf32> to vector<64x1xf32>
    %add3A_92 = arith.addf %dot_general3A_87, %add3A_91 : vector<64x1xf32>
    %swap3A = arith.constant 0 : index
    %swap3A_93 = arith.constant 0 : index
    %swap3A_94 = vector.load %arg12[%swap3A, %swap3A_93] : memref<64x1xf32, #tpu.memory_space<vmem>>, vector<64x1xf32>
    tpu.vector_store %arg12[%swap3A, %swap3A_93], %add3A_92 {strides = array<i32>} : memref<64x1xf32, #tpu.memory_space<vmem>>, vector<64x1xf32>,
    return
  }
}

</mosaic_0001>

<sc_bundles>
// kernel: closed_call.9.cloned.1.call-start
scs
__scs_entry_jumppad:
0x0: {  	(pc) =	sbr.rel $0x88, $3  }
0x1: {  	(tag) =	ssettag $0x0;
	lr =	simm.s32 $0x1  }
0x2: {  	[smem:$0x3F8E] =	sst lr;
	_ =	strace $0xD0000000  }
0x3: {  	_ = 	snop  }
0x4: {  	_ = 	snop  }
0x5: {  	_ = 	snop  }
0x6: {  	_ = 	snop  }
0x7: {  	_ = 	snop  }
__scs_overlays_trampoline_lowered:
0x8: {  	[smem:$0x3F9D] =	sst s0  }
0x9: {  	[smem:$0x3F9E] =	sst s1  }
0xa: {  	[smem:$0x3F9F] =	sst s2  }
0xb: {  	[smem:$0x3FA0] =	sst s3  }
0xc: {  	[smem:$0x3FA1] =	sst s4  }
0xd: {  	[smem:$0x3FA2] =	sst s5  }
0xe: {  	[smem:$0x3FA3] =	sst s6  }
0xf: {  	[smem:$0x3FA4] =	sst s7  }
0x10: {  	[smem:$0x3FA5] =	sst s8  }
0x11: {  	[smem:$0x3FA6] =	sst s9;
	s0 =	simm.s32 @!p0 $0x0  }
0x12: {  	s1 =	sld [smem:$0x3F8C];
	s0 =	simm.s32 @p0 $0x1  }
0x13: {  	[smem:$0x3FA7] =	sst s0;
	s0 =	simm.s32 @!p1 $0x0  }
0x14: {  	s2 =	sld [smem:$0x3F8B];
	s0 =	simm.s32 @p1 $0x1  }
0x15: {  	[smem:$0x3FA8] =	sst s0;
	s0 =	simm.s32 @!p2 $0x0  }
0x16: {  	s3 =	sld [smem:$0x3FDB];
	s0 =	simm.s32 @p2 $0x1  }
0x17: {  	s4 =	simm.s32 $0x1BF5;
	[smem:$0x3FAA] =	sst s0  }
0x18: {  	s0 =	sld [smem:$0x3F8D];
	_ =	swait.ge [sflag:s4], $0x0  }
0x19: {  	s7 =	sld [smem:$0x3F8E]  }
0x1a: {  	s8 =	sadd.s32 $0xFFFFE003, lr  }
0x1b: {  	s9 =	sadd.s32 $0xFFFFFEF7, lr;
	s5 =	simm.s32 $0xFFFFFFFF;
	p2 =	slt.u32 s8, $0xFFFFF086  }
0x1c: {  	p1 =	slt.u32 s9, $0xF7A;
	s5 =	simm.s32 @!p2 $0x0  }
0x1d: {  	s5 =	simm.s32 @p1 $0x1;
	p0 =	seq.s32 s7, s2  }
0x1e: {  	s7 =	smul.u32 @!p0 $0xF7A, s2;
	p2 =	seq.s32 @!p0 s5, $0x0  }
0x1f: {  	s9 =	smul.u32 $0xF7A, s1;
	s8 =	simm.s32 @!p0 $0x1BF5;
	p2 =	por !p2, p0  }
0x20: {  	[sflag:s8] =	ssyncset.s32 @!p0 $0xFFFFF086;
	s6 =	sadd.s32 @!p0 s3, s7;
	s7 =	simm.s32 @!p0 $0x108  }
0x21: {  	s3 =	sadd.s32 s3, s9;
	s6 =	sadd.s32 @!p0 $0x88, s6;
	s7 =	simm.s32 @p2 $0x1082  }
0x22: {  	[simem:s7], [sflag:s8] =	dma.local @!p0 [hbm:s6], $0xF7A  }
0x23: {  	s9 =	sor.u32 $0xD0000000, s2;
	s6 =	simm.s32 $0x108;
	_ =	swait.ge @!p0 [sflag:s8], $0x0  }
0x24: {  	s3 =	sadd.s32 $0x88, s3;
	s6 =	simm.s32 @!p1 $0x1082;
	[sflag:s4] =	ssyncset.s32 $0xFFFFF086  }
0x25: {  	[simem:s6], [sflag:s4] =	dma.local [hbm:s3], $0xF7A  }
0x26: {  	[smem:$0x3F8E] =	sst s1;
	(tag) =	ssettag s2;
	_ =	strace s9  }
0x27: {  	s1 =	sld [smem:$0x3F9E]  }
0x28: {  	s2 =	sld [smem:$0x3F9F]  }
0x29: {  	s4 =	sld [smem:$0x3FA1]  }
0x2a: {  	p0 =	seq.s32 s5, $0x0;
	s5 =	sld [smem:$0x3FA2]  }
0x2b: {  	s6 =	sld [smem:$0x3FA3]  }
0x2c: {  	s7 =	sld [smem:$0x3FA4]  }
0x2d: {  	s3 =	simm.s32 $0x108;
	s8 =	sld [smem:$0x3FA5]  }
0x2e: {  	s3 =	simm.s32 @!p0 $0x1082;
	s9 =	sld [smem:$0x3FA6]  }
0x2f: {  	lr =	sadd.s32 s0, s3;
	s0 =	sld [smem:$0x3F9D]  }
0x30: {  	s3 =	sld [smem:$0x3FA0]  }
0x31: {  	[smem:$0x3FA9] =	sst s10  }
0x32: {  	s10 =	sld [smem:$0x3FA7];
	_ =	sdelay $0x3  }
0x33: {  	p0 =	seq.s32 s10, $0x1;
	s10 =	sld [smem:$0x3FA9];
	_ =	sdelay $0x3  }
0x34: {  	[smem:$0x3FA9] =	sst s10  }
0x35: {  	s10 =	sld [smem:$0x3FA8];
	_ =	sdelay $0x3  }
0x36: {  	p1 =	seq.s32 s10, $0x1;
	s10 =	sld [smem:$0x3FA9];
	_ =	sdelay $0x3  }
0x37: {  	[smem:$0x3FA9] =	sst s10  }
0x38: {  	s10 =	sld [smem:$0x3FAA]  }
0x39: {  	_ = 	snop;
	(pc) =	sbr.ind lr, $3  }
0x3a: {  	_ = 	snop  }
0x3b: {  	_ = 	snop  }
0x3c: {  	p2 =	seq.s32 s10, $0x1;
	s10 =	sld [smem:$0x3FA9]  }
0x3d: {  	_ =	shalt  }
0x3e: {  	_ =	shalt  }
0x3f: {  	_ =	shalt  }
0x40: {  	_ =	shalt  }
0x41: {  	_ =	shalt  }
0x42: {  	_ =	shalt  }
0x43: {  	_ =	shalt  }
0x44: {  	_ =	shalt  }
0x45: {  	_ =	shalt  }
0x46: {  	_ =	shalt  }
0x47: {  	_ =	shalt  }
0x48: {  	_ =	shalt  }
0x49: {  	_ =	shalt  }
0x4a: {  	_ =	shalt  }
0x4b: {  	_ =	shalt  }
0x4c: {  	_ =	shalt  }
0x4d: {  	_ =	shalt  }
0x4e: {  	_ =	shalt  }
0x4f: {  	_ =	shalt  }
0x50: {  	_ =	shalt  }
0x51: {  	_ =	shalt  }
0x52: {  	_ =	shalt  }
0x53: {  	_ =	shalt  }
0x54: {  	_ =	shalt  }
0x55: {  	_ =	shalt  }
0x56: {  	_ =	shalt  }
0x57: {  	_ =	shalt  }
0x58: {  	_ =	shalt  }
0x59: {  	_ =	shalt  }
0x5a: {  	_ =	shalt  }
0x5b: {  	_ =	shalt  }
0x5c: {  	_ =	shalt  }
0x5d: {  	_ =	shalt  }
0x5e: {  	_ =	shalt  }
0x5f: {  	_ =	shalt  }
0x60: {  	_ =	shalt  }
0x61: {  	_ =	shalt  }
0x62: {  	_ =	shalt  }
0x63: {  	_ =	shalt  }
0x64: {  	_ =	shalt  }
0x65: {  	_ =	shalt  }
0x66: {  	_ =	shalt  }
0x67: {  	_ =	shalt  }
0x68: {  	_ =	shalt  }
0x69: {  	_ =	shalt  }
0x6a: {  	_ =	shalt  }
0x6b: {  	_ =	shalt  }
0x6c: {  	_ =	shalt  }
0x6d: {  	_ =	shalt  }
0x6e: {  	_ =	shalt  }
0x6f: {  	_ =	shalt  }
0x70: {  	_ =	shalt  }
0x71: {  	_ =	shalt  }
0x72: {  	_ =	shalt  }
0x73: {  	_ =	shalt  }
0x74: {  	_ =	shalt  }
0x75: {  	_ =	shalt  }
0x76: {  	_ =	shalt  }
0x77: {  	_ =	shalt  }
0x78: {  	_ =	shalt  }
0x79: {  	_ =	shalt  }
0x7a: {  	_ =	shalt  }
0x7b: {  	_ =	shalt  }
0x7c: {  	_ =	shalt  }
0x7d: {  	_ =	shalt  }
0x7e: {  	_ =	shalt  }
0x7f: {  	_ =	shalt  }
0x80: {  	_ =	shalt  }
0x81: {  	_ =	shalt  }
0x82: {  	_ =	shalt  }
0x83: {  	_ =	shalt  }
0x84: {  	_ =	shalt  }
0x85: {  	_ =	shalt  }
0x86: {  	_ =	shalt  }
0x87: {  	_ =	shalt  }
.Lfunc_end0:
.L_simem_size_0:
called_computation_lowered:
.L_overlay_start_0:
0x88: {  	s2 =	sld [smem:$0x3FD9]  }
0x89: {  	s3 =	sld [smem:$0x3FFE];
	_ =	sdelay $0x1  }
0x8a: {  	s1 =	srdreg.scid  }
0x8b: {  	s0 =	sand.u32 $0x1, s1  }
0x8c: {  	s16 =	sshll.u32 s0, $0xA;
	s2 =	sadd.s32 s3, s2  }
0x8d: {  	s2 =	sadd.s32 s2, s16  }
0x8e: {  	[smem:$0x3FB5] =	sst s2  }
0x8f: {  	_ = 	snop  }
0x90: {  	(tm) =	ssettm $0x1  }
0x91: {  	s17 =	sld [smem:$0x3FFB];
	_ =	sdelay $0x3  }
0x92: {  	_ =	strace s17  }
0x93: {  	s2 =	sld [smem:$0x3FFC];
	_ =	sdelay $0x3  }
0x94: {  	_ =	strace s2  }
0x95: {  	s2 =	sld [smem:$0x3FFD];
	_ =	sdelay $0x3  }
0x96: {  	_ =	strace s2  }
0x97: {  	_ =	strace $0x8FFFFFFF  }
0x98: {  	s18 =	sld [smem:$0x3FDB];
	_ =	sdelay $0x1  }
0x99: {  	s19 =	simm.s32 $_scs_section_size  }
0x9a: {  	s4 =	simm.s32 $_size__tile_overlayer_lowered;
	s5 =	simm.s32 $_tile_overlayer_lowered  }
0x9b: {  	s22 =	simm.s32 $0x1BFF;
	s21 =	sshll.u32 s5, $0x1;
	s2 =	sadd.s32 s19, s18  }
0x9c: {  	s6 =	simm.s32 $0x0;
	s20 =	sshll.u32 s4, $0x1;
	s4 =	sadd.s32 s21, s2  }
0x9d: {  	[timem:s6], [sflag:s22] =	dma.local [hbm:s4], s20  }
0x9e: {  	_ =	swait.ge [sflag:s22], s20  }
0x9f: {  	s3 =	ssub.s32 $0x0, s20;
	[sflag:s22] =	ssyncset.done $0x0  }
0xa0: {  	[sflag:s22] =	ssyncadd.s32 s3;
	_ =	sdelay $0x1  }
0xa1: {  	s23 =	simm.s32 $0x1B8B  }
0xa2: {  	_ =	swait.ge [sflag:s23], $0x1  }
0xa3: {  	[sflag:s23] =	ssyncset.done $0x0  }
0xa4: {  	s25 =	simm.s32 $0x1B8E;
	s24 =	sld [smem:$0x3FFE];
	[sflag:s23] =	ssyncadd.s32 $0xFFFFFFFF  }
0xa5: {  	s26 =	simm.s32 $execute0_lowered;
	[smem:$0x3FD2] =	sst s25  }
0xa6: {  	s4 =	sshll.u32 s26, $0x1;
	_ =	strace $0x80000049;
	[dreg:$0x1] =	wrdreg $0xFFFFFFFF  }
0xa7: {  	s28 =	simm.s32 $_size_execute0_lowered;
	s2 =	sadd.s32 s2, s4;
	[dreg:$0x0] =	wrdreg $0x0  }
0xa8: {  	s4 =	sshll.u32 s28, $0x1;
	[dreg:$0x2] =	wrdreg s2  }
0xa9: {  	[dreg:$0x3] =	wrdreg s4  }
0xaa: {  	[dreg:$0x4] =	wrdreg $0xC0  }
0xab: {  	_ =	task [dreg:s6], $0x5FFFF  }
0xac: {  	[dreg:$0x1] =	wrdreg $0xFFFFFFFF  }
0xad: {  	[dreg:$0x0] =	wrdreg $0x60  }
0xae: {  	[dreg:$0x2] =	wrdreg s24  }
0xaf: {  	[dreg:$0x3] =	wrdreg $0x140000  }
0xb0: {  	[dreg:$0x4] =	wrdreg $0x9  }
0xb1: {  	_ =	task.clear_ibuf [dreg:s6], $0x5FFFF;
	_ =	strace $0x90000049  }
0xb2: {  	s29 =	simm.s32 $0x9;
	_ =	strace $0x8000004B  }
0xb3: {  	_ =	swait.ge [sflag:s29], $0x1  }
0xb4: {  	[sflag:s29] =	ssyncadd.s32 $0xFFFFFFFF  }
0xb5: {  	_ =	strace $0x9000004B  }
0xb6: {  	_ =	sfence  }
0xb7: {  	s30 =	sld [smem:$0x0];
	_ =	sdelay $0x2  }
0xb8: {  	s31 =	sshll.u32 s1, $0xD;
	s1 =	sshrl.u32 s1, $0x2  }
0xb9: {  	s3 =	sand.u32 $0x4000, s31;
	s1 =	sadd.s32 s1, s30  }
0xba: {  	s0 =	sor.u32 s3, s0;
	s1 =	sshll.u32 s1, $0x11  }
0xbb: {  	s0 =	sor.u32 s1, s0  }
0xbc: {  	s0 =	sadd.s32 $0x8F2B, s0  }
0xbd: {  	[sflag:s0] =	ssyncadd.remote.s32 $0x1  }
0xbe: {  	_ =	sfence.sel $0xFFFF  }
0xbf: {  	[dreg:$0x0] =	wrdreg $0xFFFFFFFF;
	(pc) =	sbr.abs _section_cstart, $3  }
0xc0: {  	[dreg:$0x1] =	wrdreg $0xFFFFFFFF  }
0xc1: {  	_ =	task.clear_ibuf [dreg:s6], $0x2FFFF;
	_ =	strace $0x9FFFFFFF  }
0xc2: {  	(tm) =	ssettm $0x7FFFFFFF  }
0xc3: {  	_ =	shalt  }
tec
execute0_lowered:
.L_overlay_start_1:
0x0: {  	(tag) =	ssettag $0x1  }
0x1: {  	s0 =	rddreg [dreg:$0x0]  }
0x2: {  	s1 =	rddreg [dreg:$0x1];
	s2 =	srdreg.scid;
	s3 =	simm.s32 $0x0  }
0x3: {  	s8 =	stileid.u32;
	s20 =	simm.s32 $0x12000;
	s28 =	simm.s32 $0x10000  }
0x4: {  	s29 =	simm.s32 $0x1;
	s30 =	simm.s32 $0x2;
	s6 =	smul.u32 $0x5000, s8  }
0x5: {  	s31 =	simm.s32 $0x3;
	s2 =	sand.u32 $0x1, s2;
	s11 =	smul.u32 $0x14000, s8  }
0x6: {  	[smem:$0x7FF] =	sst s3;
	s4 =	sadd.s32 $0xF4200, s0;
	s5 =	smul.u32 $0x50000, s2  }
0x7: {  	_ =	strace $0x8000004A;
	s21 =	ssub.s32 $0x2, s2;
	s2 =	smul.u32 $0x140000, s2  }
0x8: {  	s7 =	sshrl.u32 s21, $0x1;
	s23 =	sshrl.u32 s11, $0x1;
	s12 =	sadd.s32 $0x4000, s11  }
0x9: {  	s14 =	sadd.s32 $0x8000, s11;
	s15 =	sadd.s32 $0xC000, s11;
	s16 =	sadd.s32 $0x10000, s11  }
0xa: {  	s5 =	sadd.s32 s6, s5;
	s17 =	ssub.s32 s21, s7;
	s7 =	sadd.s32 s23, s1  }
0xb: {  	s24 =	sshrl.u32 s12, $0x1;
	s9 =	sshrl.u32 s14, $0x1;
	s10 =	sshrl.u32 s15, $0x1  }
0xc: {  	s13 =	sshrl.u32 s16, $0x1;
	s18 =	sadd.s32 s11, s2;
	s12 =	sadd.s32 s2, s12  }
0xd: {  	s14 =	sadd.s32 s2, s14;
	s15 =	sadd.s32 s2, s15;
	s2 =	sadd.s32 s2, s16  }
0xe: {  	s21 =	simm.s32 $0x80;
	s23 =	simm.s32 $0xC000;
	s5 =	sshrl.u32 s5, $0x3  }
0xf: {  	s8 =	sadd.s32 s24, s1;
	s9 =	sadd.s32 s9, s1;
	s10 =	sadd.s32 s10, s1  }
0x10: {  	s11 =	sadd.s32 s13, s1;
	s25 =	sshrl.u32 s18, $0x4;
	s26 =	sshrl.u32 s12, $0x4  }
0x11: {  	s14 =	sshrl.u32 s14, $0x4;
	s15 =	sshrl.u32 s15, $0x4;
	s2 =	sshrl.u32 s2, $0x4  }
0x12: {  	s17 =	smax.u32 s17, $0x1;
	s18 =	simm.s32 $0x5;
	s22 =	sadd.s32 s5, s0  }
0x13: {  	s0 =	sadd.s32 $0x11C200, s0;
	s5 =	sadd.s32 $0x2CE00, s22;
	s6 =	sadd.s32 $0x40E00, s22  }
0x14: {  	s12 =	sadd.s32 s0, s25;
	s13 =	sadd.s32 s0, s26;
	s14 =	sadd.s32 s0, s14  }
0x15: {  	s15 =	sadd.s32 s0, s15;
	s16 =	sadd.s32 s0, s2;
	s22 =	simm.s32 $0xA000  }
0x16: {  	v0 =	vimm.bf16 $0.0e+00;
	s25 =	simm.s32 $0xE000;
	s0 =	simm.s32 $0x4;
	s26 =	simm.s32 $0x9F80  }
.LBB2_1:
0x17: {  	s19 =	simm.s32 $0x100;
	s2 =	simm.s32 $0x0  }
.LBB2_2:
0x18: {  	p0 =	sne.s32 s19, $0x7F00;
	[tilespmem:s2+$0x12030] =	vst v0;
	s24 =	smov.u32 s19;
	s19 =	sadd.s32 $0x100, s19  }
.Ltmp0:
0x19: {  	[tilespmem:s2+$0x12020] =	vst v0;
	(pc) =	sbr.rel @p0 .LBB2_2-.Ltmp0, $3  }
0x1a: {  	[tilespmem:s2+$0x12000] =	vst v0  }
0x1b: {  	[tilespmem:s2+$0x12010] =	vst v0;
	_ =	sdelay $0x1  }
0x1c: {  	s2 =	sshra.s32 s24, $0x2  }
0x1d: {  	[tilespmem:s2+$0x12030] =	vst v0  }
0x1e: {  	[tilespmem:s2+$0x12020] =	vst v0  }
0x1f: {  	[tilespmem:s2+$0x12000] =	vst v0  }
0x20: {  	[tilespmem:s2+$0x12010] =	vst v0;
	s24 =	simm.s32 $0x0  }
0x21: {  	[tilespmem:s24], [sflag:$0x5] =	stream.linear.gather [hbm4b:s5+s24], $0x5000, $0x38;
	[tilespmem:$0x1E000] =	vst v63  }
0x22: {  	_ =	swait.ge [sflag:s18], $0x5000  }
0x23: {  	[sflag:s18] =	ssyncset.done $0x0  }
0x24: {  	s19 =	simm.s32 $0x5000;
	[sflag:s18] =	ssyncadd.s32 $0xFFFFB000  }
0x25: {  	[tilespmem:s19], [sflag:$0x5] =	stream.linear.gather [hbm4b:s6+s24], $0x5000, $0x38;
	[tilespmem:$0x1E000] =	vst v63  }
0x26: {  	_ =	swait.ge [sflag:s18], $0x5000  }
0x27: {  	[sflag:s18] =	ssyncset.done $0x0  }
0x28: {  	[sflag:s18] =	ssyncadd.s32 $0xFFFFB000  }
0x29: {  	[spmem:s7] =	stream.linear.scatter [tilespmem:s20], [sflag:$0x5], $0x2000, $0x38;
	[tilespmem:$0x1E000] =	vst v63  }
0x2a: {  	_ =	swait.ge [sflag:s18], $0x2000  }
0x2b: {  	[sflag:s18] =	ssyncset.done $0x0  }
0x2c: {  	[sflag:s18] =	ssyncadd.s32 $0xFFFFE000  }
0x2d: {  	[spmem:s8] =	stream.linear.scatter [tilespmem:s20], [sflag:$0x5], $0x2000, $0x38;
	[tilespmem:$0x1E000] =	vst v63  }
0x2e: {  	_ =	swait.ge [sflag:s18], $0x2000  }
0x2f: {  	[sflag:s18] =	ssyncset.done $0x0  }
0x30: {  	[sflag:s18] =	ssyncadd.s32 $0xFFFFE000  }
0x31: {  	[spmem:s9] =	stream.linear.scatter [tilespmem:s20], [sflag:$0x5], $0x2000, $0x38;
	[tilespmem:$0x1E000] =	vst v63  }
0x32: {  	_ =	swait.ge [sflag:s18], $0x2000  }
0x33: {  	[sflag:s18] =	ssyncset.done $0x0  }
0x34: {  	[sflag:s18] =	ssyncadd.s32 $0xFFFFE000  }
0x35: {  	[spmem:s10] =	stream.linear.scatter [tilespmem:s20], [sflag:$0x5], $0x2000, $0x38;
	[tilespmem:$0x1E000] =	vst v63  }
0x36: {  	_ =	swait.ge [sflag:s18], $0x2000  }
0x37: {  	[sflag:s18] =	ssyncset.done $0x0  }
0x38: {  	[sflag:s18] =	ssyncadd.s32 $0xFFFFE000  }
0x39: {  	[spmem:s11] =	stream.linear.scatter [tilespmem:s20], [sflag:$0x5], $0x2000, $0x38;
	[tilespmem:$0x1E000] =	vst v63  }
0x3a: {  	_ =	swait.ge [sflag:s18], $0x2000  }
0x3b: {  	[sflag:s18] =	ssyncset.done $0x0  }
0x3c: {  	[sflag:s18] =	ssyncadd.s32 $0xFFFFE000  }
0x3d: {  	[bflag:$0x0] =	sbarrier.arrive $0xFFFF  }
0x3e: {  	[tilespmem:s22], [sflag:$0x1] =	stream.indirect.gather [hbm4b:s4+s21], $0x40, s24, s21, $0xb8;
	[tilespmem:$0x1E000] =	vst v63  }
0x3f: {  	_ = 	snop  }
0x40: {  	[tilespmem:s23], [sflag:$0x2] =	stream.indirect.gather [hbm4b:s4+s21], $0x40, s21, s21, $0xb8;
	[tilespmem:$0x1E000] =	vst v63  }
0x41: {  	s24 =	simm.s32 $0x100  }
0x42: {  	[tilespmem:s25], [sflag:$0x3] =	stream.indirect.gather [hbm4b:s4+s21], $0x40, s24, s21, $0xb8;
	[tilespmem:$0x1E000] =	vst v63  }
0x43: {  	s19 =	simm.s32 $0x180  }
0x44: {  	[tilespmem:s28], [sflag:$0x4] =	stream.indirect.gather [hbm4b:s4+s21], $0x40, s19, s21, $0xb8;
	[tilespmem:$0x1E000] =	vst v63  }
0x45: {  	_ =	swait.ge [sflag:s29], $0x2000  }
0x46: {  	[sflag:s29] =	ssyncset.done $0x0  }
0x47: {  	s24 =	simm.s32 $0x5000;
	[sflag:s29] =	ssyncadd.s32 $0xFFFFE000  }
0x48: {  	[spmem:s1] =	stream.indirect.scatter.add.bf16 [tilespmem:s22], [sflag:$0x5], $0x40, s24, s21, $0xb8;
	[tilespmem:$0x1E000] =	vst v63  }
0x49: {  	_ =	swait.ge [sflag:s18], $0x2000  }
0x4a: {  	[sflag:s18] =	ssyncset.done $0x0  }
0x4b: {  	s19 =	simm.s32 $0x200;
	[sflag:s18] =	ssyncadd.s32 $0xFFFFE000  }
0x4c: {  	[tilespmem:s22], [sflag:$0x1] =	stream.indirect.gather [hbm4b:s4+s21], $0x40, s19, s21, $0xb8;
	[tilespmem:$0x1E000] =	vst v63  }
0x4d: {  	_ =	swait.ge [sflag:s30], $0x2000  }
0x4e: {  	[sflag:s30] =	ssyncset.done $0x0  }
0x4f: {  	s24 =	simm.s32 $0x5080;
	[sflag:s30] =	ssyncadd.s32 $0xFFFFE000  }
0x50: {  	[spmem:s1] =	stream.indirect.scatter.add.bf16 [tilespmem:s23], [sflag:$0x5], $0x40, s24, s21, $0xb8;
	[tilespmem:$0x1E000] =	vst v63  }
0x51: {  	_ =	swait.ge [sflag:s18], $0x2000  }
0x52: {  	[sflag:s18] =	ssyncset.done $0x0  }
0x53: {  	s19 =	simm.s32 $0x280;
	[sflag:s18] =	ssyncadd.s32 $0xFFFFE000  }
0x54: {  	[tilespmem:s23], [sflag:$0x2] =	stream.indirect.gather [hbm4b:s4+s21], $0x40, s19, s21, $0xb8;
	[tilespmem:$0x1E000] =	vst v63  }
0x55: {  	_ =	swait.ge [sflag:s31], $0x2000  }
0x56: {  	[sflag:s31] =	ssyncset.done $0x0  }
0x57: {  	s24 =	simm.s32 $0x5100;
	[sflag:s31] =	ssyncadd.s32 $0xFFFFE000  }
0x58: {  	[spmem:s1] =	stream.indirect.scatter.add.bf16 [tilespmem:s25], [sflag:$0x5], $0x40, s24, s21, $0xb8;
	[tilespmem:$0x1E000] =	vst v63  }
0x59: {  	_ =	swait.ge [sflag:s18], $0x2000  }
0x5a: {  	[sflag:s18] =	ssyncset.done $0x0  }
0x5b: {  	s19 =	simm.s32 $0x300;
	[sflag:s18] =	ssyncadd.s32 $0xFFFFE000  }
0x5c: {  	[tilespmem:s25], [sflag:$0x3] =	stream.indirect.gather [hbm4b:s4+s21], $0x40, s19, s21, $0xb8;
	[tilespmem:$0x1E000] =	vst v63  }
0x5d: {  	_ =	swait.ge [sflag:s0], $0x2000  }
0x5e: {  	[sflag:s0] =	ssyncset.done $0x0  }
0x5f: {  	s24 =	simm.s32 $0x5180;
	[sflag:s0] =	ssyncadd.s32 $0xFFFFE000  }
0x60: {  	[spmem:s1] =	stream.indirect.scatter.add.bf16 [tilespmem:s28], [sflag:$0x5], $0x40, s24, s21, $0xb8;
	[tilespmem:$0x1E000] =	vst v63  }
0x61: {  	_ =	swait.ge [sflag:s18], $0x2000  }
0x62: {  	[sflag:s18] =	ssyncset.done $0x0  }
0x63: {  	s2 =	simm.s32 $0x800;
	s19 =	simm.s32 $0x380;
	[sflag:s18] =	ssyncadd.s32 $0xFFFFE000  }
.LBB2_4:
0x64: {  	[tilespmem:s28], [sflag:$0x4] =	stream.indirect.gather [hbm4b:s4+s21], $0x40, s19, s21, $0xb8;
	[tilespmem:$0x1E000] =	vst v63  }
0x65: {  	s19 =	smov.u32 s2  }
0x66: {  	p0 =	sne.s32 s2, $0x13000;
	s2 =	sadd.s32 $0x800, s2;
	_ =	swait.ge [sflag:s29], $0x2000  }
0x67: {  	s19 =	sshra.s32 s19, $0x2;
	[sflag:s29] =	ssyncset.done $0x0  }
0x68: {  	s24 =	sadd.s32 $0x5000, s19;
	[sflag:s29] =	ssyncadd.s32 $0xFFFFE000  }
0x69: {  	[spmem:s1] =	stream.indirect.scatter.add.bf16 [tilespmem:s22], [sflag:$0x5], $0x40, s24, s21, $0xb8;
	[tilespmem:$0x1E000] =	vst v63  }
0x6a: {  	_ =	swait.ge [sflag:s18], $0x2000  }
0x6b: {  	[sflag:s18] =	ssyncset.done $0x0  }
0x6c: {  	s24 =	sadd.s32 $0x200, s19;
	[sflag:s18] =	ssyncadd.s32 $0xFFFFE000  }
0x6d: {  	[tilespmem:s22], [sflag:$0x1] =	stream.indirect.gather [hbm4b:s4+s21], $0x40, s24, s21, $0xb8;
	[tilespmem:$0x1E000] =	vst v63  }
0x6e: {  	_ =	swait.ge [sflag:s30], $0x2000  }
0x6f: {  	[sflag:s30] =	ssyncset.done $0x0  }
0x70: {  	s24 =	sadd.s32 $0x5080, s19;
	[sflag:s30] =	ssyncadd.s32 $0xFFFFE000  }
0x71: {  	[spmem:s1] =	stream.indirect.scatter.add.bf16 [tilespmem:s23], [sflag:$0x5], $0x40, s24, s21, $0xb8;
	[tilespmem:$0x1E000] =	vst v63  }
0x72: {  	_ =	swait.ge [sflag:s18], $0x2000  }
0x73: {  	[sflag:s18] =	ssyncset.done $0x0  }
0x74: {  	s24 =	sadd.s32 $0x280, s19;
	[sflag:s18] =	ssyncadd.s32 $0xFFFFE000  }
0x75: {  	[tilespmem:s23], [sflag:$0x2] =	stream.indirect.gather [hbm4b:s4+s21], $0x40, s24, s21, $0xb8;
	[tilespmem:$0x1E000] =	vst v63  }
0x76: {  	_ =	swait.ge [sflag:s31], $0x2000  }
0x77: {  	[sflag:s31] =	ssyncset.done $0x0  }
0x78: {  	s24 =	sadd.s32 $0x5100, s19;
	[sflag:s31] =	ssyncadd.s32 $0xFFFFE000  }
0x79: {  	[spmem:s1] =	stream.indirect.scatter.add.bf16 [tilespmem:s25], [sflag:$0x5], $0x40, s24, s21, $0xb8;
	[tilespmem:$0x1E000] =	vst v63  }
0x7a: {  	_ =	swait.ge [sflag:s18], $0x2000  }
0x7b: {  	[sflag:s18] =	ssyncset.done $0x0  }
0x7c: {  	s24 =	sadd.s32 $0x300, s19;
	[sflag:s18] =	ssyncadd.s32 $0xFFFFE000  }
0x7d: {  	[tilespmem:s25], [sflag:$0x3] =	stream.indirect.gather [hbm4b:s4+s21], $0x40, s24, s21, $0xb8;
	[tilespmem:$0x1E000] =	vst v63  }
0x7e: {  	_ =	swait.ge [sflag:s0], $0x2000  }
0x7f: {  	[sflag:s0] =	ssyncset.done $0x0  }
.Ltmp1:
0x80: {  	s24 =	sadd.s32 $0x5180, s19;
	[sflag:s0] =	ssyncadd.s32 $0xFFFFE000;
	(pc) =	sbr.rel @p0 .LBB2_4-.Ltmp1, $4  }
0x81: {  	[spmem:s1] =	stream.indirect.scatter.add.bf16 [tilespmem:s28], [sflag:$0x5], $0x40, s24, s21, $0xb8;
	[tilespmem:$0x1E000] =	vst v63  }
0x82: {  	_ =	swait.ge [sflag:s18], $0x2000  }
0x83: {  	[sflag:s18] =	ssyncset.done $0x0  }
0x84: {  	s19 =	sadd.s32 $0x380, s19;
	[sflag:s18] =	ssyncadd.s32 $0xFFFFE000  }
0x85: {  	[tilespmem:s28], [sflag:$0x4] =	stream.indirect.gather [hbm4b:s4+s21], $0x40, s19, s21, $0xb8;
	[tilespmem:$0x1E000] =	vst v63  }
0x86: {  	_ =	swait.ge [sflag:s29], $0x2000  }
0x87: {  	[sflag:s29] =	ssyncset.done $0x0  }
0x88: {  	s2 =	simm.s32 $0x9E00;
	[sflag:s29] =	ssyncadd.s32 $0xFFFFE000  }
0x89: {  	[spmem:s1] =	stream.indirect.scatter.add.bf16 [tilespmem:s22], [sflag:$0x5], $0x40, s2, s21, $0xb8;
	[tilespmem:$0x1E000] =	vst v63  }
0x8a: {  	_ =	swait.ge [sflag:s18], $0x2000  }
0x8b: {  	[sflag:s18] =	ssyncset.done $0x0  }
0x8c: {  	[sflag:s18] =	ssyncadd.s32 $0xFFFFE000  }
0x8d: {  	_ =	swait.ge [sflag:s30], $0x2000  }
0x8e: {  	[sflag:s30] =	ssyncset.done $0x0  }
0x8f: {  	s19 =	simm.s32 $0x9E80;
	[sflag:s30] =	ssyncadd.s32 $0xFFFFE000  }
0x90: {  	[spmem:s1] =	stream.indirect.scatter.add.bf16 [tilespmem:s23], [sflag:$0x5], $0x40, s19, s21, $0xb8;
	[tilespmem:$0x1E000] =	vst v63  }
0x91: {  	_ =	swait.ge [sflag:s18], $0x2000  }
0x92: {  	[sflag:s18] =	ssyncset.done $0x0  }
0x93: {  	[sflag:s18] =	ssyncadd.s32 $0xFFFFE000  }
0x94: {  	_ =	swait.ge [sflag:s31], $0x2000  }
0x95: {  	[sflag:s31] =	ssyncset.done $0x0  }
0x96: {  	s24 =	simm.s32 $0x9F00;
	[sflag:s31] =	ssyncadd.s32 $0xFFFFE000  }
0x97: {  	[spmem:s1] =	stream.indirect.scatter.add.bf16 [tilespmem:s25], [sflag:$0x5], $0x40, s24, s21, $0xb8;
	[tilespmem:$0x1E000] =	vst v63  }
0x98: {  	_ =	swait.ge [sflag:s18], $0x2000  }
0x99: {  	[sflag:s18] =	ssyncset.done $0x0  }
0x9a: {  	[sflag:s18] =	ssyncadd.s32 $0xFFFFE000  }
0x9b: {  	_ =	swait.ge [sflag:s0], $0x2000  }
0x9c: {  	[sflag:s0] =	ssyncset.done $0x0  }
0x9d: {  	[sflag:s0] =	ssyncadd.s32 $0xFFFFE000  }
0x9e: {  	[spmem:s1] =	stream.indirect.scatter.add.bf16 [tilespmem:s28], [sflag:$0x5], $0x40, s26, s21, $0xb8;
	[tilespmem:$0x1E000] =	vst v63  }
0x9f: {  	_ =	swait.ge [sflag:s18], $0x2000  }
0xa0: {  	s19 =	stileid.u32;
	[sflag:s18] =	ssyncset.done $0x0  }
0xa1: {  	s2 =	sshll.u32 s19, $0x6;
	[sflag:s18] =	ssyncadd.s32 $0xFFFFE000  }
0xa2: {  	s2 =	sor.u32 $0x1C05, s2;
	s24 =	sshrl.u32 s7, $0x3;
	[bflag:$0x0] =	sbarrier.arrive $0xFFFF  }
0xa3: {  	[hbm:s12], [sflag:s2] =	dma.local [spmem:s24], $0x400  }
0xa4: {  	_ =	swait.ge [sflag:s18], $0x400  }
0xa5: {  	[sflag:s18] =	ssyncset.done $0x0  }
0xa6: {  	s24 =	sshrl.u32 s8, $0x3;
	[sflag:s18] =	ssyncadd.s32 $0xFFFFFC00  }
0xa7: {  	[hbm:s13], [sflag:s2] =	dma.local [spmem:s24], $0x400  }
0xa8: {  	_ =	swait.ge [sflag:s18], $0x400  }
0xa9: {  	[sflag:s18] =	ssyncset.done $0x0  }
0xaa: {  	s24 =	sshrl.u32 s9, $0x3;
	[sflag:s18] =	ssyncadd.s32 $0xFFFFFC00  }
0xab: {  	[hbm:s14], [sflag:s2] =	dma.local [spmem:s24], $0x400  }
0xac: {  	_ =	swait.ge [sflag:s18], $0x400  }
0xad: {  	[sflag:s18] =	ssyncset.done $0x0  }
0xae: {  	s24 =	sshrl.u32 s10, $0x3;
	[sflag:s18] =	ssyncadd.s32 $0xFFFFFC00  }
0xaf: {  	[hbm:s15], [sflag:s2] =	dma.local [spmem:s24], $0x400  }
0xb0: {  	s3 =	sadd.s32 $0x1, s3;
	_ =	swait.ge [sflag:s18], $0x400  }
0xb1: {  	p0 =	sne.s32 s3, s17;
	[sflag:s18] =	ssyncset.done $0x0  }
.Ltmp2:
0xb2: {  	s24 =	sshrl.u32 s11, $0x3;
	[sflag:s18] =	ssyncadd.s32 $0xFFFFFC00;
	(pc) =	sbr.rel @p0 .LBB2_1-.Ltmp2, $4  }
0xb3: {  	[hbm:s16], [sflag:s2] =	dma.local [spmem:s24], $0x400  }
0xb4: {  	_ =	swait.ge [sflag:s18], $0x400  }
0xb5: {  	[sflag:s18] =	ssyncset.done $0x0  }
0xb6: {  	[sflag:s18] =	ssyncadd.s32 $0xFFFFFC00  }
0xb7: {  	_ =	sfence.sel $0x180000  }
0xb8: {  	[bflag:$0x0] =	sbarrier.arrive $0xFFFF  }
0xb9: {  	_ =	strace $0x9000004A  }
0xba: {  	s0 =	stileid.u32;
	[bflag:$0x2] =	sbarrier.arrive $0xFFFF  }
0xbb: {  	p0 =	sne.s32 s0, $0x0;
	s0 =	rddreg [dreg:$0x2]  }
0xbc: {  	s0 =	sadd.s32 @!p0 $0x100000, s0  }
0xbd: {  	[sflag:s0] =	ssyncadd.tile.s32 @!p0 $0x1;
	_ =	shalt  }
.Lfunc_end2:
_tile_overlayer_lowered:
.L_overlay_start_2:
0xbe: {  	(tag) =	ssettag $0x2  }
0xbf: {  	s0 =	rddreg [dreg:$0x0];
	s2 =	stileid.u32  }
0xc0: {  	s1 =	rddreg [dreg:$0x1];
	p0 =	sne.s32 s2, $0x0  }
0xc1: {  	s3 =	rddreg [dreg:$0x2];
	[bflag:$0x3] =	sbarrier.arrive $0xFFFF;
	s2 =	simm.s32 @!p0 $0x1C05  }
0xc2: {  	[timem:s3], [sflag:s2] =	dma.local @!p0 [hbm:s0], s1  }
0xc3: {  	s0 =	simm.s32 @!p0 $0x5  }
0xc4: {  	_ =	swait.ge @!p0 [sflag:s0], s1  }
0xc5: {  	s1 =	ssub.s32 @!p0 $0x0, s1;
	[sflag:s0] =	ssyncset.done @!p0 $0x0  }
0xc6: {  	[sflag:s0] =	ssyncadd.s32 @!p0 s1  }
0xc7: {  	[bflag:$0x3] =	sbarrier.arrive $0xFFFF  }
0xc8: {  	_ =	shalt  }

// kernel: kernel.5.cloned.1.call-start
scs
__scs_entry_jumppad:
0x0: {  	(pc) =	sbr.rel $0x88, $3  }
0x1: {  	(tag) =	ssettag $0x0;
	lr =	simm.s32 $0x1  }
0x2: {  	[smem:$0x3F8E] =	sst lr;
	_ =	strace $0xD0000000  }
0x3: {  	_ = 	snop  }
0x4: {  	_ = 	snop  }
0x5: {  	_ = 	snop  }
0x6: {  	_ = 	snop  }
0x7: {  	_ = 	snop  }
__scs_overlays_trampoline_lowered:
0x8: {  	[smem:$0x3F9D] =	sst s0  }
0x9: {  	[smem:$0x3F9E] =	sst s1  }
0xa: {  	[smem:$0x3F9F] =	sst s2  }
0xb: {  	[smem:$0x3FA0] =	sst s3  }
0xc: {  	[smem:$0x3FA1] =	sst s4  }
0xd: {  	[smem:$0x3FA2] =	sst s5  }
0xe: {  	[smem:$0x3FA3] =	sst s6  }
0xf: {  	[smem:$0x3FA4] =	sst s7  }
0x10: {  	[smem:$0x3FA5] =	sst s8  }
0x11: {  	[smem:$0x3FA6] =	sst s9;
	s0 =	simm.s32 @!p0 $0x0  }
0x12: {  	s1 =	sld [smem:$0x3F8C];
	s0 =	simm.s32 @p0 $0x1  }
0x13: {  	[smem:$0x3FA7] =	sst s0;
	s0 =	simm.s32 @!p1 $0x0  }
0x14: {  	s2 =	sld [smem:$0x3F8B];
	s0 =	simm.s32 @p1 $0x1  }
0x15: {  	[smem:$0x3FA8] =	sst s0;
	s0 =	simm.s32 @!p2 $0x0  }
0x16: {  	s3 =	sld [smem:$0x3FDB];
	s0 =	simm.s32 @p2 $0x1  }
0x17: {  	s4 =	simm.s32 $0x1BF5;
	[smem:$0x3FAA] =	sst s0  }
0x18: {  	s0 =	sld [smem:$0x3F8D];
	_ =	swait.ge [sflag:s4], $0x0  }
0x19: {  	s7 =	sld [smem:$0x3F8E]  }
0x1a: {  	s8 =	sadd.s32 $0xFFFFE003, lr  }
0x1b: {  	s9 =	sadd.s32 $0xFFFFFEF7, lr;
	s5 =	simm.s32 $0xFFFFFFFF;
	p2 =	slt.u32 s8, $0xFFFFF086  }
0x1c: {  	p1 =	slt.u32 s9, $0xF7A;
	s5 =	simm.s32 @!p2 $0x0  }
0x1d: {  	s5 =	simm.s32 @p1 $0x1;
	p0 =	seq.s32 s7, s2  }
0x1e: {  	s7 =	smul.u32 @!p0 $0xF7A, s2;
	p2 =	seq.s32 @!p0 s5, $0x0  }
0x1f: {  	s9 =	smul.u32 $0xF7A, s1;
	s8 =	simm.s32 @!p0 $0x1BF5;
	p2 =	por !p2, p0  }
0x20: {  	[sflag:s8] =	ssyncset.s32 @!p0 $0xFFFFF086;
	s6 =	sadd.s32 @!p0 s3, s7;
	s7 =	simm.s32 @!p0 $0x108  }
0x21: {  	s3 =	sadd.s32 s3, s9;
	s6 =	sadd.s32 @!p0 $0x88, s6;
	s7 =	simm.s32 @p2 $0x1082  }
0x22: {  	[simem:s7], [sflag:s8] =	dma.local @!p0 [hbm:s6], $0xF7A  }
0x23: {  	s9 =	sor.u32 $0xD0000000, s2;
	s6 =	simm.s32 $0x108;
	_ =	swait.ge @!p0 [sflag:s8], $0x0  }
0x24: {  	s3 =	sadd.s32 $0x88, s3;
	s6 =	simm.s32 @!p1 $0x1082;
	[sflag:s4] =	ssyncset.s32 $0xFFFFF086  }
0x25: {  	[simem:s6], [sflag:s4] =	dma.local [hbm:s3], $0xF7A  }
0x26: {  	[smem:$0x3F8E] =	sst s1;
	(tag) =	ssettag s2;
	_ =	strace s9  }
0x27: {  	s1 =	sld [smem:$0x3F9E]  }
0x28: {  	s2 =	sld [smem:$0x3F9F]  }
0x29: {  	s4 =	sld [smem:$0x3FA1]  }
0x2a: {  	p0 =	seq.s32 s5, $0x0;
	s5 =	sld [smem:$0x3FA2]  }
0x2b: {  	s6 =	sld [smem:$0x3FA3]  }
0x2c: {  	s7 =	sld [smem:$0x3FA4]  }
0x2d: {  	s3 =	simm.s32 $0x108;
	s8 =	sld [smem:$0x3FA5]  }
0x2e: {  	s3 =	simm.s32 @!p0 $0x1082;
	s9 =	sld [smem:$0x3FA6]  }
0x2f: {  	lr =	sadd.s32 s0, s3;
	s0 =	sld [smem:$0x3F9D]  }
0x30: {  	s3 =	sld [smem:$0x3FA0]  }
0x31: {  	[smem:$0x3FA9] =	sst s10  }
0x32: {  	s10 =	sld [smem:$0x3FA7];
	_ =	sdelay $0x3  }
0x33: {  	p0 =	seq.s32 s10, $0x1;
	s10 =	sld [smem:$0x3FA9];
	_ =	sdelay $0x3  }
0x34: {  	[smem:$0x3FA9] =	sst s10  }
0x35: {  	s10 =	sld [smem:$0x3FA8];
	_ =	sdelay $0x3  }
0x36: {  	p1 =	seq.s32 s10, $0x1;
	s10 =	sld [smem:$0x3FA9];
	_ =	sdelay $0x3  }
0x37: {  	[smem:$0x3FA9] =	sst s10  }
0x38: {  	s10 =	sld [smem:$0x3FAA]  }
0x39: {  	_ = 	snop;
	(pc) =	sbr.ind lr, $3  }
0x3a: {  	_ = 	snop  }
0x3b: {  	_ = 	snop  }
0x3c: {  	p2 =	seq.s32 s10, $0x1;
	s10 =	sld [smem:$0x3FA9]  }
0x3d: {  	_ =	shalt  }
0x3e: {  	_ =	shalt  }
0x3f: {  	_ =	shalt  }
0x40: {  	_ =	shalt  }
0x41: {  	_ =	shalt  }
0x42: {  	_ =	shalt  }
0x43: {  	_ =	shalt  }
0x44: {  	_ =	shalt  }
0x45: {  	_ =	shalt  }
0x46: {  	_ =	shalt  }
0x47: {  	_ =	shalt  }
0x48: {  	_ =	shalt  }
0x49: {  	_ =	shalt  }
0x4a: {  	_ =	shalt  }
0x4b: {  	_ =	shalt  }
0x4c: {  	_ =	shalt  }
0x4d: {  	_ =	shalt  }
0x4e: {  	_ =	shalt  }
0x4f: {  	_ =	shalt  }
0x50: {  	_ =	shalt  }
0x51: {  	_ =	shalt  }
0x52: {  	_ =	shalt  }
0x53: {  	_ =	shalt  }
0x54: {  	_ =	shalt  }
0x55: {  	_ =	shalt  }
0x56: {  	_ =	shalt  }
0x57: {  	_ =	shalt  }
0x58: {  	_ =	shalt  }
0x59: {  	_ =	shalt  }
0x5a: {  	_ =	shalt  }
0x5b: {  	_ =	shalt  }
0x5c: {  	_ =	shalt  }
0x5d: {  	_ =	shalt  }
0x5e: {  	_ =	shalt  }
0x5f: {  	_ =	shalt  }
0x60: {  	_ =	shalt  }
0x61: {  	_ =	shalt  }
0x62: {  	_ =	shalt  }
0x63: {  	_ =	shalt  }
0x64: {  	_ =	shalt  }
0x65: {  	_ =	shalt  }
0x66: {  	_ =	shalt  }
0x67: {  	_ =	shalt  }
0x68: {  	_ =	shalt  }
0x69: {  	_ =	shalt  }
0x6a: {  	_ =	shalt  }
0x6b: {  	_ =	shalt  }
0x6c: {  	_ =	shalt  }
0x6d: {  	_ =	shalt  }
0x6e: {  	_ =	shalt  }
0x6f: {  	_ =	shalt  }
0x70: {  	_ =	shalt  }
0x71: {  	_ =	shalt  }
0x72: {  	_ =	shalt  }
0x73: {  	_ =	shalt  }
0x74: {  	_ =	shalt  }
0x75: {  	_ =	shalt  }
0x76: {  	_ =	shalt  }
0x77: {  	_ =	shalt  }
0x78: {  	_ =	shalt  }
0x79: {  	_ =	shalt  }
0x7a: {  	_ =	shalt  }
0x7b: {  	_ =	shalt  }
0x7c: {  	_ =	shalt  }
0x7d: {  	_ =	shalt  }
0x7e: {  	_ =	shalt  }
0x7f: {  	_ =	shalt  }
0x80: {  	_ =	shalt  }
0x81: {  	_ =	shalt  }
0x82: {  	_ =	shalt  }
0x83: {  	_ =	shalt  }
0x84: {  	_ =	shalt  }
0x85: {  	_ =	shalt  }
0x86: {  	_ =	shalt  }
0x87: {  	_ =	shalt  }
.Lfunc_end0:
.L_simem_size_0:
called_computation.1_lowered:
.L_overlay_start_0:
0x88: {  	s2 =	sld [smem:$0x3FD9]  }
0x89: {  	s3 =	sld [smem:$0x3FFE];
	_ =	sdelay $0x1  }
0x8a: {  	s1 =	srdreg.scid  }
0x8b: {  	s0 =	sand.u32 $0x1, s1  }
0x8c: {  	s16 =	sshll.u32 s0, $0xA;
	s2 =	sadd.s32 s3, s2  }
0x8d: {  	s2 =	sadd.s32 s2, s16  }
0x8e: {  	[smem:$0x3FB5] =	sst s2  }
0x8f: {  	_ = 	snop  }
0x90: {  	(tm) =	ssettm $0x1  }
0x91: {  	s17 =	sld [smem:$0x3FFB];
	_ =	sdelay $0x3  }
0x92: {  	_ =	strace s17  }
0x93: {  	s2 =	sld [smem:$0x3FFC];
	_ =	sdelay $0x3  }
0x94: {  	_ =	strace s2  }
0x95: {  	s2 =	sld [smem:$0x3FFD];
	_ =	sdelay $0x3  }
0x96: {  	_ =	strace s2  }
0x97: {  	_ =	strace $0x8FFFFFFF  }
0x98: {  	s18 =	sld [smem:$0x3FDB];
	_ =	sdelay $0x1  }
0x99: {  	s19 =	simm.s32 $_scs_section_size  }
0x9a: {  	s4 =	simm.s32 $_size__tile_overlayer_lowered;
	s5 =	simm.s32 $_tile_overlayer_lowered  }
0x9b: {  	s22 =	simm.s32 $0x1BFF;
	s21 =	sshll.u32 s5, $0x1;
	s2 =	sadd.s32 s19, s18  }
0x9c: {  	s6 =	simm.s32 $0x0;
	s20 =	sshll.u32 s4, $0x1;
	s4 =	sadd.s32 s21, s2  }
0x9d: {  	[timem:s6], [sflag:s22] =	dma.local [hbm:s4], s20  }
0x9e: {  	_ =	swait.ge [sflag:s22], s20  }
0x9f: {  	s3 =	ssub.s32 $0x0, s20;
	[sflag:s22] =	ssyncset.done $0x0  }
0xa0: {  	[sflag:s22] =	ssyncadd.s32 s3;
	_ =	sdelay $0x1  }
0xa1: {  	s23 =	simm.s32 $0x1B8B  }
0xa2: {  	_ =	swait.ge [sflag:s23], $0x1  }
0xa3: {  	[sflag:s23] =	ssyncset.done $0x0  }
0xa4: {  	s25 =	simm.s32 $0x1B8E;
	s24 =	sld [smem:$0x3FFE];
	[sflag:s23] =	ssyncadd.s32 $0xFFFFFFFF  }
0xa5: {  	s26 =	simm.s32 $execute0_lowered;
	[smem:$0x3FD2] =	sst s25  }
0xa6: {  	s4 =	sshll.u32 s26, $0x1;
	_ =	strace $0x80000046;
	[dreg:$0x1] =	wrdreg $0xFFFFFFFF  }
0xa7: {  	s28 =	simm.s32 $_size_execute0_lowered;
	s2 =	sadd.s32 s2, s4;
	[dreg:$0x0] =	wrdreg $0x0  }
0xa8: {  	s4 =	sshll.u32 s28, $0x1;
	[dreg:$0x2] =	wrdreg s2  }
0xa9: {  	[dreg:$0x3] =	wrdreg s4  }
0xaa: {  	[dreg:$0x4] =	wrdreg $0xC0  }
0xab: {  	_ =	task [dreg:s6], $0x5FFFF  }
0xac: {  	[dreg:$0x1] =	wrdreg $0xFFFFFFFF  }
0xad: {  	[dreg:$0x0] =	wrdreg $0x60  }
0xae: {  	[dreg:$0x2] =	wrdreg s24  }
0xaf: {  	[dreg:$0x3] =	wrdreg $0xA5800  }
0xb0: {  	[dreg:$0x4] =	wrdreg $0xAA800  }
0xb1: {  	[dreg:$0x5] =	wrdreg $0x9  }
0xb2: {  	_ =	task.clear_ibuf [dreg:s6], $0x6FFFF;
	_ =	strace $0x90000046  }
0xb3: {  	s29 =	simm.s32 $0x9;
	_ =	strace $0x80000048  }
0xb4: {  	_ =	swait.ge [sflag:s29], $0x1  }
0xb5: {  	[sflag:s29] =	ssyncadd.s32 $0xFFFFFFFF  }
0xb6: {  	_ =	strace $0x90000048  }
0xb7: {  	_ =	sfence  }
0xb8: {  	s30 =	sld [smem:$0x0];
	_ =	sdelay $0x2  }
0xb9: {  	s31 =	sshll.u32 s1, $0xD;
	s1 =	sshrl.u32 s1, $0x2  }
0xba: {  	s3 =	sand.u32 $0x4000, s31;
	s1 =	sadd.s32 s1, s30  }
0xbb: {  	s0 =	sor.u32 s3, s0;
	s1 =	sshll.u32 s1, $0x11  }
0xbc: {  	s0 =	sor.u32 s1, s0  }
0xbd: {  	s0 =	sadd.s32 $0x8F2B, s0  }
0xbe: {  	[sflag:s0] =	ssyncadd.remote.s32 $0x1  }
0xbf: {  	_ =	sfence.sel $0xFFFF  }
0xc0: {  	[dreg:$0x0] =	wrdreg $0xFFFFFFFF;
	(pc) =	sbr.abs _section_cstart, $3  }
0xc1: {  	[dreg:$0x1] =	wrdreg $0xFFFFFFFF  }
0xc2: {  	_ =	task.clear_ibuf [dreg:s6], $0x2FFFF;
	_ =	strace $0x9FFFFFFF  }
0xc3: {  	(tm) =	ssettm $0x7FFFFFFF  }
tec
execute0_lowered:
.L_overlay_start_1:
0x0: {  	(tag) =	ssettag $0x1  }
0x1: {  	s0 =	rddreg [dreg:$0x0]  }
0x2: {  	s1 =	rddreg [dreg:$0x1]  }
0x3: {  	s2 =	rddreg [dreg:$0x2]  }
0x4: {  	s3 =	srdreg.scid;
	s24 =	stileid.u32  }
0x5: {  	s22 =	simm.s32 $0x80;
	s23 =	simm.s32 $0xA000;
	s5 =	smul.u32 $0x5000, s24  }
0x6: {  	s28 =	simm.s32 $0x1C02;
	s19 =	sand.u32 $0x1, s3;
	s25 =	smul.u32 $0x1400, s24  }
0x7: {  	s3 =	simm.s32 $0x0;
	s11 =	sadd.s32 $0x18000, s0;
	s7 =	smul.u32 $0x9C, s24  }
0x8: {  	s13 =	sadd.s32 $0x4600, s0;
	s17 =	sadd.s32 $0x2BA00, s0;
	s9 =	smul.u32 $0xA00, s24  }
0x9: {  	s10 =	smin.u32 s24, $0x4;
	p2 =	slt.u32 s24, $0x4;
	p5 =	seq.s32 s24, $0x1  }
0xa: {  	p4 =	sne.s32 s24, $0x0;
	s24 =	simm.s32 $0x1;
	s4 =	smul.u32 $0x50000, s19  }
0xb: {  	[smem:$0x7FF] =	sst s3;
	s6 =	ssub.s32 $0x2, s19;
	s16 =	smul.u32 $0x5000, s19  }
0xc: {  	p1 =	seq.s32 s19, $0x0;
	p0 =	seq.s32 s19, $0x1;
	s20 =	smul.u32 $0x2800, s19  }
0xd: {  	s21 =	smul.u32 $0xA00, s19;
	p3 =	sne.s32 s19, $0x0;
	s19 =	simm.s32 $0xA080  }
0xe: {  	_ =	strace $0x80000047;
	s8 =	sshrl.u32 s6, $0x1;
	s26 =	sadd.s32 s10, s7  }
0xf: {  	s29 =	sshrl.u32 s9, $0x2;
	p1 =	por !p1, !p2;
	p2 =	por !p2, !p0  }
0x10: {  	s4 =	sadd.s32 s5, s4;
	s18 =	ssub.s32 s6, s8;
	s5 =	sshrl.u32 s25, $0x2  }
0x11: {  	s12 =	sshll.u32 s26, $0x4;
	p1 =	por !p1, !p1;
	p2 =	por !p2, !p2  }
0x12: {  	s30 =	sshrl.u32 s16, $0x3;
	v0 =	vmov s20;
	s31 =	sadd.s32 s20, s1;
	s20 =	simm.s32 $0x2  }
0x13: {  	s26 =	simm.s32 $0x1C42;
	s4 =	sshrl.u32 s4, $0x3;
	s6 =	sadd.s32 s11, s12  }
0x14: {  	s8 =	sadd.s32 s13, s12;
	s14 =	sadd.s32 $0x9C0, s12;
	s15 =	sadd.s32 $0xA600, s12  }
0x15: {  	v1 =	vimm.f32 $0.0e+00;
	v2 =	vimm.f32 $1.000000000e+00;
	v17 =	vlaneseq.u32;
	s16 =	sadd.s32 s17, s30;
	s17 =	sadd.s32 s17, s21;
	s18 =	smax.u32 s18, $0x1  }
.Ltmp0:
0x16: {  	v3 =	vor.u32 $0x2740, v17;
	v4 =	vor.u32 $0x2750, v17;
	v5 =	vor.u32 $0x2760, v17;
	s21 =	simm.s32 $0x5000;
	s25 =	sshrl.u32 s31, $0x3;
	(pc) =	sbr.rel .LBB2_1-.Ltmp0, $4  }
0x17: {  	v6 =	vor.u32 $0x2770, v17;
	v7 =	vor.u32 $0x2780, v17;
	v8 =	vor.u32 $0x2790, v17;
	s0 =	sadd.s32 s4, s0;
	s4 =	sadd.s32 s5, s1;
	s5 =	sadd.s32 s29, s2  }
0x18: {  	v9 =	vor.u32 $0x27A0, v17;
	v10 =	vor.u32 $0x27B0, v17;
	v11 =	vor.u32 $0x27C0, v17;
	s7 =	sadd.s32 $0x9C40, s6;
	s9 =	sadd.s32 $0x9C40, s8;
	s10 =	sadd.s32 s11, s14  }
0x19: {  	v12 =	vor.u32 $0x27D0, v17;
	v13 =	vor.u32 $0x27E0, v17;
	v14 =	vor.u32 $0x27F0, v17;
	s11 =	sadd.s32 s11, s15;
	s12 =	sadd.s32 s13, s14;
	s13 =	sadd.s32 s13, s15  }
0x1a: {  	v15 =	vor.u32 $0x2710, v17;
	v16 =	vor.u32 $0x2720, v17;
	v17 =	vor.u32 $0x2730, v17;
	s16 =	sadd.s32 $0x500, s16;
	s14 =	sadd.s32 $0x2CE00, s0;
	s15 =	sadd.s32 $0x40E00, s0  }
.LBB2_10:
0x1b: {  	s0 =	sshrl.u32 s2, $0x3  }
0x1c: {  	[hbm:s16], [sflag:s26] =	dma.local [spmem:s0], $0x500  }
.LBB2_11:
0x1d: {  	_ =	swait.ge [sflag:s20], $0x500  }
0x1e: {  	[sflag:s20] =	ssyncset.done $0x0  }
0x1f: {  	[sflag:s20] =	ssyncadd.s32 $0xFFFFFB00  }
.LBB2_12:
0x20: {  	s3 =	sadd.s32 $0x1, s3  }
0x21: {  	p6 =	sne.s32 s3, s18  }
.Ltmp1:
0x22: {  	_ = 	snop;
	(pc) =	sbr.rel @!p6 .LBB2_13-.Ltmp1, $1  }
0x23: {  	_ =	sdelay $0x3  }
.LBB2_1:
0x24: {  	s29 =	simm.s32 $0x40;
	s0 =	simm.s32 $0x0  }
.LBB2_2:
0x25: {  	p6 =	sne.s32 s29, $0x13C0;
	[tilespmem:s0+$0xA080] =	vst v1;
	s0 =	smov.u32 s29;
	s29 =	sadd.s32 $0x40, s29  }
.Ltmp2:
0x26: {  	(pc) =	sbr.rel @p6 .LBB2_2-.Ltmp2, $2  }
0x27: {  	_ =	sdelay $0x2  }
0x28: {  	s0 =	sshra.s32 s0, $0x2  }
0x29: {  	[tilespmem:s0+$0xA080] =	vst v1  }
0x2a: {  	[tilespmem:$0xA000] =	vst v2  }
0x2b: {  	[tilespmem:$0xA010] =	vst v2  }
0x2c: {  	[tilespmem:$0xA020] =	vst v2  }
0x2d: {  	[tilespmem:$0xA030] =	vst v2  }
0x2e: {  	[tilespmem:$0xA040] =	vst v2  }
0x2f: {  	[tilespmem:$0xA050] =	vst v2  }
0x30: {  	[tilespmem:$0xA060] =	vst v2  }
0x31: {  	[tilespmem:$0xA070] =	vst v2  }
0x32: {  	[spmem:s4] =	stream.linear.scatter [tilespmem:s19], [sflag:$0x2], $0x500, $0x38;
	[tilespmem:$0xAD00] =	vst v63  }
0x33: {  	_ =	swait.ge [sflag:s20], $0x500  }
0x34: {  	[sflag:s20] =	ssyncset.done $0x0  }
0x35: {  	[sflag:s20] =	ssyncadd.s32 $0xFFFFFB00  }
0x36: {  	[spmem:s5] =	stream.linear.scatter [tilespmem:s19], [sflag:$0x2], $0x280, $0x38;
	[tilespmem:$0xAD00] =	vst v63  }
0x37: {  	_ =	swait.ge [sflag:s20], $0x280  }
0x38: {  	[sflag:s20] =	ssyncset.done $0x0  }
0x39: {  	[sflag:s20] =	ssyncadd.s32 $0xFFFFFD80  }
0x3a: {  	[tilespmem:$0x4E00] =	vst v3  }
0x3b: {  	[tilespmem:$0x9E00] =	vst v3  }
0x3c: {  	[tilespmem:$0x4E10] =	vst v4  }
0x3d: {  	[tilespmem:$0x9E10] =	vst v4  }
0x3e: {  	[tilespmem:$0x4E20] =	vst v5  }
0x3f: {  	[tilespmem:$0x9E20] =	vst v5  }
0x40: {  	[tilespmem:$0x4E30] =	vst v6  }
0x41: {  	[tilespmem:$0x9E30] =	vst v6  }
0x42: {  	[tilespmem:$0x4E40] =	vst v7  }
0x43: {  	[tilespmem:$0x9E40] =	vst v7  }
0x44: {  	[tilespmem:$0x4E50] =	vst v8  }
0x45: {  	[tilespmem:$0x9E50] =	vst v8  }
0x46: {  	[tilespmem:$0x4E60] =	vst v9  }
0x47: {  	[tilespmem:$0x9E60] =	vst v9  }
0x48: {  	[tilespmem:$0x4E70] =	vst v10  }
0x49: {  	[tilespmem:$0x9E70] =	vst v10  }
0x4a: {  	[tilespmem:$0x4E80] =	vst v11  }
0x4b: {  	[tilespmem:$0x9E80] =	vst v11  }
0x4c: {  	[tilespmem:$0x4E90] =	vst v12  }
0x4d: {  	[tilespmem:$0x9E90] =	vst v12  }
0x4e: {  	[tilespmem:$0x4EA0] =	vst v13  }
0x4f: {  	[tilespmem:$0x9EA0] =	vst v13  }
0x50: {  	[tilespmem:$0x4EB0] =	vst v14  }
0x51: {  	[tilespmem:$0x9EB0] =	vst v14  }
0x52: {  	[tilespmem:$0x4EC0] =	vst v15  }
0x53: {  	[tilespmem:$0x9EC0] =	vst v15  }
0x54: {  	[tilespmem:$0x4ED0] =	vst v16  }
0x55: {  	[tilespmem:$0x9ED0] =	vst v16  }
0x56: {  	[tilespmem:$0x4EE0] =	vst v17  }
0x57: {  	[tilespmem:$0x9EE0] =	vst v17  }
0x58: {  	[tilespmem:$0x4EF0] =	vst v3  }
0x59: {  	[tilespmem:$0x9EF0] =	vst v3  }
0x5a: {  	[tilespmem:$0x4F00] =	vst v4  }
0x5b: {  	[tilespmem:$0x9F00] =	vst v4  }
0x5c: {  	[tilespmem:$0x4F10] =	vst v5  }
0x5d: {  	[tilespmem:$0x9F10] =	vst v5  }
0x5e: {  	[tilespmem:$0x4F20] =	vst v6  }
0x5f: {  	[tilespmem:$0x9F20] =	vst v6  }
0x60: {  	[tilespmem:$0x4F30] =	vst v7  }
0x61: {  	[tilespmem:$0x9F30] =	vst v7  }
0x62: {  	[tilespmem:$0x4F40] =	vst v8  }
0x63: {  	[tilespmem:$0x9F40] =	vst v8  }
0x64: {  	[tilespmem:$0x4F50] =	vst v9  }
0x65: {  	[tilespmem:$0x9F50] =	vst v9  }
0x66: {  	[tilespmem:$0x4F60] =	vst v10  }
0x67: {  	[tilespmem:$0x9F60] =	vst v10  }
0x68: {  	[tilespmem:$0x4F70] =	vst v11  }
0x69: {  	[tilespmem:$0x9F70] =	vst v11  }
0x6a: {  	[tilespmem:$0x4F80] =	vst v12  }
0x6b: {  	[tilespmem:$0x9F80] =	vst v12  }
0x6c: {  	[tilespmem:$0x4F90] =	vst v13  }
0x6d: {  	[tilespmem:$0x9F90] =	vst v13  }
0x6e: {  	[tilespmem:$0x4FA0] =	vst v14  }
0x6f: {  	[tilespmem:$0x9FA0] =	vst v14  }
0x70: {  	[tilespmem:$0x4FB0] =	vst v15  }
0x71: {  	[tilespmem:$0x9FB0] =	vst v15  }
0x72: {  	[tilespmem:$0x4FC0] =	vst v16  }
0x73: {  	[tilespmem:$0x9FC0] =	vst v16  }
0x74: {  	[tilespmem:$0x4FD0] =	vst v17  }
0x75: {  	[tilespmem:$0x9FD0] =	vst v17  }
0x76: {  	[tilespmem:$0x4FE0] =	vst v3  }
0x77: {  	[tilespmem:$0x9FE0] =	vst v3  }
0x78: {  	[tilespmem:$0x4FF0] =	vst v4  }
0x79: {  	s0 =	simm.s32 @!p3 $0x0;
	s29 =	simm.s32 @!p3 $0x2;
	[tilespmem:$0x9FF0] =	vst v4  }
0x7a: {  	[tilespmem:s0], [sflag:$0x2] =	stream.linear.gather @!p3 [hbm4b:s6+s0], $0x4E00, $0x38;
	[tilespmem:$0xAD00] =	vst v63  }
0x7b: {  	_ =	swait.ge @!p3 [sflag:s29], $0x4E00  }
0x7c: {  	[sflag:s29] =	ssyncset.done @!p3 $0x0  }
0x7d: {  	s30 =	simm.s32 @!p3 $0x5000;
	[sflag:s29] =	ssyncadd.s32 @!p3 $0xFFFFB200  }
0x7e: {  	[tilespmem:s30], [sflag:$0x2] =	stream.linear.gather @!p3 [hbm4b:s7+s0], $0x4E00, $0x38;
	[tilespmem:$0xAD00] =	vst v63  }
0x7f: {  	_ =	swait.ge @!p3 [sflag:s29], $0x4E00  }
0x80: {  	[sflag:s29] =	ssyncset.done @!p3 $0x0  }
0x81: {  	s0 =	simm.s32 @p0 $0x0;
	[sflag:s29] =	ssyncadd.s32 @!p3 $0xFFFFB200;
	s29 =	simm.s32 @p0 $0x2  }
0x82: {  	[tilespmem:s0], [sflag:$0x2] =	stream.linear.gather @p0 [hbm4b:s8+s0], $0x4E00, $0x38;
	[tilespmem:$0xAD00] =	vst v63  }
0x83: {  	_ =	swait.ge @p0 [sflag:s29], $0x4E00  }
0x84: {  	[sflag:s29] =	ssyncset.done @p0 $0x0  }
0x85: {  	s30 =	simm.s32 @p0 $0x5000;
	[sflag:s29] =	ssyncadd.s32 @p0 $0xFFFFB200  }
0x86: {  	[tilespmem:s30], [sflag:$0x2] =	stream.linear.gather @p0 [hbm4b:s9+s0], $0x4E00, $0x38;
	[tilespmem:$0xAD00] =	vst v63  }
0x87: {  	_ =	swait.ge @p0 [sflag:s29], $0x4E00  }
0x88: {  	[sflag:s29] =	ssyncset.done @p0 $0x0  }
0x89: {  	s0 =	simm.s32 @p1 $0x0;
	[sflag:s29] =	ssyncadd.s32 @p0 $0xFFFFB200;
	s29 =	simm.s32 @p1 $0x4E00  }
0x8a: {  	[tilespmem:s29], [sflag:$0x2] =	stream.linear.gather @p1 [hbm4b:s10+s0], $0x80, $0x38;
	[tilespmem:$0xAD00] =	vst v63  }
0x8b: {  	s29 =	simm.s32 @p1 $0x2  }
0x8c: {  	_ =	swait.ge @p1 [sflag:s29], $0x80  }
0x8d: {  	[sflag:s29] =	ssyncset.done @p1 $0x0  }
0x8e: {  	s30 =	simm.s32 @p1 $0x9E00;
	[sflag:s29] =	ssyncadd.s32 @p1 $0xFFFFFF80  }
0x8f: {  	[tilespmem:s30], [sflag:$0x2] =	stream.linear.gather @p1 [hbm4b:s11+s0], $0x80, $0x38;
	[tilespmem:$0xAD00] =	vst v63  }
0x90: {  	_ =	swait.ge @p1 [sflag:s29], $0x80  }
0x91: {  	[sflag:s29] =	ssyncset.done @p1 $0x0  }
0x92: {  	s0 =	simm.s32 @p2 $0x0;
	[sflag:s29] =	ssyncadd.s32 @p1 $0xFFFFFF80;
	s29 =	simm.s32 @p2 $0x4E00  }
0x93: {  	[tilespmem:s29], [sflag:$0x2] =	stream.linear.gather @p2 [hbm4b:s12+s0], $0x80, $0x38;
	[tilespmem:$0xAD00] =	vst v63  }
0x94: {  	s29 =	simm.s32 @p2 $0x2  }
0x95: {  	_ =	swait.ge @p2 [sflag:s29], $0x80  }
0x96: {  	[sflag:s29] =	ssyncset.done @p2 $0x0  }
0x97: {  	s30 =	simm.s32 @p2 $0x9E00;
	[sflag:s29] =	ssyncadd.s32 @p2 $0xFFFFFF80  }
0x98: {  	[tilespmem:s30], [sflag:$0x2] =	stream.linear.gather @p2 [hbm4b:s13+s0], $0x80, $0x38;
	[tilespmem:$0xAD00] =	vst v63  }
0x99: {  	_ =	swait.ge @p2 [sflag:s29], $0x80  }
0x9a: {  	[sflag:s29] =	ssyncset.done @p2 $0x0  }
0x9b: {  	[sflag:s29] =	ssyncadd.s32 @p2 $0xFFFFFF80;
	s29 =	simm.s32 $0x0  }
0x9c: {  	v20 =	vld [tilespmem:s29+$0x0]  }
0x9d: {  	v22 =	vld [tilespmem:s29+$0x10]  }
0x9e: {  	v21 =	vld [tilespmem:s29+$0x20]  }
0x9f: {  	v19 =	vld [tilespmem:s29+$0x30]  }
0xa0: {  	v18 =	vld [tilespmem:s29+$0x40]  }
0xa1: {  	v23 =	vadd.s32 v0, v20;
	v20 =	vld [tilespmem:s29+$0x50]  }
0xa2: {  	s30 =	simm.s32 $0x200;
	[tilespmem:s29+$0x0] =	vst v23;
	v23 =	vadd.s32 v0, v22;
	v22 =	vld [tilespmem:s29+$0x60]  }
.LBB2_4:
0xa3: {  	s0 =	sshra.s32 s30, $0x2;
	p6 =	sne.s32 s30, $0x13E00;
	[tilespmem:s29+$0x10] =	vst v23;
	v21 =	vadd.s32 v0, v21;
	v23 =	vld [tilespmem:s29+$0x70]  }
0xa4: {  	v24 =	vld [tilespmem:s0+$0x0];
	[tilespmem:s29+$0x20] =	vst v21;
	v19 =	vadd.s32 v0, v19  }
0xa5: {  	v25 =	vld [tilespmem:s0+$0x10];
	[tilespmem:s29+$0x30] =	vst v19;
	v18 =	vadd.s32 v0, v18  }
.Ltmp3:
0xa6: {  	v21 =	vld [tilespmem:s0+$0x20];
	[tilespmem:s29+$0x40] =	vst v18;
	v18 =	vadd.s32 v0, v20;
	(pc) =	sbr.rel @p6 .LBB2_4-.Ltmp3, $4  }
0xa7: {  	v19 =	vld [tilespmem:s0+$0x30];
	[tilespmem:s29+$0x50] =	vst v18;
	v20 =	vadd.s32 v0, v22  }
0xa8: {  	v18 =	vld [tilespmem:s0+$0x40];
	[tilespmem:s29+$0x60] =	vst v20;
	v22 =	vadd.s32 v0, v23  }
0xa9: {  	v23 =	vadd.s32 v0, v24;
	v20 =	vld [tilespmem:s0+$0x50];
	[tilespmem:s29+$0x70] =	vst v22;
	s29 =	smov.u32 s0  }
0xaa: {  	s30 =	sadd.s32 $0x200, s30;
	[tilespmem:s29+$0x0] =	vst v23;
	v23 =	vadd.s32 v0, v25;
	v22 =	vld [tilespmem:s29+$0x60]  }
0xab: {  	[tilespmem:s29+$0x10] =	vst v23;
	v21 =	vadd.s32 v0, v21;
	v63 =	vld [tilespmem:s29+$0x70]  }
0xac: {  	[tilespmem:s29+$0x20] =	vst v21;
	v19 =	vadd.s32 v0, v19  }
0xad: {  	[tilespmem:s29+$0x30] =	vst v19;
	v18 =	vadd.s32 v0, v18  }
0xae: {  	[tilespmem:s29+$0x40] =	vst v18;
	v18 =	vadd.s32 v0, v20  }
0xaf: {  	[tilespmem:s29+$0x50] =	vst v18;
	v18 =	vadd.s32 v0, v22  }
0xb0: {  	[tilespmem:s29+$0x60] =	vst v18;
	v18 =	vadd.s32 v0, v63  }
0xb1: {  	s0 =	simm.s32 $0x0;
	[tilespmem:s29+$0x70] =	vst v18  }
0xb2: {  	[hbm4b:s14+s0] =	stream.linear.scatter [tilespmem:s0], [sflag:$0x2], $0x5000, $0x38;
	[tilespmem:$0xAD00] =	vst v63  }
0xb3: {  	_ =	swait.ge [sflag:s20], $0x5000  }
0xb4: {  	[sflag:s20] =	ssyncset.done $0x0  }
0xb5: {  	[sflag:s20] =	ssyncadd.s32 $0xFFFFB000  }
0xb6: {  	[hbm4b:s15+s0] =	stream.linear.scatter [tilespmem:s21], [sflag:$0x2], $0x5000, $0x38;
	[tilespmem:$0xAD00] =	vst v63  }
0xb7: {  	_ =	swait.ge [sflag:s20], $0x5000  }
0xb8: {  	[sflag:s20] =	ssyncset.done $0x0  }
0xb9: {  	[sflag:s20] =	ssyncadd.s32 $0xFFFFB000  }
0xba: {  	s31 =	simm.s32 $0x0;
	[bflag:$0x0] =	sbarrier.arrive $0xFFFF  }
0xbb: {  	[spmem:s1] =	stream.indirect.scatter.add.f32 [tilespmem:s23], [sflag:$0x1], $0x1, s31, s22, $0xb8;
	[tilespmem:$0xAD00] =	vst v63  }
0xbc: {  	s31 =	simm.s32 $0x80  }
0xbd: {  	[spmem:s1] =	stream.indirect.scatter.add.f32 [tilespmem:s23], [sflag:$0x1], $0x1, s31, s22, $0xb8;
	[tilespmem:$0xAD00] =	vst v63  }
0xbe: {  	s31 =	simm.s32 $0x100  }
0xbf: {  	[spmem:s1] =	stream.indirect.scatter.add.f32 [tilespmem:s23], [sflag:$0x1], $0x1, s31, s22, $0xb8;
	[tilespmem:$0xAD00] =	vst v63  }
0xc0: {  	s31 =	simm.s32 $0x180  }
0xc1: {  	[spmem:s1] =	stream.indirect.scatter.add.f32 [tilespmem:s23], [sflag:$0x1], $0x1, s31, s22, $0xb8;
	[tilespmem:$0xAD00] =	vst v63  }
0xc2: {  	s31 =	simm.s32 $0x200  }
0xc3: {  	[spmem:s1] =	stream.indirect.scatter.add.f32 [tilespmem:s23], [sflag:$0x1], $0x1, s31, s22, $0xb8;
	[tilespmem:$0xAD00] =	vst v63  }
0xc4: {  	s31 =	simm.s32 $0x280  }
0xc5: {  	[spmem:s1] =	stream.indirect.scatter.add.f32 [tilespmem:s23], [sflag:$0x1], $0x1, s31, s22, $0xb8;
	[tilespmem:$0xAD00] =	vst v63  }
0xc6: {  	s31 =	simm.s32 $0x300  }
0xc7: {  	[spmem:s1] =	stream.indirect.scatter.add.f32 [tilespmem:s23], [sflag:$0x1], $0x1, s31, s22, $0xb8;
	[tilespmem:$0xAD00] =	vst v63  }
0xc8: {  	s31 =	simm.s32 $0x380  }
0xc9: {  	[spmem:s1] =	stream.indirect.scatter.add.f32 [tilespmem:s23], [sflag:$0x1], $0x1, s31, s22, $0xb8;
	[tilespmem:$0xAD00] =	vst v63  }
0xca: {  	_ =	swait.ge [sflag:s24], $0x80  }
0xcb: {  	[sflag:s24] =	ssyncset.done $0x0  }
0xcc: {  	[sflag:s24] =	ssyncadd.s32 $0xFFFFFF80  }
0xcd: {  	_ =	swait.ge [sflag:s24], $0x80  }
0xce: {  	[sflag:s24] =	ssyncset.done $0x0  }
0xcf: {  	[sflag:s24] =	ssyncadd.s32 $0xFFFFFF80  }
0xd0: {  	_ =	swait.ge [sflag:s24], $0x80  }
0xd1: {  	[sflag:s24] =	ssyncset.done $0x0  }
0xd2: {  	[sflag:s24] =	ssyncadd.s32 $0xFFFFFF80  }
0xd3: {  	_ =	swait.ge [sflag:s24], $0x80  }
0xd4: {  	[sflag:s24] =	ssyncset.done $0x0  }
0xd5: {  	[sflag:s24] =	ssyncadd.s32 $0xFFFFFF80  }
0xd6: {  	_ =	swait.ge [sflag:s24], $0x80  }
0xd7: {  	[sflag:s24] =	ssyncset.done $0x0  }
0xd8: {  	[sflag:s24] =	ssyncadd.s32 $0xFFFFFF80  }
0xd9: {  	_ =	swait.ge [sflag:s24], $0x80  }
0xda: {  	[sflag:s24] =	ssyncset.done $0x0  }
0xdb: {  	[sflag:s24] =	ssyncadd.s32 $0xFFFFFF80  }
0xdc: {  	_ =	swait.ge [sflag:s24], $0x80  }
0xdd: {  	[sflag:s24] =	ssyncset.done $0x0  }
0xde: {  	[sflag:s24] =	ssyncadd.s32 $0xFFFFFF80  }
0xdf: {  	_ =	swait.ge [sflag:s24], $0x80  }
0xe0: {  	[sflag:s24] =	ssyncset.done $0x0  }
0xe1: {  	s31 =	simm.s32 $0x5000;
	[sflag:s24] =	ssyncadd.s32 $0xFFFFFF80  }
0xe2: {  	[spmem:s2] =	stream.indirect.scatter.add.f32 [tilespmem:s23], [sflag:$0x1], $0x1, s31, s22, $0xb8;
	[tilespmem:$0xAD00] =	vst v63  }
0xe3: {  	s31 =	simm.s32 $0x5080  }
0xe4: {  	[spmem:s2] =	stream.indirect.scatter.add.f32 [tilespmem:s23], [sflag:$0x1], $0x1, s31, s22, $0xb8;
	[tilespmem:$0xAD00] =	vst v63  }
0xe5: {  	s31 =	simm.s32 $0x5100  }
0xe6: {  	[spmem:s2] =	stream.indirect.scatter.add.f32 [tilespmem:s23], [sflag:$0x1], $0x1, s31, s22, $0xb8;
	[tilespmem:$0xAD00] =	vst v63  }
0xe7: {  	s31 =	simm.s32 $0x5180  }
0xe8: {  	[spmem:s2] =	stream.indirect.scatter.add.f32 [tilespmem:s23], [sflag:$0x1], $0x1, s31, s22, $0xb8;
	[tilespmem:$0xAD00] =	vst v63  }
0xe9: {  	s31 =	simm.s32 $0x5200  }
0xea: {  	[spmem:s2] =	stream.indirect.scatter.add.f32 [tilespmem:s23], [sflag:$0x1], $0x1, s31, s22, $0xb8;
	[tilespmem:$0xAD00] =	vst v63  }
0xeb: {  	s31 =	simm.s32 $0x5280  }
0xec: {  	[spmem:s2] =	stream.indirect.scatter.add.f32 [tilespmem:s23], [sflag:$0x1], $0x1, s31, s22, $0xb8;
	[tilespmem:$0xAD00] =	vst v63  }
0xed: {  	s31 =	simm.s32 $0x5300  }
0xee: {  	[spmem:s2] =	stream.indirect.scatter.add.f32 [tilespmem:s23], [sflag:$0x1], $0x1, s31, s22, $0xb8;
	[tilespmem:$0xAD00] =	vst v63  }
0xef: {  	s31 =	simm.s32 $0x5380  }
0xf0: {  	[spmem:s2] =	stream.indirect.scatter.add.f32 [tilespmem:s23], [sflag:$0x1], $0x1, s31, s22, $0xb8;
	[tilespmem:$0xAD00] =	vst v63  }
0xf1: {  	_ =	swait.ge [sflag:s24], $0x80  }
0xf2: {  	[sflag:s24] =	ssyncset.done $0x0  }
0xf3: {  	[sflag:s24] =	ssyncadd.s32 $0xFFFFFF80  }
0xf4: {  	_ =	swait.ge [sflag:s24], $0x80  }
0xf5: {  	[sflag:s24] =	ssyncset.done $0x0  }
0xf6: {  	[sflag:s24] =	ssyncadd.s32 $0xFFFFFF80  }
0xf7: {  	_ =	swait.ge [sflag:s24], $0x80  }
0xf8: {  	[sflag:s24] =	ssyncset.done $0x0  }
0xf9: {  	[sflag:s24] =	ssyncadd.s32 $0xFFFFFF80  }
0xfa: {  	_ =	swait.ge [sflag:s24], $0x80  }
0xfb: {  	[sflag:s24] =	ssyncset.done $0x0  }
0xfc: {  	[sflag:s24] =	ssyncadd.s32 $0xFFFFFF80  }
0xfd: {  	_ =	swait.ge [sflag:s24], $0x80  }
0xfe: {  	[sflag:s24] =	ssyncset.done $0x0  }
0xff: {  	[sflag:s24] =	ssyncadd.s32 $0xFFFFFF80  }
0x100: {  	_ =	swait.ge [sflag:s24], $0x80  }
0x101: {  	[sflag:s24] =	ssyncset.done $0x0  }
0x102: {  	[sflag:s24] =	ssyncadd.s32 $0xFFFFFF80  }
0x103: {  	_ =	swait.ge [sflag:s24], $0x80  }
0x104: {  	[sflag:s24] =	ssyncset.done $0x0  }
0x105: {  	[sflag:s24] =	ssyncadd.s32 $0xFFFFFF80  }
0x106: {  	_ =	swait.ge [sflag:s24], $0x80  }
0x107: {  	s30 =	simm.s32 $0x2000;
	s29 =	simm.s32 $0x1000;
	[sflag:s24] =	ssyncset.done $0x0  }
.LBB2_6:
0x108: {  	s31 =	sshra.s32 s29, $0x2  }
0x109: {  	[sflag:s24] =	ssyncadd.s32 $0xFFFFFF80;
	s29 =	smov.u32 s30;
	s0 =	sadd.s32 $0x1000, s30  }
0x10a: {  	[spmem:s1] =	stream.indirect.scatter.add.f32 [tilespmem:s23], [sflag:$0x1], $0x1, s31, s22, $0xb8;
	[tilespmem:$0xAD00] =	vst v63  }
0x10b: {  	p6 =	sne.s32 s30, $0x13000;
	s30 =	sadd.s32 $0x80, s31  }
0x10c: {  	[spmem:s1] =	stream.indirect.scatter.add.f32 [tilespmem:s23], [sflag:$0x1], $0x1, s30, s22, $0xb8;
	[tilespmem:$0xAD00] =	vst v63  }
0x10d: {  	s30 =	sadd.s32 $0x100, s31  }
0x10e: {  	[spmem:s1] =	stream.indirect.scatter.add.f32 [tilespmem:s23], [sflag:$0x1], $0x1, s30, s22, $0xb8;
	[tilespmem:$0xAD00] =	vst v63  }
0x10f: {  	s30 =	sadd.s32 $0x180, s31  }
0x110: {  	[spmem:s1] =	stream.indirect.scatter.add.f32 [tilespmem:s23], [sflag:$0x1], $0x1, s30, s22, $0xb8;
	[tilespmem:$0xAD00] =	vst v63  }
0x111: {  	s30 =	sadd.s32 $0x200, s31  }
0x112: {  	[spmem:s1] =	stream.indirect.scatter.add.f32 [tilespmem:s23], [sflag:$0x1], $0x1, s30, s22, $0xb8;
	[tilespmem:$0xAD00] =	vst v63  }
0x113: {  	s30 =	sadd.s32 $0x280, s31  }
0x114: {  	[spmem:s1] =	stream.indirect.scatter.add.f32 [tilespmem:s23], [sflag:$0x1], $0x1, s30, s22, $0xb8;
	[tilespmem:$0xAD00] =	vst v63  }
0x115: {  	s30 =	sadd.s32 $0x300, s31  }
0x116: {  	[spmem:s1] =	stream.indirect.scatter.add.f32 [tilespmem:s23], [sflag:$0x1], $0x1, s30, s22, $0xb8;
	[tilespmem:$0xAD00] =	vst v63  }
0x117: {  	s30 =	sadd.s32 $0x380, s31  }
0x118: {  	[spmem:s1] =	stream.indirect.scatter.add.f32 [tilespmem:s23], [sflag:$0x1], $0x1, s30, s22, $0xb8;
	[tilespmem:$0xAD00] =	vst v63  }
0x119: {  	_ =	swait.ge [sflag:s24], $0x80  }
0x11a: {  	[sflag:s24] =	ssyncset.done $0x0  }
0x11b: {  	[sflag:s24] =	ssyncadd.s32 $0xFFFFFF80  }
0x11c: {  	_ =	swait.ge [sflag:s24], $0x80  }
0x11d: {  	[sflag:s24] =	ssyncset.done $0x0  }
0x11e: {  	[sflag:s24] =	ssyncadd.s32 $0xFFFFFF80  }
0x11f: {  	_ =	swait.ge [sflag:s24], $0x80  }
0x120: {  	[sflag:s24] =	ssyncset.done $0x0  }
0x121: {  	[sflag:s24] =	ssyncadd.s32 $0xFFFFFF80  }
0x122: {  	_ =	swait.ge [sflag:s24], $0x80  }
0x123: {  	[sflag:s24] =	ssyncset.done $0x0  }
0x124: {  	[sflag:s24] =	ssyncadd.s32 $0xFFFFFF80  }
0x125: {  	_ =	swait.ge [sflag:s24], $0x80  }
0x126: {  	[sflag:s24] =	ssyncset.done $0x0  }
0x127: {  	[sflag:s24] =	ssyncadd.s32 $0xFFFFFF80  }
0x128: {  	_ =	swait.ge [sflag:s24], $0x80  }
0x129: {  	[sflag:s24] =	ssyncset.done $0x0  }
0x12a: {  	[sflag:s24] =	ssyncadd.s32 $0xFFFFFF80  }
0x12b: {  	_ =	swait.ge [sflag:s24], $0x80  }
0x12c: {  	[sflag:s24] =	ssyncset.done $0x0  }
0x12d: {  	[sflag:s24] =	ssyncadd.s32 $0xFFFFFF80  }
0x12e: {  	_ =	swait.ge [sflag:s24], $0x80  }
0x12f: {  	[sflag:s24] =	ssyncset.done $0x0  }
0x130: {  	s30 =	sadd.s32 $0x5000, s31;
	[sflag:s24] =	ssyncadd.s32 $0xFFFFFF80  }
0x131: {  	[spmem:s2] =	stream.indirect.scatter.add.f32 [tilespmem:s23], [sflag:$0x1], $0x1, s30, s22, $0xb8;
	[tilespmem:$0xAD00] =	vst v63  }
0x132: {  	s30 =	sadd.s32 $0x5080, s31  }
0x133: {  	[spmem:s2] =	stream.indirect.scatter.add.f32 [tilespmem:s23], [sflag:$0x1], $0x1, s30, s22, $0xb8;
	[tilespmem:$0xAD00] =	vst v63  }
0x134: {  	s30 =	sadd.s32 $0x5100, s31  }
0x135: {  	[spmem:s2] =	stream.indirect.scatter.add.f32 [tilespmem:s23], [sflag:$0x1], $0x1, s30, s22, $0xb8;
	[tilespmem:$0xAD00] =	vst v63  }
0x136: {  	s30 =	sadd.s32 $0x5180, s31  }
0x137: {  	[spmem:s2] =	stream.indirect.scatter.add.f32 [tilespmem:s23], [sflag:$0x1], $0x1, s30, s22, $0xb8;
	[tilespmem:$0xAD00] =	vst v63  }
0x138: {  	s30 =	sadd.s32 $0x5200, s31  }
0x139: {  	[spmem:s2] =	stream.indirect.scatter.add.f32 [tilespmem:s23], [sflag:$0x1], $0x1, s30, s22, $0xb8;
	[tilespmem:$0xAD00] =	vst v63  }
0x13a: {  	s30 =	sadd.s32 $0x5280, s31  }
0x13b: {  	[spmem:s2] =	stream.indirect.scatter.add.f32 [tilespmem:s23], [sflag:$0x1], $0x1, s30, s22, $0xb8;
	[tilespmem:$0xAD00] =	vst v63  }
0x13c: {  	s30 =	sadd.s32 $0x5300, s31  }
0x13d: {  	[spmem:s2] =	stream.indirect.scatter.add.f32 [tilespmem:s23], [sflag:$0x1], $0x1, s30, s22, $0xb8;
	[tilespmem:$0xAD00] =	vst v63  }
0x13e: {  	s30 =	sadd.s32 $0x5380, s31  }
0x13f: {  	[spmem:s2] =	stream.indirect.scatter.add.f32 [tilespmem:s23], [sflag:$0x1], $0x1, s30, s22, $0xb8;
	[tilespmem:$0xAD00] =	vst v63  }
0x140: {  	_ =	swait.ge [sflag:s24], $0x80  }
0x141: {  	[sflag:s24] =	ssyncset.done $0x0  }
0x142: {  	[sflag:s24] =	ssyncadd.s32 $0xFFFFFF80  }
0x143: {  	_ =	swait.ge [sflag:s24], $0x80  }
0x144: {  	[sflag:s24] =	ssyncset.done $0x0  }
0x145: {  	[sflag:s24] =	ssyncadd.s32 $0xFFFFFF80  }
0x146: {  	_ =	swait.ge [sflag:s24], $0x80  }
0x147: {  	[sflag:s24] =	ssyncset.done $0x0  }
0x148: {  	[sflag:s24] =	ssyncadd.s32 $0xFFFFFF80  }
0x149: {  	_ =	swait.ge [sflag:s24], $0x80  }
0x14a: {  	[sflag:s24] =	ssyncset.done $0x0  }
0x14b: {  	[sflag:s24] =	ssyncadd.s32 $0xFFFFFF80  }
0x14c: {  	_ =	swait.ge [sflag:s24], $0x80  }
0x14d: {  	[sflag:s24] =	ssyncset.done $0x0  }
0x14e: {  	[sflag:s24] =	ssyncadd.s32 $0xFFFFFF80  }
0x14f: {  	_ =	swait.ge [sflag:s24], $0x80  }
0x150: {  	[sflag:s24] =	ssyncset.done $0x0  }
0x151: {  	[sflag:s24] =	ssyncadd.s32 $0xFFFFFF80  }
.Ltmp4:
0x152: {  	_ =	swait.ge [sflag:s24], $0x80;
	(pc) =	sbr.rel @p6 .LBB2_6-.Ltmp4, $4  }
0x153: {  	[sflag:s24] =	ssyncset.done $0x0  }
0x154: {  	[sflag:s24] =	ssyncadd.s32 $0xFFFFFF80  }
0x155: {  	_ =	swait.ge [sflag:s24], $0x80  }
0x156: {  	s30 =	smov.u32 s0;
	[sflag:s24] =	ssyncset.done $0x0  }
0x157: {  	s0 =	sshra.s32 s29, $0x2;
	[sflag:s24] =	ssyncadd.s32 $0xFFFFFF80  }
0x158: {  	[spmem:s1] =	stream.indirect.scatter.add.f32 [tilespmem:s23], [sflag:$0x1], $0x1, s0, s22, $0xb8;
	[tilespmem:$0xAD00] =	vst v63  }
0x159: {  	s29 =	sadd.s32 $0x80, s0  }
0x15a: {  	[spmem:s1] =	stream.indirect.scatter.add.f32 [tilespmem:s23], [sflag:$0x1], $0x1, s29, s22, $0xb8;
	[tilespmem:$0xAD00] =	vst v63  }
0x15b: {  	s31 =	sadd.s32 $0x100, s0  }
0x15c: {  	[spmem:s1] =	stream.indirect.scatter.add.f32 [tilespmem:s23], [sflag:$0x1], $0x1, s31, s22, $0xb8;
	[tilespmem:$0xAD00] =	vst v63  }
0x15d: {  	s30 =	sadd.s32 $0x180, s0  }
0x15e: {  	[spmem:s1] =	stream.indirect.scatter.add.f32 [tilespmem:s23], [sflag:$0x1], $0x1, s30, s22, $0xb8;
	[tilespmem:$0xAD00] =	vst v63  }
0x15f: {  	s31 =	sadd.s32 $0x200, s0  }
0x160: {  	[spmem:s1] =	stream.indirect.scatter.add.f32 [tilespmem:s23], [sflag:$0x1], $0x1, s31, s22, $0xb8;
	[tilespmem:$0xAD00] =	vst v63  }
0x161: {  	s30 =	sadd.s32 $0x280, s0  }
0x162: {  	[spmem:s1] =	stream.indirect.scatter.add.f32 [tilespmem:s23], [sflag:$0x1], $0x1, s30, s22, $0xb8;
	[tilespmem:$0xAD00] =	vst v63  }
0x163: {  	s31 =	sadd.s32 $0x300, s0  }
0x164: {  	[spmem:s1] =	stream.indirect.scatter.add.f32 [tilespmem:s23], [sflag:$0x1], $0x1, s31, s22, $0xb8;
	[tilespmem:$0xAD00] =	vst v63  }
0x165: {  	s30 =	sadd.s32 $0x380, s0  }
0x166: {  	[spmem:s1] =	stream.indirect.scatter.add.f32 [tilespmem:s23], [sflag:$0x1], $0x1, s30, s22, $0xb8;
	[tilespmem:$0xAD00] =	vst v63  }
0x167: {  	_ =	swait.ge [sflag:s24], $0x80  }
0x168: {  	[sflag:s24] =	ssyncset.done $0x0  }
0x169: {  	[sflag:s24] =	ssyncadd.s32 $0xFFFFFF80  }
0x16a: {  	_ =	swait.ge [sflag:s24], $0x80  }
0x16b: {  	[sflag:s24] =	ssyncset.done $0x0  }
0x16c: {  	[sflag:s24] =	ssyncadd.s32 $0xFFFFFF80  }
0x16d: {  	_ =	swait.ge [sflag:s24], $0x80  }
0x16e: {  	[sflag:s24] =	ssyncset.done $0x0  }
0x16f: {  	[sflag:s24] =	ssyncadd.s32 $0xFFFFFF80  }
0x170: {  	_ =	swait.ge [sflag:s24], $0x80  }
0x171: {  	[sflag:s24] =	ssyncset.done $0x0  }
0x172: {  	[sflag:s24] =	ssyncadd.s32 $0xFFFFFF80  }
0x173: {  	_ =	swait.ge [sflag:s24], $0x80  }
0x174: {  	[sflag:s24] =	ssyncset.done $0x0  }
0x175: {  	[sflag:s24] =	ssyncadd.s32 $0xFFFFFF80  }
0x176: {  	_ =	swait.ge [sflag:s24], $0x80  }
0x177: {  	[sflag:s24] =	ssyncset.done $0x0  }
0x178: {  	[sflag:s24] =	ssyncadd.s32 $0xFFFFFF80  }
0x179: {  	_ =	swait.ge [sflag:s24], $0x80  }
0x17a: {  	[sflag:s24] =	ssyncset.done $0x0  }
0x17b: {  	[sflag:s24] =	ssyncadd.s32 $0xFFFFFF80  }
0x17c: {  	_ =	swait.ge [sflag:s24], $0x80  }
0x17d: {  	[sflag:s24] =	ssyncset.done $0x0  }
0x17e: {  	s31 =	sadd.s32 $0x5000, s0;
	[sflag:s24] =	ssyncadd.s32 $0xFFFFFF80  }
0x17f: {  	[spmem:s2] =	stream.indirect.scatter.add.f32 [tilespmem:s23], [sflag:$0x1], $0x1, s31, s22, $0xb8;
	[tilespmem:$0xAD00] =	vst v63  }
0x180: {  	s30 =	sadd.s32 $0x5080, s0  }
0x181: {  	[spmem:s2] =	stream.indirect.scatter.add.f32 [tilespmem:s23], [sflag:$0x1], $0x1, s30, s22, $0xb8;
	[tilespmem:$0xAD00] =	vst v63  }
0x182: {  	s31 =	sadd.s32 $0x5100, s0  }
0x183: {  	[spmem:s2] =	stream.indirect.scatter.add.f32 [tilespmem:s23], [sflag:$0x1], $0x1, s31, s22, $0xb8;
	[tilespmem:$0xAD00] =	vst v63  }
0x184: {  	s30 =	sadd.s32 $0x5180, s0  }
0x185: {  	[spmem:s2] =	stream.indirect.scatter.add.f32 [tilespmem:s23], [sflag:$0x1], $0x1, s30, s22, $0xb8;
	[tilespmem:$0xAD00] =	vst v63  }
0x186: {  	s31 =	sadd.s32 $0x5200, s0  }
0x187: {  	[spmem:s2] =	stream.indirect.scatter.add.f32 [tilespmem:s23], [sflag:$0x1], $0x1, s31, s22, $0xb8;
	[tilespmem:$0xAD00] =	vst v63  }
0x188: {  	s30 =	sadd.s32 $0x5280, s0  }
0x189: {  	[spmem:s2] =	stream.indirect.scatter.add.f32 [tilespmem:s23], [sflag:$0x1], $0x1, s30, s22, $0xb8;
	[tilespmem:$0xAD00] =	vst v63  }
0x18a: {  	s31 =	sadd.s32 $0x5300, s0  }
0x18b: {  	[spmem:s2] =	stream.indirect.scatter.add.f32 [tilespmem:s23], [sflag:$0x1], $0x1, s31, s22, $0xb8;
	[tilespmem:$0xAD00] =	vst v63  }
0x18c: {  	s0 =	sadd.s32 $0x5380, s0  }
0x18d: {  	[spmem:s2] =	stream.indirect.scatter.add.f32 [tilespmem:s23], [sflag:$0x1], $0x1, s0, s22, $0xb8;
	[tilespmem:$0xAD00] =	vst v63  }
0x18e: {  	_ =	swait.ge [sflag:s24], $0x80  }
0x18f: {  	[sflag:s24] =	ssyncset.done $0x0  }
0x190: {  	[sflag:s24] =	ssyncadd.s32 $0xFFFFFF80  }
0x191: {  	_ =	swait.ge [sflag:s24], $0x80  }
0x192: {  	[sflag:s24] =	ssyncset.done $0x0  }
0x193: {  	[sflag:s24] =	ssyncadd.s32 $0xFFFFFF80  }
0x194: {  	_ =	swait.ge [sflag:s24], $0x80  }
0x195: {  	[sflag:s24] =	ssyncset.done $0x0  }
0x196: {  	[sflag:s24] =	ssyncadd.s32 $0xFFFFFF80  }
0x197: {  	_ =	swait.ge [sflag:s24], $0x80  }
0x198: {  	[sflag:s24] =	ssyncset.done $0x0  }
0x199: {  	[sflag:s24] =	ssyncadd.s32 $0xFFFFFF80  }
0x19a: {  	_ =	swait.ge [sflag:s24], $0x80  }
0x19b: {  	[sflag:s24] =	ssyncset.done $0x0  }
0x19c: {  	[sflag:s24] =	ssyncadd.s32 $0xFFFFFF80  }
0x19d: {  	_ =	swait.ge [sflag:s24], $0x80  }
0x19e: {  	[sflag:s24] =	ssyncset.done $0x0  }
0x19f: {  	[sflag:s24] =	ssyncadd.s32 $0xFFFFFF80  }
0x1a0: {  	_ =	swait.ge [sflag:s24], $0x80  }
0x1a1: {  	[sflag:s24] =	ssyncset.done $0x0  }
0x1a2: {  	[sflag:s24] =	ssyncadd.s32 $0xFFFFFF80  }
.Ltmp5:
0x1a3: {  	_ =	swait.ge [sflag:s24], $0x80;
	(pc) =	sbr.rel @p5 .LBB2_10-.Ltmp5, $3  }
0x1a4: {  	[sflag:s24] =	ssyncset.done $0x0  }
0x1a5: {  	[sflag:s24] =	ssyncadd.s32 $0xFFFFFF80  }
0x1a6: {  	[bflag:$0x0] =	sbarrier.arrive $0xFFFF;
	_ =	sdelay $0x1  }
.Ltmp6:
0x1a7: {  	(pc) =	sbr.rel @p4 .LBB2_12-.Ltmp6, $1  }
0x1a8: {  	_ =	sdelay $0x3  }
.Ltmp7:
0x1a9: {  	(pc) =	sbr.rel .LBB2_11-.Ltmp7, $2  }
0x1aa: {  	_ =	sdelay $0x2  }
0x1ab: {  	[hbm:s17], [sflag:s28] =	dma.local [spmem:s25], $0x500  }
.LBB2_13:
0x1ac: {  	_ =	sfence.sel $0x180000  }
0x1ad: {  	[bflag:$0x0] =	sbarrier.arrive $0xFFFF  }
0x1ae: {  	_ =	strace $0x90000047  }
0x1af: {  	[bflag:$0x2] =	sbarrier.arrive $0xFFFF  }
0x1b0: {  	s0 =	rddreg [dreg:$0x3]  }
0x1b1: {  	s0 =	sadd.s32 @!p4 $0x100000, s0  }
0x1b2: {  	[sflag:s0] =	ssyncadd.tile.s32 @!p4 $0x1;
	_ =	shalt  }
.Lfunc_end2:
_tile_overlayer_lowered:
.L_overlay_start_2:
0x1b3: {  	(tag) =	ssettag $0x2  }
0x1b4: {  	s0 =	rddreg [dreg:$0x0];
	s2 =	stileid.u32  }
0x1b5: {  	s1 =	rddreg [dreg:$0x1];
	p0 =	sne.s32 s2, $0x0  }
0x1b6: {  	s3 =	rddreg [dreg:$0x2];
	[bflag:$0x3] =	sbarrier.arrive $0xFFFF;
	s2 =	simm.s32 @!p0 $0x1C02  }
0x1b7: {  	[timem:s3], [sflag:s2] =	dma.local @!p0 [hbm:s0], s1  }
0x1b8: {  	s0 =	simm.s32 @!p0 $0x2  }
0x1b9: {  	_ =	swait.ge @!p0 [sflag:s0], s1  }
0x1ba: {  	s1 =	ssub.s32 @!p0 $0x0, s1;
	[sflag:s0] =	ssyncset.done @!p0 $0x0  }
0x1bb: {  	[sflag:s0] =	ssyncadd.s32 @!p0 s1  }
0x1bc: {  	[bflag:$0x3] =	sbarrier.arrive $0xFFFF  }
0x1bd: {  	_ =	shalt  }

</sc_bundles>
